<compile_context>
chip_gen: v7x
topology: tpu7x:2x2x1
jax: 0.10.2.dev20260603
libtpu: 0.0.44.dev20260713+nightly
codegen_flags: <defaults>
</compile_context>

<pallas_src>
import functools

import jax
import jax.numpy as jnp
import numpy as np
from jax import lax
from jax.experimental import pallas as pl
from jax.experimental.pallas import tpu as pltpu
from jax.experimental.pallas import tpu_sc as plsc

B = 16384
D = 64
NC = 2
NS = 16
NW = NC * NS
BPW = B // NW
QPW = BPW // 8
PK = 8 * D


def _fire_rows(table, idx_ref, dst, sem):
  def body(i, _):
    vu = idx_ref[pl.ds(i * 16, 16)]
    for u in range(16):
      r = vu[u]
      q = i * 2 + u // 8
      s = u % 8
      pltpu.async_copy(table.at[r], dst.at[q, pl.ds(s * D, D)], sem)
    return _
  lax.fori_loop(0, BPW // 16, body, 0)


def _drain(out_hbm, dst, sem):
  pltpu.make_async_copy(out_hbm.at[pl.ds(0, QPW)], dst, sem).wait()


def _mul_into(prod, a_buf, b_buf):
  def body(q, _):
    for j in range(PK // 16):
      s = pl.ds(j * 16, 16)
      prod[q, s] = a_buf[q, s] * b_buf[q, s]
    return _
  lax.fori_loop(0, QPW, body, 0)


def _sc_gather_body(gu_hbm, gi_hbm, mu_hbm, mi_hbm, uid_hbm, iid_hbm,
                    gmf_out, h0_out,
                    uidx, iidx, bu, bi, prod, semu, semi, semm, semo):
  wid = lax.axis_index("s") * NC + lax.axis_index("c")
  base = wid * BPW
  qbase = wid * QPW
  pltpu.sync_copy(uid_hbm.at[pl.ds(base, BPW)], uidx)
  pltpu.sync_copy(iid_hbm.at[pl.ds(base, BPW)], iidx)

  _fire_rows(gu_hbm, uidx, bu, semu)
  _fire_rows(gi_hbm, iidx, bi, semi)
  _fire_rows(mu_hbm, uidx, prod, semm)
  _drain(gmf_out, bu, semu)
  _drain(gmf_out, bi, semi)
  _mul_into(bu, bu, bi)
  _fire_rows(mi_hbm, iidx, bi, semi)
  cp_out = pltpu.async_copy(bu, gmf_out.at[pl.ds(qbase, QPW)], semo)
  _drain(gmf_out, prod, semm)
  _drain(gmf_out, bi, semi)
  _mul_into(prod, prod, bi)
  cp_out.wait()
  pltpu.sync_copy(prod, h0_out.at[pl.ds(qbase, QPW)])


_sc_gather = functools.partial(
    pl.kernel,
    mesh=plsc.VectorSubcoreMesh(core_axis_name="c", subcore_axis_name="s"),
    compiler_params=pltpu.CompilerParams(needs_layout_passes=False),
    out_type=[jax.ShapeDtypeStruct((B // 8, PK), jnp.float32)] * 2,
    scratch_types=[
        pltpu.VMEM((BPW,), jnp.int32),
        pltpu.VMEM((BPW,), jnp.int32),
        pltpu.VMEM((QPW, PK), jnp.float32),
        pltpu.VMEM((QPW, PK), jnp.float32),
        pltpu.VMEM((QPW, PK), jnp.float32),
        pltpu.SemaphoreType.DMA,
        pltpu.SemaphoreType.DMA,
        pltpu.SemaphoreType.DMA,
        pltpu.SemaphoreType.DMA,
    ],
)(_sc_gather_body)


def _tc_dense_body(gmf_ref, h0_ref, w1_ref, b1_ref,
                   w2_ref, b2_ref, mg_ref, mh_ref, bd_ref, out_ref):
  h = h0_ref[...]
  h = jnp.dot(h, w1_ref[...], preferred_element_type=jnp.float32)
  h = jnp.maximum(h + b1_ref[...], 0.0)
  h = jnp.dot(h, w2_ref[...], preferred_element_type=jnp.float32)
  h = jnp.maximum(h + b2_ref[...], 0.0)
  score = (jnp.dot(gmf_ref[...], mg_ref[...], preferred_element_type=jnp.float32)
           + jnp.dot(h, mh_ref[...], preferred_element_type=jnp.float32)
           + bd_ref[0, 0])
  out_ref[...] = score


def kernel(user_id, item_id, gmf_user, gmf_item, mlp_user, mlp_item,
           W1, b1, W2, b2, Wd, bd):
  user_id = user_id.astype(jnp.int32)
  item_id = item_id.astype(jnp.int32)
  gmf_p, h0_p = _sc_gather(gmf_user, gmf_item, mlp_user, mlp_item,
                           user_id, item_id)

  eye8 = jnp.asarray(np.eye(8, dtype=np.float32))
  w1b = jnp.kron(eye8, W1)
  b1t = jnp.tile(b1, 8).reshape(1, 8 * 32)
  w2b = jnp.kron(eye8, W2)
  b2t = jnp.tile(b2, 8).reshape(1, PK)
  mg = jnp.kron(eye8, Wd[:D])
  mh = jnp.kron(eye8, Wd[D:])

  blk = 256
  grid = (B // 8) // blk
  row_spec = pl.BlockSpec((blk, PK), lambda i: (i, 0))

  def full(shape):
    return pl.BlockSpec(shape, lambda i: tuple(0 for _ in shape))

  scores = pl.pallas_call(
      _tc_dense_body,
      grid=(grid,),
      in_specs=[row_spec, row_spec,
                full((PK, 256)), full((1, 256)), full((256, PK)),
                full((1, PK)), full((PK, 8)), full((PK, 8)), full((1, 1))],
      out_specs=pl.BlockSpec((blk, 8), lambda i: (i, 0)),
      out_shape=jax.ShapeDtypeStruct((B // 8, 8), jnp.float32),
  )(gmf_p, h0_p, w1b, b1t, w2b, b2t, mg, mh, bd.reshape(1, 1))
  return scores.reshape(B)

# --- scband reference (transcript-rebuilt; emitter-appended) ---
"""Pipeline reference for scband-neu-mf-87832081204001 (READ-ONLY COPY).

The authoritative reference and input builder live on the scoring server;
editing this copy changes nothing except your own understanding.
"""

import jax, jax.numpy as jnp
import numpy as np

N_USERS = 1000000
M_ITEMS = 1000000
LATENT = 64
H0 = 64
H1 = 32
B = 16384


def setup_inputs(seed: int = 0) -> dict:
    key = jax.random.key(seed)
    ks = jax.random.split(key, 12)
    user_id = jax.random.randint(ks[0], (B,), 0, N_USERS, dtype=jnp.int64) if jax.config.jax_enable_x64 else jax.random.randint(ks[0], (B,), 0, N_USERS, dtype=jnp.int32)
    item_id = jax.random.randint(ks[1], (B,), 0, M_ITEMS, dtype=jnp.int32)
    gmf_user = jax.random.normal(ks[2], (N_USERS, LATENT), dtype=jnp.float32) * 0.01
    gmf_item = jax.random.normal(ks[3], (M_ITEMS, LATENT), dtype=jnp.float32) * 0.01
    mlp_user = jax.random.normal(ks[4], (N_USERS, H0), dtype=jnp.float32) * 0.01
    mlp_item = jax.random.normal(ks[5], (M_ITEMS, H0), dtype=jnp.float32) * 0.01
    W1 = jax.random.normal(ks[6], (H0, H1), dtype=jnp.float32) * (1.0 / np.sqrt(H0))
    b1 = jnp.zeros((H1,), dtype=jnp.float32)
    W2 = jax.random.normal(ks[7], (H1, LATENT), dtype=jnp.float32) * (1.0 / np.sqrt(H1))
    b2 = jnp.zeros((LATENT,), dtype=jnp.float32)
    Wd = jax.random.normal(ks[8], (2 * LATENT, 1), dtype=jnp.float32) * (1.0 / np.sqrt(2 * LATENT))
    bd = jnp.zeros((1,), dtype=jnp.float32)
    return {
        'user_id': user_id, 'item_id': item_id,
        'gmf_user': gmf_user, 'gmf_item': gmf_item,
        'mlp_user': mlp_user, 'mlp_item': mlp_item,
        'W1': W1, 'b1': b1, 'W2': W2, 'b2': b2, 'Wd': Wd, 'bd': bd,
    }


def reference(user_id, item_id, gmf_user, gmf_item, mlp_user, mlp_item, W1, b1, W2, b2, Wd, bd):
    # GMF branch: elementwise product of user/item embeddings
    gu = jnp.take(gmf_user, user_id, axis=0)
    gi = jnp.take(gmf_item, item_id, axis=0)
    gmf_vec = gu * gi
    # MLP branch: elementwise product then MLP (dropout is identity at inference)
    mu = jnp.take(mlp_user, user_id, axis=0)
    mi = jnp.take(mlp_item, item_id, axis=0)
    h = mu * mi
    h = jax.nn.relu(h @ W1 + b1)
    h = jax.nn.relu(h @ W2 + b2)
    out = jnp.concatenate([gmf_vec, h], axis=-1) @ Wd + bd
    return out.reshape(-1)

if __name__ == "__main__":
    import jax
    _d = setup_inputs()
    print(jax.jit(kernel)(*tuple(_d.values())))

</pallas_src>

<mosaic_0001>
#map = affine_map<(d0, d1) -> (0, 0)>
#map1 = affine_map<(d0, d1) -> (0)>
module attributes {stable_mosaic.version = 14 : i64} {
  func.func @_sc_gather_body(%arg0: i32, %arg1: i32, %arg2: memref<1000000x64xf32, #tpu.memory_space<hbm>>, %arg3: memref<1000000x64xf32, #tpu.memory_space<hbm>>, %arg4: memref<1000000x64xf32, #tpu.memory_space<hbm>>, %arg5: memref<1000000x64xf32, #tpu.memory_space<hbm>>, %arg6: memref<16384xi32, #tpu.memory_space<hbm>>, %arg7: memref<16384xi32, #tpu.memory_space<hbm>>, %arg8: memref<2048x512xf32, #tpu.memory_space<hbm>>, %arg9: memref<2048x512xf32, #tpu.memory_space<hbm>>, %arg10: memref<512xi32, #tpu.memory_space<vmem>>, %arg11: memref<512xi32, #tpu.memory_space<vmem>>, %arg12: memref<64x512xf32, #tpu.memory_space<vmem>>, %arg13: memref<64x512xf32, #tpu.memory_space<vmem>>, %arg14: memref<64x512xf32, #tpu.memory_space<vmem>>, %arg15: memref<!tpu.dma_semaphore, #tpu.memory_space<semaphore_mem>>, %arg16: memref<!tpu.dma_semaphore, #tpu.memory_space<semaphore_mem>>, %arg17: memref<!tpu.dma_semaphore, #tpu.memory_space<semaphore_mem>>, %arg18: memref<!tpu.dma_semaphore, #tpu.memory_space<semaphore_mem>>) attributes {dimension_semantics = [#tpu.dimension_semantics<core_parallel>, #tpu.dimension_semantics<subcore_parallel>], iteration_bounds = array<i64: 2, 16>, scalar_prefetch = 0 : i64, scratch_operands = 9 : i64, tpu.core_type = #tpu.core_type<sc_vector_subcore>, window_params = [{transform_indices = #map}, {transform_indices = #map}, {transform_indices = #map}, {transform_indices = #map}, {transform_indices = #map1}, {transform_indices = #map1}, {transform_indices = #map}, {transform_indices = #map}]} {
    %mul3A = arith.constant 2 : i32
    %mul3A_0 = arith.muli %arg1, %mul3A : i32
    %add3A = arith.addi %mul3A_0, %arg0 : i32
    %mul3A_1 = arith.constant 512 : i32
    %mul3A_2 = arith.muli %add3A, %mul3A_1 : i32
    %mul3A_3 = arith.constant 64 : i32
    %mul3A_4 = arith.muli %add3A, %mul3A_3 : i32
    "tpu.region"() ({
      %run_scoped3A = tpu.sem_alloc : memref<!tpu.dma_semaphore, #tpu.memory_space<semaphore_mem>>
      %dma_start3A_70 = tpu.memref_slice %arg6[%mul3A_2] : memref<16384xi32, #tpu.memory_space<hbm>> -> memref<512xi32, #tpu.memory_space<hbm>>
      %dma_start3A_71 = tpu.memref_slice %arg6[%mul3A_2] : memref<16384xi32, #tpu.memory_space<hbm>> -> memref<512xi32, #tpu.memory_space<hbm>>
      tpu.enqueue_dma source(%dma_start3A_71 : memref<512xi32, #tpu.memory_space<hbm>>) target(%arg10 : memref<512xi32, #tpu.memory_space<vmem>>) target_semaphore(%run_scoped3A : memref<!tpu.dma_semaphore, #tpu.memory_space<semaphore_mem>>)
      %dma_wait3A_72 = tpu.memref_slice %arg6[%mul3A_2] : memref<16384xi32, #tpu.memory_space<hbm>> -> memref<512xi32, #tpu.memory_space<hbm>>
      %dma_wait3A_73 = tpu.memref_slice %arg6[%mul3A_2] : memref<16384xi32, #tpu.memory_space<hbm>> -> memref<512xi32, #tpu.memory_space<hbm>>
      tpu.wait_dma2 semaphore(%run_scoped3A : memref<!tpu.dma_semaphore, #tpu.memory_space<semaphore_mem>>) src(%dma_wait3A_73 : memref<512xi32, #tpu.memory_space<hbm>>) dst(%arg10 : memref<512xi32, #tpu.memory_space<vmem>>)
      tpu.yield
    }) : () -> ()
    "tpu.region"() ({
      %run_scoped3A = tpu.sem_alloc : memref<!tpu.dma_semaphore, #tpu.memory_space<semaphore_mem>>
      %dma_start3A_70 = tpu.memref_slice %arg7[%mul3A_2] : memref<16384xi32, #tpu.memory_space<hbm>> -> memref<512xi32, #tpu.memory_space<hbm>>
      %dma_start3A_71 = tpu.memref_slice %arg7[%mul3A_2] : memref<16384xi32, #tpu.memory_space<hbm>> -> memref<512xi32, #tpu.memory_space<hbm>>
      tpu.enqueue_dma source(%dma_start3A_71 : memref<512xi32, #tpu.memory_space<hbm>>) target(%arg11 : memref<512xi32, #tpu.memory_space<vmem>>) target_semaphore(%run_scoped3A : memref<!tpu.dma_semaphore, #tpu.memory_space<semaphore_mem>>)
      %dma_wait3A_72 = tpu.memref_slice %arg7[%mul3A_2] : memref<16384xi32, #tpu.memory_space<hbm>> -> memref<512xi32, #tpu.memory_space<hbm>>
      %dma_wait3A_73 = tpu.memref_slice %arg7[%mul3A_2] : memref<16384xi32, #tpu.memory_space<hbm>> -> memref<512xi32, #tpu.memory_space<hbm>>
      tpu.wait_dma2 semaphore(%run_scoped3A : memref<!tpu.dma_semaphore, #tpu.memory_space<semaphore_mem>>) src(%dma_wait3A_73 : memref<512xi32, #tpu.memory_space<hbm>>) dst(%arg11 : memref<512xi32, #tpu.memory_space<vmem>>)
      tpu.yield
    }) : () -> ()
    %scan3A = arith.constant 0 : i32
    %scan3A_5 = arith.constant 0 : i32
    %scan3A_6 = arith.constant 32 : i32
    %scan3A_7 = arith.addi %scan3A_5, %scan3A_6 : i32
    %scan3A_8 = arith.constant 1 : i32
    scf.for %scan3A_70 = %scan3A_5 to %scan3A_7 step %scan3A_8  : i32 {
      %mul3A_71 = arith.constant 16 : i32
      %mul3A_72 = arith.muli %scan3A_70, %mul3A_71 : i32
      %get3A = arith.index_cast %mul3A_72 : i32 to index
      %get3A_73 = tpu.vector_load %arg10[%get3A] {strides = array<i32>} : memref<512xi32, #tpu.memory_space<vmem>>, vector<16xi32>,
      %slice3A = vector.extract_strided_slice %get3A_73 {offsets = [0], sizes = [1], strides = [1]} : vector<16xi32> to vector<1xi32>
      %squeeze3A = vector.extract %slice3A[0] : i32 from vector<1xi32>
      %mul3A_74 = arith.constant 2 : i32
      %mul3A_75 = arith.muli %scan3A_70, %mul3A_74 : i32
      %add3A_76 = arith.constant 0 : i32
      %add3A_77 = arith.addi %mul3A_75, %add3A_76 : i32
      %dma_start3A_78 = arith.constant 0 : i32
      %dma_start3A_79 = tpu.memref_slice %arg12[%add3A_77, %dma_start3A_78] : memref<64x512xf32, #tpu.memory_space<vmem>> -> memref<1x64xf32, #tpu.memory_space<vmem>>
      %dma_start3A_80 = tpu.memref_squeeze %dma_start3A_79 : memref<1x64xf32, #tpu.memory_space<vmem>> -> memref<64xf32, #tpu.memory_space<vmem>>
      %dma_start3A_81 = arith.constant 0 : i32
      %dma_start3A_82 = tpu.memref_slice %arg2[%squeeze3A, %dma_start3A_81] : memref<1000000x64xf32, #tpu.memory_space<hbm>> -> memref<1x64xf32, #tpu.memory_space<hbm>>
      %dma_start3A_83 = tpu.memref_squeeze %dma_start3A_82 : memref<1x64xf32, #tpu.memory_space<hbm>> -> memref<64xf32, #tpu.memory_space<hbm>>
      %dma_start3A_84 = arith.constant 0 : i32
      %dma_start3A_85 = tpu.memref_slice %arg12[%add3A_77, %dma_start3A_84] : memref<64x512xf32, #tpu.memory_space<vmem>> -> memref<1x64xf32, #tpu.memory_space<vmem>>
      %dma_start3A_86 = tpu.memref_squeeze %dma_start3A_85 : memref<1x64xf32, #tpu.memory_space<vmem>> -> memref<64xf32, #tpu.memory_space<vmem>>
      %dma_start3A_87 = arith.constant 0 : i32
      %dma_start3A_88 = tpu.memref_slice %arg2[%squeeze3A, %dma_start3A_87] : memref<1000000x64xf32, #tpu.memory_space<hbm>> -> memref<1x64xf32, #tpu.memory_space<hbm>>
      %dma_start3A_89 = tpu.memref_squeeze %dma_start3A_88 : memref<1x64xf32, #tpu.memory_space<hbm>> -> memref<64xf32, #tpu.memory_space<hbm>>
      tpu.enqueue_dma source(%dma_start3A_89 : memref<64xf32, #tpu.memory_space<hbm>>) target(%dma_start3A_86 : memref<64xf32, #tpu.memory_space<vmem>>) target_semaphore(%arg15 : memref<!tpu.dma_semaphore, #tpu.memory_space<semaphore_mem>>)
      %slice3A_90 = vector.extract_strided_slice %get3A_73 {offsets = [1], sizes = [1], strides = [1]} : vector<16xi32> to vector<1xi32>
      %squeeze3A_91 = vector.extract %slice3A_90[0] : i32 from vector<1xi32>
      %mul3A_92 = arith.constant 2 : i32
      %mul3A_93 = arith.muli %scan3A_70, %mul3A_92 : i32
      %add3A_94 = arith.constant 0 : i32
      %add3A_95 = arith.addi %mul3A_93, %add3A_94 : i32
      %dma_start3A_96 = arith.constant 64 : i32
      %dma_start3A_97 = tpu.memref_slice %arg12[%add3A_95, %dma_start3A_96] : memref<64x512xf32, #tpu.memory_space<vmem>> -> memref<1x64xf32, #tpu.memory_space<vmem>>
      %dma_start3A_98 = tpu.memref_squeeze %dma_start3A_97 : memref<1x64xf32, #tpu.memory_space<vmem>> -> memref<64xf32, #tpu.memory_space<vmem>>
      %dma_start3A_99 = arith.constant 0 : i32
      %dma_start3A_100 = tpu.memref_slice %arg2[%squeeze3A_91, %dma_start3A_99] : memref<1000000x64xf32, #tpu.memory_space<hbm>> -> memref<1x64xf32, #tpu.memory_space<hbm>>
      %dma_start3A_101 = tpu.memref_squeeze %dma_start3A_100 : memref<1x64xf32, #tpu.memory_space<hbm>> -> memref<64xf32, #tpu.memory_space<hbm>>
      %dma_start3A_102 = arith.constant 64 : i32
      %dma_start3A_103 = tpu.memref_slice %arg12[%add3A_95, %dma_start3A_102] : memref<64x512xf32, #tpu.memory_space<vmem>> -> memref<1x64xf32, #tpu.memory_space<vmem>>
      %dma_start3A_104 = tpu.memref_squeeze %dma_start3A_103 : memref<1x64xf32, #tpu.memory_space<vmem>> -> memref<64xf32, #tpu.memory_space<vmem>>
      %dma_start3A_105 = arith.constant 0 : i32
      %dma_start3A_106 = tpu.memref_slice %arg2[%squeeze3A_91, %dma_start3A_105] : memref<1000000x64xf32, #tpu.memory_space<hbm>> -> memref<1x64xf32, #tpu.memory_space<hbm>>
      %dma_start3A_107 = tpu.memref_squeeze %dma_start3A_106 : memref<1x64xf32, #tpu.memory_space<hbm>> -> memref<64xf32, #tpu.memory_space<hbm>>
      tpu.enqueue_dma source(%dma_start3A_107 : memref<64xf32, #tpu.memory_space<hbm>>) target(%dma_start3A_104 : memref<64xf32, #tpu.memory_space<vmem>>) target_semaphore(%arg15 : memref<!tpu.dma_semaphore, #tpu.memory_space<semaphore_mem>>)
      %slice3A_108 = vector.extract_strided_slice %get3A_73 {offsets = [2], sizes = [1], strides = [1]} : vector<16xi32> to vector<1xi32>
      %squeeze3A_109 = vector.extract %slice3A_108[0] : i32 from vector<1xi32>
      %mul3A_110 = arith.constant 2 : i32
      %mul3A_111 = arith.muli %scan3A_70, %mul3A_110 : i32
      %add3A_112 = arith.constant 0 : i32
      %add3A_113 = arith.addi %mul3A_111, %add3A_112 : i32
      %dma_start3A_114 = arith.constant 128 : i32
      %dma_start3A_115 = tpu.memref_slice %arg12[%add3A_113, %dma_start3A_114] : memref<64x512xf32, #tpu.memory_space<vmem>> -> memref<1x64xf32, #tpu.memory_space<vmem>>
      %dma_start3A_116 = tpu.memref_squeeze %dma_start3A_115 : memref<1x64xf32, #tpu.memory_space<vmem>> -> memref<64xf32, #tpu.memory_space<vmem>>
      %dma_start3A_117 = arith.constant 0 : i32
      %dma_start3A_118 = tpu.memref_slice %arg2[%squeeze3A_109, %dma_start3A_117] : memref<1000000x64xf32, #tpu.memory_space<hbm>> -> memref<1x64xf32, #tpu.memory_space<hbm>>
      %dma_start3A_119 = tpu.memref_squeeze %dma_start3A_118 : memref<1x64xf32, #tpu.memory_space<hbm>> -> memref<64xf32, #tpu.memory_space<hbm>>
      %dma_start3A_120 = arith.constant 128 : i32
      %dma_start3A_121 = tpu.memref_slice %arg12[%add3A_113, %dma_start3A_120] : memref<64x512xf32, #tpu.memory_space<vmem>> -> memref<1x64xf32, #tpu.memory_space<vmem>>
      %dma_start3A_122 = tpu.memref_squeeze %dma_start3A_121 : memref<1x64xf32, #tpu.memory_space<vmem>> -> memref<64xf32, #tpu.memory_space<vmem>>
      %dma_start3A_123 = arith.constant 0 : i32
      %dma_start3A_124 = tpu.memref_slice %arg2[%squeeze3A_109, %dma_start3A_123] : memref<1000000x64xf32, #tpu.memory_space<hbm>> -> memref<1x64xf32, #tpu.memory_space<hbm>>
      %dma_start3A_125 = tpu.memref_squeeze %dma_start3A_124 : memref<1x64xf32, #tpu.memory_space<hbm>> -> memref<64xf32, #tpu.memory_space<hbm>>
      tpu.enqueue_dma source(%dma_start3A_125 : memref<64xf32, #tpu.memory_space<hbm>>) target(%dma_start3A_122 : memref<64xf32, #tpu.memory_space<vmem>>) target_semaphore(%arg15 : memref<!tpu.dma_semaphore, #tpu.memory_space<semaphore_mem>>)
      %slice3A_126 = vector.extract_strided_slice %get3A_73 {offsets = [3], sizes = [1], strides = [1]} : vector<16xi32> to vector<1xi32>
      %squeeze3A_127 = vector.extract %slice3A_126[0] : i32 from vector<1xi32>
      %mul3A_128 = arith.constant 2 : i32
      %mul3A_129 = arith.muli %scan3A_70, %mul3A_128 : i32
      %add3A_130 = arith.constant 0 : i32
      %add3A_131 = arith.addi %mul3A_129, %add3A_130 : i32
      %dma_start3A_132 = arith.constant 192 : i32
      %dma_start3A_133 = tpu.memref_slice %arg12[%add3A_131, %dma_start3A_132] : memref<64x512xf32, #tpu.memory_space<vmem>> -> memref<1x64xf32, #tpu.memory_space<vmem>>
      %dma_start3A_134 = tpu.memref_squeeze %dma_start3A_133 : memref<1x64xf32, #tpu.memory_space<vmem>> -> memref<64xf32, #tpu.memory_space<vmem>>
      %dma_start3A_135 = arith.constant 0 : i32
      %dma_start3A_136 = tpu.memref_slice %arg2[%squeeze3A_127, %dma_start3A_135] : memref<1000000x64xf32, #tpu.memory_space<hbm>> -> memref<1x64xf32, #tpu.memory_space<hbm>>
      %dma_start3A_137 = tpu.memref_squeeze %dma_start3A_136 : memref<1x64xf32, #tpu.memory_space<hbm>> -> memref<64xf32, #tpu.memory_space<hbm>>
      %dma_start3A_138 = arith.constant 192 : i32
      %dma_start3A_139 = tpu.memref_slice %arg12[%add3A_131, %dma_start3A_138] : memref<64x512xf32, #tpu.memory_space<vmem>> -> memref<1x64xf32, #tpu.memory_space<vmem>>
      %dma_start3A_140 = tpu.memref_squeeze %dma_start3A_139 : memref<1x64xf32, #tpu.memory_space<vmem>> -> memref<64xf32, #tpu.memory_space<vmem>>
      %dma_start3A_141 = arith.constant 0 : i32
      %dma_start3A_142 = tpu.memref_slice %arg2[%squeeze3A_127, %dma_start3A_141] : memref<1000000x64xf32, #tpu.memory_space<hbm>> -> memref<1x64xf32, #tpu.memory_space<hbm>>
      %dma_start3A_143 = tpu.memref_squeeze %dma_start3A_142 : memref<1x64xf32, #tpu.memory_space<hbm>> -> memref<64xf32, #tpu.memory_space<hbm>>
      tpu.enqueue_dma source(%dma_start3A_143 : memref<64xf32, #tpu.memory_space<hbm>>) target(%dma_start3A_140 : memref<64xf32, #tpu.memory_space<vmem>>) target_semaphore(%arg15 : memref<!tpu.dma_semaphore, #tpu.memory_space<semaphore_mem>>)
      %slice3A_144 = vector.extract_strided_slice %get3A_73 {offsets = [4], sizes = [1], strides = [1]} : vector<16xi32> to vector<1xi32>
      %squeeze3A_145 = vector.extract %slice3A_144[0] : i32 from vector<1xi32>
      %mul3A_146 = arith.constant 2 : i32
      %mul3A_147 = arith.muli %scan3A_70, %mul3A_146 : i32
      %add3A_148 = arith.constant 0 : i32
      %add3A_149 = arith.addi %mul3A_147, %add3A_148 : i32
      %dma_start3A_150 = arith.constant 256 : i32
      %dma_start3A_151 = tpu.memref_slice %arg12[%add3A_149, %dma_start3A_150] : memref<64x512xf32, #tpu.memory_space<vmem>> -> memref<1x64xf32, #tpu.memory_space<vmem>>
      %dma_start3A_152 = tpu.memref_squeeze %dma_start3A_151 : memref<1x64xf32, #tpu.memory_space<vmem>> -> memref<64xf32, #tpu.memory_space<vmem>>
      %dma_start3A_153 = arith.constant 0 : i32
      %dma_start3A_154 = tpu.memref_slice %arg2[%squeeze3A_145, %dma_start3A_153] : memref<1000000x64xf32, #tpu.memory_space<hbm>> -> memref<1x64xf32, #tpu.memory_space<hbm>>
      %dma_start3A_155 = tpu.memref_squeeze %dma_start3A_154 : memref<1x64xf32, #tpu.memory_space<hbm>> -> memref<64xf32, #tpu.memory_space<hbm>>
      %dma_start3A_156 = arith.constant 256 : i32
      %dma_start3A_157 = tpu.memref_slice %arg12[%add3A_149, %dma_start3A_156] : memref<64x512xf32, #tpu.memory_space<vmem>> -> memref<1x64xf32, #tpu.memory_space<vmem>>
      %dma_start3A_158 = tpu.memref_squeeze %dma_start3A_157 : memref<1x64xf32, #tpu.memory_space<vmem>> -> memref<64xf32, #tpu.memory_space<vmem>>
      %dma_start3A_159 = arith.constant 0 : i32
      %dma_start3A_160 = tpu.memref_slice %arg2[%squeeze3A_145, %dma_start3A_159] : memref<1000000x64xf32, #tpu.memory_space<hbm>> -> memref<1x64xf32, #tpu.memory_space<hbm>>
      %dma_start3A_161 = tpu.memref_squeeze %dma_start3A_160 : memref<1x64xf32, #tpu.memory_space<hbm>> -> memref<64xf32, #tpu.memory_space<hbm>>
      tpu.enqueue_dma source(%dma_start3A_161 : memref<64xf32, #tpu.memory_space<hbm>>) target(%dma_start3A_158 : memref<64xf32, #tpu.memory_space<vmem>>) target_semaphore(%arg15 : memref<!tpu.dma_semaphore, #tpu.memory_space<semaphore_mem>>)
      %slice3A_162 = vector.extract_strided_slice %get3A_73 {offsets = [5], sizes = [1], strides = [1]} : vector<16xi32> to vector<1xi32>
      %squeeze3A_163 = vector.extract %slice3A_162[0] : i32 from vector<1xi32>
      %mul3A_164 = arith.constant 2 : i32
      %mul3A_165 = arith.muli %scan3A_70, %mul3A_164 : i32
      %add3A_166 = arith.constant 0 : i32
      %add3A_167 = arith.addi %mul3A_165, %add3A_166 : i32
      %dma_start3A_168 = arith.constant 320 : i32
      %dma_start3A_169 = tpu.memref_slice %arg12[%add3A_167, %dma_start3A_168] : memref<64x512xf32, #tpu.memory_space<vmem>> -> memref<1x64xf32, #tpu.memory_space<vmem>>
      %dma_start3A_170 = tpu.memref_squeeze %dma_start3A_169 : memref<1x64xf32, #tpu.memory_space<vmem>> -> memref<64xf32, #tpu.memory_space<vmem>>
      %dma_start3A_171 = arith.constant 0 : i32
      %dma_start3A_172 = tpu.memref_slice %arg2[%squeeze3A_163, %dma_start3A_171] : memref<1000000x64xf32, #tpu.memory_space<hbm>> -> memref<1x64xf32, #tpu.memory_space<hbm>>
      %dma_start3A_173 = tpu.memref_squeeze %dma_start3A_172 : memref<1x64xf32, #tpu.memory_space<hbm>> -> memref<64xf32, #tpu.memory_space<hbm>>
      %dma_start3A_174 = arith.constant 320 : i32
      %dma_start3A_175 = tpu.memref_slice %arg12[%add3A_167, %dma_start3A_174] : memref<64x512xf32, #tpu.memory_space<vmem>> -> memref<1x64xf32, #tpu.memory_space<vmem>>
      %dma_start3A_176 = tpu.memref_squeeze %dma_start3A_175 : memref<1x64xf32, #tpu.memory_space<vmem>> -> memref<64xf32, #tpu.memory_space<vmem>>
      %dma_start3A_177 = arith.constant 0 : i32
      %dma_start3A_178 = tpu.memref_slice %arg2[%squeeze3A_163, %dma_start3A_177] : memref<1000000x64xf32, #tpu.memory_space<hbm>> -> memref<1x64xf32, #tpu.memory_space<hbm>>
      %dma_start3A_179 = tpu.memref_squeeze %dma_start3A_178 : memref<1x64xf32, #tpu.memory_space<hbm>> -> memref<64xf32, #tpu.memory_space<hbm>>
      tpu.enqueue_dma source(%dma_start3A_179 : memref<64xf32, #tpu.memory_space<hbm>>) target(%dma_start3A_176 : memref<64xf32, #tpu.memory_space<vmem>>) target_semaphore(%arg15 : memref<!tpu.dma_semaphore, #tpu.memory_space<semaphore_mem>>)
      %slice3A_180 = vector.extract_strided_slice %get3A_73 {offsets = [6], sizes = [1], strides = [1]} : vector<16xi32> to vector<1xi32>
      %squeeze3A_181 = vector.extract %slice3A_180[0] : i32 from vector<1xi32>
      %mul3A_182 = arith.constant 2 : i32
      %mul3A_183 = arith.muli %scan3A_70, %mul3A_182 : i32
      %add3A_184 = arith.constant 0 : i32
      %add3A_185 = arith.addi %mul3A_183, %add3A_184 : i32
      %dma_start3A_186 = arith.constant 384 : i32
      %dma_start3A_187 = tpu.memref_slice %arg12[%add3A_185, %dma_start3A_186] : memref<64x512xf32, #tpu.memory_space<vmem>> -> memref<1x64xf32, #tpu.memory_space<vmem>>
      %dma_start3A_188 = tpu.memref_squeeze %dma_start3A_187 : memref<1x64xf32, #tpu.memory_space<vmem>> -> memref<64xf32, #tpu.memory_space<vmem>>
      %dma_start3A_189 = arith.constant 0 : i32
      %dma_start3A_190 = tpu.memref_slice %arg2[%squeeze3A_181, %dma_start3A_189] : memref<1000000x64xf32, #tpu.memory_space<hbm>> -> memref<1x64xf32, #tpu.memory_space<hbm>>
      %dma_start3A_191 = tpu.memref_squeeze %dma_start3A_190 : memref<1x64xf32, #tpu.memory_space<hbm>> -> memref<64xf32, #tpu.memory_space<hbm>>
      %dma_start3A_192 = arith.constant 384 : i32
      %dma_start3A_193 = tpu.memref_slice %arg12[%add3A_185, %dma_start3A_192] : memref<64x512xf32, #tpu.memory_space<vmem>> -> memref<1x64xf32, #tpu.memory_space<vmem>>
      %dma_start3A_194 = tpu.memref_squeeze %dma_start3A_193 : memref<1x64xf32, #tpu.memory_space<vmem>> -> memref<64xf32, #tpu.memory_space<vmem>>
      %dma_start3A_195 = arith.constant 0 : i32
      %dma_start3A_196 = tpu.memref_slice %arg2[%squeeze3A_181, %dma_start3A_195] : memref<1000000x64xf32, #tpu.memory_space<hbm>> -> memref<1x64xf32, #tpu.memory_space<hbm>>
      %dma_start3A_197 = tpu.memref_squeeze %dma_start3A_196 : memref<1x64xf32, #tpu.memory_space<hbm>> -> memref<64xf32, #tpu.memory_space<hbm>>
      tpu.enqueue_dma source(%dma_start3A_197 : memref<64xf32, #tpu.memory_space<hbm>>) target(%dma_start3A_194 : memref<64xf32, #tpu.memory_space<vmem>>) target_semaphore(%arg15 : memref<!tpu.dma_semaphore, #tpu.memory_space<semaphore_mem>>)
      %slice3A_198 = vector.extract_strided_slice %get3A_73 {offsets = [7], sizes = [1], strides = [1]} : vector<16xi32> to vector<1xi32>
      %squeeze3A_199 = vector.extract %slice3A_198[0] : i32 from vector<1xi32>
      %mul3A_200 = arith.constant 2 : i32
      %mul3A_201 = arith.muli %scan3A_70, %mul3A_200 : i32
      %add3A_202 = arith.constant 0 : i32
      %add3A_203 = arith.addi %mul3A_201, %add3A_202 : i32
      %dma_start3A_204 = arith.constant 448 : i32
      %dma_start3A_205 = tpu.memref_slice %arg12[%add3A_203, %dma_start3A_204] : memref<64x512xf32, #tpu.memory_space<vmem>> -> memref<1x64xf32, #tpu.memory_space<vmem>>
      %dma_start3A_206 = tpu.memref_squeeze %dma_start3A_205 : memref<1x64xf32, #tpu.memory_space<vmem>> -> memref<64xf32, #tpu.memory_space<vmem>>
      %dma_start3A_207 = arith.constant 0 : i32
      %dma_start3A_208 = tpu.memref_slice %arg2[%squeeze3A_199, %dma_start3A_207] : memref<1000000x64xf32, #tpu.memory_space<hbm>> -> memref<1x64xf32, #tpu.memory_space<hbm>>
      %dma_start3A_209 = tpu.memref_squeeze %dma_start3A_208 : memref<1x64xf32, #tpu.memory_space<hbm>> -> memref<64xf32, #tpu.memory_space<hbm>>
      %dma_start3A_210 = arith.constant 448 : i32
      %dma_start3A_211 = tpu.memref_slice %arg12[%add3A_203, %dma_start3A_210] : memref<64x512xf32, #tpu.memory_space<vmem>> -> memref<1x64xf32, #tpu.memory_space<vmem>>
      %dma_start3A_212 = tpu.memref_squeeze %dma_start3A_211 : memref<1x64xf32, #tpu.memory_space<vmem>> -> memref<64xf32, #tpu.memory_space<vmem>>
      %dma_start3A_213 = arith.constant 0 : i32
      %dma_start3A_214 = tpu.memref_slice %arg2[%squeeze3A_199, %dma_start3A_213] : memref<1000000x64xf32, #tpu.memory_space<hbm>> -> memref<1x64xf32, #tpu.memory_space<hbm>>
      %dma_start3A_215 = tpu.memref_squeeze %dma_start3A_214 : memref<1x64xf32, #tpu.memory_space<hbm>> -> memref<64xf32, #tpu.memory_space<hbm>>
      tpu.enqueue_dma source(%dma_start3A_215 : memref<64xf32, #tpu.memory_space<hbm>>) target(%dma_start3A_212 : memref<64xf32, #tpu.memory_space<vmem>>) target_semaphore(%arg15 : memref<!tpu.dma_semaphore, #tpu.memory_space<semaphore_mem>>)
      %slice3A_216 = vector.extract_strided_slice %get3A_73 {offsets = [8], sizes = [1], strides = [1]} : vector<16xi32> to vector<1xi32>
      %squeeze3A_217 = vector.extract %slice3A_216[0] : i32 from vector<1xi32>
      %mul3A_218 = arith.constant 2 : i32
      %mul3A_219 = arith.muli %scan3A_70, %mul3A_218 : i32
      %add3A_220 = arith.constant 1 : i32
      %add3A_221 = arith.addi %mul3A_219, %add3A_220 : i32
      %dma_start3A_222 = arith.constant 0 : i32
      %dma_start3A_223 = tpu.memref_slice %arg12[%add3A_221, %dma_start3A_222] : memref<64x512xf32, #tpu.memory_space<vmem>> -> memref<1x64xf32, #tpu.memory_space<vmem>>
      %dma_start3A_224 = tpu.memref_squeeze %dma_start3A_223 : memref<1x64xf32, #tpu.memory_space<vmem>> -> memref<64xf32, #tpu.memory_space<vmem>>
      %dma_start3A_225 = arith.constant 0 : i32
      %dma_start3A_226 = tpu.memref_slice %arg2[%squeeze3A_217, %dma_start3A_225] : memref<1000000x64xf32, #tpu.memory_space<hbm>> -> memref<1x64xf32, #tpu.memory_space<hbm>>
      %dma_start3A_227 = tpu.memref_squeeze %dma_start3A_226 : memref<1x64xf32, #tpu.memory_space<hbm>> -> memref<64xf32, #tpu.memory_space<hbm>>
      %dma_start3A_228 = arith.constant 0 : i32
      %dma_start3A_229 = tpu.memref_slice %arg12[%add3A_221, %dma_start3A_228] : memref<64x512xf32, #tpu.memory_space<vmem>> -> memref<1x64xf32, #tpu.memory_space<vmem>>
      %dma_start3A_230 = tpu.memref_squeeze %dma_start3A_229 : memref<1x64xf32, #tpu.memory_space<vmem>> -> memref<64xf32, #tpu.memory_space<vmem>>
      %dma_start3A_231 = arith.constant 0 : i32
      %dma_start3A_232 = tpu.memref_slice %arg2[%squeeze3A_217, %dma_start3A_231] : memref<1000000x64xf32, #tpu.memory_space<hbm>> -> memref<1x64xf32, #tpu.memory_space<hbm>>
      %dma_start3A_233 = tpu.memref_squeeze %dma_start3A_232 : memref<1x64xf32, #tpu.memory_space<hbm>> -> memref<64xf32, #tpu.memory_space<hbm>>
      tpu.enqueue_dma source(%dma_start3A_233 : memref<64xf32, #tpu.memory_space<hbm>>) target(%dma_start3A_230 : memref<64xf32, #tpu.memory_space<vmem>>) target_semaphore(%arg15 : memref<!tpu.dma_semaphore, #tpu.memory_space<semaphore_mem>>)
      %slice3A_234 = vector.extract_strided_slice %get3A_73 {offsets = [9], sizes = [1], strides = [1]} : vector<16xi32> to vector<1xi32>
      %squeeze3A_235 = vector.extract %slice3A_234[0] : i32 from vector<1xi32>
      %mul3A_236 = arith.constant 2 : i32
      %mul3A_237 = arith.muli %scan3A_70, %mul3A_236 : i32
      %add3A_238 = arith.constant 1 : i32
      %add3A_239 = arith.addi %mul3A_237, %add3A_238 : i32
      %dma_start3A_240 = arith.constant 64 : i32
      %dma_start3A_241 = tpu.memref_slice %arg12[%add3A_239, %dma_start3A_240] : memref<64x512xf32, #tpu.memory_space<vmem>> -> memref<1x64xf32, #tpu.memory_space<vmem>>
      %dma_start3A_242 = tpu.memref_squeeze %dma_start3A_241 : memref<1x64xf32, #tpu.memory_space<vmem>> -> memref<64xf32, #tpu.memory_space<vmem>>
      %dma_start3A_243 = arith.constant 0 : i32
      %dma_start3A_244 = tpu.memref_slice %arg2[%squeeze3A_235, %dma_start3A_243] : memref<1000000x64xf32, #tpu.memory_space<hbm>> -> memref<1x64xf32, #tpu.memory_space<hbm>>
      %dma_start3A_245 = tpu.memref_squeeze %dma_start3A_244 : memref<1x64xf32, #tpu.memory_space<hbm>> -> memref<64xf32, #tpu.memory_space<hbm>>
      %dma_start3A_246 = arith.constant 64 : i32
      %dma_start3A_247 = tpu.memref_slice %arg12[%add3A_239, %dma_start3A_246] : memref<64x512xf32, #tpu.memory_space<vmem>> -> memref<1x64xf32, #tpu.memory_space<vmem>>
      %dma_start3A_248 = tpu.memref_squeeze %dma_start3A_247 : memref<1x64xf32, #tpu.memory_space<vmem>> -> memref<64xf32, #tpu.memory_space<vmem>>
      %dma_start3A_249 = arith.constant 0 : i32
      %dma_start3A_250 = tpu.memref_slice %arg2[%squeeze3A_235, %dma_start3A_249] : memref<1000000x64xf32, #tpu.memory_space<hbm>> -> memref<1x64xf32, #tpu.memory_space<hbm>>
      %dma_start3A_251 = tpu.memref_squeeze %dma_start3A_250 : memref<1x64xf32, #tpu.memory_space<hbm>> -> memref<64xf32, #tpu.memory_space<hbm>>
      tpu.enqueue_dma source(%dma_start3A_251 : memref<64xf32, #tpu.memory_space<hbm>>) target(%dma_start3A_248 : memref<64xf32, #tpu.memory_space<vmem>>) target_semaphore(%arg15 : memref<!tpu.dma_semaphore, #tpu.memory_space<semaphore_mem>>)
      %slice3A_252 = vector.extract_strided_slice %get3A_73 {offsets = [10], sizes = [1], strides = [1]} : vector<16xi32> to vector<1xi32>
      %squeeze3A_253 = vector.extract %slice3A_252[0] : i32 from vector<1xi32>
      %mul3A_254 = arith.constant 2 : i32
      %mul3A_255 = arith.muli %scan3A_70, %mul3A_254 : i32
      %add3A_256 = arith.constant 1 : i32
      %add3A_257 = arith.addi %mul3A_255, %add3A_256 : i32
      %dma_start3A_258 = arith.constant 128 : i32
      %dma_start3A_259 = tpu.memref_slice %arg12[%add3A_257, %dma_start3A_258] : memref<64x512xf32, #tpu.memory_space<vmem>> -> memref<1x64xf32, #tpu.memory_space<vmem>>
      %dma_start3A_260 = tpu.memref_squeeze %dma_start3A_259 : memref<1x64xf32, #tpu.memory_space<vmem>> -> memref<64xf32, #tpu.memory_space<vmem>>
      %dma_start3A_261 = arith.constant 0 : i32
      %dma_start3A_262 = tpu.memref_slice %arg2[%squeeze3A_253, %dma_start3A_261] : memref<1000000x64xf32, #tpu.memory_space<hbm>> -> memref<1x64xf32, #tpu.memory_space<hbm>>
      %dma_start3A_263 = tpu.memref_squeeze %dma_start3A_262 : memref<1x64xf32, #tpu.memory_space<hbm>> -> memref<64xf32, #tpu.memory_space<hbm>>
      %dma_start3A_264 = arith.constant 128 : i32
      %dma_start3A_265 = tpu.memref_slice %arg12[%add3A_257, %dma_start3A_264] : memref<64x512xf32, #tpu.memory_space<vmem>> -> memref<1x64xf32, #tpu.memory_space<vmem>>
      %dma_start3A_266 = tpu.memref_squeeze %dma_start3A_265 : memref<1x64xf32, #tpu.memory_space<vmem>> -> memref<64xf32, #tpu.memory_space<vmem>>
      %dma_start3A_267 = arith.constant 0 : i32
      %dma_start3A_268 = tpu.memref_slice %arg2[%squeeze3A_253, %dma_start3A_267] : memref<1000000x64xf32, #tpu.memory_space<hbm>> -> memref<1x64xf32, #tpu.memory_space<hbm>>
      %dma_start3A_269 = tpu.memref_squeeze %dma_start3A_268 : memref<1x64xf32, #tpu.memory_space<hbm>> -> memref<64xf32, #tpu.memory_space<hbm>>
      tpu.enqueue_dma source(%dma_start3A_269 : memref<64xf32, #tpu.memory_space<hbm>>) target(%dma_start3A_266 : memref<64xf32, #tpu.memory_space<vmem>>) target_semaphore(%arg15 : memref<!tpu.dma_semaphore, #tpu.memory_space<semaphore_mem>>)
      %slice3A_270 = vector.extract_strided_slice %get3A_73 {offsets = [11], sizes = [1], strides = [1]} : vector<16xi32> to vector<1xi32>
      %squeeze3A_271 = vector.extract %slice3A_270[0] : i32 from vector<1xi32>
      %mul3A_272 = arith.constant 2 : i32
      %mul3A_273 = arith.muli %scan3A_70, %mul3A_272 : i32
      %add3A_274 = arith.constant 1 : i32
      %add3A_275 = arith.addi %mul3A_273, %add3A_274 : i32
      %dma_start3A_276 = arith.constant 192 : i32
      %dma_start3A_277 = tpu.memref_slice %arg12[%add3A_275, %dma_start3A_276] : memref<64x512xf32, #tpu.memory_space<vmem>> -> memref<1x64xf32, #tpu.memory_space<vmem>>
      %dma_start3A_278 = tpu.memref_squeeze %dma_start3A_277 : memref<1x64xf32, #tpu.memory_space<vmem>> -> memref<64xf32, #tpu.memory_space<vmem>>
      %dma_start3A_279 = arith.constant 0 : i32
      %dma_start3A_280 = tpu.memref_slice %arg2[%squeeze3A_271, %dma_start3A_279] : memref<1000000x64xf32, #tpu.memory_space<hbm>> -> memref<1x64xf32, #tpu.memory_space<hbm>>
      %dma_start3A_281 = tpu.memref_squeeze %dma_start3A_280 : memref<1x64xf32, #tpu.memory_space<hbm>> -> memref<64xf32, #tpu.memory_space<hbm>>
      %dma_start3A_282 = arith.constant 192 : i32
      %dma_start3A_283 = tpu.memref_slice %arg12[%add3A_275, %dma_start3A_282] : memref<64x512xf32, #tpu.memory_space<vmem>> -> memref<1x64xf32, #tpu.memory_space<vmem>>
      %dma_start3A_284 = tpu.memref_squeeze %dma_start3A_283 : memref<1x64xf32, #tpu.memory_space<vmem>> -> memref<64xf32, #tpu.memory_space<vmem>>
      %dma_start3A_285 = arith.constant 0 : i32
      %dma_start3A_286 = tpu.memref_slice %arg2[%squeeze3A_271, %dma_start3A_285] : memref<1000000x64xf32, #tpu.memory_space<hbm>> -> memref<1x64xf32, #tpu.memory_space<hbm>>
      %dma_start3A_287 = tpu.memref_squeeze %dma_start3A_286 : memref<1x64xf32, #tpu.memory_space<hbm>> -> memref<64xf32, #tpu.memory_space<hbm>>
      tpu.enqueue_dma source(%dma_start3A_287 : memref<64xf32, #tpu.memory_space<hbm>>) target(%dma_start3A_284 : memref<64xf32, #tpu.memory_space<vmem>>) target_semaphore(%arg15 : memref<!tpu.dma_semaphore, #tpu.memory_space<semaphore_mem>>)
      %slice3A_288 = vector.extract_strided_slice %get3A_73 {offsets = [12], sizes = [1], strides = [1]} : vector<16xi32> to vector<1xi32>
      %squeeze3A_289 = vector.extract %slice3A_288[0] : i32 from vector<1xi32>
      %mul3A_290 = arith.constant 2 : i32
      %mul3A_291 = arith.muli %scan3A_70, %mul3A_290 : i32
      %add3A_292 = arith.constant 1 : i32
      %add3A_293 = arith.addi %mul3A_291, %add3A_292 : i32
      %dma_start3A_294 = arith.constant 256 : i32
      %dma_start3A_295 = tpu.memref_slice %arg12[%add3A_293, %dma_start3A_294] : memref<64x512xf32, #tpu.memory_space<vmem>> -> memref<1x64xf32, #tpu.memory_space<vmem>>
      %dma_start3A_296 = tpu.memref_squeeze %dma_start3A_295 : memref<1x64xf32, #tpu.memory_space<vmem>> -> memref<64xf32, #tpu.memory_space<vmem>>
      %dma_start3A_297 = arith.constant 0 : i32
      %dma_start3A_298 = tpu.memref_slice %arg2[%squeeze3A_289, %dma_start3A_297] : memref<1000000x64xf32, #tpu.memory_space<hbm>> -> memref<1x64xf32, #tpu.memory_space<hbm>>
      %dma_start3A_299 = tpu.memref_squeeze %dma_start3A_298 : memref<1x64xf32, #tpu.memory_space<hbm>> -> memref<64xf32, #tpu.memory_space<hbm>>
      %dma_start3A_300 = arith.constant 256 : i32
      %dma_start3A_301 = tpu.memref_slice %arg12[%add3A_293, %dma_start3A_300] : memref<64x512xf32, #tpu.memory_space<vmem>> -> memref<1x64xf32, #tpu.memory_space<vmem>>
      %dma_start3A_302 = tpu.memref_squeeze %dma_start3A_301 : memref<1x64xf32, #tpu.memory_space<vmem>> -> memref<64xf32, #tpu.memory_space<vmem>>
      %dma_start3A_303 = arith.constant 0 : i32
      %dma_start3A_304 = tpu.memref_slice %arg2[%squeeze3A_289, %dma_start3A_303] : memref<1000000x64xf32, #tpu.memory_space<hbm>> -> memref<1x64xf32, #tpu.memory_space<hbm>>
      %dma_start3A_305 = tpu.memref_squeeze %dma_start3A_304 : memref<1x64xf32, #tpu.memory_space<hbm>> -> memref<64xf32, #tpu.memory_space<hbm>>
      tpu.enqueue_dma source(%dma_start3A_305 : memref<64xf32, #tpu.memory_space<hbm>>) target(%dma_start3A_302 : memref<64xf32, #tpu.memory_space<vmem>>) target_semaphore(%arg15 : memref<!tpu.dma_semaphore, #tpu.memory_space<semaphore_mem>>)
      %slice3A_306 = vector.extract_strided_slice %get3A_73 {offsets = [13], sizes = [1], strides = [1]} : vector<16xi32> to vector<1xi32>
      %squeeze3A_307 = vector.extract %slice3A_306[0] : i32 from vector<1xi32>
      %mul3A_308 = arith.constant 2 : i32
      %mul3A_309 = arith.muli %scan3A_70, %mul3A_308 : i32
      %add3A_310 = arith.constant 1 : i32
      %add3A_311 = arith.addi %mul3A_309, %add3A_310 : i32
      %dma_start3A_312 = arith.constant 320 : i32
      %dma_start3A_313 = tpu.memref_slice %arg12[%add3A_311, %dma_start3A_312] : memref<64x512xf32, #tpu.memory_space<vmem>> -> memref<1x64xf32, #tpu.memory_space<vmem>>
      %dma_start3A_314 = tpu.memref_squeeze %dma_start3A_313 : memref<1x64xf32, #tpu.memory_space<vmem>> -> memref<64xf32, #tpu.memory_space<vmem>>
      %dma_start3A_315 = arith.constant 0 : i32
      %dma_start3A_316 = tpu.memref_slice %arg2[%squeeze3A_307, %dma_start3A_315] : memref<1000000x64xf32, #tpu.memory_space<hbm>> -> memref<1x64xf32, #tpu.memory_space<hbm>>
      %dma_start3A_317 = tpu.memref_squeeze %dma_start3A_316 : memref<1x64xf32, #tpu.memory_space<hbm>> -> memref<64xf32, #tpu.memory_space<hbm>>
      %dma_start3A_318 = arith.constant 320 : i32
      %dma_start3A_319 = tpu.memref_slice %arg12[%add3A_311, %dma_start3A_318] : memref<64x512xf32, #tpu.memory_space<vmem>> -> memref<1x64xf32, #tpu.memory_space<vmem>>
      %dma_start3A_320 = tpu.memref_squeeze %dma_start3A_319 : memref<1x64xf32, #tpu.memory_space<vmem>> -> memref<64xf32, #tpu.memory_space<vmem>>
      %dma_start3A_321 = arith.constant 0 : i32
      %dma_start3A_322 = tpu.memref_slice %arg2[%squeeze3A_307, %dma_start3A_321] : memref<1000000x64xf32, #tpu.memory_space<hbm>> -> memref<1x64xf32, #tpu.memory_space<hbm>>
      %dma_start3A_323 = tpu.memref_squeeze %dma_start3A_322 : memref<1x64xf32, #tpu.memory_space<hbm>> -> memref<64xf32, #tpu.memory_space<hbm>>
      tpu.enqueue_dma source(%dma_start3A_323 : memref<64xf32, #tpu.memory_space<hbm>>) target(%dma_start3A_320 : memref<64xf32, #tpu.memory_space<vmem>>) target_semaphore(%arg15 : memref<!tpu.dma_semaphore, #tpu.memory_space<semaphore_mem>>)
      %slice3A_324 = vector.extract_strided_slice %get3A_73 {offsets = [14], sizes = [1], strides = [1]} : vector<16xi32> to vector<1xi32>
      %squeeze3A_325 = vector.extract %slice3A_324[0] : i32 from vector<1xi32>
      %mul3A_326 = arith.constant 2 : i32
      %mul3A_327 = arith.muli %scan3A_70, %mul3A_326 : i32
      %add3A_328 = arith.constant 1 : i32
      %add3A_329 = arith.addi %mul3A_327, %add3A_328 : i32
      %dma_start3A_330 = arith.constant 384 : i32
      %dma_start3A_331 = tpu.memref_slice %arg12[%add3A_329, %dma_start3A_330] : memref<64x512xf32, #tpu.memory_space<vmem>> -> memref<1x64xf32, #tpu.memory_space<vmem>>
      %dma_start3A_332 = tpu.memref_squeeze %dma_start3A_331 : memref<1x64xf32, #tpu.memory_space<vmem>> -> memref<64xf32, #tpu.memory_space<vmem>>
      %dma_start3A_333 = arith.constant 0 : i32
      %dma_start3A_334 = tpu.memref_slice %arg2[%squeeze3A_325, %dma_start3A_333] : memref<1000000x64xf32, #tpu.memory_space<hbm>> -> memref<1x64xf32, #tpu.memory_space<hbm>>
      %dma_start3A_335 = tpu.memref_squeeze %dma_start3A_334 : memref<1x64xf32, #tpu.memory_space<hbm>> -> memref<64xf32, #tpu.memory_space<hbm>>
      %dma_start3A_336 = arith.constant 384 : i32
      %dma_start3A_337 = tpu.memref_slice %arg12[%add3A_329, %dma_start3A_336] : memref<64x512xf32, #tpu.memory_space<vmem>> -> memref<1x64xf32, #tpu.memory_space<vmem>>
      %dma_start3A_338 = tpu.memref_squeeze %dma_start3A_337 : memref<1x64xf32, #tpu.memory_space<vmem>> -> memref<64xf32, #tpu.memory_space<vmem>>
      %dma_start3A_339 = arith.constant 0 : i32
      %dma_start3A_340 = tpu.memref_slice %arg2[%squeeze3A_325, %dma_start3A_339] : memref<1000000x64xf32, #tpu.memory_space<hbm>> -> memref<1x64xf32, #tpu.memory_space<hbm>>
      %dma_start3A_341 = tpu.memref_squeeze %dma_start3A_340 : memref<1x64xf32, #tpu.memory_space<hbm>> -> memref<64xf32, #tpu.memory_space<hbm>>
      tpu.enqueue_dma source(%dma_start3A_341 : memref<64xf32, #tpu.memory_space<hbm>>) target(%dma_start3A_338 : memref<64xf32, #tpu.memory_space<vmem>>) target_semaphore(%arg15 : memref<!tpu.dma_semaphore, #tpu.memory_space<semaphore_mem>>)
      %slice3A_342 = vector.extract_strided_slice %get3A_73 {offsets = [15], sizes = [1], strides = [1]} : vector<16xi32> to vector<1xi32>
      %squeeze3A_343 = vector.extract %slice3A_342[0] : i32 from vector<1xi32>
      %mul3A_344 = arith.constant 2 : i32
      %mul3A_345 = arith.muli %scan3A_70, %mul3A_344 : i32
      %add3A_346 = arith.constant 1 : i32
      %add3A_347 = arith.addi %mul3A_345, %add3A_346 : i32
      %dma_start3A_348 = arith.constant 448 : i32
      %dma_start3A_349 = tpu.memref_slice %arg12[%add3A_347, %dma_start3A_348] : memref<64x512xf32, #tpu.memory_space<vmem>> -> memref<1x64xf32, #tpu.memory_space<vmem>>
      %dma_start3A_350 = tpu.memref_squeeze %dma_start3A_349 : memref<1x64xf32, #tpu.memory_space<vmem>> -> memref<64xf32, #tpu.memory_space<vmem>>
      %dma_start3A_351 = arith.constant 0 : i32
      %dma_start3A_352 = tpu.memref_slice %arg2[%squeeze3A_343, %dma_start3A_351] : memref<1000000x64xf32, #tpu.memory_space<hbm>> -> memref<1x64xf32, #tpu.memory_space<hbm>>
      %dma_start3A_353 = tpu.memref_squeeze %dma_start3A_352 : memref<1x64xf32, #tpu.memory_space<hbm>> -> memref<64xf32, #tpu.memory_space<hbm>>
      %dma_start3A_354 = arith.constant 448 : i32
      %dma_start3A_355 = tpu.memref_slice %arg12[%add3A_347, %dma_start3A_354] : memref<64x512xf32, #tpu.memory_space<vmem>> -> memref<1x64xf32, #tpu.memory_space<vmem>>
      %dma_start3A_356 = tpu.memref_squeeze %dma_start3A_355 : memref<1x64xf32, #tpu.memory_space<vmem>> -> memref<64xf32, #tpu.memory_space<vmem>>
      %dma_start3A_357 = arith.constant 0 : i32
      %dma_start3A_358 = tpu.memref_slice %arg2[%squeeze3A_343, %dma_start3A_357] : memref<1000000x64xf32, #tpu.memory_space<hbm>> -> memref<1x64xf32, #tpu.memory_space<hbm>>
      %dma_start3A_359 = tpu.memref_squeeze %dma_start3A_358 : memref<1x64xf32, #tpu.memory_space<hbm>> -> memref<64xf32, #tpu.memory_space<hbm>>
      tpu.enqueue_dma source(%dma_start3A_359 : memref<64xf32, #tpu.memory_space<hbm>>) target(%dma_start3A_356 : memref<64xf32, #tpu.memory_space<vmem>>) target_semaphore(%arg15 : memref<!tpu.dma_semaphore, #tpu.memory_space<semaphore_mem>>)
    }
    %scan3A_9 = arith.constant 32 : i32
    %scan3A_10 = arith.constant 0 : i32
    %scan3A_11 = arith.constant 0 : i32
    %scan3A_12 = arith.constant 32 : i32
    %scan3A_13 = arith.addi %scan3A_11, %scan3A_12 : i32
    %scan3A_14 = arith.constant 1 : i32
    scf.for %scan3A_70 = %scan3A_11 to %scan3A_13 step %scan3A_14  : i32 {
      %mul3A_71 = arith.constant 16 : i32
      %mul3A_72 = arith.muli %scan3A_70, %mul3A_71 : i32
      %get3A = arith.index_cast %mul3A_72 : i32 to index
      %get3A_73 = tpu.vector_load %arg11[%get3A] {strides = array<i32>} : memref<512xi32, #tpu.memory_space<vmem>>, vector<16xi32>,
      %slice3A = vector.extract_strided_slice %get3A_73 {offsets = [0], sizes = [1], strides = [1]} : vector<16xi32> to vector<1xi32>
      %squeeze3A = vector.extract %slice3A[0] : i32 from vector<1xi32>
      %mul3A_74 = arith.constant 2 : i32
      %mul3A_75 = arith.muli %scan3A_70, %mul3A_74 : i32
      %add3A_76 = arith.constant 0 : i32
      %add3A_77 = arith.addi %mul3A_75, %add3A_76 : i32
      %dma_start3A_78 = arith.constant 0 : i32
      %dma_start3A_79 = tpu.memref_slice %arg13[%add3A_77, %dma_start3A_78] : memref<64x512xf32, #tpu.memory_space<vmem>> -> memref<1x64xf32, #tpu.memory_space<vmem>>
      %dma_start3A_80 = tpu.memref_squeeze %dma_start3A_79 : memref<1x64xf32, #tpu.memory_space<vmem>> -> memref<64xf32, #tpu.memory_space<vmem>>
      %dma_start3A_81 = arith.constant 0 : i32
      %dma_start3A_82 = tpu.memref_slice %arg3[%squeeze3A, %dma_start3A_81] : memref<1000000x64xf32, #tpu.memory_space<hbm>> -> memref<1x64xf32, #tpu.memory_space<hbm>>
      %dma_start3A_83 = tpu.memref_squeeze %dma_start3A_82 : memref<1x64xf32, #tpu.memory_space<hbm>> -> memref<64xf32, #tpu.memory_space<hbm>>
      %dma_start3A_84 = arith.constant 0 : i32
      %dma_start3A_85 = tpu.memref_slice %arg13[%add3A_77, %dma_start3A_84] : memref<64x512xf32, #tpu.memory_space<vmem>> -> memref<1x64xf32, #tpu.memory_space<vmem>>
      %dma_start3A_86 = tpu.memref_squeeze %dma_start3A_85 : memref<1x64xf32, #tpu.memory_space<vmem>> -> memref<64xf32, #tpu.memory_space<vmem>>
      %dma_start3A_87 = arith.constant 0 : i32
      %dma_start3A_88 = tpu.memref_slice %arg3[%squeeze3A, %dma_start3A_87] : memref<1000000x64xf32, #tpu.memory_space<hbm>> -> memref<1x64xf32, #tpu.memory_space<hbm>>
      %dma_start3A_89 = tpu.memref_squeeze %dma_start3A_88 : memref<1x64xf32, #tpu.memory_space<hbm>> -> memref<64xf32, #tpu.memory_space<hbm>>
      tpu.enqueue_dma source(%dma_start3A_89 : memref<64xf32, #tpu.memory_space<hbm>>) target(%dma_start3A_86 : memref<64xf32, #tpu.memory_space<vmem>>) target_semaphore(%arg16 : memref<!tpu.dma_semaphore, #tpu.memory_space<semaphore_mem>>)
      %slice3A_90 = vector.extract_strided_slice %get3A_73 {offsets = [1], sizes = [1], strides = [1]} : vector<16xi32> to vector<1xi32>
      %squeeze3A_91 = vector.extract %slice3A_90[0] : i32 from vector<1xi32>
      %mul3A_92 = arith.constant 2 : i32
      %mul3A_93 = arith.muli %scan3A_70, %mul3A_92 : i32
      %add3A_94 = arith.constant 0 : i32
      %add3A_95 = arith.addi %mul3A_93, %add3A_94 : i32
      %dma_start3A_96 = arith.constant 64 : i32
      %dma_start3A_97 = tpu.memref_slice %arg13[%add3A_95, %dma_start3A_96] : memref<64x512xf32, #tpu.memory_space<vmem>> -> memref<1x64xf32, #tpu.memory_space<vmem>>
      %dma_start3A_98 = tpu.memref_squeeze %dma_start3A_97 : memref<1x64xf32, #tpu.memory_space<vmem>> -> memref<64xf32, #tpu.memory_space<vmem>>
      %dma_start3A_99 = arith.constant 0 : i32
      %dma_start3A_100 = tpu.memref_slice %arg3[%squeeze3A_91, %dma_start3A_99] : memref<1000000x64xf32, #tpu.memory_space<hbm>> -> memref<1x64xf32, #tpu.memory_space<hbm>>
      %dma_start3A_101 = tpu.memref_squeeze %dma_start3A_100 : memref<1x64xf32, #tpu.memory_space<hbm>> -> memref<64xf32, #tpu.memory_space<hbm>>
      %dma_start3A_102 = arith.constant 64 : i32
      %dma_start3A_103 = tpu.memref_slice %arg13[%add3A_95, %dma_start3A_102] : memref<64x512xf32, #tpu.memory_space<vmem>> -> memref<1x64xf32, #tpu.memory_space<vmem>>
      %dma_start3A_104 = tpu.memref_squeeze %dma_start3A_103 : memref<1x64xf32, #tpu.memory_space<vmem>> -> memref<64xf32, #tpu.memory_space<vmem>>
      %dma_start3A_105 = arith.constant 0 : i32
      %dma_start3A_106 = tpu.memref_slice %arg3[%squeeze3A_91, %dma_start3A_105] : memref<1000000x64xf32, #tpu.memory_space<hbm>> -> memref<1x64xf32, #tpu.memory_space<hbm>>
      %dma_start3A_107 = tpu.memref_squeeze %dma_start3A_106 : memref<1x64xf32, #tpu.memory_space<hbm>> -> memref<64xf32, #tpu.memory_space<hbm>>
      tpu.enqueue_dma source(%dma_start3A_107 : memref<64xf32, #tpu.memory_space<hbm>>) target(%dma_start3A_104 : memref<64xf32, #tpu.memory_space<vmem>>) target_semaphore(%arg16 : memref<!tpu.dma_semaphore, #tpu.memory_space<semaphore_mem>>)
      %slice3A_108 = vector.extract_strided_slice %get3A_73 {offsets = [2], sizes = [1], strides = [1]} : vector<16xi32> to vector<1xi32>
      %squeeze3A_109 = vector.extract %slice3A_108[0] : i32 from vector<1xi32>
      %mul3A_110 = arith.constant 2 : i32
      %mul3A_111 = arith.muli %scan3A_70, %mul3A_110 : i32
      %add3A_112 = arith.constant 0 : i32
      %add3A_113 = arith.addi %mul3A_111, %add3A_112 : i32
      %dma_start3A_114 = arith.constant 128 : i32
      %dma_start3A_115 = tpu.memref_slice %arg13[%add3A_113, %dma_start3A_114] : memref<64x512xf32, #tpu.memory_space<vmem>> -> memref<1x64xf32, #tpu.memory_space<vmem>>
      %dma_start3A_116 = tpu.memref_squeeze %dma_start3A_115 : memref<1x64xf32, #tpu.memory_space<vmem>> -> memref<64xf32, #tpu.memory_space<vmem>>
      %dma_start3A_117 = arith.constant 0 : i32
      %dma_start3A_118 = tpu.memref_slice %arg3[%squeeze3A_109, %dma_start3A_117] : memref<1000000x64xf32, #tpu.memory_space<hbm>> -> memref<1x64xf32, #tpu.memory_space<hbm>>
      %dma_start3A_119 = tpu.memref_squeeze %dma_start3A_118 : memref<1x64xf32, #tpu.memory_space<hbm>> -> memref<64xf32, #tpu.memory_space<hbm>>
      %dma_start3A_120 = arith.constant 128 : i32
      %dma_start3A_121 = tpu.memref_slice %arg13[%add3A_113, %dma_start3A_120] : memref<64x512xf32, #tpu.memory_space<vmem>> -> memref<1x64xf32, #tpu.memory_space<vmem>>
      %dma_start3A_122 = tpu.memref_squeeze %dma_start3A_121 : memref<1x64xf32, #tpu.memory_space<vmem>> -> memref<64xf32, #tpu.memory_space<vmem>>
      %dma_start3A_123 = arith.constant 0 : i32
      %dma_start3A_124 = tpu.memref_slice %arg3[%squeeze3A_109, %dma_start3A_123] : memref<1000000x64xf32, #tpu.memory_space<hbm>> -> memref<1x64xf32, #tpu.memory_space<hbm>>
      %dma_start3A_125 = tpu.memref_squeeze %dma_start3A_124 : memref<1x64xf32, #tpu.memory_space<hbm>> -> memref<64xf32, #tpu.memory_space<hbm>>
      tpu.enqueue_dma source(%dma_start3A_125 : memref<64xf32, #tpu.memory_space<hbm>>) target(%dma_start3A_122 : memref<64xf32, #tpu.memory_space<vmem>>) target_semaphore(%arg16 : memref<!tpu.dma_semaphore, #tpu.memory_space<semaphore_mem>>)
      %slice3A_126 = vector.extract_strided_slice %get3A_73 {offsets = [3], sizes = [1], strides = [1]} : vector<16xi32> to vector<1xi32>
      %squeeze3A_127 = vector.extract %slice3A_126[0] : i32 from vector<1xi32>
      %mul3A_128 = arith.constant 2 : i32
      %mul3A_129 = arith.muli %scan3A_70, %mul3A_128 : i32
      %add3A_130 = arith.constant 0 : i32
      %add3A_131 = arith.addi %mul3A_129, %add3A_130 : i32
      %dma_start3A_132 = arith.constant 192 : i32
      %dma_start3A_133 = tpu.memref_slice %arg13[%add3A_131, %dma_start3A_132] : memref<64x512xf32, #tpu.memory_space<vmem>> -> memref<1x64xf32, #tpu.memory_space<vmem>>
      %dma_start3A_134 = tpu.memref_squeeze %dma_start3A_133 : memref<1x64xf32, #tpu.memory_space<vmem>> -> memref<64xf32, #tpu.memory_space<vmem>>
      %dma_start3A_135 = arith.constant 0 : i32
      %dma_start3A_136 = tpu.memref_slice %arg3[%squeeze3A_127, %dma_start3A_135] : memref<1000000x64xf32, #tpu.memory_space<hbm>> -> memref<1x64xf32, #tpu.memory_space<hbm>>
      %dma_start3A_137 = tpu.memref_squeeze %dma_start3A_136 : memref<1x64xf32, #tpu.memory_space<hbm>> -> memref<64xf32, #tpu.memory_space<hbm>>
      %dma_start3A_138 = arith.constant 192 : i32
      %dma_start3A_139 = tpu.memref_slice %arg13[%add3A_131, %dma_start3A_138] : memref<64x512xf32, #tpu.memory_space<vmem>> -> memref<1x64xf32, #tpu.memory_space<vmem>>
      %dma_start3A_140 = tpu.memref_squeeze %dma_start3A_139 : memref<1x64xf32, #tpu.memory_space<vmem>> -> memref<64xf32, #tpu.memory_space<vmem>>
      %dma_start3A_141 = arith.constant 0 : i32
      %dma_start3A_142 = tpu.memref_slice %arg3[%squeeze3A_127, %dma_start3A_141] : memref<1000000x64xf32, #tpu.memory_space<hbm>> -> memref<1x64xf32, #tpu.memory_space<hbm>>
      %dma_start3A_143 = tpu.memref_squeeze %dma_start3A_142 : memref<1x64xf32, #tpu.memory_space<hbm>> -> memref<64xf32, #tpu.memory_space<hbm>>
      tpu.enqueue_dma source(%dma_start3A_143 : memref<64xf32, #tpu.memory_space<hbm>>) target(%dma_start3A_140 : memref<64xf32, #tpu.memory_space<vmem>>) target_semaphore(%arg16 : memref<!tpu.dma_semaphore, #tpu.memory_space<semaphore_mem>>)
      %slice3A_144 = vector.extract_strided_slice %get3A_73 {offsets = [4], sizes = [1], strides = [1]} : vector<16xi32> to vector<1xi32>
      %squeeze3A_145 = vector.extract %slice3A_144[0] : i32 from vector<1xi32>
      %mul3A_146 = arith.constant 2 : i32
      %mul3A_147 = arith.muli %scan3A_70, %mul3A_146 : i32
      %add3A_148 = arith.constant 0 : i32
      %add3A_149 = arith.addi %mul3A_147, %add3A_148 : i32
      %dma_start3A_150 = arith.constant 256 : i32
      %dma_start3A_151 = tpu.memref_slice %arg13[%add3A_149, %dma_start3A_150] : memref<64x512xf32, #tpu.memory_space<vmem>> -> memref<1x64xf32, #tpu.memory_space<vmem>>
      %dma_start3A_152 = tpu.memref_squeeze %dma_start3A_151 : memref<1x64xf32, #tpu.memory_space<vmem>> -> memref<64xf32, #tpu.memory_space<vmem>>
      %dma_start3A_153 = arith.constant 0 : i32
      %dma_start3A_154 = tpu.memref_slice %arg3[%squeeze3A_145, %dma_start3A_153] : memref<1000000x64xf32, #tpu.memory_space<hbm>> -> memref<1x64xf32, #tpu.memory_space<hbm>>
      %dma_start3A_155 = tpu.memref_squeeze %dma_start3A_154 : memref<1x64xf32, #tpu.memory_space<hbm>> -> memref<64xf32, #tpu.memory_space<hbm>>
      %dma_start3A_156 = arith.constant 256 : i32
      %dma_start3A_157 = tpu.memref_slice %arg13[%add3A_149, %dma_start3A_156] : memref<64x512xf32, #tpu.memory_space<vmem>> -> memref<1x64xf32, #tpu.memory_space<vmem>>
      %dma_start3A_158 = tpu.memref_squeeze %dma_start3A_157 : memref<1x64xf32, #tpu.memory_space<vmem>> -> memref<64xf32, #tpu.memory_space<vmem>>
      %dma_start3A_159 = arith.constant 0 : i32
      %dma_start3A_160 = tpu.memref_slice %arg3[%squeeze3A_145, %dma_start3A_159] : memref<1000000x64xf32, #tpu.memory_space<hbm>> -> memref<1x64xf32, #tpu.memory_space<hbm>>
      %dma_start3A_161 = tpu.memref_squeeze %dma_start3A_160 : memref<1x64xf32, #tpu.memory_space<hbm>> -> memref<64xf32, #tpu.memory_space<hbm>>
      tpu.enqueue_dma source(%dma_start3A_161 : memref<64xf32, #tpu.memory_space<hbm>>) target(%dma_start3A_158 : memref<64xf32, #tpu.memory_space<vmem>>) target_semaphore(%arg16 : memref<!tpu.dma_semaphore, #tpu.memory_space<semaphore_mem>>)
      %slice3A_162 = vector.extract_strided_slice %get3A_73 {offsets = [5], sizes = [1], strides = [1]} : vector<16xi32> to vector<1xi32>
      %squeeze3A_163 = vector.extract %slice3A_162[0] : i32 from vector<1xi32>
      %mul3A_164 = arith.constant 2 : i32
      %mul3A_165 = arith.muli %scan3A_70, %mul3A_164 : i32
      %add3A_166 = arith.constant 0 : i32
      %add3A_167 = arith.addi %mul3A_165, %add3A_166 : i32
      %dma_start3A_168 = arith.constant 320 : i32
      %dma_start3A_169 = tpu.memref_slice %arg13[%add3A_167, %dma_start3A_168] : memref<64x512xf32, #tpu.memory_space<vmem>> -> memref<1x64xf32, #tpu.memory_space<vmem>>
      %dma_start3A_170 = tpu.memref_squeeze %dma_start3A_169 : memref<1x64xf32, #tpu.memory_space<vmem>> -> memref<64xf32, #tpu.memory_space<vmem>>
      %dma_start3A_171 = arith.constant 0 : i32
      %dma_start3A_172 = tpu.memref_slice %arg3[%squeeze3A_163, %dma_start3A_171] : memref<1000000x64xf32, #tpu.memory_space<hbm>> -> memref<1x64xf32, #tpu.memory_space<hbm>>
      %dma_start3A_173 = tpu.memref_squeeze %dma_start3A_172 : memref<1x64xf32, #tpu.memory_space<hbm>> -> memref<64xf32, #tpu.memory_space<hbm>>
      %dma_start3A_174 = arith.constant 320 : i32
      %dma_start3A_175 = tpu.memref_slice %arg13[%add3A_167, %dma_start3A_174] : memref<64x512xf32, #tpu.memory_space<vmem>> -> memref<1x64xf32, #tpu.memory_space<vmem>>
      %dma_start3A_176 = tpu.memref_squeeze %dma_start3A_175 : memref<1x64xf32, #tpu.memory_space<vmem>> -> memref<64xf32, #tpu.memory_space<vmem>>
      %dma_start3A_177 = arith.constant 0 : i32
      %dma_start3A_178 = tpu.memref_slice %arg3[%squeeze3A_163, %dma_start3A_177] : memref<1000000x64xf32, #tpu.memory_space<hbm>> -> memref<1x64xf32, #tpu.memory_space<hbm>>
      %dma_start3A_179 = tpu.memref_squeeze %dma_start3A_178 : memref<1x64xf32, #tpu.memory_space<hbm>> -> memref<64xf32, #tpu.memory_space<hbm>>
      tpu.enqueue_dma source(%dma_start3A_179 : memref<64xf32, #tpu.memory_space<hbm>>) target(%dma_start3A_176 : memref<64xf32, #tpu.memory_space<vmem>>) target_semaphore(%arg16 : memref<!tpu.dma_semaphore, #tpu.memory_space<semaphore_mem>>)
      %slice3A_180 = vector.extract_strided_slice %get3A_73 {offsets = [6], sizes = [1], strides = [1]} : vector<16xi32> to vector<1xi32>
      %squeeze3A_181 = vector.extract %slice3A_180[0] : i32 from vector<1xi32>
      %mul3A_182 = arith.constant 2 : i32
      %mul3A_183 = arith.muli %scan3A_70, %mul3A_182 : i32
      %add3A_184 = arith.constant 0 : i32
      %add3A_185 = arith.addi %mul3A_183, %add3A_184 : i32
      %dma_start3A_186 = arith.constant 384 : i32
      %dma_start3A_187 = tpu.memref_slice %arg13[%add3A_185, %dma_start3A_186] : memref<64x512xf32, #tpu.memory_space<vmem>> -> memref<1x64xf32, #tpu.memory_space<vmem>>
      %dma_start3A_188 = tpu.memref_squeeze %dma_start3A_187 : memref<1x64xf32, #tpu.memory_space<vmem>> -> memref<64xf32, #tpu.memory_space<vmem>>
      %dma_start3A_189 = arith.constant 0 : i32
      %dma_start3A_190 = tpu.memref_slice %arg3[%squeeze3A_181, %dma_start3A_189] : memref<1000000x64xf32, #tpu.memory_space<hbm>> -> memref<1x64xf32, #tpu.memory_space<hbm>>
      %dma_start3A_191 = tpu.memref_squeeze %dma_start3A_190 : memref<1x64xf32, #tpu.memory_space<hbm>> -> memref<64xf32, #tpu.memory_space<hbm>>
      %dma_start3A_192 = arith.constant 384 : i32
      %dma_start3A_193 = tpu.memref_slice %arg13[%add3A_185, %dma_start3A_192] : memref<64x512xf32, #tpu.memory_space<vmem>> -> memref<1x64xf32, #tpu.memory_space<vmem>>
      %dma_start3A_194 = tpu.memref_squeeze %dma_start3A_193 : memref<1x64xf32, #tpu.memory_space<vmem>> -> memref<64xf32, #tpu.memory_space<vmem>>
      %dma_start3A_195 = arith.constant 0 : i32
      %dma_start3A_196 = tpu.memref_slice %arg3[%squeeze3A_181, %dma_start3A_195] : memref<1000000x64xf32, #tpu.memory_space<hbm>> -> memref<1x64xf32, #tpu.memory_space<hbm>>
      %dma_start3A_197 = tpu.memref_squeeze %dma_start3A_196 : memref<1x64xf32, #tpu.memory_space<hbm>> -> memref<64xf32, #tpu.memory_space<hbm>>
      tpu.enqueue_dma source(%dma_start3A_197 : memref<64xf32, #tpu.memory_space<hbm>>) target(%dma_start3A_194 : memref<64xf32, #tpu.memory_space<vmem>>) target_semaphore(%arg16 : memref<!tpu.dma_semaphore, #tpu.memory_space<semaphore_mem>>)
      %slice3A_198 = vector.extract_strided_slice %get3A_73 {offsets = [7], sizes = [1], strides = [1]} : vector<16xi32> to vector<1xi32>
      %squeeze3A_199 = vector.extract %slice3A_198[0] : i32 from vector<1xi32>
      %mul3A_200 = arith.constant 2 : i32
      %mul3A_201 = arith.muli %scan3A_70, %mul3A_200 : i32
      %add3A_202 = arith.constant 0 : i32
      %add3A_203 = arith.addi %mul3A_201, %add3A_202 : i32
      %dma_start3A_204 = arith.constant 448 : i32
      %dma_start3A_205 = tpu.memref_slice %arg13[%add3A_203, %dma_start3A_204] : memref<64x512xf32, #tpu.memory_space<vmem>> -> memref<1x64xf32, #tpu.memory_space<vmem>>
      %dma_start3A_206 = tpu.memref_squeeze %dma_start3A_205 : memref<1x64xf32, #tpu.memory_space<vmem>> -> memref<64xf32, #tpu.memory_space<vmem>>
      %dma_start3A_207 = arith.constant 0 : i32
      %dma_start3A_208 = tpu.memref_slice %arg3[%squeeze3A_199, %dma_start3A_207] : memref<1000000x64xf32, #tpu.memory_space<hbm>> -> memref<1x64xf32, #tpu.memory_space<hbm>>
      %dma_start3A_209 = tpu.memref_squeeze %dma_start3A_208 : memref<1x64xf32, #tpu.memory_space<hbm>> -> memref<64xf32, #tpu.memory_space<hbm>>
      %dma_start3A_210 = arith.constant 448 : i32
      %dma_start3A_211 = tpu.memref_slice %arg13[%add3A_203, %dma_start3A_210] : memref<64x512xf32, #tpu.memory_space<vmem>> -> memref<1x64xf32, #tpu.memory_space<vmem>>
      %dma_start3A_212 = tpu.memref_squeeze %dma_start3A_211 : memref<1x64xf32, #tpu.memory_space<vmem>> -> memref<64xf32, #tpu.memory_space<vmem>>
      %dma_start3A_213 = arith.constant 0 : i32
      %dma_start3A_214 = tpu.memref_slice %arg3[%squeeze3A_199, %dma_start3A_213] : memref<1000000x64xf32, #tpu.memory_space<hbm>> -> memref<1x64xf32, #tpu.memory_space<hbm>>
      %dma_start3A_215 = tpu.memref_squeeze %dma_start3A_214 : memref<1x64xf32, #tpu.memory_space<hbm>> -> memref<64xf32, #tpu.memory_space<hbm>>
      tpu.enqueue_dma source(%dma_start3A_215 : memref<64xf32, #tpu.memory_space<hbm>>) target(%dma_start3A_212 : memref<64xf32, #tpu.memory_space<vmem>>) target_semaphore(%arg16 : memref<!tpu.dma_semaphore, #tpu.memory_space<semaphore_mem>>)
      %slice3A_216 = vector.extract_strided_slice %get3A_73 {offsets = [8], sizes = [1], strides = [1]} : vector<16xi32> to vector<1xi32>
      %squeeze3A_217 = vector.extract %slice3A_216[0] : i32 from vector<1xi32>
      %mul3A_218 = arith.constant 2 : i32
      %mul3A_219 = arith.muli %scan3A_70, %mul3A_218 : i32
      %add3A_220 = arith.constant 1 : i32
      %add3A_221 = arith.addi %mul3A_219, %add3A_220 : i32
      %dma_start3A_222 = arith.constant 0 : i32
      %dma_start3A_223 = tpu.memref_slice %arg13[%add3A_221, %dma_start3A_222] : memref<64x512xf32, #tpu.memory_space<vmem>> -> memref<1x64xf32, #tpu.memory_space<vmem>>
      %dma_start3A_224 = tpu.memref_squeeze %dma_start3A_223 : memref<1x64xf32, #tpu.memory_space<vmem>> -> memref<64xf32, #tpu.memory_space<vmem>>
      %dma_start3A_225 = arith.constant 0 : i32
      %dma_start3A_226 = tpu.memref_slice %arg3[%squeeze3A_217, %dma_start3A_225] : memref<1000000x64xf32, #tpu.memory_space<hbm>> -> memref<1x64xf32, #tpu.memory_space<hbm>>
      %dma_start3A_227 = tpu.memref_squeeze %dma_start3A_226 : memref<1x64xf32, #tpu.memory_space<hbm>> -> memref<64xf32, #tpu.memory_space<hbm>>
      %dma_start3A_228 = arith.constant 0 : i32
      %dma_start3A_229 = tpu.memref_slice %arg13[%add3A_221, %dma_start3A_228] : memref<64x512xf32, #tpu.memory_space<vmem>> -> memref<1x64xf32, #tpu.memory_space<vmem>>
      %dma_start3A_230 = tpu.memref_squeeze %dma_start3A_229 : memref<1x64xf32, #tpu.memory_space<vmem>> -> memref<64xf32, #tpu.memory_space<vmem>>
      %dma_start3A_231 = arith.constant 0 : i32
      %dma_start3A_232 = tpu.memref_slice %arg3[%squeeze3A_217, %dma_start3A_231] : memref<1000000x64xf32, #tpu.memory_space<hbm>> -> memref<1x64xf32, #tpu.memory_space<hbm>>
      %dma_start3A_233 = tpu.memref_squeeze %dma_start3A_232 : memref<1x64xf32, #tpu.memory_space<hbm>> -> memref<64xf32, #tpu.memory_space<hbm>>
      tpu.enqueue_dma source(%dma_start3A_233 : memref<64xf32, #tpu.memory_space<hbm>>) target(%dma_start3A_230 : memref<64xf32, #tpu.memory_space<vmem>>) target_semaphore(%arg16 : memref<!tpu.dma_semaphore, #tpu.memory_space<semaphore_mem>>)
      %slice3A_234 = vector.extract_strided_slice %get3A_73 {offsets = [9], sizes = [1], strides = [1]} : vector<16xi32> to vector<1xi32>
      %squeeze3A_235 = vector.extract %slice3A_234[0] : i32 from vector<1xi32>
      %mul3A_236 = arith.constant 2 : i32
      %mul3A_237 = arith.muli %scan3A_70, %mul3A_236 : i32
      %add3A_238 = arith.constant 1 : i32
      %add3A_239 = arith.addi %mul3A_237, %add3A_238 : i32
      %dma_start3A_240 = arith.constant 64 : i32
      %dma_start3A_241 = tpu.memref_slice %arg13[%add3A_239, %dma_start3A_240] : memref<64x512xf32, #tpu.memory_space<vmem>> -> memref<1x64xf32, #tpu.memory_space<vmem>>
      %dma_start3A_242 = tpu.memref_squeeze %dma_start3A_241 : memref<1x64xf32, #tpu.memory_space<vmem>> -> memref<64xf32, #tpu.memory_space<vmem>>
      %dma_start3A_243 = arith.constant 0 : i32
      %dma_start3A_244 = tpu.memref_slice %arg3[%squeeze3A_235, %dma_start3A_243] : memref<1000000x64xf32, #tpu.memory_space<hbm>> -> memref<1x64xf32, #tpu.memory_space<hbm>>
      %dma_start3A_245 = tpu.memref_squeeze %dma_start3A_244 : memref<1x64xf32, #tpu.memory_space<hbm>> -> memref<64xf32, #tpu.memory_space<hbm>>
      %dma_start3A_246 = arith.constant 64 : i32
      %dma_start3A_247 = tpu.memref_slice %arg13[%add3A_239, %dma_start3A_246] : memref<64x512xf32, #tpu.memory_space<vmem>> -> memref<1x64xf32, #tpu.memory_space<vmem>>
      %dma_start3A_248 = tpu.memref_squeeze %dma_start3A_247 : memref<1x64xf32, #tpu.memory_space<vmem>> -> memref<64xf32, #tpu.memory_space<vmem>>
      %dma_start3A_249 = arith.constant 0 : i32
      %dma_start3A_250 = tpu.memref_slice %arg3[%squeeze3A_235, %dma_start3A_249] : memref<1000000x64xf32, #tpu.memory_space<hbm>> -> memref<1x64xf32, #tpu.memory_space<hbm>>
      %dma_start3A_251 = tpu.memref_squeeze %dma_start3A_250 : memref<1x64xf32, #tpu.memory_space<hbm>> -> memref<64xf32, #tpu.memory_space<hbm>>
      tpu.enqueue_dma source(%dma_start3A_251 : memref<64xf32, #tpu.memory_space<hbm>>) target(%dma_start3A_248 : memref<64xf32, #tpu.memory_space<vmem>>) target_semaphore(%arg16 : memref<!tpu.dma_semaphore, #tpu.memory_space<semaphore_mem>>)
      %slice3A_252 = vector.extract_strided_slice %get3A_73 {offsets = [10], sizes = [1], strides = [1]} : vector<16xi32> to vector<1xi32>
      %squeeze3A_253 = vector.extract %slice3A_252[0] : i32 from vector<1xi32>
      %mul3A_254 = arith.constant 2 : i32
      %mul3A_255 = arith.muli %scan3A_70, %mul3A_254 : i32
      %add3A_256 = arith.constant 1 : i32
      %add3A_257 = arith.addi %mul3A_255, %add3A_256 : i32
      %dma_start3A_258 = arith.constant 128 : i32
      %dma_start3A_259 = tpu.memref_slice %arg13[%add3A_257, %dma_start3A_258] : memref<64x512xf32, #tpu.memory_space<vmem>> -> memref<1x64xf32, #tpu.memory_space<vmem>>
      %dma_start3A_260 = tpu.memref_squeeze %dma_start3A_259 : memref<1x64xf32, #tpu.memory_space<vmem>> -> memref<64xf32, #tpu.memory_space<vmem>>
      %dma_start3A_261 = arith.constant 0 : i32
      %dma_start3A_262 = tpu.memref_slice %arg3[%squeeze3A_253, %dma_start3A_261] : memref<1000000x64xf32, #tpu.memory_space<hbm>> -> memref<1x64xf32, #tpu.memory_space<hbm>>
      %dma_start3A_263 = tpu.memref_squeeze %dma_start3A_262 : memref<1x64xf32, #tpu.memory_space<hbm>> -> memref<64xf32, #tpu.memory_space<hbm>>
      %dma_start3A_264 = arith.constant 128 : i32
      %dma_start3A_265 = tpu.memref_slice %arg13[%add3A_257, %dma_start3A_264] : memref<64x512xf32, #tpu.memory_space<vmem>> -> memref<1x64xf32, #tpu.memory_space<vmem>>
      %dma_start3A_266 = tpu.memref_squeeze %dma_start3A_265 : memref<1x64xf32, #tpu.memory_space<vmem>> -> memref<64xf32, #tpu.memory_space<vmem>>
      %dma_start3A_267 = arith.constant 0 : i32
      %dma_start3A_268 = tpu.memref_slice %arg3[%squeeze3A_253, %dma_start3A_267] : memref<1000000x64xf32, #tpu.memory_space<hbm>> -> memref<1x64xf32, #tpu.memory_space<hbm>>
      %dma_start3A_269 = tpu.memref_squeeze %dma_start3A_268 : memref<1x64xf32, #tpu.memory_space<hbm>> -> memref<64xf32, #tpu.memory_space<hbm>>
      tpu.enqueue_dma source(%dma_start3A_269 : memref<64xf32, #tpu.memory_space<hbm>>) target(%dma_start3A_266 : memref<64xf32, #tpu.memory_space<vmem>>) target_semaphore(%arg16 : memref<!tpu.dma_semaphore, #tpu.memory_space<semaphore_mem>>)
      %slice3A_270 = vector.extract_strided_slice %get3A_73 {offsets = [11], sizes = [1], strides = [1]} : vector<16xi32> to vector<1xi32>
      %squeeze3A_271 = vector.extract %slice3A_270[0] : i32 from vector<1xi32>
      %mul3A_272 = arith.constant 2 : i32
      %mul3A_273 = arith.muli %scan3A_70, %mul3A_272 : i32
      %add3A_274 = arith.constant 1 : i32
      %add3A_275 = arith.addi %mul3A_273, %add3A_274 : i32
      %dma_start3A_276 = arith.constant 192 : i32
      %dma_start3A_277 = tpu.memref_slice %arg13[%add3A_275, %dma_start3A_276] : memref<64x512xf32, #tpu.memory_space<vmem>> -> memref<1x64xf32, #tpu.memory_space<vmem>>
      %dma_start3A_278 = tpu.memref_squeeze %dma_start3A_277 : memref<1x64xf32, #tpu.memory_space<vmem>> -> memref<64xf32, #tpu.memory_space<vmem>>
      %dma_start3A_279 = arith.constant 0 : i32
      %dma_start3A_280 = tpu.memref_slice %arg3[%squeeze3A_271, %dma_start3A_279] : memref<1000000x64xf32, #tpu.memory_space<hbm>> -> memref<1x64xf32, #tpu.memory_space<hbm>>
      %dma_start3A_281 = tpu.memref_squeeze %dma_start3A_280 : memref<1x64xf32, #tpu.memory_space<hbm>> -> memref<64xf32, #tpu.memory_space<hbm>>
      %dma_start3A_282 = arith.constant 192 : i32
      %dma_start3A_283 = tpu.memref_slice %arg13[%add3A_275, %dma_start3A_282] : memref<64x512xf32, #tpu.memory_space<vmem>> -> memref<1x64xf32, #tpu.memory_space<vmem>>
      %dma_start3A_284 = tpu.memref_squeeze %dma_start3A_283 : memref<1x64xf32, #tpu.memory_space<vmem>> -> memref<64xf32, #tpu.memory_space<vmem>>
      %dma_start3A_285 = arith.constant 0 : i32
      %dma_start3A_286 = tpu.memref_slice %arg3[%squeeze3A_271, %dma_start3A_285] : memref<1000000x64xf32, #tpu.memory_space<hbm>> -> memref<1x64xf32, #tpu.memory_space<hbm>>
      %dma_start3A_287 = tpu.memref_squeeze %dma_start3A_286 : memref<1x64xf32, #tpu.memory_space<hbm>> -> memref<64xf32, #tpu.memory_space<hbm>>
      tpu.enqueue_dma source(%dma_start3A_287 : memref<64xf32, #tpu.memory_space<hbm>>) target(%dma_start3A_284 : memref<64xf32, #tpu.memory_space<vmem>>) target_semaphore(%arg16 : memref<!tpu.dma_semaphore, #tpu.memory_space<semaphore_mem>>)
      %slice3A_288 = vector.extract_strided_slice %get3A_73 {offsets = [12], sizes = [1], strides = [1]} : vector<16xi32> to vector<1xi32>
      %squeeze3A_289 = vector.extract %slice3A_288[0] : i32 from vector<1xi32>
      %mul3A_290 = arith.constant 2 : i32
      %mul3A_291 = arith.muli %scan3A_70, %mul3A_290 : i32
      %add3A_292 = arith.constant 1 : i32
      %add3A_293 = arith.addi %mul3A_291, %add3A_292 : i32
      %dma_start3A_294 = arith.constant 256 : i32
      %dma_start3A_295 = tpu.memref_slice %arg13[%add3A_293, %dma_start3A_294] : memref<64x512xf32, #tpu.memory_space<vmem>> -> memref<1x64xf32, #tpu.memory_space<vmem>>
      %dma_start3A_296 = tpu.memref_squeeze %dma_start3A_295 : memref<1x64xf32, #tpu.memory_space<vmem>> -> memref<64xf32, #tpu.memory_space<vmem>>
      %dma_start3A_297 = arith.constant 0 : i32
      %dma_start3A_298 = tpu.memref_slice %arg3[%squeeze3A_289, %dma_start3A_297] : memref<1000000x64xf32, #tpu.memory_space<hbm>> -> memref<1x64xf32, #tpu.memory_space<hbm>>
      %dma_start3A_299 = tpu.memref_squeeze %dma_start3A_298 : memref<1x64xf32, #tpu.memory_space<hbm>> -> memref<64xf32, #tpu.memory_space<hbm>>
      %dma_start3A_300 = arith.constant 256 : i32
      %dma_start3A_301 = tpu.memref_slice %arg13[%add3A_293, %dma_start3A_300] : memref<64x512xf32, #tpu.memory_space<vmem>> -> memref<1x64xf32, #tpu.memory_space<vmem>>
      %dma_start3A_302 = tpu.memref_squeeze %dma_start3A_301 : memref<1x64xf32, #tpu.memory_space<vmem>> -> memref<64xf32, #tpu.memory_space<vmem>>
      %dma_start3A_303 = arith.constant 0 : i32
      %dma_start3A_304 = tpu.memref_slice %arg3[%squeeze3A_289, %dma_start3A_303] : memref<1000000x64xf32, #tpu.memory_space<hbm>> -> memref<1x64xf32, #tpu.memory_space<hbm>>
      %dma_start3A_305 = tpu.memref_squeeze %dma_start3A_304 : memref<1x64xf32, #tpu.memory_space<hbm>> -> memref<64xf32, #tpu.memory_space<hbm>>
      tpu.enqueue_dma source(%dma_start3A_305 : memref<64xf32, #tpu.memory_space<hbm>>) target(%dma_start3A_302 : memref<64xf32, #tpu.memory_space<vmem>>) target_semaphore(%arg16 : memref<!tpu.dma_semaphore, #tpu.memory_space<semaphore_mem>>)
      %slice3A_306 = vector.extract_strided_slice %get3A_73 {offsets = [13], sizes = [1], strides = [1]} : vector<16xi32> to vector<1xi32>
      %squeeze3A_307 = vector.extract %slice3A_306[0] : i32 from vector<1xi32>
      %mul3A_308 = arith.constant 2 : i32
      %mul3A_309 = arith.muli %scan3A_70, %mul3A_308 : i32
      %add3A_310 = arith.constant 1 : i32
      %add3A_311 = arith.addi %mul3A_309, %add3A_310 : i32
      %dma_start3A_312 = arith.constant 320 : i32
      %dma_start3A_313 = tpu.memref_slice %arg13[%add3A_311, %dma_start3A_312] : memref<64x512xf32, #tpu.memory_space<vmem>> -> memref<1x64xf32, #tpu.memory_space<vmem>>
      %dma_start3A_314 = tpu.memref_squeeze %dma_start3A_313 : memref<1x64xf32, #tpu.memory_space<vmem>> -> memref<64xf32, #tpu.memory_space<vmem>>
      %dma_start3A_315 = arith.constant 0 : i32
      %dma_start3A_316 = tpu.memref_slice %arg3[%squeeze3A_307, %dma_start3A_315] : memref<1000000x64xf32, #tpu.memory_space<hbm>> -> memref<1x64xf32, #tpu.memory_space<hbm>>
      %dma_start3A_317 = tpu.memref_squeeze %dma_start3A_316 : memref<1x64xf32, #tpu.memory_space<hbm>> -> memref<64xf32, #tpu.memory_space<hbm>>
      %dma_start3A_318 = arith.constant 320 : i32
      %dma_start3A_319 = tpu.memref_slice %arg13[%add3A_311, %dma_start3A_318] : memref<64x512xf32, #tpu.memory_space<vmem>> -> memref<1x64xf32, #tpu.memory_space<vmem>>
      %dma_start3A_320 = tpu.memref_squeeze %dma_start3A_319 : memref<1x64xf32, #tpu.memory_space<vmem>> -> memref<64xf32, #tpu.memory_space<vmem>>
      %dma_start3A_321 = arith.constant 0 : i32
      %dma_start3A_322 = tpu.memref_slice %arg3[%squeeze3A_307, %dma_start3A_321] : memref<1000000x64xf32, #tpu.memory_space<hbm>> -> memref<1x64xf32, #tpu.memory_space<hbm>>
      %dma_start3A_323 = tpu.memref_squeeze %dma_start3A_322 : memref<1x64xf32, #tpu.memory_space<hbm>> -> memref<64xf32, #tpu.memory_space<hbm>>
      tpu.enqueue_dma source(%dma_start3A_323 : memref<64xf32, #tpu.memory_space<hbm>>) target(%dma_start3A_320 : memref<64xf32, #tpu.memory_space<vmem>>) target_semaphore(%arg16 : memref<!tpu.dma_semaphore, #tpu.memory_space<semaphore_mem>>)
      %slice3A_324 = vector.extract_strided_slice %get3A_73 {offsets = [14], sizes = [1], strides = [1]} : vector<16xi32> to vector<1xi32>
      %squeeze3A_325 = vector.extract %slice3A_324[0] : i32 from vector<1xi32>
      %mul3A_326 = arith.constant 2 : i32
      %mul3A_327 = arith.muli %scan3A_70, %mul3A_326 : i32
      %add3A_328 = arith.constant 1 : i32
      %add3A_329 = arith.addi %mul3A_327, %add3A_328 : i32
      %dma_start3A_330 = arith.constant 384 : i32
      %dma_start3A_331 = tpu.memref_slice %arg13[%add3A_329, %dma_start3A_330] : memref<64x512xf32, #tpu.memory_space<vmem>> -> memref<1x64xf32, #tpu.memory_space<vmem>>
      %dma_start3A_332 = tpu.memref_squeeze %dma_start3A_331 : memref<1x64xf32, #tpu.memory_space<vmem>> -> memref<64xf32, #tpu.memory_space<vmem>>
      %dma_start3A_333 = arith.constant 0 : i32
      %dma_start3A_334 = tpu.memref_slice %arg3[%squeeze3A_325, %dma_start3A_333] : memref<1000000x64xf32, #tpu.memory_space<hbm>> -> memref<1x64xf32, #tpu.memory_space<hbm>>
      %dma_start3A_335 = tpu.memref_squeeze %dma_start3A_334 : memref<1x64xf32, #tpu.memory_space<hbm>> -> memref<64xf32, #tpu.memory_space<hbm>>
      %dma_start3A_336 = arith.constant 384 : i32
      %dma_start3A_337 = tpu.memref_slice %arg13[%add3A_329, %dma_start3A_336] : memref<64x512xf32, #tpu.memory_space<vmem>> -> memref<1x64xf32, #tpu.memory_space<vmem>>
      %dma_start3A_338 = tpu.memref_squeeze %dma_start3A_337 : memref<1x64xf32, #tpu.memory_space<vmem>> -> memref<64xf32, #tpu.memory_space<vmem>>
      %dma_start3A_339 = arith.constant 0 : i32
      %dma_start3A_340 = tpu.memref_slice %arg3[%squeeze3A_325, %dma_start3A_339] : memref<1000000x64xf32, #tpu.memory_space<hbm>> -> memref<1x64xf32, #tpu.memory_space<hbm>>
      %dma_start3A_341 = tpu.memref_squeeze %dma_start3A_340 : memref<1x64xf32, #tpu.memory_space<hbm>> -> memref<64xf32, #tpu.memory_space<hbm>>
      tpu.enqueue_dma source(%dma_start3A_341 : memref<64xf32, #tpu.memory_space<hbm>>) target(%dma_start3A_338 : memref<64xf32, #tpu.memory_space<vmem>>) target_semaphore(%arg16 : memref<!tpu.dma_semaphore, #tpu.memory_space<semaphore_mem>>)
      %slice3A_342 = vector.extract_strided_slice %get3A_73 {offsets = [15], sizes = [1], strides = [1]} : vector<16xi32> to vector<1xi32>
      %squeeze3A_343 = vector.extract %slice3A_342[0] : i32 from vector<1xi32>
      %mul3A_344 = arith.constant 2 : i32
      %mul3A_345 = arith.muli %scan3A_70, %mul3A_344 : i32
      %add3A_346 = arith.constant 1 : i32
      %add3A_347 = arith.addi %mul3A_345, %add3A_346 : i32
      %dma_start3A_348 = arith.constant 448 : i32
      %dma_start3A_349 = tpu.memref_slice %arg13[%add3A_347, %dma_start3A_348] : memref<64x512xf32, #tpu.memory_space<vmem>> -> memref<1x64xf32, #tpu.memory_space<vmem>>
      %dma_start3A_350 = tpu.memref_squeeze %dma_start3A_349 : memref<1x64xf32, #tpu.memory_space<vmem>> -> memref<64xf32, #tpu.memory_space<vmem>>
      %dma_start3A_351 = arith.constant 0 : i32
      %dma_start3A_352 = tpu.memref_slice %arg3[%squeeze3A_343, %dma_start3A_351] : memref<1000000x64xf32, #tpu.memory_space<hbm>> -> memref<1x64xf32, #tpu.memory_space<hbm>>
      %dma_start3A_353 = tpu.memref_squeeze %dma_start3A_352 : memref<1x64xf32, #tpu.memory_space<hbm>> -> memref<64xf32, #tpu.memory_space<hbm>>
      %dma_start3A_354 = arith.constant 448 : i32
      %dma_start3A_355 = tpu.memref_slice %arg13[%add3A_347, %dma_start3A_354] : memref<64x512xf32, #tpu.memory_space<vmem>> -> memref<1x64xf32, #tpu.memory_space<vmem>>
      %dma_start3A_356 = tpu.memref_squeeze %dma_start3A_355 : memref<1x64xf32, #tpu.memory_space<vmem>> -> memref<64xf32, #tpu.memory_space<vmem>>
      %dma_start3A_357 = arith.constant 0 : i32
      %dma_start3A_358 = tpu.memref_slice %arg3[%squeeze3A_343, %dma_start3A_357] : memref<1000000x64xf32, #tpu.memory_space<hbm>> -> memref<1x64xf32, #tpu.memory_space<hbm>>
      %dma_start3A_359 = tpu.memref_squeeze %dma_start3A_358 : memref<1x64xf32, #tpu.memory_space<hbm>> -> memref<64xf32, #tpu.memory_space<hbm>>
      tpu.enqueue_dma source(%dma_start3A_359 : memref<64xf32, #tpu.memory_space<hbm>>) target(%dma_start3A_356 : memref<64xf32, #tpu.memory_space<vmem>>) target_semaphore(%arg16 : memref<!tpu.dma_semaphore, #tpu.memory_space<semaphore_mem>>)
    }
    %scan3A_15 = arith.constant 32 : i32
    %scan3A_16 = arith.constant 0 : i32
    %scan3A_17 = arith.constant 0 : i32
    %scan3A_18 = arith.constant 32 : i32
    %scan3A_19 = arith.addi %scan3A_17, %scan3A_18 : i32
    %scan3A_20 = arith.constant 1 : i32
    scf.for %scan3A_70 = %scan3A_17 to %scan3A_19 step %scan3A_20  : i32 {
      %mul3A_71 = arith.constant 16 : i32
      %mul3A_72 = arith.muli %scan3A_70, %mul3A_71 : i32
      %get3A = arith.index_cast %mul3A_72 : i32 to index
      %get3A_73 = tpu.vector_load %arg10[%get3A] {strides = array<i32>} : memref<512xi32, #tpu.memory_space<vmem>>, vector<16xi32>,
      %slice3A = vector.extract_strided_slice %get3A_73 {offsets = [0], sizes = [1], strides = [1]} : vector<16xi32> to vector<1xi32>
      %squeeze3A = vector.extract %slice3A[0] : i32 from vector<1xi32>
      %mul3A_74 = arith.constant 2 : i32
      %mul3A_75 = arith.muli %scan3A_70, %mul3A_74 : i32
      %add3A_76 = arith.constant 0 : i32
      %add3A_77 = arith.addi %mul3A_75, %add3A_76 : i32
      %dma_start3A_78 = arith.constant 0 : i32
      %dma_start3A_79 = tpu.memref_slice %arg14[%add3A_77, %dma_start3A_78] : memref<64x512xf32, #tpu.memory_space<vmem>> -> memref<1x64xf32, #tpu.memory_space<vmem>>
      %dma_start3A_80 = tpu.memref_squeeze %dma_start3A_79 : memref<1x64xf32, #tpu.memory_space<vmem>> -> memref<64xf32, #tpu.memory_space<vmem>>
      %dma_start3A_81 = arith.constant 0 : i32
      %dma_start3A_82 = tpu.memref_slice %arg4[%squeeze3A, %dma_start3A_81] : memref<1000000x64xf32, #tpu.memory_space<hbm>> -> memref<1x64xf32, #tpu.memory_space<hbm>>
      %dma_start3A_83 = tpu.memref_squeeze %dma_start3A_82 : memref<1x64xf32, #tpu.memory_space<hbm>> -> memref<64xf32, #tpu.memory_space<hbm>>
      %dma_start3A_84 = arith.constant 0 : i32
      %dma_start3A_85 = tpu.memref_slice %arg14[%add3A_77, %dma_start3A_84] : memref<64x512xf32, #tpu.memory_space<vmem>> -> memref<1x64xf32, #tpu.memory_space<vmem>>
      %dma_start3A_86 = tpu.memref_squeeze %dma_start3A_85 : memref<1x64xf32, #tpu.memory_space<vmem>> -> memref<64xf32, #tpu.memory_space<vmem>>
      %dma_start3A_87 = arith.constant 0 : i32
      %dma_start3A_88 = tpu.memref_slice %arg4[%squeeze3A, %dma_start3A_87] : memref<1000000x64xf32, #tpu.memory_space<hbm>> -> memref<1x64xf32, #tpu.memory_space<hbm>>
      %dma_start3A_89 = tpu.memref_squeeze %dma_start3A_88 : memref<1x64xf32, #tpu.memory_space<hbm>> -> memref<64xf32, #tpu.memory_space<hbm>>
      tpu.enqueue_dma source(%dma_start3A_89 : memref<64xf32, #tpu.memory_space<hbm>>) target(%dma_start3A_86 : memref<64xf32, #tpu.memory_space<vmem>>) target_semaphore(%arg17 : memref<!tpu.dma_semaphore, #tpu.memory_space<semaphore_mem>>)
      %slice3A_90 = vector.extract_strided_slice %get3A_73 {offsets = [1], sizes = [1], strides = [1]} : vector<16xi32> to vector<1xi32>
      %squeeze3A_91 = vector.extract %slice3A_90[0] : i32 from vector<1xi32>
      %mul3A_92 = arith.constant 2 : i32
      %mul3A_93 = arith.muli %scan3A_70, %mul3A_92 : i32
      %add3A_94 = arith.constant 0 : i32
      %add3A_95 = arith.addi %mul3A_93, %add3A_94 : i32
      %dma_start3A_96 = arith.constant 64 : i32
      %dma_start3A_97 = tpu.memref_slice %arg14[%add3A_95, %dma_start3A_96] : memref<64x512xf32, #tpu.memory_space<vmem>> -> memref<1x64xf32, #tpu.memory_space<vmem>>
      %dma_start3A_98 = tpu.memref_squeeze %dma_start3A_97 : memref<1x64xf32, #tpu.memory_space<vmem>> -> memref<64xf32, #tpu.memory_space<vmem>>
      %dma_start3A_99 = arith.constant 0 : i32
      %dma_start3A_100 = tpu.memref_slice %arg4[%squeeze3A_91, %dma_start3A_99] : memref<1000000x64xf32, #tpu.memory_space<hbm>> -> memref<1x64xf32, #tpu.memory_space<hbm>>
      %dma_start3A_101 = tpu.memref_squeeze %dma_start3A_100 : memref<1x64xf32, #tpu.memory_space<hbm>> -> memref<64xf32, #tpu.memory_space<hbm>>
      %dma_start3A_102 = arith.constant 64 : i32
      %dma_start3A_103 = tpu.memref_slice %arg14[%add3A_95, %dma_start3A_102] : memref<64x512xf32, #tpu.memory_space<vmem>> -> memref<1x64xf32, #tpu.memory_space<vmem>>
      %dma_start3A_104 = tpu.memref_squeeze %dma_start3A_103 : memref<1x64xf32, #tpu.memory_space<vmem>> -> memref<64xf32, #tpu.memory_space<vmem>>
      %dma_start3A_105 = arith.constant 0 : i32
      %dma_start3A_106 = tpu.memref_slice %arg4[%squeeze3A_91, %dma_start3A_105] : memref<1000000x64xf32, #tpu.memory_space<hbm>> -> memref<1x64xf32, #tpu.memory_space<hbm>>
      %dma_start3A_107 = tpu.memref_squeeze %dma_start3A_106 : memref<1x64xf32, #tpu.memory_space<hbm>> -> memref<64xf32, #tpu.memory_space<hbm>>
      tpu.enqueue_dma source(%dma_start3A_107 : memref<64xf32, #tpu.memory_space<hbm>>) target(%dma_start3A_104 : memref<64xf32, #tpu.memory_space<vmem>>) target_semaphore(%arg17 : memref<!tpu.dma_semaphore, #tpu.memory_space<semaphore_mem>>)
      %slice3A_108 = vector.extract_strided_slice %get3A_73 {offsets = [2], sizes = [1], strides = [1]} : vector<16xi32> to vector<1xi32>
      %squeeze3A_109 = vector.extract %slice3A_108[0] : i32 from vector<1xi32>
      %mul3A_110 = arith.constant 2 : i32
      %mul3A_111 = arith.muli %scan3A_70, %mul3A_110 : i32
      %add3A_112 = arith.constant 0 : i32
      %add3A_113 = arith.addi %mul3A_111, %add3A_112 : i32
      %dma_start3A_114 = arith.constant 128 : i32
      %dma_start3A_115 = tpu.memref_slice %arg14[%add3A_113, %dma_start3A_114] : memref<64x512xf32, #tpu.memory_space<vmem>> -> memref<1x64xf32, #tpu.memory_space<vmem>>
      %dma_start3A_116 = tpu.memref_squeeze %dma_start3A_115 : memref<1x64xf32, #tpu.memory_space<vmem>> -> memref<64xf32, #tpu.memory_space<vmem>>
      %dma_start3A_117 = arith.constant 0 : i32
      %dma_start3A_118 = tpu.memref_slice %arg4[%squeeze3A_109, %dma_start3A_117] : memref<1000000x64xf32, #tpu.memory_space<hbm>> -> memref<1x64xf32, #tpu.memory_space<hbm>>
      %dma_start3A_119 = tpu.memref_squeeze %dma_start3A_118 : memref<1x64xf32, #tpu.memory_space<hbm>> -> memref<64xf32, #tpu.memory_space<hbm>>
      %dma_start3A_120 = arith.constant 128 : i32
      %dma_start3A_121 = tpu.memref_slice %arg14[%add3A_113, %dma_start3A_120] : memref<64x512xf32, #tpu.memory_space<vmem>> -> memref<1x64xf32, #tpu.memory_space<vmem>>
      %dma_start3A_122 = tpu.memref_squeeze %dma_start3A_121 : memref<1x64xf32, #tpu.memory_space<vmem>> -> memref<64xf32, #tpu.memory_space<vmem>>
      %dma_start3A_123 = arith.constant 0 : i32
      %dma_start3A_124 = tpu.memref_slice %arg4[%squeeze3A_109, %dma_start3A_123] : memref<1000000x64xf32, #tpu.memory_space<hbm>> -> memref<1x64xf32, #tpu.memory_space<hbm>>
      %dma_start3A_125 = tpu.memref_squeeze %dma_start3A_124 : memref<1x64xf32, #tpu.memory_space<hbm>> -> memref<64xf32, #tpu.memory_space<hbm>>
      tpu.enqueue_dma source(%dma_start3A_125 : memref<64xf32, #tpu.memory_space<hbm>>) target(%dma_start3A_122 : memref<64xf32, #tpu.memory_space<vmem>>) target_semaphore(%arg17 : memref<!tpu.dma_semaphore, #tpu.memory_space<semaphore_mem>>)
      %slice3A_126 = vector.extract_strided_slice %get3A_73 {offsets = [3], sizes = [1], strides = [1]} : vector<16xi32> to vector<1xi32>
      %squeeze3A_127 = vector.extract %slice3A_126[0] : i32 from vector<1xi32>
      %mul3A_128 = arith.constant 2 : i32
      %mul3A_129 = arith.muli %scan3A_70, %mul3A_128 : i32
      %add3A_130 = arith.constant 0 : i32
      %add3A_131 = arith.addi %mul3A_129, %add3A_130 : i32
      %dma_start3A_132 = arith.constant 192 : i32
      %dma_start3A_133 = tpu.memref_slice %arg14[%add3A_131, %dma_start3A_132] : memref<64x512xf32, #tpu.memory_space<vmem>> -> memref<1x64xf32, #tpu.memory_space<vmem>>
      %dma_start3A_134 = tpu.memref_squeeze %dma_start3A_133 : memref<1x64xf32, #tpu.memory_space<vmem>> -> memref<64xf32, #tpu.memory_space<vmem>>
      %dma_start3A_135 = arith.constant 0 : i32
      %dma_start3A_136 = tpu.memref_slice %arg4[%squeeze3A_127, %dma_start3A_135] : memref<1000000x64xf32, #tpu.memory_space<hbm>> -> memref<1x64xf32, #tpu.memory_space<hbm>>
      %dma_start3A_137 = tpu.memref_squeeze %dma_start3A_136 : memref<1x64xf32, #tpu.memory_space<hbm>> -> memref<64xf32, #tpu.memory_space<hbm>>
      %dma_start3A_138 = arith.constant 192 : i32
      %dma_start3A_139 = tpu.memref_slice %arg14[%add3A_131, %dma_start3A_138] : memref<64x512xf32, #tpu.memory_space<vmem>> -> memref<1x64xf32, #tpu.memory_space<vmem>>
      %dma_start3A_140 = tpu.memref_squeeze %dma_start3A_139 : memref<1x64xf32, #tpu.memory_space<vmem>> -> memref<64xf32, #tpu.memory_space<vmem>>
      %dma_start3A_141 = arith.constant 0 : i32
      %dma_start3A_142 = tpu.memref_slice %arg4[%squeeze3A_127, %dma_start3A_141] : memref<1000000x64xf32, #tpu.memory_space<hbm>> -> memref<1x64xf32, #tpu.memory_space<hbm>>
      %dma_start3A_143 = tpu.memref_squeeze %dma_start3A_142 : memref<1x64xf32, #tpu.memory_space<hbm>> -> memref<64xf32, #tpu.memory_space<hbm>>
      tpu.enqueue_dma source(%dma_start3A_143 : memref<64xf32, #tpu.memory_space<hbm>>) target(%dma_start3A_140 : memref<64xf32, #tpu.memory_space<vmem>>) target_semaphore(%arg17 : memref<!tpu.dma_semaphore, #tpu.memory_space<semaphore_mem>>)
      %slice3A_144 = vector.extract_strided_slice %get3A_73 {offsets = [4], sizes = [1], strides = [1]} : vector<16xi32> to vector<1xi32>
      %squeeze3A_145 = vector.extract %slice3A_144[0] : i32 from vector<1xi32>
      %mul3A_146 = arith.constant 2 : i32
      %mul3A_147 = arith.muli %scan3A_70, %mul3A_146 : i32
      %add3A_148 = arith.constant 0 : i32
      %add3A_149 = arith.addi %mul3A_147, %add3A_148 : i32
      %dma_start3A_150 = arith.constant 256 : i32
      %dma_start3A_151 = tpu.memref_slice %arg14[%add3A_149, %dma_start3A_150] : memref<64x512xf32, #tpu.memory_space<vmem>> -> memref<1x64xf32, #tpu.memory_space<vmem>>
      %dma_start3A_152 = tpu.memref_squeeze %dma_start3A_151 : memref<1x64xf32, #tpu.memory_space<vmem>> -> memref<64xf32, #tpu.memory_space<vmem>>
      %dma_start3A_153 = arith.constant 0 : i32
      %dma_start3A_154 = tpu.memref_slice %arg4[%squeeze3A_145, %dma_start3A_153] : memref<1000000x64xf32, #tpu.memory_space<hbm>> -> memref<1x64xf32, #tpu.memory_space<hbm>>
      %dma_start3A_155 = tpu.memref_squeeze %dma_start3A_154 : memref<1x64xf32, #tpu.memory_space<hbm>> -> memref<64xf32, #tpu.memory_space<hbm>>
      %dma_start3A_156 = arith.constant 256 : i32
      %dma_start3A_157 = tpu.memref_slice %arg14[%add3A_149, %dma_start3A_156] : memref<64x512xf32, #tpu.memory_space<vmem>> -> memref<1x64xf32, #tpu.memory_space<vmem>>
      %dma_start3A_158 = tpu.memref_squeeze %dma_start3A_157 : memref<1x64xf32, #tpu.memory_space<vmem>> -> memref<64xf32, #tpu.memory_space<vmem>>
      %dma_start3A_159 = arith.constant 0 : i32
      %dma_start3A_160 = tpu.memref_slice %arg4[%squeeze3A_145, %dma_start3A_159] : memref<1000000x64xf32, #tpu.memory_space<hbm>> -> memref<1x64xf32, #tpu.memory_space<hbm>>
      %dma_start3A_161 = tpu.memref_squeeze %dma_start3A_160 : memref<1x64xf32, #tpu.memory_space<hbm>> -> memref<64xf32, #tpu.memory_space<hbm>>
      tpu.enqueue_dma source(%dma_start3A_161 : memref<64xf32, #tpu.memory_space<hbm>>) target(%dma_start3A_158 : memref<64xf32, #tpu.memory_space<vmem>>) target_semaphore(%arg17 : memref<!tpu.dma_semaphore, #tpu.memory_space<semaphore_mem>>)
      %slice3A_162 = vector.extract_strided_slice %get3A_73 {offsets = [5], sizes = [1], strides = [1]} : vector<16xi32> to vector<1xi32>
      %squeeze3A_163 = vector.extract %slice3A_162[0] : i32 from vector<1xi32>
      %mul3A_164 = arith.constant 2 : i32
      %mul3A_165 = arith.muli %scan3A_70, %mul3A_164 : i32
      %add3A_166 = arith.constant 0 : i32
      %add3A_167 = arith.addi %mul3A_165, %add3A_166 : i32
      %dma_start3A_168 = arith.constant 320 : i32
      %dma_start3A_169 = tpu.memref_slice %arg14[%add3A_167, %dma_start3A_168] : memref<64x512xf32, #tpu.memory_space<vmem>> -> memref<1x64xf32, #tpu.memory_space<vmem>>
      %dma_start3A_170 = tpu.memref_squeeze %dma_start3A_169 : memref<1x64xf32, #tpu.memory_space<vmem>> -> memref<64xf32, #tpu.memory_space<vmem>>
      %dma_start3A_171 = arith.constant 0 : i32
      %dma_start3A_172 = tpu.memref_slice %arg4[%squeeze3A_163, %dma_start3A_171] : memref<1000000x64xf32, #tpu.memory_space<hbm>> -> memref<1x64xf32, #tpu.memory_space<hbm>>
      %dma_start3A_173 = tpu.memref_squeeze %dma_start3A_172 : memref<1x64xf32, #tpu.memory_space<hbm>> -> memref<64xf32, #tpu.memory_space<hbm>>
      %dma_start3A_174 = arith.constant 320 : i32
      %dma_start3A_175 = tpu.memref_slice %arg14[%add3A_167, %dma_start3A_174] : memref<64x512xf32, #tpu.memory_space<vmem>> -> memref<1x64xf32, #tpu.memory_space<vmem>>
      %dma_start3A_176 = tpu.memref_squeeze %dma_start3A_175 : memref<1x64xf32, #tpu.memory_space<vmem>> -> memref<64xf32, #tpu.memory_space<vmem>>
      %dma_start3A_177 = arith.constant 0 : i32
      %dma_start3A_178 = tpu.memref_slice %arg4[%squeeze3A_163, %dma_start3A_177] : memref<1000000x64xf32, #tpu.memory_space<hbm>> -> memref<1x64xf32, #tpu.memory_space<hbm>>
      %dma_start3A_179 = tpu.memref_squeeze %dma_start3A_178 : memref<1x64xf32, #tpu.memory_space<hbm>> -> memref<64xf32, #tpu.memory_space<hbm>>
      tpu.enqueue_dma source(%dma_start3A_179 : memref<64xf32, #tpu.memory_space<hbm>>) target(%dma_start3A_176 : memref<64xf32, #tpu.memory_space<vmem>>) target_semaphore(%arg17 : memref<!tpu.dma_semaphore, #tpu.memory_space<semaphore_mem>>)
      %slice3A_180 = vector.extract_strided_slice %get3A_73 {offsets = [6], sizes = [1], strides = [1]} : vector<16xi32> to vector<1xi32>
      %squeeze3A_181 = vector.extract %slice3A_180[0] : i32 from vector<1xi32>
      %mul3A_182 = arith.constant 2 : i32
      %mul3A_183 = arith.muli %scan3A_70, %mul3A_182 : i32
      %add3A_184 = arith.constant 0 : i32
      %add3A_185 = arith.addi %mul3A_183, %add3A_184 : i32
      %dma_start3A_186 = arith.constant 384 : i32
      %dma_start3A_187 = tpu.memref_slice %arg14[%add3A_185, %dma_start3A_186] : memref<64x512xf32, #tpu.memory_space<vmem>> -> memref<1x64xf32, #tpu.memory_space<vmem>>
      %dma_start3A_188 = tpu.memref_squeeze %dma_start3A_187 : memref<1x64xf32, #tpu.memory_space<vmem>> -> memref<64xf32, #tpu.memory_space<vmem>>
      %dma_start3A_189 = arith.constant 0 : i32
      %dma_start3A_190 = tpu.memref_slice %arg4[%squeeze3A_181, %dma_start3A_189] : memref<1000000x64xf32, #tpu.memory_space<hbm>> -> memref<1x64xf32, #tpu.memory_space<hbm>>
      %dma_start3A_191 = tpu.memref_squeeze %dma_start3A_190 : memref<1x64xf32, #tpu.memory_space<hbm>> -> memref<64xf32, #tpu.memory_space<hbm>>
      %dma_start3A_192 = arith.constant 384 : i32
      %dma_start3A_193 = tpu.memref_slice %arg14[%add3A_185, %dma_start3A_192] : memref<64x512xf32, #tpu.memory_space<vmem>> -> memref<1x64xf32, #tpu.memory_space<vmem>>
      %dma_start3A_194 = tpu.memref_squeeze %dma_start3A_193 : memref<1x64xf32, #tpu.memory_space<vmem>> -> memref<64xf32, #tpu.memory_space<vmem>>
      %dma_start3A_195 = arith.constant 0 : i32
      %dma_start3A_196 = tpu.memref_slice %arg4[%squeeze3A_181, %dma_start3A_195] : memref<1000000x64xf32, #tpu.memory_space<hbm>> -> memref<1x64xf32, #tpu.memory_space<hbm>>
      %dma_start3A_197 = tpu.memref_squeeze %dma_start3A_196 : memref<1x64xf32, #tpu.memory_space<hbm>> -> memref<64xf32, #tpu.memory_space<hbm>>
      tpu.enqueue_dma source(%dma_start3A_197 : memref<64xf32, #tpu.memory_space<hbm>>) target(%dma_start3A_194 : memref<64xf32, #tpu.memory_space<vmem>>) target_semaphore(%arg17 : memref<!tpu.dma_semaphore, #tpu.memory_space<semaphore_mem>>)
      %slice3A_198 = vector.extract_strided_slice %get3A_73 {offsets = [7], sizes = [1], strides = [1]} : vector<16xi32> to vector<1xi32>
      %squeeze3A_199 = vector.extract %slice3A_198[0] : i32 from vector<1xi32>
      %mul3A_200 = arith.constant 2 : i32
      %mul3A_201 = arith.muli %scan3A_70, %mul3A_200 : i32
      %add3A_202 = arith.constant 0 : i32
      %add3A_203 = arith.addi %mul3A_201, %add3A_202 : i32
      %dma_start3A_204 = arith.constant 448 : i32
      %dma_start3A_205 = tpu.memref_slice %arg14[%add3A_203, %dma_start3A_204] : memref<64x512xf32, #tpu.memory_space<vmem>> -> memref<1x64xf32, #tpu.memory_space<vmem>>
      %dma_start3A_206 = tpu.memref_squeeze %dma_start3A_205 : memref<1x64xf32, #tpu.memory_space<vmem>> -> memref<64xf32, #tpu.memory_space<vmem>>
      %dma_start3A_207 = arith.constant 0 : i32
      %dma_start3A_208 = tpu.memref_slice %arg4[%squeeze3A_199, %dma_start3A_207] : memref<1000000x64xf32, #tpu.memory_space<hbm>> -> memref<1x64xf32, #tpu.memory_space<hbm>>
      %dma_start3A_209 = tpu.memref_squeeze %dma_start3A_208 : memref<1x64xf32, #tpu.memory_space<hbm>> -> memref<64xf32, #tpu.memory_space<hbm>>
      %dma_start3A_210 = arith.constant 448 : i32
      %dma_start3A_211 = tpu.memref_slice %arg14[%add3A_203, %dma_start3A_210] : memref<64x512xf32, #tpu.memory_space<vmem>> -> memref<1x64xf32, #tpu.memory_space<vmem>>
      %dma_start3A_212 = tpu.memref_squeeze %dma_start3A_211 : memref<1x64xf32, #tpu.memory_space<vmem>> -> memref<64xf32, #tpu.memory_space<vmem>>
      %dma_start3A_213 = arith.constant 0 : i32
      %dma_start3A_214 = tpu.memref_slice %arg4[%squeeze3A_199, %dma_start3A_213] : memref<1000000x64xf32, #tpu.memory_space<hbm>> -> memref<1x64xf32, #tpu.memory_space<hbm>>
      %dma_start3A_215 = tpu.memref_squeeze %dma_start3A_214 : memref<1x64xf32, #tpu.memory_space<hbm>> -> memref<64xf32, #tpu.memory_space<hbm>>
      tpu.enqueue_dma source(%dma_start3A_215 : memref<64xf32, #tpu.memory_space<hbm>>) target(%dma_start3A_212 : memref<64xf32, #tpu.memory_space<vmem>>) target_semaphore(%arg17 : memref<!tpu.dma_semaphore, #tpu.memory_space<semaphore_mem>>)
      %slice3A_216 = vector.extract_strided_slice %get3A_73 {offsets = [8], sizes = [1], strides = [1]} : vector<16xi32> to vector<1xi32>
      %squeeze3A_217 = vector.extract %slice3A_216[0] : i32 from vector<1xi32>
      %mul3A_218 = arith.constant 2 : i32
      %mul3A_219 = arith.muli %scan3A_70, %mul3A_218 : i32
      %add3A_220 = arith.constant 1 : i32
      %add3A_221 = arith.addi %mul3A_219, %add3A_220 : i32
      %dma_start3A_222 = arith.constant 0 : i32
      %dma_start3A_223 = tpu.memref_slice %arg14[%add3A_221, %dma_start3A_222] : memref<64x512xf32, #tpu.memory_space<vmem>> -> memref<1x64xf32, #tpu.memory_space<vmem>>
      %dma_start3A_224 = tpu.memref_squeeze %dma_start3A_223 : memref<1x64xf32, #tpu.memory_space<vmem>> -> memref<64xf32, #tpu.memory_space<vmem>>
      %dma_start3A_225 = arith.constant 0 : i32
      %dma_start3A_226 = tpu.memref_slice %arg4[%squeeze3A_217, %dma_start3A_225] : memref<1000000x64xf32, #tpu.memory_space<hbm>> -> memref<1x64xf32, #tpu.memory_space<hbm>>
      %dma_start3A_227 = tpu.memref_squeeze %dma_start3A_226 : memref<1x64xf32, #tpu.memory_space<hbm>> -> memref<64xf32, #tpu.memory_space<hbm>>
      %dma_start3A_228 = arith.constant 0 : i32
      %dma_start3A_229 = tpu.memref_slice %arg14[%add3A_221, %dma_start3A_228] : memref<64x512xf32, #tpu.memory_space<vmem>> -> memref<1x64xf32, #tpu.memory_space<vmem>>
      %dma_start3A_230 = tpu.memref_squeeze %dma_start3A_229 : memref<1x64xf32, #tpu.memory_space<vmem>> -> memref<64xf32, #tpu.memory_space<vmem>>
      %dma_start3A_231 = arith.constant 0 : i32
      %dma_start3A_232 = tpu.memref_slice %arg4[%squeeze3A_217, %dma_start3A_231] : memref<1000000x64xf32, #tpu.memory_space<hbm>> -> memref<1x64xf32, #tpu.memory_space<hbm>>
      %dma_start3A_233 = tpu.memref_squeeze %dma_start3A_232 : memref<1x64xf32, #tpu.memory_space<hbm>> -> memref<64xf32, #tpu.memory_space<hbm>>
      tpu.enqueue_dma source(%dma_start3A_233 : memref<64xf32, #tpu.memory_space<hbm>>) target(%dma_start3A_230 : memref<64xf32, #tpu.memory_space<vmem>>) target_semaphore(%arg17 : memref<!tpu.dma_semaphore, #tpu.memory_space<semaphore_mem>>)
      %slice3A_234 = vector.extract_strided_slice %get3A_73 {offsets = [9], sizes = [1], strides = [1]} : vector<16xi32> to vector<1xi32>
      %squeeze3A_235 = vector.extract %slice3A_234[0] : i32 from vector<1xi32>
      %mul3A_236 = arith.constant 2 : i32
      %mul3A_237 = arith.muli %scan3A_70, %mul3A_236 : i32
      %add3A_238 = arith.constant 1 : i32
      %add3A_239 = arith.addi %mul3A_237, %add3A_238 : i32
      %dma_start3A_240 = arith.constant 64 : i32
      %dma_start3A_241 = tpu.memref_slice %arg14[%add3A_239, %dma_start3A_240] : memref<64x512xf32, #tpu.memory_space<vmem>> -> memref<1x64xf32, #tpu.memory_space<vmem>>
      %dma_start3A_242 = tpu.memref_squeeze %dma_start3A_241 : memref<1x64xf32, #tpu.memory_space<vmem>> -> memref<64xf32, #tpu.memory_space<vmem>>
      %dma_start3A_243 = arith.constant 0 : i32
      %dma_start3A_244 = tpu.memref_slice %arg4[%squeeze3A_235, %dma_start3A_243] : memref<1000000x64xf32, #tpu.memory_space<hbm>> -> memref<1x64xf32, #tpu.memory_space<hbm>>
      %dma_start3A_245 = tpu.memref_squeeze %dma_start3A_244 : memref<1x64xf32, #tpu.memory_space<hbm>> -> memref<64xf32, #tpu.memory_space<hbm>>
      %dma_start3A_246 = arith.constant 64 : i32
      %dma_start3A_247 = tpu.memref_slice %arg14[%add3A_239, %dma_start3A_246] : memref<64x512xf32, #tpu.memory_space<vmem>> -> memref<1x64xf32, #tpu.memory_space<vmem>>
      %dma_start3A_248 = tpu.memref_squeeze %dma_start3A_247 : memref<1x64xf32, #tpu.memory_space<vmem>> -> memref<64xf32, #tpu.memory_space<vmem>>
      %dma_start3A_249 = arith.constant 0 : i32
      %dma_start3A_250 = tpu.memref_slice %arg4[%squeeze3A_235, %dma_start3A_249] : memref<1000000x64xf32, #tpu.memory_space<hbm>> -> memref<1x64xf32, #tpu.memory_space<hbm>>
      %dma_start3A_251 = tpu.memref_squeeze %dma_start3A_250 : memref<1x64xf32, #tpu.memory_space<hbm>> -> memref<64xf32, #tpu.memory_space<hbm>>
      tpu.enqueue_dma source(%dma_start3A_251 : memref<64xf32, #tpu.memory_space<hbm>>) target(%dma_start3A_248 : memref<64xf32, #tpu.memory_space<vmem>>) target_semaphore(%arg17 : memref<!tpu.dma_semaphore, #tpu.memory_space<semaphore_mem>>)
      %slice3A_252 = vector.extract_strided_slice %get3A_73 {offsets = [10], sizes = [1], strides = [1]} : vector<16xi32> to vector<1xi32>
      %squeeze3A_253 = vector.extract %slice3A_252[0] : i32 from vector<1xi32>
      %mul3A_254 = arith.constant 2 : i32
      %mul3A_255 = arith.muli %scan3A_70, %mul3A_254 : i32
      %add3A_256 = arith.constant 1 : i32
      %add3A_257 = arith.addi %mul3A_255, %add3A_256 : i32
      %dma_start3A_258 = arith.constant 128 : i32
      %dma_start3A_259 = tpu.memref_slice %arg14[%add3A_257, %dma_start3A_258] : memref<64x512xf32, #tpu.memory_space<vmem>> -> memref<1x64xf32, #tpu.memory_space<vmem>>
      %dma_start3A_260 = tpu.memref_squeeze %dma_start3A_259 : memref<1x64xf32, #tpu.memory_space<vmem>> -> memref<64xf32, #tpu.memory_space<vmem>>
      %dma_start3A_261 = arith.constant 0 : i32
      %dma_start3A_262 = tpu.memref_slice %arg4[%squeeze3A_253, %dma_start3A_261] : memref<1000000x64xf32, #tpu.memory_space<hbm>> -> memref<1x64xf32, #tpu.memory_space<hbm>>
      %dma_start3A_263 = tpu.memref_squeeze %dma_start3A_262 : memref<1x64xf32, #tpu.memory_space<hbm>> -> memref<64xf32, #tpu.memory_space<hbm>>
      %dma_start3A_264 = arith.constant 128 : i32
      %dma_start3A_265 = tpu.memref_slice %arg14[%add3A_257, %dma_start3A_264] : memref<64x512xf32, #tpu.memory_space<vmem>> -> memref<1x64xf32, #tpu.memory_space<vmem>>
      %dma_start3A_266 = tpu.memref_squeeze %dma_start3A_265 : memref<1x64xf32, #tpu.memory_space<vmem>> -> memref<64xf32, #tpu.memory_space<vmem>>
      %dma_start3A_267 = arith.constant 0 : i32
      %dma_start3A_268 = tpu.memref_slice %arg4[%squeeze3A_253, %dma_start3A_267] : memref<1000000x64xf32, #tpu.memory_space<hbm>> -> memref<1x64xf32, #tpu.memory_space<hbm>>
      %dma_start3A_269 = tpu.memref_squeeze %dma_start3A_268 : memref<1x64xf32, #tpu.memory_space<hbm>> -> memref<64xf32, #tpu.memory_space<hbm>>
      tpu.enqueue_dma source(%dma_start3A_269 : memref<64xf32, #tpu.memory_space<hbm>>) target(%dma_start3A_266 : memref<64xf32, #tpu.memory_space<vmem>>) target_semaphore(%arg17 : memref<!tpu.dma_semaphore, #tpu.memory_space<semaphore_mem>>)
      %slice3A_270 = vector.extract_strided_slice %get3A_73 {offsets = [11], sizes = [1], strides = [1]} : vector<16xi32> to vector<1xi32>
      %squeeze3A_271 = vector.extract %slice3A_270[0] : i32 from vector<1xi32>
      %mul3A_272 = arith.constant 2 : i32
      %mul3A_273 = arith.muli %scan3A_70, %mul3A_272 : i32
      %add3A_274 = arith.constant 1 : i32
      %add3A_275 = arith.addi %mul3A_273, %add3A_274 : i32
      %dma_start3A_276 = arith.constant 192 : i32
      %dma_start3A_277 = tpu.memref_slice %arg14[%add3A_275, %dma_start3A_276] : memref<64x512xf32, #tpu.memory_space<vmem>> -> memref<1x64xf32, #tpu.memory_space<vmem>>
      %dma_start3A_278 = tpu.memref_squeeze %dma_start3A_277 : memref<1x64xf32, #tpu.memory_space<vmem>> -> memref<64xf32, #tpu.memory_space<vmem>>
      %dma_start3A_279 = arith.constant 0 : i32
      %dma_start3A_280 = tpu.memref_slice %arg4[%squeeze3A_271, %dma_start3A_279] : memref<1000000x64xf32, #tpu.memory_space<hbm>> -> memref<1x64xf32, #tpu.memory_space<hbm>>
      %dma_start3A_281 = tpu.memref_squeeze %dma_start3A_280 : memref<1x64xf32, #tpu.memory_space<hbm>> -> memref<64xf32, #tpu.memory_space<hbm>>
      %dma_start3A_282 = arith.constant 192 : i32
      %dma_start3A_283 = tpu.memref_slice %arg14[%add3A_275, %dma_start3A_282] : memref<64x512xf32, #tpu.memory_space<vmem>> -> memref<1x64xf32, #tpu.memory_space<vmem>>
      %dma_start3A_284 = tpu.memref_squeeze %dma_start3A_283 : memref<1x64xf32, #tpu.memory_space<vmem>> -> memref<64xf32, #tpu.memory_space<vmem>>
      %dma_start3A_285 = arith.constant 0 : i32
      %dma_start3A_286 = tpu.memref_slice %arg4[%squeeze3A_271, %dma_start3A_285] : memref<1000000x64xf32, #tpu.memory_space<hbm>> -> memref<1x64xf32, #tpu.memory_space<hbm>>
      %dma_start3A_287 = tpu.memref_squeeze %dma_start3A_286 : memref<1x64xf32, #tpu.memory_space<hbm>> -> memref<64xf32, #tpu.memory_space<hbm>>
      tpu.enqueue_dma source(%dma_start3A_287 : memref<64xf32, #tpu.memory_space<hbm>>) target(%dma_start3A_284 : memref<64xf32, #tpu.memory_space<vmem>>) target_semaphore(%arg17 : memref<!tpu.dma_semaphore, #tpu.memory_space<semaphore_mem>>)
      %slice3A_288 = vector.extract_strided_slice %get3A_73 {offsets = [12], sizes = [1], strides = [1]} : vector<16xi32> to vector<1xi32>
      %squeeze3A_289 = vector.extract %slice3A_288[0] : i32 from vector<1xi32>
      %mul3A_290 = arith.constant 2 : i32
      %mul3A_291 = arith.muli %scan3A_70, %mul3A_290 : i32
      %add3A_292 = arith.constant 1 : i32
      %add3A_293 = arith.addi %mul3A_291, %add3A_292 : i32
      %dma_start3A_294 = arith.constant 256 : i32
      %dma_start3A_295 = tpu.memref_slice %arg14[%add3A_293, %dma_start3A_294] : memref<64x512xf32, #tpu.memory_space<vmem>> -> memref<1x64xf32, #tpu.memory_space<vmem>>
      %dma_start3A_296 = tpu.memref_squeeze %dma_start3A_295 : memref<1x64xf32, #tpu.memory_space<vmem>> -> memref<64xf32, #tpu.memory_space<vmem>>
      %dma_start3A_297 = arith.constant 0 : i32
      %dma_start3A_298 = tpu.memref_slice %arg4[%squeeze3A_289, %dma_start3A_297] : memref<1000000x64xf32, #tpu.memory_space<hbm>> -> memref<1x64xf32, #tpu.memory_space<hbm>>
      %dma_start3A_299 = tpu.memref_squeeze %dma_start3A_298 : memref<1x64xf32, #tpu.memory_space<hbm>> -> memref<64xf32, #tpu.memory_space<hbm>>
      %dma_start3A_300 = arith.constant 256 : i32
      %dma_start3A_301 = tpu.memref_slice %arg14[%add3A_293, %dma_start3A_300] : memref<64x512xf32, #tpu.memory_space<vmem>> -> memref<1x64xf32, #tpu.memory_space<vmem>>
      %dma_start3A_302 = tpu.memref_squeeze %dma_start3A_301 : memref<1x64xf32, #tpu.memory_space<vmem>> -> memref<64xf32, #tpu.memory_space<vmem>>
      %dma_start3A_303 = arith.constant 0 : i32
      %dma_start3A_304 = tpu.memref_slice %arg4[%squeeze3A_289, %dma_start3A_303] : memref<1000000x64xf32, #tpu.memory_space<hbm>> -> memref<1x64xf32, #tpu.memory_space<hbm>>
      %dma_start3A_305 = tpu.memref_squeeze %dma_start3A_304 : memref<1x64xf32, #tpu.memory_space<hbm>> -> memref<64xf32, #tpu.memory_space<hbm>>
      tpu.enqueue_dma source(%dma_start3A_305 : memref<64xf32, #tpu.memory_space<hbm>>) target(%dma_start3A_302 : memref<64xf32, #tpu.memory_space<vmem>>) target_semaphore(%arg17 : memref<!tpu.dma_semaphore, #tpu.memory_space<semaphore_mem>>)
      %slice3A_306 = vector.extract_strided_slice %get3A_73 {offsets = [13], sizes = [1], strides = [1]} : vector<16xi32> to vector<1xi32>
      %squeeze3A_307 = vector.extract %slice3A_306[0] : i32 from vector<1xi32>
      %mul3A_308 = arith.constant 2 : i32
      %mul3A_309 = arith.muli %scan3A_70, %mul3A_308 : i32
      %add3A_310 = arith.constant 1 : i32
      %add3A_311 = arith.addi %mul3A_309, %add3A_310 : i32
      %dma_start3A_312 = arith.constant 320 : i32
      %dma_start3A_313 = tpu.memref_slice %arg14[%add3A_311, %dma_start3A_312] : memref<64x512xf32, #tpu.memory_space<vmem>> -> memref<1x64xf32, #tpu.memory_space<vmem>>
      %dma_start3A_314 = tpu.memref_squeeze %dma_start3A_313 : memref<1x64xf32, #tpu.memory_space<vmem>> -> memref<64xf32, #tpu.memory_space<vmem>>
      %dma_start3A_315 = arith.constant 0 : i32
      %dma_start3A_316 = tpu.memref_slice %arg4[%squeeze3A_307, %dma_start3A_315] : memref<1000000x64xf32, #tpu.memory_space<hbm>> -> memref<1x64xf32, #tpu.memory_space<hbm>>
      %dma_start3A_317 = tpu.memref_squeeze %dma_start3A_316 : memref<1x64xf32, #tpu.memory_space<hbm>> -> memref<64xf32, #tpu.memory_space<hbm>>
      %dma_start3A_318 = arith.constant 320 : i32
      %dma_start3A_319 = tpu.memref_slice %arg14[%add3A_311, %dma_start3A_318] : memref<64x512xf32, #tpu.memory_space<vmem>> -> memref<1x64xf32, #tpu.memory_space<vmem>>
      %dma_start3A_320 = tpu.memref_squeeze %dma_start3A_319 : memref<1x64xf32, #tpu.memory_space<vmem>> -> memref<64xf32, #tpu.memory_space<vmem>>
      %dma_start3A_321 = arith.constant 0 : i32
      %dma_start3A_322 = tpu.memref_slice %arg4[%squeeze3A_307, %dma_start3A_321] : memref<1000000x64xf32, #tpu.memory_space<hbm>> -> memref<1x64xf32, #tpu.memory_space<hbm>>
      %dma_start3A_323 = tpu.memref_squeeze %dma_start3A_322 : memref<1x64xf32, #tpu.memory_space<hbm>> -> memref<64xf32, #tpu.memory_space<hbm>>
      tpu.enqueue_dma source(%dma_start3A_323 : memref<64xf32, #tpu.memory_space<hbm>>) target(%dma_start3A_320 : memref<64xf32, #tpu.memory_space<vmem>>) target_semaphore(%arg17 : memref<!tpu.dma_semaphore, #tpu.memory_space<semaphore_mem>>)
      %slice3A_324 = vector.extract_strided_slice %get3A_73 {offsets = [14], sizes = [1], strides = [1]} : vector<16xi32> to vector<1xi32>
      %squeeze3A_325 = vector.extract %slice3A_324[0] : i32 from vector<1xi32>
      %mul3A_326 = arith.constant 2 : i32
      %mul3A_327 = arith.muli %scan3A_70, %mul3A_326 : i32
      %add3A_328 = arith.constant 1 : i32
      %add3A_329 = arith.addi %mul3A_327, %add3A_328 : i32
      %dma_start3A_330 = arith.constant 384 : i32
      %dma_start3A_331 = tpu.memref_slice %arg14[%add3A_329, %dma_start3A_330] : memref<64x512xf32, #tpu.memory_space<vmem>> -> memref<1x64xf32, #tpu.memory_space<vmem>>
      %dma_start3A_332 = tpu.memref_squeeze %dma_start3A_331 : memref<1x64xf32, #tpu.memory_space<vmem>> -> memref<64xf32, #tpu.memory_space<vmem>>
      %dma_start3A_333 = arith.constant 0 : i32
      %dma_start3A_334 = tpu.memref_slice %arg4[%squeeze3A_325, %dma_start3A_333] : memref<1000000x64xf32, #tpu.memory_space<hbm>> -> memref<1x64xf32, #tpu.memory_space<hbm>>
      %dma_start3A_335 = tpu.memref_squeeze %dma_start3A_334 : memref<1x64xf32, #tpu.memory_space<hbm>> -> memref<64xf32, #tpu.memory_space<hbm>>
      %dma_start3A_336 = arith.constant 384 : i32
      %dma_start3A_337 = tpu.memref_slice %arg14[%add3A_329, %dma_start3A_336] : memref<64x512xf32, #tpu.memory_space<vmem>> -> memref<1x64xf32, #tpu.memory_space<vmem>>
      %dma_start3A_338 = tpu.memref_squeeze %dma_start3A_337 : memref<1x64xf32, #tpu.memory_space<vmem>> -> memref<64xf32, #tpu.memory_space<vmem>>
      %dma_start3A_339 = arith.constant 0 : i32
      %dma_start3A_340 = tpu.memref_slice %arg4[%squeeze3A_325, %dma_start3A_339] : memref<1000000x64xf32, #tpu.memory_space<hbm>> -> memref<1x64xf32, #tpu.memory_space<hbm>>
      %dma_start3A_341 = tpu.memref_squeeze %dma_start3A_340 : memref<1x64xf32, #tpu.memory_space<hbm>> -> memref<64xf32, #tpu.memory_space<hbm>>
      tpu.enqueue_dma source(%dma_start3A_341 : memref<64xf32, #tpu.memory_space<hbm>>) target(%dma_start3A_338 : memref<64xf32, #tpu.memory_space<vmem>>) target_semaphore(%arg17 : memref<!tpu.dma_semaphore, #tpu.memory_space<semaphore_mem>>)
      %slice3A_342 = vector.extract_strided_slice %get3A_73 {offsets = [15], sizes = [1], strides = [1]} : vector<16xi32> to vector<1xi32>
      %squeeze3A_343 = vector.extract %slice3A_342[0] : i32 from vector<1xi32>
      %mul3A_344 = arith.constant 2 : i32
      %mul3A_345 = arith.muli %scan3A_70, %mul3A_344 : i32
      %add3A_346 = arith.constant 1 : i32
      %add3A_347 = arith.addi %mul3A_345, %add3A_346 : i32
      %dma_start3A_348 = arith.constant 448 : i32
      %dma_start3A_349 = tpu.memref_slice %arg14[%add3A_347, %dma_start3A_348] : memref<64x512xf32, #tpu.memory_space<vmem>> -> memref<1x64xf32, #tpu.memory_space<vmem>>
      %dma_start3A_350 = tpu.memref_squeeze %dma_start3A_349 : memref<1x64xf32, #tpu.memory_space<vmem>> -> memref<64xf32, #tpu.memory_space<vmem>>
      %dma_start3A_351 = arith.constant 0 : i32
      %dma_start3A_352 = tpu.memref_slice %arg4[%squeeze3A_343, %dma_start3A_351] : memref<1000000x64xf32, #tpu.memory_space<hbm>> -> memref<1x64xf32, #tpu.memory_space<hbm>>
      %dma_start3A_353 = tpu.memref_squeeze %dma_start3A_352 : memref<1x64xf32, #tpu.memory_space<hbm>> -> memref<64xf32, #tpu.memory_space<hbm>>
      %dma_start3A_354 = arith.constant 448 : i32
      %dma_start3A_355 = tpu.memref_slice %arg14[%add3A_347, %dma_start3A_354] : memref<64x512xf32, #tpu.memory_space<vmem>> -> memref<1x64xf32, #tpu.memory_space<vmem>>
      %dma_start3A_356 = tpu.memref_squeeze %dma_start3A_355 : memref<1x64xf32, #tpu.memory_space<vmem>> -> memref<64xf32, #tpu.memory_space<vmem>>
      %dma_start3A_357 = arith.constant 0 : i32
      %dma_start3A_358 = tpu.memref_slice %arg4[%squeeze3A_343, %dma_start3A_357] : memref<1000000x64xf32, #tpu.memory_space<hbm>> -> memref<1x64xf32, #tpu.memory_space<hbm>>
      %dma_start3A_359 = tpu.memref_squeeze %dma_start3A_358 : memref<1x64xf32, #tpu.memory_space<hbm>> -> memref<64xf32, #tpu.memory_space<hbm>>
      tpu.enqueue_dma source(%dma_start3A_359 : memref<64xf32, #tpu.memory_space<hbm>>) target(%dma_start3A_356 : memref<64xf32, #tpu.memory_space<vmem>>) target_semaphore(%arg17 : memref<!tpu.dma_semaphore, #tpu.memory_space<semaphore_mem>>)
    }
    %scan3A_21 = arith.constant 32 : i32
    %dma_wait3A = arith.constant 0 : i32
    %dma_wait3A_22 = arith.constant 0 : i32
    %dma_wait3A_23 = tpu.memref_slice %arg8[%dma_wait3A, %dma_wait3A_22] : memref<2048x512xf32, #tpu.memory_space<hbm>> -> memref<64x512xf32, #tpu.memory_space<hbm>>
    %dma_wait3A_24 = arith.constant 0 : i32
    %dma_wait3A_25 = arith.constant 0 : i32
    %dma_wait3A_26 = tpu.memref_slice %arg8[%dma_wait3A_24, %dma_wait3A_25] : memref<2048x512xf32, #tpu.memory_space<hbm>> -> memref<64x512xf32, #tpu.memory_space<hbm>>
    tpu.wait_dma2 semaphore(%arg15 : memref<!tpu.dma_semaphore, #tpu.memory_space<semaphore_mem>>) src(%dma_wait3A_26 : memref<64x512xf32, #tpu.memory_space<hbm>>) dst(%arg12 : memref<64x512xf32, #tpu.memory_space<vmem>>)
    %dma_wait3A_27 = arith.constant 0 : i32
    %dma_wait3A_28 = arith.constant 0 : i32
    %dma_wait3A_29 = tpu.memref_slice %arg8[%dma_wait3A_27, %dma_wait3A_28] : memref<2048x512xf32, #tpu.memory_space<hbm>> -> memref<64x512xf32, #tpu.memory_space<hbm>>
    %dma_wait3A_30 = arith.constant 0 : i32
    %dma_wait3A_31 = arith.constant 0 : i32
    %dma_wait3A_32 = tpu.memref_slice %arg8[%dma_wait3A_30, %dma_wait3A_31] : memref<2048x512xf32, #tpu.memory_space<hbm>> -> memref<64x512xf32, #tpu.memory_space<hbm>>
    tpu.wait_dma2 semaphore(%arg16 : memref<!tpu.dma_semaphore, #tpu.memory_space<semaphore_mem>>) src(%dma_wait3A_32 : memref<64x512xf32, #tpu.memory_space<hbm>>) dst(%arg13 : memref<64x512xf32, #tpu.memory_space<vmem>>)
    %scan3A_33 = arith.constant 0 : i32
    %scan3A_34 = arith.constant 0 : i32
    %scan3A_35 = arith.constant 64 : i32
    %scan3A_36 = arith.addi %scan3A_34, %scan3A_35 : i32
    %scan3A_37 = arith.constant 1 : i32
    scf.for %scan3A_70 = %scan3A_34 to %scan3A_36 step %scan3A_37  : i32 {
      %get3A = arith.index_cast %scan3A_70 : i32 to index
      %get3A_71 = arith.constant 0 : index
      %get3A_72 = tpu.vector_load %arg12[%get3A, %get3A_71] {strides = array<i32>} : memref<64x512xf32, #tpu.memory_space<vmem>>, vector<16xf32>,
      %get3A_73 = arith.index_cast %scan3A_70 : i32 to index
      %get3A_74 = arith.constant 0 : index
      %get3A_75 = tpu.vector_load %arg13[%get3A_73, %get3A_74] {strides = array<i32>} : memref<64x512xf32, #tpu.memory_space<vmem>>, vector<16xf32>,
      %mul3A_76 = arith.mulf %get3A_72, %get3A_75 : vector<16xf32>
      %swap3A = arith.index_cast %scan3A_70 : i32 to index
      %swap3A_77 = arith.constant 0 : index
      %swap3A_78 = tpu.vector_load %arg12[%swap3A, %swap3A_77] {strides = array<i32>} : memref<64x512xf32, #tpu.memory_space<vmem>>, vector<16xf32>,
      tpu.vector_store %arg12[%swap3A, %swap3A_77], %mul3A_76 {strides = array<i32>} : memref<64x512xf32, #tpu.memory_space<vmem>>, vector<16xf32>,
      %get3A_79 = arith.index_cast %scan3A_70 : i32 to index
      %get3A_80 = arith.constant 16 : index
      %get3A_81 = tpu.vector_load %arg12[%get3A_79, %get3A_80] {strides = array<i32>} : memref<64x512xf32, #tpu.memory_space<vmem>>, vector<16xf32>,
      %get3A_82 = arith.index_cast %scan3A_70 : i32 to index
      %get3A_83 = arith.constant 16 : index
      %get3A_84 = tpu.vector_load %arg13[%get3A_82, %get3A_83] {strides = array<i32>} : memref<64x512xf32, #tpu.memory_space<vmem>>, vector<16xf32>,
      %mul3A_85 = arith.mulf %get3A_81, %get3A_84 : vector<16xf32>
      %swap3A_86 = arith.index_cast %scan3A_70 : i32 to index
      %swap3A_87 = arith.constant 16 : index
      %swap3A_88 = tpu.vector_load %arg12[%swap3A_86, %swap3A_87] {strides = array<i32>} : memref<64x512xf32, #tpu.memory_space<vmem>>, vector<16xf32>,
      tpu.vector_store %arg12[%swap3A_86, %swap3A_87], %mul3A_85 {strides = array<i32>} : memref<64x512xf32, #tpu.memory_space<vmem>>, vector<16xf32>,
      %get3A_89 = arith.index_cast %scan3A_70 : i32 to index
      %get3A_90 = arith.constant 32 : index
      %get3A_91 = tpu.vector_load %arg12[%get3A_89, %get3A_90] {strides = array<i32>} : memref<64x512xf32, #tpu.memory_space<vmem>>, vector<16xf32>,
      %get3A_92 = arith.index_cast %scan3A_70 : i32 to index
      %get3A_93 = arith.constant 32 : index
      %get3A_94 = tpu.vector_load %arg13[%get3A_92, %get3A_93] {strides = array<i32>} : memref<64x512xf32, #tpu.memory_space<vmem>>, vector<16xf32>,
      %mul3A_95 = arith.mulf %get3A_91, %get3A_94 : vector<16xf32>
      %swap3A_96 = arith.index_cast %scan3A_70 : i32 to index
      %swap3A_97 = arith.constant 32 : index
      %swap3A_98 = tpu.vector_load %arg12[%swap3A_96, %swap3A_97] {strides = array<i32>} : memref<64x512xf32, #tpu.memory_space<vmem>>, vector<16xf32>,
      tpu.vector_store %arg12[%swap3A_96, %swap3A_97], %mul3A_95 {strides = array<i32>} : memref<64x512xf32, #tpu.memory_space<vmem>>, vector<16xf32>,
      %get3A_99 = arith.index_cast %scan3A_70 : i32 to index
      %get3A_100 = arith.constant 48 : index
      %get3A_101 = tpu.vector_load %arg12[%get3A_99, %get3A_100] {strides = array<i32>} : memref<64x512xf32, #tpu.memory_space<vmem>>, vector<16xf32>,
      %get3A_102 = arith.index_cast %scan3A_70 : i32 to index
      %get3A_103 = arith.constant 48 : index
      %get3A_104 = tpu.vector_load %arg13[%get3A_102, %get3A_103] {strides = array<i32>} : memref<64x512xf32, #tpu.memory_space<vmem>>, vector<16xf32>,
      %mul3A_105 = arith.mulf %get3A_101, %get3A_104 : vector<16xf32>
      %swap3A_106 = arith.index_cast %scan3A_70 : i32 to index
      %swap3A_107 = arith.constant 48 : index
      %swap3A_108 = tpu.vector_load %arg12[%swap3A_106, %swap3A_107] {strides = array<i32>} : memref<64x512xf32, #tpu.memory_space<vmem>>, vector<16xf32>,
      tpu.vector_store %arg12[%swap3A_106, %swap3A_107], %mul3A_105 {strides = array<i32>} : memref<64x512xf32, #tpu.memory_space<vmem>>, vector<16xf32>,
      %get3A_109 = arith.index_cast %scan3A_70 : i32 to index
      %get3A_110 = arith.constant 64 : index
      %get3A_111 = tpu.vector_load %arg12[%get3A_109, %get3A_110] {strides = array<i32>} : memref<64x512xf32, #tpu.memory_space<vmem>>, vector<16xf32>,
      %get3A_112 = arith.index_cast %scan3A_70 : i32 to index
      %get3A_113 = arith.constant 64 : index
      %get3A_114 = tpu.vector_load %arg13[%get3A_112, %get3A_113] {strides = array<i32>} : memref<64x512xf32, #tpu.memory_space<vmem>>, vector<16xf32>,
      %mul3A_115 = arith.mulf %get3A_111, %get3A_114 : vector<16xf32>
      %swap3A_116 = arith.index_cast %scan3A_70 : i32 to index
      %swap3A_117 = arith.constant 64 : index
      %swap3A_118 = tpu.vector_load %arg12[%swap3A_116, %swap3A_117] {strides = array<i32>} : memref<64x512xf32, #tpu.memory_space<vmem>>, vector<16xf32>,
      tpu.vector_store %arg12[%swap3A_116, %swap3A_117], %mul3A_115 {strides = array<i32>} : memref<64x512xf32, #tpu.memory_space<vmem>>, vector<16xf32>,
      %get3A_119 = arith.index_cast %scan3A_70 : i32 to index
      %get3A_120 = arith.constant 80 : index
      %get3A_121 = tpu.vector_load %arg12[%get3A_119, %get3A_120] {strides = array<i32>} : memref<64x512xf32, #tpu.memory_space<vmem>>, vector<16xf32>,
      %get3A_122 = arith.index_cast %scan3A_70 : i32 to index
      %get3A_123 = arith.constant 80 : index
      %get3A_124 = tpu.vector_load %arg13[%get3A_122, %get3A_123] {strides = array<i32>} : memref<64x512xf32, #tpu.memory_space<vmem>>, vector<16xf32>,
      %mul3A_125 = arith.mulf %get3A_121, %get3A_124 : vector<16xf32>
      %swap3A_126 = arith.index_cast %scan3A_70 : i32 to index
      %swap3A_127 = arith.constant 80 : index
      %swap3A_128 = tpu.vector_load %arg12[%swap3A_126, %swap3A_127] {strides = array<i32>} : memref<64x512xf32, #tpu.memory_space<vmem>>, vector<16xf32>,
      tpu.vector_store %arg12[%swap3A_126, %swap3A_127], %mul3A_125 {strides = array<i32>} : memref<64x512xf32, #tpu.memory_space<vmem>>, vector<16xf32>,
      %get3A_129 = arith.index_cast %scan3A_70 : i32 to index
      %get3A_130 = arith.constant 96 : index
      %get3A_131 = tpu.vector_load %arg12[%get3A_129, %get3A_130] {strides = array<i32>} : memref<64x512xf32, #tpu.memory_space<vmem>>, vector<16xf32>,
      %get3A_132 = arith.index_cast %scan3A_70 : i32 to index
      %get3A_133 = arith.constant 96 : index
      %get3A_134 = tpu.vector_load %arg13[%get3A_132, %get3A_133] {strides = array<i32>} : memref<64x512xf32, #tpu.memory_space<vmem>>, vector<16xf32>,
      %mul3A_135 = arith.mulf %get3A_131, %get3A_134 : vector<16xf32>
      %swap3A_136 = arith.index_cast %scan3A_70 : i32 to index
      %swap3A_137 = arith.constant 96 : index
      %swap3A_138 = tpu.vector_load %arg12[%swap3A_136, %swap3A_137] {strides = array<i32>} : memref<64x512xf32, #tpu.memory_space<vmem>>, vector<16xf32>,
      tpu.vector_store %arg12[%swap3A_136, %swap3A_137], %mul3A_135 {strides = array<i32>} : memref<64x512xf32, #tpu.memory_space<vmem>>, vector<16xf32>,
      %get3A_139 = arith.index_cast %scan3A_70 : i32 to index
      %get3A_140 = arith.constant 112 : index
      %get3A_141 = tpu.vector_load %arg12[%get3A_139, %get3A_140] {strides = array<i32>} : memref<64x512xf32, #tpu.memory_space<vmem>>, vector<16xf32>,
      %get3A_142 = arith.index_cast %scan3A_70 : i32 to index
      %get3A_143 = arith.constant 112 : index
      %get3A_144 = tpu.vector_load %arg13[%get3A_142, %get3A_143] {strides = array<i32>} : memref<64x512xf32, #tpu.memory_space<vmem>>, vector<16xf32>,
      %mul3A_145 = arith.mulf %get3A_141, %get3A_144 : vector<16xf32>
      %swap3A_146 = arith.index_cast %scan3A_70 : i32 to index
      %swap3A_147 = arith.constant 112 : index
      %swap3A_148 = tpu.vector_load %arg12[%swap3A_146, %swap3A_147] {strides = array<i32>} : memref<64x512xf32, #tpu.memory_space<vmem>>, vector<16xf32>,
      tpu.vector_store %arg12[%swap3A_146, %swap3A_147], %mul3A_145 {strides = array<i32>} : memref<64x512xf32, #tpu.memory_space<vmem>>, vector<16xf32>,
      %get3A_149 = arith.index_cast %scan3A_70 : i32 to index
      %get3A_150 = arith.constant 128 : index
      %get3A_151 = tpu.vector_load %arg12[%get3A_149, %get3A_150] {strides = array<i32>} : memref<64x512xf32, #tpu.memory_space<vmem>>, vector<16xf32>,
      %get3A_152 = arith.index_cast %scan3A_70 : i32 to index
      %get3A_153 = arith.constant 128 : index
      %get3A_154 = tpu.vector_load %arg13[%get3A_152, %get3A_153] {strides = array<i32>} : memref<64x512xf32, #tpu.memory_space<vmem>>, vector<16xf32>,
      %mul3A_155 = arith.mulf %get3A_151, %get3A_154 : vector<16xf32>
      %swap3A_156 = arith.index_cast %scan3A_70 : i32 to index
      %swap3A_157 = arith.constant 128 : index
      %swap3A_158 = tpu.vector_load %arg12[%swap3A_156, %swap3A_157] {strides = array<i32>} : memref<64x512xf32, #tpu.memory_space<vmem>>, vector<16xf32>,
      tpu.vector_store %arg12[%swap3A_156, %swap3A_157], %mul3A_155 {strides = array<i32>} : memref<64x512xf32, #tpu.memory_space<vmem>>, vector<16xf32>,
      %get3A_159 = arith.index_cast %scan3A_70 : i32 to index
      %get3A_160 = arith.constant 144 : index
      %get3A_161 = tpu.vector_load %arg12[%get3A_159, %get3A_160] {strides = array<i32>} : memref<64x512xf32, #tpu.memory_space<vmem>>, vector<16xf32>,
      %get3A_162 = arith.index_cast %scan3A_70 : i32 to index
      %get3A_163 = arith.constant 144 : index
      %get3A_164 = tpu.vector_load %arg13[%get3A_162, %get3A_163] {strides = array<i32>} : memref<64x512xf32, #tpu.memory_space<vmem>>, vector<16xf32>,
      %mul3A_165 = arith.mulf %get3A_161, %get3A_164 : vector<16xf32>
      %swap3A_166 = arith.index_cast %scan3A_70 : i32 to index
      %swap3A_167 = arith.constant 144 : index
      %swap3A_168 = tpu.vector_load %arg12[%swap3A_166, %swap3A_167] {strides = array<i32>} : memref<64x512xf32, #tpu.memory_space<vmem>>, vector<16xf32>,
      tpu.vector_store %arg12[%swap3A_166, %swap3A_167], %mul3A_165 {strides = array<i32>} : memref<64x512xf32, #tpu.memory_space<vmem>>, vector<16xf32>,
      %get3A_169 = arith.index_cast %scan3A_70 : i32 to index
      %get3A_170 = arith.constant 160 : index
      %get3A_171 = tpu.vector_load %arg12[%get3A_169, %get3A_170] {strides = array<i32>} : memref<64x512xf32, #tpu.memory_space<vmem>>, vector<16xf32>,
      %get3A_172 = arith.index_cast %scan3A_70 : i32 to index
      %get3A_173 = arith.constant 160 : index
      %get3A_174 = tpu.vector_load %arg13[%get3A_172, %get3A_173] {strides = array<i32>} : memref<64x512xf32, #tpu.memory_space<vmem>>, vector<16xf32>,
      %mul3A_175 = arith.mulf %get3A_171, %get3A_174 : vector<16xf32>
      %swap3A_176 = arith.index_cast %scan3A_70 : i32 to index
      %swap3A_177 = arith.constant 160 : index
      %swap3A_178 = tpu.vector_load %arg12[%swap3A_176, %swap3A_177] {strides = array<i32>} : memref<64x512xf32, #tpu.memory_space<vmem>>, vector<16xf32>,
      tpu.vector_store %arg12[%swap3A_176, %swap3A_177], %mul3A_175 {strides = array<i32>} : memref<64x512xf32, #tpu.memory_space<vmem>>, vector<16xf32>,
      %get3A_179 = arith.index_cast %scan3A_70 : i32 to index
      %get3A_180 = arith.constant 176 : index
      %get3A_181 = tpu.vector_load %arg12[%get3A_179, %get3A_180] {strides = array<i32>} : memref<64x512xf32, #tpu.memory_space<vmem>>, vector<16xf32>,
      %get3A_182 = arith.index_cast %scan3A_70 : i32 to index
      %get3A_183 = arith.constant 176 : index
      %get3A_184 = tpu.vector_load %arg13[%get3A_182, %get3A_183] {strides = array<i32>} : memref<64x512xf32, #tpu.memory_space<vmem>>, vector<16xf32>,
      %mul3A_185 = arith.mulf %get3A_181, %get3A_184 : vector<16xf32>
      %swap3A_186 = arith.index_cast %scan3A_70 : i32 to index
      %swap3A_187 = arith.constant 176 : index
      %swap3A_188 = tpu.vector_load %arg12[%swap3A_186, %swap3A_187] {strides = array<i32>} : memref<64x512xf32, #tpu.memory_space<vmem>>, vector<16xf32>,
      tpu.vector_store %arg12[%swap3A_186, %swap3A_187], %mul3A_185 {strides = array<i32>} : memref<64x512xf32, #tpu.memory_space<vmem>>, vector<16xf32>,
      %get3A_189 = arith.index_cast %scan3A_70 : i32 to index
      %get3A_190 = arith.constant 192 : index
      %get3A_191 = tpu.vector_load %arg12[%get3A_189, %get3A_190] {strides = array<i32>} : memref<64x512xf32, #tpu.memory_space<vmem>>, vector<16xf32>,
      %get3A_192 = arith.index_cast %scan3A_70 : i32 to index
      %get3A_193 = arith.constant 192 : index
      %get3A_194 = tpu.vector_load %arg13[%get3A_192, %get3A_193] {strides = array<i32>} : memref<64x512xf32, #tpu.memory_space<vmem>>, vector<16xf32>,
      %mul3A_195 = arith.mulf %get3A_191, %get3A_194 : vector<16xf32>
      %swap3A_196 = arith.index_cast %scan3A_70 : i32 to index
      %swap3A_197 = arith.constant 192 : index
      %swap3A_198 = tpu.vector_load %arg12[%swap3A_196, %swap3A_197] {strides = array<i32>} : memref<64x512xf32, #tpu.memory_space<vmem>>, vector<16xf32>,
      tpu.vector_store %arg12[%swap3A_196, %swap3A_197], %mul3A_195 {strides = array<i32>} : memref<64x512xf32, #tpu.memory_space<vmem>>, vector<16xf32>,
      %get3A_199 = arith.index_cast %scan3A_70 : i32 to index
      %get3A_200 = arith.constant 208 : index
      %get3A_201 = tpu.vector_load %arg12[%get3A_199, %get3A_200] {strides = array<i32>} : memref<64x512xf32, #tpu.memory_space<vmem>>, vector<16xf32>,
      %get3A_202 = arith.index_cast %scan3A_70 : i32 to index
      %get3A_203 = arith.constant 208 : index
      %get3A_204 = tpu.vector_load %arg13[%get3A_202, %get3A_203] {strides = array<i32>} : memref<64x512xf32, #tpu.memory_space<vmem>>, vector<16xf32>,
      %mul3A_205 = arith.mulf %get3A_201, %get3A_204 : vector<16xf32>
      %swap3A_206 = arith.index_cast %scan3A_70 : i32 to index
      %swap3A_207 = arith.constant 208 : index
      %swap3A_208 = tpu.vector_load %arg12[%swap3A_206, %swap3A_207] {strides = array<i32>} : memref<64x512xf32, #tpu.memory_space<vmem>>, vector<16xf32>,
      tpu.vector_store %arg12[%swap3A_206, %swap3A_207], %mul3A_205 {strides = array<i32>} : memref<64x512xf32, #tpu.memory_space<vmem>>, vector<16xf32>,
      %get3A_209 = arith.index_cast %scan3A_70 : i32 to index
      %get3A_210 = arith.constant 224 : index
      %get3A_211 = tpu.vector_load %arg12[%get3A_209, %get3A_210] {strides = array<i32>} : memref<64x512xf32, #tpu.memory_space<vmem>>, vector<16xf32>,
      %get3A_212 = arith.index_cast %scan3A_70 : i32 to index
      %get3A_213 = arith.constant 224 : index
      %get3A_214 = tpu.vector_load %arg13[%get3A_212, %get3A_213] {strides = array<i32>} : memref<64x512xf32, #tpu.memory_space<vmem>>, vector<16xf32>,
      %mul3A_215 = arith.mulf %get3A_211, %get3A_214 : vector<16xf32>
      %swap3A_216 = arith.index_cast %scan3A_70 : i32 to index
      %swap3A_217 = arith.constant 224 : index
      %swap3A_218 = tpu.vector_load %arg12[%swap3A_216, %swap3A_217] {strides = array<i32>} : memref<64x512xf32, #tpu.memory_space<vmem>>, vector<16xf32>,
      tpu.vector_store %arg12[%swap3A_216, %swap3A_217], %mul3A_215 {strides = array<i32>} : memref<64x512xf32, #tpu.memory_space<vmem>>, vector<16xf32>,
      %get3A_219 = arith.index_cast %scan3A_70 : i32 to index
      %get3A_220 = arith.constant 240 : index
      %get3A_221 = tpu.vector_load %arg12[%get3A_219, %get3A_220] {strides = array<i32>} : memref<64x512xf32, #tpu.memory_space<vmem>>, vector<16xf32>,
      %get3A_222 = arith.index_cast %scan3A_70 : i32 to index
      %get3A_223 = arith.constant 240 : index
      %get3A_224 = tpu.vector_load %arg13[%get3A_222, %get3A_223] {strides = array<i32>} : memref<64x512xf32, #tpu.memory_space<vmem>>, vector<16xf32>,
      %mul3A_225 = arith.mulf %get3A_221, %get3A_224 : vector<16xf32>
      %swap3A_226 = arith.index_cast %scan3A_70 : i32 to index
      %swap3A_227 = arith.constant 240 : index
      %swap3A_228 = tpu.vector_load %arg12[%swap3A_226, %swap3A_227] {strides = array<i32>} : memref<64x512xf32, #tpu.memory_space<vmem>>, vector<16xf32>,
      tpu.vector_store %arg12[%swap3A_226, %swap3A_227], %mul3A_225 {strides = array<i32>} : memref<64x512xf32, #tpu.memory_space<vmem>>, vector<16xf32>,
      %get3A_229 = arith.index_cast %scan3A_70 : i32 to index
      %get3A_230 = arith.constant 256 : index
      %get3A_231 = tpu.vector_load %arg12[%get3A_229, %get3A_230] {strides = array<i32>} : memref<64x512xf32, #tpu.memory_space<vmem>>, vector<16xf32>,
      %get3A_232 = arith.index_cast %scan3A_70 : i32 to index
      %get3A_233 = arith.constant 256 : index
      %get3A_234 = tpu.vector_load %arg13[%get3A_232, %get3A_233] {strides = array<i32>} : memref<64x512xf32, #tpu.memory_space<vmem>>, vector<16xf32>,
      %mul3A_235 = arith.mulf %get3A_231, %get3A_234 : vector<16xf32>
      %swap3A_236 = arith.index_cast %scan3A_70 : i32 to index
      %swap3A_237 = arith.constant 256 : index
      %swap3A_238 = tpu.vector_load %arg12[%swap3A_236, %swap3A_237] {strides = array<i32>} : memref<64x512xf32, #tpu.memory_space<vmem>>, vector<16xf32>,
      tpu.vector_store %arg12[%swap3A_236, %swap3A_237], %mul3A_235 {strides = array<i32>} : memref<64x512xf32, #tpu.memory_space<vmem>>, vector<16xf32>,
      %get3A_239 = arith.index_cast %scan3A_70 : i32 to index
      %get3A_240 = arith.constant 272 : index
      %get3A_241 = tpu.vector_load %arg12[%get3A_239, %get3A_240] {strides = array<i32>} : memref<64x512xf32, #tpu.memory_space<vmem>>, vector<16xf32>,
      %get3A_242 = arith.index_cast %scan3A_70 : i32 to index
      %get3A_243 = arith.constant 272 : index
      %get3A_244 = tpu.vector_load %arg13[%get3A_242, %get3A_243] {strides = array<i32>} : memref<64x512xf32, #tpu.memory_space<vmem>>, vector<16xf32>,
      %mul3A_245 = arith.mulf %get3A_241, %get3A_244 : vector<16xf32>
      %swap3A_246 = arith.index_cast %scan3A_70 : i32 to index
      %swap3A_247 = arith.constant 272 : index
      %swap3A_248 = tpu.vector_load %arg12[%swap3A_246, %swap3A_247] {strides = array<i32>} : memref<64x512xf32, #tpu.memory_space<vmem>>, vector<16xf32>,
      tpu.vector_store %arg12[%swap3A_246, %swap3A_247], %mul3A_245 {strides = array<i32>} : memref<64x512xf32, #tpu.memory_space<vmem>>, vector<16xf32>,
      %get3A_249 = arith.index_cast %scan3A_70 : i32 to index
      %get3A_250 = arith.constant 288 : index
      %get3A_251 = tpu.vector_load %arg12[%get3A_249, %get3A_250] {strides = array<i32>} : memref<64x512xf32, #tpu.memory_space<vmem>>, vector<16xf32>,
      %get3A_252 = arith.index_cast %scan3A_70 : i32 to index
      %get3A_253 = arith.constant 288 : index
      %get3A_254 = tpu.vector_load %arg13[%get3A_252, %get3A_253] {strides = array<i32>} : memref<64x512xf32, #tpu.memory_space<vmem>>, vector<16xf32>,
      %mul3A_255 = arith.mulf %get3A_251, %get3A_254 : vector<16xf32>
      %swap3A_256 = arith.index_cast %scan3A_70 : i32 to index
      %swap3A_257 = arith.constant 288 : index
      %swap3A_258 = tpu.vector_load %arg12[%swap3A_256, %swap3A_257] {strides = array<i32>} : memref<64x512xf32, #tpu.memory_space<vmem>>, vector<16xf32>,
      tpu.vector_store %arg12[%swap3A_256, %swap3A_257], %mul3A_255 {strides = array<i32>} : memref<64x512xf32, #tpu.memory_space<vmem>>, vector<16xf32>,
      %get3A_259 = arith.index_cast %scan3A_70 : i32 to index
      %get3A_260 = arith.constant 304 : index
      %get3A_261 = tpu.vector_load %arg12[%get3A_259, %get3A_260] {strides = array<i32>} : memref<64x512xf32, #tpu.memory_space<vmem>>, vector<16xf32>,
      %get3A_262 = arith.index_cast %scan3A_70 : i32 to index
      %get3A_263 = arith.constant 304 : index
      %get3A_264 = tpu.vector_load %arg13[%get3A_262, %get3A_263] {strides = array<i32>} : memref<64x512xf32, #tpu.memory_space<vmem>>, vector<16xf32>,
      %mul3A_265 = arith.mulf %get3A_261, %get3A_264 : vector<16xf32>
      %swap3A_266 = arith.index_cast %scan3A_70 : i32 to index
      %swap3A_267 = arith.constant 304 : index
      %swap3A_268 = tpu.vector_load %arg12[%swap3A_266, %swap3A_267] {strides = array<i32>} : memref<64x512xf32, #tpu.memory_space<vmem>>, vector<16xf32>,
      tpu.vector_store %arg12[%swap3A_266, %swap3A_267], %mul3A_265 {strides = array<i32>} : memref<64x512xf32, #tpu.memory_space<vmem>>, vector<16xf32>,
      %get3A_269 = arith.index_cast %scan3A_70 : i32 to index
      %get3A_270 = arith.constant 320 : index
      %get3A_271 = tpu.vector_load %arg12[%get3A_269, %get3A_270] {strides = array<i32>} : memref<64x512xf32, #tpu.memory_space<vmem>>, vector<16xf32>,
      %get3A_272 = arith.index_cast %scan3A_70 : i32 to index
      %get3A_273 = arith.constant 320 : index
      %get3A_274 = tpu.vector_load %arg13[%get3A_272, %get3A_273] {strides = array<i32>} : memref<64x512xf32, #tpu.memory_space<vmem>>, vector<16xf32>,
      %mul3A_275 = arith.mulf %get3A_271, %get3A_274 : vector<16xf32>
      %swap3A_276 = arith.index_cast %scan3A_70 : i32 to index
      %swap3A_277 = arith.constant 320 : index
      %swap3A_278 = tpu.vector_load %arg12[%swap3A_276, %swap3A_277] {strides = array<i32>} : memref<64x512xf32, #tpu.memory_space<vmem>>, vector<16xf32>,
      tpu.vector_store %arg12[%swap3A_276, %swap3A_277], %mul3A_275 {strides = array<i32>} : memref<64x512xf32, #tpu.memory_space<vmem>>, vector<16xf32>,
      %get3A_279 = arith.index_cast %scan3A_70 : i32 to index
      %get3A_280 = arith.constant 336 : index
      %get3A_281 = tpu.vector_load %arg12[%get3A_279, %get3A_280] {strides = array<i32>} : memref<64x512xf32, #tpu.memory_space<vmem>>, vector<16xf32>,
      %get3A_282 = arith.index_cast %scan3A_70 : i32 to index
      %get3A_283 = arith.constant 336 : index
      %get3A_284 = tpu.vector_load %arg13[%get3A_282, %get3A_283] {strides = array<i32>} : memref<64x512xf32, #tpu.memory_space<vmem>>, vector<16xf32>,
      %mul3A_285 = arith.mulf %get3A_281, %get3A_284 : vector<16xf32>
      %swap3A_286 = arith.index_cast %scan3A_70 : i32 to index
      %swap3A_287 = arith.constant 336 : index
      %swap3A_288 = tpu.vector_load %arg12[%swap3A_286, %swap3A_287] {strides = array<i32>} : memref<64x512xf32, #tpu.memory_space<vmem>>, vector<16xf32>,
      tpu.vector_store %arg12[%swap3A_286, %swap3A_287], %mul3A_285 {strides = array<i32>} : memref<64x512xf32, #tpu.memory_space<vmem>>, vector<16xf32>,
      %get3A_289 = arith.index_cast %scan3A_70 : i32 to index
      %get3A_290 = arith.constant 352 : index
      %get3A_291 = tpu.vector_load %arg12[%get3A_289, %get3A_290] {strides = array<i32>} : memref<64x512xf32, #tpu.memory_space<vmem>>, vector<16xf32>,
      %get3A_292 = arith.index_cast %scan3A_70 : i32 to index
      %get3A_293 = arith.constant 352 : index
      %get3A_294 = tpu.vector_load %arg13[%get3A_292, %get3A_293] {strides = array<i32>} : memref<64x512xf32, #tpu.memory_space<vmem>>, vector<16xf32>,
      %mul3A_295 = arith.mulf %get3A_291, %get3A_294 : vector<16xf32>
      %swap3A_296 = arith.index_cast %scan3A_70 : i32 to index
      %swap3A_297 = arith.constant 352 : index
      %swap3A_298 = tpu.vector_load %arg12[%swap3A_296, %swap3A_297] {strides = array<i32>} : memref<64x512xf32, #tpu.memory_space<vmem>>, vector<16xf32>,
      tpu.vector_store %arg12[%swap3A_296, %swap3A_297], %mul3A_295 {strides = array<i32>} : memref<64x512xf32, #tpu.memory_space<vmem>>, vector<16xf32>,
      %get3A_299 = arith.index_cast %scan3A_70 : i32 to index
      %get3A_300 = arith.constant 368 : index
      %get3A_301 = tpu.vector_load %arg12[%get3A_299, %get3A_300] {strides = array<i32>} : memref<64x512xf32, #tpu.memory_space<vmem>>, vector<16xf32>,
      %get3A_302 = arith.index_cast %scan3A_70 : i32 to index
      %get3A_303 = arith.constant 368 : index
      %get3A_304 = tpu.vector_load %arg13[%get3A_302, %get3A_303] {strides = array<i32>} : memref<64x512xf32, #tpu.memory_space<vmem>>, vector<16xf32>,
      %mul3A_305 = arith.mulf %get3A_301, %get3A_304 : vector<16xf32>
      %swap3A_306 = arith.index_cast %scan3A_70 : i32 to index
      %swap3A_307 = arith.constant 368 : index
      %swap3A_308 = tpu.vector_load %arg12[%swap3A_306, %swap3A_307] {strides = array<i32>} : memref<64x512xf32, #tpu.memory_space<vmem>>, vector<16xf32>,
      tpu.vector_store %arg12[%swap3A_306, %swap3A_307], %mul3A_305 {strides = array<i32>} : memref<64x512xf32, #tpu.memory_space<vmem>>, vector<16xf32>,
      %get3A_309 = arith.index_cast %scan3A_70 : i32 to index
      %get3A_310 = arith.constant 384 : index
      %get3A_311 = tpu.vector_load %arg12[%get3A_309, %get3A_310] {strides = array<i32>} : memref<64x512xf32, #tpu.memory_space<vmem>>, vector<16xf32>,
      %get3A_312 = arith.index_cast %scan3A_70 : i32 to index
      %get3A_313 = arith.constant 384 : index
      %get3A_314 = tpu.vector_load %arg13[%get3A_312, %get3A_313] {strides = array<i32>} : memref<64x512xf32, #tpu.memory_space<vmem>>, vector<16xf32>,
      %mul3A_315 = arith.mulf %get3A_311, %get3A_314 : vector<16xf32>
      %swap3A_316 = arith.index_cast %scan3A_70 : i32 to index
      %swap3A_317 = arith.constant 384 : index
      %swap3A_318 = tpu.vector_load %arg12[%swap3A_316, %swap3A_317] {strides = array<i32>} : memref<64x512xf32, #tpu.memory_space<vmem>>, vector<16xf32>,
      tpu.vector_store %arg12[%swap3A_316, %swap3A_317], %mul3A_315 {strides = array<i32>} : memref<64x512xf32, #tpu.memory_space<vmem>>, vector<16xf32>,
      %get3A_319 = arith.index_cast %scan3A_70 : i32 to index
      %get3A_320 = arith.constant 400 : index
      %get3A_321 = tpu.vector_load %arg12[%get3A_319, %get3A_320] {strides = array<i32>} : memref<64x512xf32, #tpu.memory_space<vmem>>, vector<16xf32>,
      %get3A_322 = arith.index_cast %scan3A_70 : i32 to index
      %get3A_323 = arith.constant 400 : index
      %get3A_324 = tpu.vector_load %arg13[%get3A_322, %get3A_323] {strides = array<i32>} : memref<64x512xf32, #tpu.memory_space<vmem>>, vector<16xf32>,
      %mul3A_325 = arith.mulf %get3A_321, %get3A_324 : vector<16xf32>
      %swap3A_326 = arith.index_cast %scan3A_70 : i32 to index
      %swap3A_327 = arith.constant 400 : index
      %swap3A_328 = tpu.vector_load %arg12[%swap3A_326, %swap3A_327] {strides = array<i32>} : memref<64x512xf32, #tpu.memory_space<vmem>>, vector<16xf32>,
      tpu.vector_store %arg12[%swap3A_326, %swap3A_327], %mul3A_325 {strides = array<i32>} : memref<64x512xf32, #tpu.memory_space<vmem>>, vector<16xf32>,
      %get3A_329 = arith.index_cast %scan3A_70 : i32 to index
      %get3A_330 = arith.constant 416 : index
      %get3A_331 = tpu.vector_load %arg12[%get3A_329, %get3A_330] {strides = array<i32>} : memref<64x512xf32, #tpu.memory_space<vmem>>, vector<16xf32>,
      %get3A_332 = arith.index_cast %scan3A_70 : i32 to index
      %get3A_333 = arith.constant 416 : index
      %get3A_334 = tpu.vector_load %arg13[%get3A_332, %get3A_333] {strides = array<i32>} : memref<64x512xf32, #tpu.memory_space<vmem>>, vector<16xf32>,
      %mul3A_335 = arith.mulf %get3A_331, %get3A_334 : vector<16xf32>
      %swap3A_336 = arith.index_cast %scan3A_70 : i32 to index
      %swap3A_337 = arith.constant 416 : index
      %swap3A_338 = tpu.vector_load %arg12[%swap3A_336, %swap3A_337] {strides = array<i32>} : memref<64x512xf32, #tpu.memory_space<vmem>>, vector<16xf32>,
      tpu.vector_store %arg12[%swap3A_336, %swap3A_337], %mul3A_335 {strides = array<i32>} : memref<64x512xf32, #tpu.memory_space<vmem>>, vector<16xf32>,
      %get3A_339 = arith.index_cast %scan3A_70 : i32 to index
      %get3A_340 = arith.constant 432 : index
      %get3A_341 = tpu.vector_load %arg12[%get3A_339, %get3A_340] {strides = array<i32>} : memref<64x512xf32, #tpu.memory_space<vmem>>, vector<16xf32>,
      %get3A_342 = arith.index_cast %scan3A_70 : i32 to index
      %get3A_343 = arith.constant 432 : index
      %get3A_344 = tpu.vector_load %arg13[%get3A_342, %get3A_343] {strides = array<i32>} : memref<64x512xf32, #tpu.memory_space<vmem>>, vector<16xf32>,
      %mul3A_345 = arith.mulf %get3A_341, %get3A_344 : vector<16xf32>
      %swap3A_346 = arith.index_cast %scan3A_70 : i32 to index
      %swap3A_347 = arith.constant 432 : index
      %swap3A_348 = tpu.vector_load %arg12[%swap3A_346, %swap3A_347] {strides = array<i32>} : memref<64x512xf32, #tpu.memory_space<vmem>>, vector<16xf32>,
      tpu.vector_store %arg12[%swap3A_346, %swap3A_347], %mul3A_345 {strides = array<i32>} : memref<64x512xf32, #tpu.memory_space<vmem>>, vector<16xf32>,
      %get3A_349 = arith.index_cast %scan3A_70 : i32 to index
      %get3A_350 = arith.constant 448 : index
      %get3A_351 = tpu.vector_load %arg12[%get3A_349, %get3A_350] {strides = array<i32>} : memref<64x512xf32, #tpu.memory_space<vmem>>, vector<16xf32>,
      %get3A_352 = arith.index_cast %scan3A_70 : i32 to index
      %get3A_353 = arith.constant 448 : index
      %get3A_354 = tpu.vector_load %arg13[%get3A_352, %get3A_353] {strides = array<i32>} : memref<64x512xf32, #tpu.memory_space<vmem>>, vector<16xf32>,
      %mul3A_355 = arith.mulf %get3A_351, %get3A_354 : vector<16xf32>
      %swap3A_356 = arith.index_cast %scan3A_70 : i32 to index
      %swap3A_357 = arith.constant 448 : index
      %swap3A_358 = tpu.vector_load %arg12[%swap3A_356, %swap3A_357] {strides = array<i32>} : memref<64x512xf32, #tpu.memory_space<vmem>>, vector<16xf32>,
      tpu.vector_store %arg12[%swap3A_356, %swap3A_357], %mul3A_355 {strides = array<i32>} : memref<64x512xf32, #tpu.memory_space<vmem>>, vector<16xf32>,
      %get3A_359 = arith.index_cast %scan3A_70 : i32 to index
      %get3A_360 = arith.constant 464 : index
      %get3A_361 = tpu.vector_load %arg12[%get3A_359, %get3A_360] {strides = array<i32>} : memref<64x512xf32, #tpu.memory_space<vmem>>, vector<16xf32>,
      %get3A_362 = arith.index_cast %scan3A_70 : i32 to index
      %get3A_363 = arith.constant 464 : index
      %get3A_364 = tpu.vector_load %arg13[%get3A_362, %get3A_363] {strides = array<i32>} : memref<64x512xf32, #tpu.memory_space<vmem>>, vector<16xf32>,
      %mul3A_365 = arith.mulf %get3A_361, %get3A_364 : vector<16xf32>
      %swap3A_366 = arith.index_cast %scan3A_70 : i32 to index
      %swap3A_367 = arith.constant 464 : index
      %swap3A_368 = tpu.vector_load %arg12[%swap3A_366, %swap3A_367] {strides = array<i32>} : memref<64x512xf32, #tpu.memory_space<vmem>>, vector<16xf32>,
      tpu.vector_store %arg12[%swap3A_366, %swap3A_367], %mul3A_365 {strides = array<i32>} : memref<64x512xf32, #tpu.memory_space<vmem>>, vector<16xf32>,
      %get3A_369 = arith.index_cast %scan3A_70 : i32 to index
      %get3A_370 = arith.constant 480 : index
      %get3A_371 = tpu.vector_load %arg12[%get3A_369, %get3A_370] {strides = array<i32>} : memref<64x512xf32, #tpu.memory_space<vmem>>, vector<16xf32>,
      %get3A_372 = arith.index_cast %scan3A_70 : i32 to index
      %get3A_373 = arith.constant 480 : index
      %get3A_374 = tpu.vector_load %arg13[%get3A_372, %get3A_373] {strides = array<i32>} : memref<64x512xf32, #tpu.memory_space<vmem>>, vector<16xf32>,
      %mul3A_375 = arith.mulf %get3A_371, %get3A_374 : vector<16xf32>
      %swap3A_376 = arith.index_cast %scan3A_70 : i32 to index
      %swap3A_377 = arith.constant 480 : index
      %swap3A_378 = tpu.vector_load %arg12[%swap3A_376, %swap3A_377] {strides = array<i32>} : memref<64x512xf32, #tpu.memory_space<vmem>>, vector<16xf32>,
      tpu.vector_store %arg12[%swap3A_376, %swap3A_377], %mul3A_375 {strides = array<i32>} : memref<64x512xf32, #tpu.memory_space<vmem>>, vector<16xf32>,
      %get3A_379 = arith.index_cast %scan3A_70 : i32 to index
      %get3A_380 = arith.constant 496 : index
      %get3A_381 = tpu.vector_load %arg12[%get3A_379, %get3A_380] {strides = array<i32>} : memref<64x512xf32, #tpu.memory_space<vmem>>, vector<16xf32>,
      %get3A_382 = arith.index_cast %scan3A_70 : i32 to index
      %get3A_383 = arith.constant 496 : index
      %get3A_384 = tpu.vector_load %arg13[%get3A_382, %get3A_383] {strides = array<i32>} : memref<64x512xf32, #tpu.memory_space<vmem>>, vector<16xf32>,
      %mul3A_385 = arith.mulf %get3A_381, %get3A_384 : vector<16xf32>
      %swap3A_386 = arith.index_cast %scan3A_70 : i32 to index
      %swap3A_387 = arith.constant 496 : index
      %swap3A_388 = tpu.vector_load %arg12[%swap3A_386, %swap3A_387] {strides = array<i32>} : memref<64x512xf32, #tpu.memory_space<vmem>>, vector<16xf32>,
      tpu.vector_store %arg12[%swap3A_386, %swap3A_387], %mul3A_385 {strides = array<i32>} : memref<64x512xf32, #tpu.memory_space<vmem>>, vector<16xf32>,
    }
    %scan3A_38 = arith.constant 64 : i32
    %scan3A_39 = arith.constant 0 : i32
    %scan3A_40 = arith.constant 0 : i32
    %scan3A_41 = arith.constant 32 : i32
    %scan3A_42 = arith.addi %scan3A_40, %scan3A_41 : i32
    %scan3A_43 = arith.constant 1 : i32
    scf.for %scan3A_70 = %scan3A_40 to %scan3A_42 step %scan3A_43  : i32 {
      %mul3A_71 = arith.constant 16 : i32
      %mul3A_72 = arith.muli %scan3A_70, %mul3A_71 : i32
      %get3A = arith.index_cast %mul3A_72 : i32 to index
      %get3A_73 = tpu.vector_load %arg11[%get3A] {strides = array<i32>} : memref<512xi32, #tpu.memory_space<vmem>>, vector<16xi32>,
      %slice3A = vector.extract_strided_slice %get3A_73 {offsets = [0], sizes = [1], strides = [1]} : vector<16xi32> to vector<1xi32>
      %squeeze3A = vector.extract %slice3A[0] : i32 from vector<1xi32>
      %mul3A_74 = arith.constant 2 : i32
      %mul3A_75 = arith.muli %scan3A_70, %mul3A_74 : i32
      %add3A_76 = arith.constant 0 : i32
      %add3A_77 = arith.addi %mul3A_75, %add3A_76 : i32
      %dma_start3A_78 = arith.constant 0 : i32
      %dma_start3A_79 = tpu.memref_slice %arg13[%add3A_77, %dma_start3A_78] : memref<64x512xf32, #tpu.memory_space<vmem>> -> memref<1x64xf32, #tpu.memory_space<vmem>>
      %dma_start3A_80 = tpu.memref_squeeze %dma_start3A_79 : memref<1x64xf32, #tpu.memory_space<vmem>> -> memref<64xf32, #tpu.memory_space<vmem>>
      %dma_start3A_81 = arith.constant 0 : i32
      %dma_start3A_82 = tpu.memref_slice %arg5[%squeeze3A, %dma_start3A_81] : memref<1000000x64xf32, #tpu.memory_space<hbm>> -> memref<1x64xf32, #tpu.memory_space<hbm>>
      %dma_start3A_83 = tpu.memref_squeeze %dma_start3A_82 : memref<1x64xf32, #tpu.memory_space<hbm>> -> memref<64xf32, #tpu.memory_space<hbm>>
      %dma_start3A_84 = arith.constant 0 : i32
      %dma_start3A_85 = tpu.memref_slice %arg13[%add3A_77, %dma_start3A_84] : memref<64x512xf32, #tpu.memory_space<vmem>> -> memref<1x64xf32, #tpu.memory_space<vmem>>
      %dma_start3A_86 = tpu.memref_squeeze %dma_start3A_85 : memref<1x64xf32, #tpu.memory_space<vmem>> -> memref<64xf32, #tpu.memory_space<vmem>>
      %dma_start3A_87 = arith.constant 0 : i32
      %dma_start3A_88 = tpu.memref_slice %arg5[%squeeze3A, %dma_start3A_87] : memref<1000000x64xf32, #tpu.memory_space<hbm>> -> memref<1x64xf32, #tpu.memory_space<hbm>>
      %dma_start3A_89 = tpu.memref_squeeze %dma_start3A_88 : memref<1x64xf32, #tpu.memory_space<hbm>> -> memref<64xf32, #tpu.memory_space<hbm>>
      tpu.enqueue_dma source(%dma_start3A_89 : memref<64xf32, #tpu.memory_space<hbm>>) target(%dma_start3A_86 : memref<64xf32, #tpu.memory_space<vmem>>) target_semaphore(%arg16 : memref<!tpu.dma_semaphore, #tpu.memory_space<semaphore_mem>>)
      %slice3A_90 = vector.extract_strided_slice %get3A_73 {offsets = [1], sizes = [1], strides = [1]} : vector<16xi32> to vector<1xi32>
      %squeeze3A_91 = vector.extract %slice3A_90[0] : i32 from vector<1xi32>
      %mul3A_92 = arith.constant 2 : i32
      %mul3A_93 = arith.muli %scan3A_70, %mul3A_92 : i32
      %add3A_94 = arith.constant 0 : i32
      %add3A_95 = arith.addi %mul3A_93, %add3A_94 : i32
      %dma_start3A_96 = arith.constant 64 : i32
      %dma_start3A_97 = tpu.memref_slice %arg13[%add3A_95, %dma_start3A_96] : memref<64x512xf32, #tpu.memory_space<vmem>> -> memref<1x64xf32, #tpu.memory_space<vmem>>
      %dma_start3A_98 = tpu.memref_squeeze %dma_start3A_97 : memref<1x64xf32, #tpu.memory_space<vmem>> -> memref<64xf32, #tpu.memory_space<vmem>>
      %dma_start3A_99 = arith.constant 0 : i32
      %dma_start3A_100 = tpu.memref_slice %arg5[%squeeze3A_91, %dma_start3A_99] : memref<1000000x64xf32, #tpu.memory_space<hbm>> -> memref<1x64xf32, #tpu.memory_space<hbm>>
      %dma_start3A_101 = tpu.memref_squeeze %dma_start3A_100 : memref<1x64xf32, #tpu.memory_space<hbm>> -> memref<64xf32, #tpu.memory_space<hbm>>
      %dma_start3A_102 = arith.constant 64 : i32
      %dma_start3A_103 = tpu.memref_slice %arg13[%add3A_95, %dma_start3A_102] : memref<64x512xf32, #tpu.memory_space<vmem>> -> memref<1x64xf32, #tpu.memory_space<vmem>>
      %dma_start3A_104 = tpu.memref_squeeze %dma_start3A_103 : memref<1x64xf32, #tpu.memory_space<vmem>> -> memref<64xf32, #tpu.memory_space<vmem>>
      %dma_start3A_105 = arith.constant 0 : i32
      %dma_start3A_106 = tpu.memref_slice %arg5[%squeeze3A_91, %dma_start3A_105] : memref<1000000x64xf32, #tpu.memory_space<hbm>> -> memref<1x64xf32, #tpu.memory_space<hbm>>
      %dma_start3A_107 = tpu.memref_squeeze %dma_start3A_106 : memref<1x64xf32, #tpu.memory_space<hbm>> -> memref<64xf32, #tpu.memory_space<hbm>>
      tpu.enqueue_dma source(%dma_start3A_107 : memref<64xf32, #tpu.memory_space<hbm>>) target(%dma_start3A_104 : memref<64xf32, #tpu.memory_space<vmem>>) target_semaphore(%arg16 : memref<!tpu.dma_semaphore, #tpu.memory_space<semaphore_mem>>)
      %slice3A_108 = vector.extract_strided_slice %get3A_73 {offsets = [2], sizes = [1], strides = [1]} : vector<16xi32> to vector<1xi32>
      %squeeze3A_109 = vector.extract %slice3A_108[0] : i32 from vector<1xi32>
      %mul3A_110 = arith.constant 2 : i32
      %mul3A_111 = arith.muli %scan3A_70, %mul3A_110 : i32
      %add3A_112 = arith.constant 0 : i32
      %add3A_113 = arith.addi %mul3A_111, %add3A_112 : i32
      %dma_start3A_114 = arith.constant 128 : i32
      %dma_start3A_115 = tpu.memref_slice %arg13[%add3A_113, %dma_start3A_114] : memref<64x512xf32, #tpu.memory_space<vmem>> -> memref<1x64xf32, #tpu.memory_space<vmem>>
      %dma_start3A_116 = tpu.memref_squeeze %dma_start3A_115 : memref<1x64xf32, #tpu.memory_space<vmem>> -> memref<64xf32, #tpu.memory_space<vmem>>
      %dma_start3A_117 = arith.constant 0 : i32
      %dma_start3A_118 = tpu.memref_slice %arg5[%squeeze3A_109, %dma_start3A_117] : memref<1000000x64xf32, #tpu.memory_space<hbm>> -> memref<1x64xf32, #tpu.memory_space<hbm>>
      %dma_start3A_119 = tpu.memref_squeeze %dma_start3A_118 : memref<1x64xf32, #tpu.memory_space<hbm>> -> memref<64xf32, #tpu.memory_space<hbm>>
      %dma_start3A_120 = arith.constant 128 : i32
      %dma_start3A_121 = tpu.memref_slice %arg13[%add3A_113, %dma_start3A_120] : memref<64x512xf32, #tpu.memory_space<vmem>> -> memref<1x64xf32, #tpu.memory_space<vmem>>
      %dma_start3A_122 = tpu.memref_squeeze %dma_start3A_121 : memref<1x64xf32, #tpu.memory_space<vmem>> -> memref<64xf32, #tpu.memory_space<vmem>>
      %dma_start3A_123 = arith.constant 0 : i32
      %dma_start3A_124 = tpu.memref_slice %arg5[%squeeze3A_109, %dma_start3A_123] : memref<1000000x64xf32, #tpu.memory_space<hbm>> -> memref<1x64xf32, #tpu.memory_space<hbm>>
      %dma_start3A_125 = tpu.memref_squeeze %dma_start3A_124 : memref<1x64xf32, #tpu.memory_space<hbm>> -> memref<64xf32, #tpu.memory_space<hbm>>
      tpu.enqueue_dma source(%dma_start3A_125 : memref<64xf32, #tpu.memory_space<hbm>>) target(%dma_start3A_122 : memref<64xf32, #tpu.memory_space<vmem>>) target_semaphore(%arg16 : memref<!tpu.dma_semaphore, #tpu.memory_space<semaphore_mem>>)
      %slice3A_126 = vector.extract_strided_slice %get3A_73 {offsets = [3], sizes = [1], strides = [1]} : vector<16xi32> to vector<1xi32>
      %squeeze3A_127 = vector.extract %slice3A_126[0] : i32 from vector<1xi32>
      %mul3A_128 = arith.constant 2 : i32
      %mul3A_129 = arith.muli %scan3A_70, %mul3A_128 : i32
      %add3A_130 = arith.constant 0 : i32
      %add3A_131 = arith.addi %mul3A_129, %add3A_130 : i32
      %dma_start3A_132 = arith.constant 192 : i32
      %dma_start3A_133 = tpu.memref_slice %arg13[%add3A_131, %dma_start3A_132] : memref<64x512xf32, #tpu.memory_space<vmem>> -> memref<1x64xf32, #tpu.memory_space<vmem>>
      %dma_start3A_134 = tpu.memref_squeeze %dma_start3A_133 : memref<1x64xf32, #tpu.memory_space<vmem>> -> memref<64xf32, #tpu.memory_space<vmem>>
      %dma_start3A_135 = arith.constant 0 : i32
      %dma_start3A_136 = tpu.memref_slice %arg5[%squeeze3A_127, %dma_start3A_135] : memref<1000000x64xf32, #tpu.memory_space<hbm>> -> memref<1x64xf32, #tpu.memory_space<hbm>>
      %dma_start3A_137 = tpu.memref_squeeze %dma_start3A_136 : memref<1x64xf32, #tpu.memory_space<hbm>> -> memref<64xf32, #tpu.memory_space<hbm>>
      %dma_start3A_138 = arith.constant 192 : i32
      %dma_start3A_139 = tpu.memref_slice %arg13[%add3A_131, %dma_start3A_138] : memref<64x512xf32, #tpu.memory_space<vmem>> -> memref<1x64xf32, #tpu.memory_space<vmem>>
      %dma_start3A_140 = tpu.memref_squeeze %dma_start3A_139 : memref<1x64xf32, #tpu.memory_space<vmem>> -> memref<64xf32, #tpu.memory_space<vmem>>
      %dma_start3A_141 = arith.constant 0 : i32
      %dma_start3A_142 = tpu.memref_slice %arg5[%squeeze3A_127, %dma_start3A_141] : memref<1000000x64xf32, #tpu.memory_space<hbm>> -> memref<1x64xf32, #tpu.memory_space<hbm>>
      %dma_start3A_143 = tpu.memref_squeeze %dma_start3A_142 : memref<1x64xf32, #tpu.memory_space<hbm>> -> memref<64xf32, #tpu.memory_space<hbm>>
      tpu.enqueue_dma source(%dma_start3A_143 : memref<64xf32, #tpu.memory_space<hbm>>) target(%dma_start3A_140 : memref<64xf32, #tpu.memory_space<vmem>>) target_semaphore(%arg16 : memref<!tpu.dma_semaphore, #tpu.memory_space<semaphore_mem>>)
      %slice3A_144 = vector.extract_strided_slice %get3A_73 {offsets = [4], sizes = [1], strides = [1]} : vector<16xi32> to vector<1xi32>
      %squeeze3A_145 = vector.extract %slice3A_144[0] : i32 from vector<1xi32>
      %mul3A_146 = arith.constant 2 : i32
      %mul3A_147 = arith.muli %scan3A_70, %mul3A_146 : i32
      %add3A_148 = arith.constant 0 : i32
      %add3A_149 = arith.addi %mul3A_147, %add3A_148 : i32
      %dma_start3A_150 = arith.constant 256 : i32
      %dma_start3A_151 = tpu.memref_slice %arg13[%add3A_149, %dma_start3A_150] : memref<64x512xf32, #tpu.memory_space<vmem>> -> memref<1x64xf32, #tpu.memory_space<vmem>>
      %dma_start3A_152 = tpu.memref_squeeze %dma_start3A_151 : memref<1x64xf32, #tpu.memory_space<vmem>> -> memref<64xf32, #tpu.memory_space<vmem>>
      %dma_start3A_153 = arith.constant 0 : i32
      %dma_start3A_154 = tpu.memref_slice %arg5[%squeeze3A_145, %dma_start3A_153] : memref<1000000x64xf32, #tpu.memory_space<hbm>> -> memref<1x64xf32, #tpu.memory_space<hbm>>
      %dma_start3A_155 = tpu.memref_squeeze %dma_start3A_154 : memref<1x64xf32, #tpu.memory_space<hbm>> -> memref<64xf32, #tpu.memory_space<hbm>>
      %dma_start3A_156 = arith.constant 256 : i32
      %dma_start3A_157 = tpu.memref_slice %arg13[%add3A_149, %dma_start3A_156] : memref<64x512xf32, #tpu.memory_space<vmem>> -> memref<1x64xf32, #tpu.memory_space<vmem>>
      %dma_start3A_158 = tpu.memref_squeeze %dma_start3A_157 : memref<1x64xf32, #tpu.memory_space<vmem>> -> memref<64xf32, #tpu.memory_space<vmem>>
      %dma_start3A_159 = arith.constant 0 : i32
      %dma_start3A_160 = tpu.memref_slice %arg5[%squeeze3A_145, %dma_start3A_159] : memref<1000000x64xf32, #tpu.memory_space<hbm>> -> memref<1x64xf32, #tpu.memory_space<hbm>>
      %dma_start3A_161 = tpu.memref_squeeze %dma_start3A_160 : memref<1x64xf32, #tpu.memory_space<hbm>> -> memref<64xf32, #tpu.memory_space<hbm>>
      tpu.enqueue_dma source(%dma_start3A_161 : memref<64xf32, #tpu.memory_space<hbm>>) target(%dma_start3A_158 : memref<64xf32, #tpu.memory_space<vmem>>) target_semaphore(%arg16 : memref<!tpu.dma_semaphore, #tpu.memory_space<semaphore_mem>>)
      %slice3A_162 = vector.extract_strided_slice %get3A_73 {offsets = [5], sizes = [1], strides = [1]} : vector<16xi32> to vector<1xi32>
      %squeeze3A_163 = vector.extract %slice3A_162[0] : i32 from vector<1xi32>
      %mul3A_164 = arith.constant 2 : i32
      %mul3A_165 = arith.muli %scan3A_70, %mul3A_164 : i32
      %add3A_166 = arith.constant 0 : i32
      %add3A_167 = arith.addi %mul3A_165, %add3A_166 : i32
      %dma_start3A_168 = arith.constant 320 : i32
      %dma_start3A_169 = tpu.memref_slice %arg13[%add3A_167, %dma_start3A_168] : memref<64x512xf32, #tpu.memory_space<vmem>> -> memref<1x64xf32, #tpu.memory_space<vmem>>
      %dma_start3A_170 = tpu.memref_squeeze %dma_start3A_169 : memref<1x64xf32, #tpu.memory_space<vmem>> -> memref<64xf32, #tpu.memory_space<vmem>>
      %dma_start3A_171 = arith.constant 0 : i32
      %dma_start3A_172 = tpu.memref_slice %arg5[%squeeze3A_163, %dma_start3A_171] : memref<1000000x64xf32, #tpu.memory_space<hbm>> -> memref<1x64xf32, #tpu.memory_space<hbm>>
      %dma_start3A_173 = tpu.memref_squeeze %dma_start3A_172 : memref<1x64xf32, #tpu.memory_space<hbm>> -> memref<64xf32, #tpu.memory_space<hbm>>
      %dma_start3A_174 = arith.constant 320 : i32
      %dma_start3A_175 = tpu.memref_slice %arg13[%add3A_167, %dma_start3A_174] : memref<64x512xf32, #tpu.memory_space<vmem>> -> memref<1x64xf32, #tpu.memory_space<vmem>>
      %dma_start3A_176 = tpu.memref_squeeze %dma_start3A_175 : memref<1x64xf32, #tpu.memory_space<vmem>> -> memref<64xf32, #tpu.memory_space<vmem>>
      %dma_start3A_177 = arith.constant 0 : i32
      %dma_start3A_178 = tpu.memref_slice %arg5[%squeeze3A_163, %dma_start3A_177] : memref<1000000x64xf32, #tpu.memory_space<hbm>> -> memref<1x64xf32, #tpu.memory_space<hbm>>
      %dma_start3A_179 = tpu.memref_squeeze %dma_start3A_178 : memref<1x64xf32, #tpu.memory_space<hbm>> -> memref<64xf32, #tpu.memory_space<hbm>>
      tpu.enqueue_dma source(%dma_start3A_179 : memref<64xf32, #tpu.memory_space<hbm>>) target(%dma_start3A_176 : memref<64xf32, #tpu.memory_space<vmem>>) target_semaphore(%arg16 : memref<!tpu.dma_semaphore, #tpu.memory_space<semaphore_mem>>)
      %slice3A_180 = vector.extract_strided_slice %get3A_73 {offsets = [6], sizes = [1], strides = [1]} : vector<16xi32> to vector<1xi32>
      %squeeze3A_181 = vector.extract %slice3A_180[0] : i32 from vector<1xi32>
      %mul3A_182 = arith.constant 2 : i32
      %mul3A_183 = arith.muli %scan3A_70, %mul3A_182 : i32
      %add3A_184 = arith.constant 0 : i32
      %add3A_185 = arith.addi %mul3A_183, %add3A_184 : i32
      %dma_start3A_186 = arith.constant 384 : i32
      %dma_start3A_187 = tpu.memref_slice %arg13[%add3A_185, %dma_start3A_186] : memref<64x512xf32, #tpu.memory_space<vmem>> -> memref<1x64xf32, #tpu.memory_space<vmem>>
      %dma_start3A_188 = tpu.memref_squeeze %dma_start3A_187 : memref<1x64xf32, #tpu.memory_space<vmem>> -> memref<64xf32, #tpu.memory_space<vmem>>
      %dma_start3A_189 = arith.constant 0 : i32
      %dma_start3A_190 = tpu.memref_slice %arg5[%squeeze3A_181, %dma_start3A_189] : memref<1000000x64xf32, #tpu.memory_space<hbm>> -> memref<1x64xf32, #tpu.memory_space<hbm>>
      %dma_start3A_191 = tpu.memref_squeeze %dma_start3A_190 : memref<1x64xf32, #tpu.memory_space<hbm>> -> memref<64xf32, #tpu.memory_space<hbm>>
      %dma_start3A_192 = arith.constant 384 : i32
      %dma_start3A_193 = tpu.memref_slice %arg13[%add3A_185, %dma_start3A_192] : memref<64x512xf32, #tpu.memory_space<vmem>> -> memref<1x64xf32, #tpu.memory_space<vmem>>
      %dma_start3A_194 = tpu.memref_squeeze %dma_start3A_193 : memref<1x64xf32, #tpu.memory_space<vmem>> -> memref<64xf32, #tpu.memory_space<vmem>>
      %dma_start3A_195 = arith.constant 0 : i32
      %dma_start3A_196 = tpu.memref_slice %arg5[%squeeze3A_181, %dma_start3A_195] : memref<1000000x64xf32, #tpu.memory_space<hbm>> -> memref<1x64xf32, #tpu.memory_space<hbm>>
      %dma_start3A_197 = tpu.memref_squeeze %dma_start3A_196 : memref<1x64xf32, #tpu.memory_space<hbm>> -> memref<64xf32, #tpu.memory_space<hbm>>
      tpu.enqueue_dma source(%dma_start3A_197 : memref<64xf32, #tpu.memory_space<hbm>>) target(%dma_start3A_194 : memref<64xf32, #tpu.memory_space<vmem>>) target_semaphore(%arg16 : memref<!tpu.dma_semaphore, #tpu.memory_space<semaphore_mem>>)
      %slice3A_198 = vector.extract_strided_slice %get3A_73 {offsets = [7], sizes = [1], strides = [1]} : vector<16xi32> to vector<1xi32>
      %squeeze3A_199 = vector.extract %slice3A_198[0] : i32 from vector<1xi32>
      %mul3A_200 = arith.constant 2 : i32
      %mul3A_201 = arith.muli %scan3A_70, %mul3A_200 : i32
      %add3A_202 = arith.constant 0 : i32
      %add3A_203 = arith.addi %mul3A_201, %add3A_202 : i32
      %dma_start3A_204 = arith.constant 448 : i32
      %dma_start3A_205 = tpu.memref_slice %arg13[%add3A_203, %dma_start3A_204] : memref<64x512xf32, #tpu.memory_space<vmem>> -> memref<1x64xf32, #tpu.memory_space<vmem>>
      %dma_start3A_206 = tpu.memref_squeeze %dma_start3A_205 : memref<1x64xf32, #tpu.memory_space<vmem>> -> memref<64xf32, #tpu.memory_space<vmem>>
      %dma_start3A_207 = arith.constant 0 : i32
      %dma_start3A_208 = tpu.memref_slice %arg5[%squeeze3A_199, %dma_start3A_207] : memref<1000000x64xf32, #tpu.memory_space<hbm>> -> memref<1x64xf32, #tpu.memory_space<hbm>>
      %dma_start3A_209 = tpu.memref_squeeze %dma_start3A_208 : memref<1x64xf32, #tpu.memory_space<hbm>> -> memref<64xf32, #tpu.memory_space<hbm>>
      %dma_start3A_210 = arith.constant 448 : i32
      %dma_start3A_211 = tpu.memref_slice %arg13[%add3A_203, %dma_start3A_210] : memref<64x512xf32, #tpu.memory_space<vmem>> -> memref<1x64xf32, #tpu.memory_space<vmem>>
      %dma_start3A_212 = tpu.memref_squeeze %dma_start3A_211 : memref<1x64xf32, #tpu.memory_space<vmem>> -> memref<64xf32, #tpu.memory_space<vmem>>
      %dma_start3A_213 = arith.constant 0 : i32
      %dma_start3A_214 = tpu.memref_slice %arg5[%squeeze3A_199, %dma_start3A_213] : memref<1000000x64xf32, #tpu.memory_space<hbm>> -> memref<1x64xf32, #tpu.memory_space<hbm>>
      %dma_start3A_215 = tpu.memref_squeeze %dma_start3A_214 : memref<1x64xf32, #tpu.memory_space<hbm>> -> memref<64xf32, #tpu.memory_space<hbm>>
      tpu.enqueue_dma source(%dma_start3A_215 : memref<64xf32, #tpu.memory_space<hbm>>) target(%dma_start3A_212 : memref<64xf32, #tpu.memory_space<vmem>>) target_semaphore(%arg16 : memref<!tpu.dma_semaphore, #tpu.memory_space<semaphore_mem>>)
      %slice3A_216 = vector.extract_strided_slice %get3A_73 {offsets = [8], sizes = [1], strides = [1]} : vector<16xi32> to vector<1xi32>
      %squeeze3A_217 = vector.extract %slice3A_216[0] : i32 from vector<1xi32>
      %mul3A_218 = arith.constant 2 : i32
      %mul3A_219 = arith.muli %scan3A_70, %mul3A_218 : i32
      %add3A_220 = arith.constant 1 : i32
      %add3A_221 = arith.addi %mul3A_219, %add3A_220 : i32
      %dma_start3A_222 = arith.constant 0 : i32
      %dma_start3A_223 = tpu.memref_slice %arg13[%add3A_221, %dma_start3A_222] : memref<64x512xf32, #tpu.memory_space<vmem>> -> memref<1x64xf32, #tpu.memory_space<vmem>>
      %dma_start3A_224 = tpu.memref_squeeze %dma_start3A_223 : memref<1x64xf32, #tpu.memory_space<vmem>> -> memref<64xf32, #tpu.memory_space<vmem>>
      %dma_start3A_225 = arith.constant 0 : i32
      %dma_start3A_226 = tpu.memref_slice %arg5[%squeeze3A_217, %dma_start3A_225] : memref<1000000x64xf32, #tpu.memory_space<hbm>> -> memref<1x64xf32, #tpu.memory_space<hbm>>
      %dma_start3A_227 = tpu.memref_squeeze %dma_start3A_226 : memref<1x64xf32, #tpu.memory_space<hbm>> -> memref<64xf32, #tpu.memory_space<hbm>>
      %dma_start3A_228 = arith.constant 0 : i32
      %dma_start3A_229 = tpu.memref_slice %arg13[%add3A_221, %dma_start3A_228] : memref<64x512xf32, #tpu.memory_space<vmem>> -> memref<1x64xf32, #tpu.memory_space<vmem>>
      %dma_start3A_230 = tpu.memref_squeeze %dma_start3A_229 : memref<1x64xf32, #tpu.memory_space<vmem>> -> memref<64xf32, #tpu.memory_space<vmem>>
      %dma_start3A_231 = arith.constant 0 : i32
      %dma_start3A_232 = tpu.memref_slice %arg5[%squeeze3A_217, %dma_start3A_231] : memref<1000000x64xf32, #tpu.memory_space<hbm>> -> memref<1x64xf32, #tpu.memory_space<hbm>>
      %dma_start3A_233 = tpu.memref_squeeze %dma_start3A_232 : memref<1x64xf32, #tpu.memory_space<hbm>> -> memref<64xf32, #tpu.memory_space<hbm>>
      tpu.enqueue_dma source(%dma_start3A_233 : memref<64xf32, #tpu.memory_space<hbm>>) target(%dma_start3A_230 : memref<64xf32, #tpu.memory_space<vmem>>) target_semaphore(%arg16 : memref<!tpu.dma_semaphore, #tpu.memory_space<semaphore_mem>>)
      %slice3A_234 = vector.extract_strided_slice %get3A_73 {offsets = [9], sizes = [1], strides = [1]} : vector<16xi32> to vector<1xi32>
      %squeeze3A_235 = vector.extract %slice3A_234[0] : i32 from vector<1xi32>
      %mul3A_236 = arith.constant 2 : i32
      %mul3A_237 = arith.muli %scan3A_70, %mul3A_236 : i32
      %add3A_238 = arith.constant 1 : i32
      %add3A_239 = arith.addi %mul3A_237, %add3A_238 : i32
      %dma_start3A_240 = arith.constant 64 : i32
      %dma_start3A_241 = tpu.memref_slice %arg13[%add3A_239, %dma_start3A_240] : memref<64x512xf32, #tpu.memory_space<vmem>> -> memref<1x64xf32, #tpu.memory_space<vmem>>
      %dma_start3A_242 = tpu.memref_squeeze %dma_start3A_241 : memref<1x64xf32, #tpu.memory_space<vmem>> -> memref<64xf32, #tpu.memory_space<vmem>>
      %dma_start3A_243 = arith.constant 0 : i32
      %dma_start3A_244 = tpu.memref_slice %arg5[%squeeze3A_235, %dma_start3A_243] : memref<1000000x64xf32, #tpu.memory_space<hbm>> -> memref<1x64xf32, #tpu.memory_space<hbm>>
      %dma_start3A_245 = tpu.memref_squeeze %dma_start3A_244 : memref<1x64xf32, #tpu.memory_space<hbm>> -> memref<64xf32, #tpu.memory_space<hbm>>
      %dma_start3A_246 = arith.constant 64 : i32
      %dma_start3A_247 = tpu.memref_slice %arg13[%add3A_239, %dma_start3A_246] : memref<64x512xf32, #tpu.memory_space<vmem>> -> memref<1x64xf32, #tpu.memory_space<vmem>>
      %dma_start3A_248 = tpu.memref_squeeze %dma_start3A_247 : memref<1x64xf32, #tpu.memory_space<vmem>> -> memref<64xf32, #tpu.memory_space<vmem>>
      %dma_start3A_249 = arith.constant 0 : i32
      %dma_start3A_250 = tpu.memref_slice %arg5[%squeeze3A_235, %dma_start3A_249] : memref<1000000x64xf32, #tpu.memory_space<hbm>> -> memref<1x64xf32, #tpu.memory_space<hbm>>
      %dma_start3A_251 = tpu.memref_squeeze %dma_start3A_250 : memref<1x64xf32, #tpu.memory_space<hbm>> -> memref<64xf32, #tpu.memory_space<hbm>>
      tpu.enqueue_dma source(%dma_start3A_251 : memref<64xf32, #tpu.memory_space<hbm>>) target(%dma_start3A_248 : memref<64xf32, #tpu.memory_space<vmem>>) target_semaphore(%arg16 : memref<!tpu.dma_semaphore, #tpu.memory_space<semaphore_mem>>)
      %slice3A_252 = vector.extract_strided_slice %get3A_73 {offsets = [10], sizes = [1], strides = [1]} : vector<16xi32> to vector<1xi32>
      %squeeze3A_253 = vector.extract %slice3A_252[0] : i32 from vector<1xi32>
      %mul3A_254 = arith.constant 2 : i32
      %mul3A_255 = arith.muli %scan3A_70, %mul3A_254 : i32
      %add3A_256 = arith.constant 1 : i32
      %add3A_257 = arith.addi %mul3A_255, %add3A_256 : i32
      %dma_start3A_258 = arith.constant 128 : i32
      %dma_start3A_259 = tpu.memref_slice %arg13[%add3A_257, %dma_start3A_258] : memref<64x512xf32, #tpu.memory_space<vmem>> -> memref<1x64xf32, #tpu.memory_space<vmem>>
      %dma_start3A_260 = tpu.memref_squeeze %dma_start3A_259 : memref<1x64xf32, #tpu.memory_space<vmem>> -> memref<64xf32, #tpu.memory_space<vmem>>
      %dma_start3A_261 = arith.constant 0 : i32
      %dma_start3A_262 = tpu.memref_slice %arg5[%squeeze3A_253, %dma_start3A_261] : memref<1000000x64xf32, #tpu.memory_space<hbm>> -> memref<1x64xf32, #tpu.memory_space<hbm>>
      %dma_start3A_263 = tpu.memref_squeeze %dma_start3A_262 : memref<1x64xf32, #tpu.memory_space<hbm>> -> memref<64xf32, #tpu.memory_space<hbm>>
      %dma_start3A_264 = arith.constant 128 : i32
      %dma_start3A_265 = tpu.memref_slice %arg13[%add3A_257, %dma_start3A_264] : memref<64x512xf32, #tpu.memory_space<vmem>> -> memref<1x64xf32, #tpu.memory_space<vmem>>
      %dma_start3A_266 = tpu.memref_squeeze %dma_start3A_265 : memref<1x64xf32, #tpu.memory_space<vmem>> -> memref<64xf32, #tpu.memory_space<vmem>>
      %dma_start3A_267 = arith.constant 0 : i32
      %dma_start3A_268 = tpu.memref_slice %arg5[%squeeze3A_253, %dma_start3A_267] : memref<1000000x64xf32, #tpu.memory_space<hbm>> -> memref<1x64xf32, #tpu.memory_space<hbm>>
      %dma_start3A_269 = tpu.memref_squeeze %dma_start3A_268 : memref<1x64xf32, #tpu.memory_space<hbm>> -> memref<64xf32, #tpu.memory_space<hbm>>
      tpu.enqueue_dma source(%dma_start3A_269 : memref<64xf32, #tpu.memory_space<hbm>>) target(%dma_start3A_266 : memref<64xf32, #tpu.memory_space<vmem>>) target_semaphore(%arg16 : memref<!tpu.dma_semaphore, #tpu.memory_space<semaphore_mem>>)
      %slice3A_270 = vector.extract_strided_slice %get3A_73 {offsets = [11], sizes = [1], strides = [1]} : vector<16xi32> to vector<1xi32>
      %squeeze3A_271 = vector.extract %slice3A_270[0] : i32 from vector<1xi32>
      %mul3A_272 = arith.constant 2 : i32
      %mul3A_273 = arith.muli %scan3A_70, %mul3A_272 : i32
      %add3A_274 = arith.constant 1 : i32
      %add3A_275 = arith.addi %mul3A_273, %add3A_274 : i32
      %dma_start3A_276 = arith.constant 192 : i32
      %dma_start3A_277 = tpu.memref_slice %arg13[%add3A_275, %dma_start3A_276] : memref<64x512xf32, #tpu.memory_space<vmem>> -> memref<1x64xf32, #tpu.memory_space<vmem>>
      %dma_start3A_278 = tpu.memref_squeeze %dma_start3A_277 : memref<1x64xf32, #tpu.memory_space<vmem>> -> memref<64xf32, #tpu.memory_space<vmem>>
      %dma_start3A_279 = arith.constant 0 : i32
      %dma_start3A_280 = tpu.memref_slice %arg5[%squeeze3A_271, %dma_start3A_279] : memref<1000000x64xf32, #tpu.memory_space<hbm>> -> memref<1x64xf32, #tpu.memory_space<hbm>>
      %dma_start3A_281 = tpu.memref_squeeze %dma_start3A_280 : memref<1x64xf32, #tpu.memory_space<hbm>> -> memref<64xf32, #tpu.memory_space<hbm>>
      %dma_start3A_282 = arith.constant 192 : i32
      %dma_start3A_283 = tpu.memref_slice %arg13[%add3A_275, %dma_start3A_282] : memref<64x512xf32, #tpu.memory_space<vmem>> -> memref<1x64xf32, #tpu.memory_space<vmem>>
      %dma_start3A_284 = tpu.memref_squeeze %dma_start3A_283 : memref<1x64xf32, #tpu.memory_space<vmem>> -> memref<64xf32, #tpu.memory_space<vmem>>
      %dma_start3A_285 = arith.constant 0 : i32
      %dma_start3A_286 = tpu.memref_slice %arg5[%squeeze3A_271, %dma_start3A_285] : memref<1000000x64xf32, #tpu.memory_space<hbm>> -> memref<1x64xf32, #tpu.memory_space<hbm>>
      %dma_start3A_287 = tpu.memref_squeeze %dma_start3A_286 : memref<1x64xf32, #tpu.memory_space<hbm>> -> memref<64xf32, #tpu.memory_space<hbm>>
      tpu.enqueue_dma source(%dma_start3A_287 : memref<64xf32, #tpu.memory_space<hbm>>) target(%dma_start3A_284 : memref<64xf32, #tpu.memory_space<vmem>>) target_semaphore(%arg16 : memref<!tpu.dma_semaphore, #tpu.memory_space<semaphore_mem>>)
      %slice3A_288 = vector.extract_strided_slice %get3A_73 {offsets = [12], sizes = [1], strides = [1]} : vector<16xi32> to vector<1xi32>
      %squeeze3A_289 = vector.extract %slice3A_288[0] : i32 from vector<1xi32>
      %mul3A_290 = arith.constant 2 : i32
      %mul3A_291 = arith.muli %scan3A_70, %mul3A_290 : i32
      %add3A_292 = arith.constant 1 : i32
      %add3A_293 = arith.addi %mul3A_291, %add3A_292 : i32
      %dma_start3A_294 = arith.constant 256 : i32
      %dma_start3A_295 = tpu.memref_slice %arg13[%add3A_293, %dma_start3A_294] : memref<64x512xf32, #tpu.memory_space<vmem>> -> memref<1x64xf32, #tpu.memory_space<vmem>>
      %dma_start3A_296 = tpu.memref_squeeze %dma_start3A_295 : memref<1x64xf32, #tpu.memory_space<vmem>> -> memref<64xf32, #tpu.memory_space<vmem>>
      %dma_start3A_297 = arith.constant 0 : i32
      %dma_start3A_298 = tpu.memref_slice %arg5[%squeeze3A_289, %dma_start3A_297] : memref<1000000x64xf32, #tpu.memory_space<hbm>> -> memref<1x64xf32, #tpu.memory_space<hbm>>
      %dma_start3A_299 = tpu.memref_squeeze %dma_start3A_298 : memref<1x64xf32, #tpu.memory_space<hbm>> -> memref<64xf32, #tpu.memory_space<hbm>>
      %dma_start3A_300 = arith.constant 256 : i32
      %dma_start3A_301 = tpu.memref_slice %arg13[%add3A_293, %dma_start3A_300] : memref<64x512xf32, #tpu.memory_space<vmem>> -> memref<1x64xf32, #tpu.memory_space<vmem>>
      %dma_start3A_302 = tpu.memref_squeeze %dma_start3A_301 : memref<1x64xf32, #tpu.memory_space<vmem>> -> memref<64xf32, #tpu.memory_space<vmem>>
      %dma_start3A_303 = arith.constant 0 : i32
      %dma_start3A_304 = tpu.memref_slice %arg5[%squeeze3A_289, %dma_start3A_303] : memref<1000000x64xf32, #tpu.memory_space<hbm>> -> memref<1x64xf32, #tpu.memory_space<hbm>>
      %dma_start3A_305 = tpu.memref_squeeze %dma_start3A_304 : memref<1x64xf32, #tpu.memory_space<hbm>> -> memref<64xf32, #tpu.memory_space<hbm>>
      tpu.enqueue_dma source(%dma_start3A_305 : memref<64xf32, #tpu.memory_space<hbm>>) target(%dma_start3A_302 : memref<64xf32, #tpu.memory_space<vmem>>) target_semaphore(%arg16 : memref<!tpu.dma_semaphore, #tpu.memory_space<semaphore_mem>>)
      %slice3A_306 = vector.extract_strided_slice %get3A_73 {offsets = [13], sizes = [1], strides = [1]} : vector<16xi32> to vector<1xi32>
      %squeeze3A_307 = vector.extract %slice3A_306[0] : i32 from vector<1xi32>
      %mul3A_308 = arith.constant 2 : i32
      %mul3A_309 = arith.muli %scan3A_70, %mul3A_308 : i32
      %add3A_310 = arith.constant 1 : i32
      %add3A_311 = arith.addi %mul3A_309, %add3A_310 : i32
      %dma_start3A_312 = arith.constant 320 : i32
      %dma_start3A_313 = tpu.memref_slice %arg13[%add3A_311, %dma_start3A_312] : memref<64x512xf32, #tpu.memory_space<vmem>> -> memref<1x64xf32, #tpu.memory_space<vmem>>
      %dma_start3A_314 = tpu.memref_squeeze %dma_start3A_313 : memref<1x64xf32, #tpu.memory_space<vmem>> -> memref<64xf32, #tpu.memory_space<vmem>>
      %dma_start3A_315 = arith.constant 0 : i32
      %dma_start3A_316 = tpu.memref_slice %arg5[%squeeze3A_307, %dma_start3A_315] : memref<1000000x64xf32, #tpu.memory_space<hbm>> -> memref<1x64xf32, #tpu.memory_space<hbm>>
      %dma_start3A_317 = tpu.memref_squeeze %dma_start3A_316 : memref<1x64xf32, #tpu.memory_space<hbm>> -> memref<64xf32, #tpu.memory_space<hbm>>
      %dma_start3A_318 = arith.constant 320 : i32
      %dma_start3A_319 = tpu.memref_slice %arg13[%add3A_311, %dma_start3A_318] : memref<64x512xf32, #tpu.memory_space<vmem>> -> memref<1x64xf32, #tpu.memory_space<vmem>>
      %dma_start3A_320 = tpu.memref_squeeze %dma_start3A_319 : memref<1x64xf32, #tpu.memory_space<vmem>> -> memref<64xf32, #tpu.memory_space<vmem>>
      %dma_start3A_321 = arith.constant 0 : i32
      %dma_start3A_322 = tpu.memref_slice %arg5[%squeeze3A_307, %dma_start3A_321] : memref<1000000x64xf32, #tpu.memory_space<hbm>> -> memref<1x64xf32, #tpu.memory_space<hbm>>
      %dma_start3A_323 = tpu.memref_squeeze %dma_start3A_322 : memref<1x64xf32, #tpu.memory_space<hbm>> -> memref<64xf32, #tpu.memory_space<hbm>>
      tpu.enqueue_dma source(%dma_start3A_323 : memref<64xf32, #tpu.memory_space<hbm>>) target(%dma_start3A_320 : memref<64xf32, #tpu.memory_space<vmem>>) target_semaphore(%arg16 : memref<!tpu.dma_semaphore, #tpu.memory_space<semaphore_mem>>)
      %slice3A_324 = vector.extract_strided_slice %get3A_73 {offsets = [14], sizes = [1], strides = [1]} : vector<16xi32> to vector<1xi32>
      %squeeze3A_325 = vector.extract %slice3A_324[0] : i32 from vector<1xi32>
      %mul3A_326 = arith.constant 2 : i32
      %mul3A_327 = arith.muli %scan3A_70, %mul3A_326 : i32
      %add3A_328 = arith.constant 1 : i32
      %add3A_329 = arith.addi %mul3A_327, %add3A_328 : i32
      %dma_start3A_330 = arith.constant 384 : i32
      %dma_start3A_331 = tpu.memref_slice %arg13[%add3A_329, %dma_start3A_330] : memref<64x512xf32, #tpu.memory_space<vmem>> -> memref<1x64xf32, #tpu.memory_space<vmem>>
      %dma_start3A_332 = tpu.memref_squeeze %dma_start3A_331 : memref<1x64xf32, #tpu.memory_space<vmem>> -> memref<64xf32, #tpu.memory_space<vmem>>
      %dma_start3A_333 = arith.constant 0 : i32
      %dma_start3A_334 = tpu.memref_slice %arg5[%squeeze3A_325, %dma_start3A_333] : memref<1000000x64xf32, #tpu.memory_space<hbm>> -> memref<1x64xf32, #tpu.memory_space<hbm>>
      %dma_start3A_335 = tpu.memref_squeeze %dma_start3A_334 : memref<1x64xf32, #tpu.memory_space<hbm>> -> memref<64xf32, #tpu.memory_space<hbm>>
      %dma_start3A_336 = arith.constant 384 : i32
      %dma_start3A_337 = tpu.memref_slice %arg13[%add3A_329, %dma_start3A_336] : memref<64x512xf32, #tpu.memory_space<vmem>> -> memref<1x64xf32, #tpu.memory_space<vmem>>
      %dma_start3A_338 = tpu.memref_squeeze %dma_start3A_337 : memref<1x64xf32, #tpu.memory_space<vmem>> -> memref<64xf32, #tpu.memory_space<vmem>>
      %dma_start3A_339 = arith.constant 0 : i32
      %dma_start3A_340 = tpu.memref_slice %arg5[%squeeze3A_325, %dma_start3A_339] : memref<1000000x64xf32, #tpu.memory_space<hbm>> -> memref<1x64xf32, #tpu.memory_space<hbm>>
      %dma_start3A_341 = tpu.memref_squeeze %dma_start3A_340 : memref<1x64xf32, #tpu.memory_space<hbm>> -> memref<64xf32, #tpu.memory_space<hbm>>
      tpu.enqueue_dma source(%dma_start3A_341 : memref<64xf32, #tpu.memory_space<hbm>>) target(%dma_start3A_338 : memref<64xf32, #tpu.memory_space<vmem>>) target_semaphore(%arg16 : memref<!tpu.dma_semaphore, #tpu.memory_space<semaphore_mem>>)
      %slice3A_342 = vector.extract_strided_slice %get3A_73 {offsets = [15], sizes = [1], strides = [1]} : vector<16xi32> to vector<1xi32>
      %squeeze3A_343 = vector.extract %slice3A_342[0] : i32 from vector<1xi32>
      %mul3A_344 = arith.constant 2 : i32
      %mul3A_345 = arith.muli %scan3A_70, %mul3A_344 : i32
      %add3A_346 = arith.constant 1 : i32
      %add3A_347 = arith.addi %mul3A_345, %add3A_346 : i32
      %dma_start3A_348 = arith.constant 448 : i32
      %dma_start3A_349 = tpu.memref_slice %arg13[%add3A_347, %dma_start3A_348] : memref<64x512xf32, #tpu.memory_space<vmem>> -> memref<1x64xf32, #tpu.memory_space<vmem>>
      %dma_start3A_350 = tpu.memref_squeeze %dma_start3A_349 : memref<1x64xf32, #tpu.memory_space<vmem>> -> memref<64xf32, #tpu.memory_space<vmem>>
      %dma_start3A_351 = arith.constant 0 : i32
      %dma_start3A_352 = tpu.memref_slice %arg5[%squeeze3A_343, %dma_start3A_351] : memref<1000000x64xf32, #tpu.memory_space<hbm>> -> memref<1x64xf32, #tpu.memory_space<hbm>>
      %dma_start3A_353 = tpu.memref_squeeze %dma_start3A_352 : memref<1x64xf32, #tpu.memory_space<hbm>> -> memref<64xf32, #tpu.memory_space<hbm>>
      %dma_start3A_354 = arith.constant 448 : i32
      %dma_start3A_355 = tpu.memref_slice %arg13[%add3A_347, %dma_start3A_354] : memref<64x512xf32, #tpu.memory_space<vmem>> -> memref<1x64xf32, #tpu.memory_space<vmem>>
      %dma_start3A_356 = tpu.memref_squeeze %dma_start3A_355 : memref<1x64xf32, #tpu.memory_space<vmem>> -> memref<64xf32, #tpu.memory_space<vmem>>
      %dma_start3A_357 = arith.constant 0 : i32
      %dma_start3A_358 = tpu.memref_slice %arg5[%squeeze3A_343, %dma_start3A_357] : memref<1000000x64xf32, #tpu.memory_space<hbm>> -> memref<1x64xf32, #tpu.memory_space<hbm>>
      %dma_start3A_359 = tpu.memref_squeeze %dma_start3A_358 : memref<1x64xf32, #tpu.memory_space<hbm>> -> memref<64xf32, #tpu.memory_space<hbm>>
      tpu.enqueue_dma source(%dma_start3A_359 : memref<64xf32, #tpu.memory_space<hbm>>) target(%dma_start3A_356 : memref<64xf32, #tpu.memory_space<vmem>>) target_semaphore(%arg16 : memref<!tpu.dma_semaphore, #tpu.memory_space<semaphore_mem>>)
    }
    %scan3A_44 = arith.constant 32 : i32
    %dma_start3A = arith.constant 0 : i32
    %dma_start3A_45 = tpu.memref_slice %arg8[%mul3A_4, %dma_start3A] : memref<2048x512xf32, #tpu.memory_space<hbm>> -> memref<64x512xf32, #tpu.memory_space<hbm>>
    %dma_start3A_46 = arith.constant 0 : i32
    %dma_start3A_47 = tpu.memref_slice %arg8[%mul3A_4, %dma_start3A_46] : memref<2048x512xf32, #tpu.memory_space<hbm>> -> memref<64x512xf32, #tpu.memory_space<hbm>>
    tpu.enqueue_dma source(%arg12 : memref<64x512xf32, #tpu.memory_space<vmem>>) target(%dma_start3A_47 : memref<64x512xf32, #tpu.memory_space<hbm>>) target_semaphore(%arg18 : memref<!tpu.dma_semaphore, #tpu.memory_space<semaphore_mem>>)
    %dma_wait3A_48 = arith.constant 0 : i32
    %dma_wait3A_49 = arith.constant 0 : i32
    %dma_wait3A_50 = tpu.memref_slice %arg8[%dma_wait3A_48, %dma_wait3A_49] : memref<2048x512xf32, #tpu.memory_space<hbm>> -> memref<64x512xf32, #tpu.memory_space<hbm>>
    %dma_wait3A_51 = arith.constant 0 : i32
    %dma_wait3A_52 = arith.constant 0 : i32
    %dma_wait3A_53 = tpu.memref_slice %arg8[%dma_wait3A_51, %dma_wait3A_52] : memref<2048x512xf32, #tpu.memory_space<hbm>> -> memref<64x512xf32, #tpu.memory_space<hbm>>
    tpu.wait_dma2 semaphore(%arg17 : memref<!tpu.dma_semaphore, #tpu.memory_space<semaphore_mem>>) src(%dma_wait3A_53 : memref<64x512xf32, #tpu.memory_space<hbm>>) dst(%arg14 : memref<64x512xf32, #tpu.memory_space<vmem>>)
    %dma_wait3A_54 = arith.constant 0 : i32
    %dma_wait3A_55 = arith.constant 0 : i32
    %dma_wait3A_56 = tpu.memref_slice %arg8[%dma_wait3A_54, %dma_wait3A_55] : memref<2048x512xf32, #tpu.memory_space<hbm>> -> memref<64x512xf32, #tpu.memory_space<hbm>>
    %dma_wait3A_57 = arith.constant 0 : i32
    %dma_wait3A_58 = arith.constant 0 : i32
    %dma_wait3A_59 = tpu.memref_slice %arg8[%dma_wait3A_57, %dma_wait3A_58] : memref<2048x512xf32, #tpu.memory_space<hbm>> -> memref<64x512xf32, #tpu.memory_space<hbm>>
    tpu.wait_dma2 semaphore(%arg16 : memref<!tpu.dma_semaphore, #tpu.memory_space<semaphore_mem>>) src(%dma_wait3A_59 : memref<64x512xf32, #tpu.memory_space<hbm>>) dst(%arg13 : memref<64x512xf32, #tpu.memory_space<vmem>>)
    %scan3A_60 = arith.constant 0 : i32
    %scan3A_61 = arith.constant 0 : i32
    %scan3A_62 = arith.constant 64 : i32
    %scan3A_63 = arith.addi %scan3A_61, %scan3A_62 : i32
    %scan3A_64 = arith.constant 1 : i32
    scf.for %scan3A_70 = %scan3A_61 to %scan3A_63 step %scan3A_64  : i32 {
      %get3A = arith.index_cast %scan3A_70 : i32 to index
      %get3A_71 = arith.constant 0 : index
      %get3A_72 = tpu.vector_load %arg14[%get3A, %get3A_71] {strides = array<i32>} : memref<64x512xf32, #tpu.memory_space<vmem>>, vector<16xf32>,
      %get3A_73 = arith.index_cast %scan3A_70 : i32 to index
      %get3A_74 = arith.constant 0 : index
      %get3A_75 = tpu.vector_load %arg13[%get3A_73, %get3A_74] {strides = array<i32>} : memref<64x512xf32, #tpu.memory_space<vmem>>, vector<16xf32>,
      %mul3A_76 = arith.mulf %get3A_72, %get3A_75 : vector<16xf32>
      %swap3A = arith.index_cast %scan3A_70 : i32 to index
      %swap3A_77 = arith.constant 0 : index
      %swap3A_78 = tpu.vector_load %arg14[%swap3A, %swap3A_77] {strides = array<i32>} : memref<64x512xf32, #tpu.memory_space<vmem>>, vector<16xf32>,
      tpu.vector_store %arg14[%swap3A, %swap3A_77], %mul3A_76 {strides = array<i32>} : memref<64x512xf32, #tpu.memory_space<vmem>>, vector<16xf32>,
      %get3A_79 = arith.index_cast %scan3A_70 : i32 to index
      %get3A_80 = arith.constant 16 : index
      %get3A_81 = tpu.vector_load %arg14[%get3A_79, %get3A_80] {strides = array<i32>} : memref<64x512xf32, #tpu.memory_space<vmem>>, vector<16xf32>,
      %get3A_82 = arith.index_cast %scan3A_70 : i32 to index
      %get3A_83 = arith.constant 16 : index
      %get3A_84 = tpu.vector_load %arg13[%get3A_82, %get3A_83] {strides = array<i32>} : memref<64x512xf32, #tpu.memory_space<vmem>>, vector<16xf32>,
      %mul3A_85 = arith.mulf %get3A_81, %get3A_84 : vector<16xf32>
      %swap3A_86 = arith.index_cast %scan3A_70 : i32 to index
      %swap3A_87 = arith.constant 16 : index
      %swap3A_88 = tpu.vector_load %arg14[%swap3A_86, %swap3A_87] {strides = array<i32>} : memref<64x512xf32, #tpu.memory_space<vmem>>, vector<16xf32>,
      tpu.vector_store %arg14[%swap3A_86, %swap3A_87], %mul3A_85 {strides = array<i32>} : memref<64x512xf32, #tpu.memory_space<vmem>>, vector<16xf32>,
      %get3A_89 = arith.index_cast %scan3A_70 : i32 to index
      %get3A_90 = arith.constant 32 : index
      %get3A_91 = tpu.vector_load %arg14[%get3A_89, %get3A_90] {strides = array<i32>} : memref<64x512xf32, #tpu.memory_space<vmem>>, vector<16xf32>,
      %get3A_92 = arith.index_cast %scan3A_70 : i32 to index
      %get3A_93 = arith.constant 32 : index
      %get3A_94 = tpu.vector_load %arg13[%get3A_92, %get3A_93] {strides = array<i32>} : memref<64x512xf32, #tpu.memory_space<vmem>>, vector<16xf32>,
      %mul3A_95 = arith.mulf %get3A_91, %get3A_94 : vector<16xf32>
      %swap3A_96 = arith.index_cast %scan3A_70 : i32 to index
      %swap3A_97 = arith.constant 32 : index
      %swap3A_98 = tpu.vector_load %arg14[%swap3A_96, %swap3A_97] {strides = array<i32>} : memref<64x512xf32, #tpu.memory_space<vmem>>, vector<16xf32>,
      tpu.vector_store %arg14[%swap3A_96, %swap3A_97], %mul3A_95 {strides = array<i32>} : memref<64x512xf32, #tpu.memory_space<vmem>>, vector<16xf32>,
      %get3A_99 = arith.index_cast %scan3A_70 : i32 to index
      %get3A_100 = arith.constant 48 : index
      %get3A_101 = tpu.vector_load %arg14[%get3A_99, %get3A_100] {strides = array<i32>} : memref<64x512xf32, #tpu.memory_space<vmem>>, vector<16xf32>,
      %get3A_102 = arith.index_cast %scan3A_70 : i32 to index
      %get3A_103 = arith.constant 48 : index
      %get3A_104 = tpu.vector_load %arg13[%get3A_102, %get3A_103] {strides = array<i32>} : memref<64x512xf32, #tpu.memory_space<vmem>>, vector<16xf32>,
      %mul3A_105 = arith.mulf %get3A_101, %get3A_104 : vector<16xf32>
      %swap3A_106 = arith.index_cast %scan3A_70 : i32 to index
      %swap3A_107 = arith.constant 48 : index
      %swap3A_108 = tpu.vector_load %arg14[%swap3A_106, %swap3A_107] {strides = array<i32>} : memref<64x512xf32, #tpu.memory_space<vmem>>, vector<16xf32>,
      tpu.vector_store %arg14[%swap3A_106, %swap3A_107], %mul3A_105 {strides = array<i32>} : memref<64x512xf32, #tpu.memory_space<vmem>>, vector<16xf32>,
      %get3A_109 = arith.index_cast %scan3A_70 : i32 to index
      %get3A_110 = arith.constant 64 : index
      %get3A_111 = tpu.vector_load %arg14[%get3A_109, %get3A_110] {strides = array<i32>} : memref<64x512xf32, #tpu.memory_space<vmem>>, vector<16xf32>,
      %get3A_112 = arith.index_cast %scan3A_70 : i32 to index
      %get3A_113 = arith.constant 64 : index
      %get3A_114 = tpu.vector_load %arg13[%get3A_112, %get3A_113] {strides = array<i32>} : memref<64x512xf32, #tpu.memory_space<vmem>>, vector<16xf32>,
      %mul3A_115 = arith.mulf %get3A_111, %get3A_114 : vector<16xf32>
      %swap3A_116 = arith.index_cast %scan3A_70 : i32 to index
      %swap3A_117 = arith.constant 64 : index
      %swap3A_118 = tpu.vector_load %arg14[%swap3A_116, %swap3A_117] {strides = array<i32>} : memref<64x512xf32, #tpu.memory_space<vmem>>, vector<16xf32>,
      tpu.vector_store %arg14[%swap3A_116, %swap3A_117], %mul3A_115 {strides = array<i32>} : memref<64x512xf32, #tpu.memory_space<vmem>>, vector<16xf32>,
      %get3A_119 = arith.index_cast %scan3A_70 : i32 to index
      %get3A_120 = arith.constant 80 : index
      %get3A_121 = tpu.vector_load %arg14[%get3A_119, %get3A_120] {strides = array<i32>} : memref<64x512xf32, #tpu.memory_space<vmem>>, vector<16xf32>,
      %get3A_122 = arith.index_cast %scan3A_70 : i32 to index
      %get3A_123 = arith.constant 80 : index
      %get3A_124 = tpu.vector_load %arg13[%get3A_122, %get3A_123] {strides = array<i32>} : memref<64x512xf32, #tpu.memory_space<vmem>>, vector<16xf32>,
      %mul3A_125 = arith.mulf %get3A_121, %get3A_124 : vector<16xf32>
      %swap3A_126 = arith.index_cast %scan3A_70 : i32 to index
      %swap3A_127 = arith.constant 80 : index
      %swap3A_128 = tpu.vector_load %arg14[%swap3A_126, %swap3A_127] {strides = array<i32>} : memref<64x512xf32, #tpu.memory_space<vmem>>, vector<16xf32>,
      tpu.vector_store %arg14[%swap3A_126, %swap3A_127], %mul3A_125 {strides = array<i32>} : memref<64x512xf32, #tpu.memory_space<vmem>>, vector<16xf32>,
      %get3A_129 = arith.index_cast %scan3A_70 : i32 to index
      %get3A_130 = arith.constant 96 : index
      %get3A_131 = tpu.vector_load %arg14[%get3A_129, %get3A_130] {strides = array<i32>} : memref<64x512xf32, #tpu.memory_space<vmem>>, vector<16xf32>,
      %get3A_132 = arith.index_cast %scan3A_70 : i32 to index
      %get3A_133 = arith.constant 96 : index
      %get3A_134 = tpu.vector_load %arg13[%get3A_132, %get3A_133] {strides = array<i32>} : memref<64x512xf32, #tpu.memory_space<vmem>>, vector<16xf32>,
      %mul3A_135 = arith.mulf %get3A_131, %get3A_134 : vector<16xf32>
      %swap3A_136 = arith.index_cast %scan3A_70 : i32 to index
      %swap3A_137 = arith.constant 96 : index
      %swap3A_138 = tpu.vector_load %arg14[%swap3A_136, %swap3A_137] {strides = array<i32>} : memref<64x512xf32, #tpu.memory_space<vmem>>, vector<16xf32>,
      tpu.vector_store %arg14[%swap3A_136, %swap3A_137], %mul3A_135 {strides = array<i32>} : memref<64x512xf32, #tpu.memory_space<vmem>>, vector<16xf32>,
      %get3A_139 = arith.index_cast %scan3A_70 : i32 to index
      %get3A_140 = arith.constant 112 : index
      %get3A_141 = tpu.vector_load %arg14[%get3A_139, %get3A_140] {strides = array<i32>} : memref<64x512xf32, #tpu.memory_space<vmem>>, vector<16xf32>,
      %get3A_142 = arith.index_cast %scan3A_70 : i32 to index
      %get3A_143 = arith.constant 112 : index
      %get3A_144 = tpu.vector_load %arg13[%get3A_142, %get3A_143] {strides = array<i32>} : memref<64x512xf32, #tpu.memory_space<vmem>>, vector<16xf32>,
      %mul3A_145 = arith.mulf %get3A_141, %get3A_144 : vector<16xf32>
      %swap3A_146 = arith.index_cast %scan3A_70 : i32 to index
      %swap3A_147 = arith.constant 112 : index
      %swap3A_148 = tpu.vector_load %arg14[%swap3A_146, %swap3A_147] {strides = array<i32>} : memref<64x512xf32, #tpu.memory_space<vmem>>, vector<16xf32>,
      tpu.vector_store %arg14[%swap3A_146, %swap3A_147], %mul3A_145 {strides = array<i32>} : memref<64x512xf32, #tpu.memory_space<vmem>>, vector<16xf32>,
      %get3A_149 = arith.index_cast %scan3A_70 : i32 to index
      %get3A_150 = arith.constant 128 : index
      %get3A_151 = tpu.vector_load %arg14[%get3A_149, %get3A_150] {strides = array<i32>} : memref<64x512xf32, #tpu.memory_space<vmem>>, vector<16xf32>,
      %get3A_152 = arith.index_cast %scan3A_70 : i32 to index
      %get3A_153 = arith.constant 128 : index
      %get3A_154 = tpu.vector_load %arg13[%get3A_152, %get3A_153] {strides = array<i32>} : memref<64x512xf32, #tpu.memory_space<vmem>>, vector<16xf32>,
      %mul3A_155 = arith.mulf %get3A_151, %get3A_154 : vector<16xf32>
      %swap3A_156 = arith.index_cast %scan3A_70 : i32 to index
      %swap3A_157 = arith.constant 128 : index
      %swap3A_158 = tpu.vector_load %arg14[%swap3A_156, %swap3A_157] {strides = array<i32>} : memref<64x512xf32, #tpu.memory_space<vmem>>, vector<16xf32>,
      tpu.vector_store %arg14[%swap3A_156, %swap3A_157], %mul3A_155 {strides = array<i32>} : memref<64x512xf32, #tpu.memory_space<vmem>>, vector<16xf32>,
      %get3A_159 = arith.index_cast %scan3A_70 : i32 to index
      %get3A_160 = arith.constant 144 : index
      %get3A_161 = tpu.vector_load %arg14[%get3A_159, %get3A_160] {strides = array<i32>} : memref<64x512xf32, #tpu.memory_space<vmem>>, vector<16xf32>,
      %get3A_162 = arith.index_cast %scan3A_70 : i32 to index
      %get3A_163 = arith.constant 144 : index
      %get3A_164 = tpu.vector_load %arg13[%get3A_162, %get3A_163] {strides = array<i32>} : memref<64x512xf32, #tpu.memory_space<vmem>>, vector<16xf32>,
      %mul3A_165 = arith.mulf %get3A_161, %get3A_164 : vector<16xf32>
      %swap3A_166 = arith.index_cast %scan3A_70 : i32 to index
      %swap3A_167 = arith.constant 144 : index
      %swap3A_168 = tpu.vector_load %arg14[%swap3A_166, %swap3A_167] {strides = array<i32>} : memref<64x512xf32, #tpu.memory_space<vmem>>, vector<16xf32>,
      tpu.vector_store %arg14[%swap3A_166, %swap3A_167], %mul3A_165 {strides = array<i32>} : memref<64x512xf32, #tpu.memory_space<vmem>>, vector<16xf32>,
      %get3A_169 = arith.index_cast %scan3A_70 : i32 to index
      %get3A_170 = arith.constant 160 : index
      %get3A_171 = tpu.vector_load %arg14[%get3A_169, %get3A_170] {strides = array<i32>} : memref<64x512xf32, #tpu.memory_space<vmem>>, vector<16xf32>,
      %get3A_172 = arith.index_cast %scan3A_70 : i32 to index
      %get3A_173 = arith.constant 160 : index
      %get3A_174 = tpu.vector_load %arg13[%get3A_172, %get3A_173] {strides = array<i32>} : memref<64x512xf32, #tpu.memory_space<vmem>>, vector<16xf32>,
      %mul3A_175 = arith.mulf %get3A_171, %get3A_174 : vector<16xf32>
      %swap3A_176 = arith.index_cast %scan3A_70 : i32 to index
      %swap3A_177 = arith.constant 160 : index
      %swap3A_178 = tpu.vector_load %arg14[%swap3A_176, %swap3A_177] {strides = array<i32>} : memref<64x512xf32, #tpu.memory_space<vmem>>, vector<16xf32>,
      tpu.vector_store %arg14[%swap3A_176, %swap3A_177], %mul3A_175 {strides = array<i32>} : memref<64x512xf32, #tpu.memory_space<vmem>>, vector<16xf32>,
      %get3A_179 = arith.index_cast %scan3A_70 : i32 to index
      %get3A_180 = arith.constant 176 : index
      %get3A_181 = tpu.vector_load %arg14[%get3A_179, %get3A_180] {strides = array<i32>} : memref<64x512xf32, #tpu.memory_space<vmem>>, vector<16xf32>,
      %get3A_182 = arith.index_cast %scan3A_70 : i32 to index
      %get3A_183 = arith.constant 176 : index
      %get3A_184 = tpu.vector_load %arg13[%get3A_182, %get3A_183] {strides = array<i32>} : memref<64x512xf32, #tpu.memory_space<vmem>>, vector<16xf32>,
      %mul3A_185 = arith.mulf %get3A_181, %get3A_184 : vector<16xf32>
      %swap3A_186 = arith.index_cast %scan3A_70 : i32 to index
      %swap3A_187 = arith.constant 176 : index
      %swap3A_188 = tpu.vector_load %arg14[%swap3A_186, %swap3A_187] {strides = array<i32>} : memref<64x512xf32, #tpu.memory_space<vmem>>, vector<16xf32>,
      tpu.vector_store %arg14[%swap3A_186, %swap3A_187], %mul3A_185 {strides = array<i32>} : memref<64x512xf32, #tpu.memory_space<vmem>>, vector<16xf32>,
      %get3A_189 = arith.index_cast %scan3A_70 : i32 to index
      %get3A_190 = arith.constant 192 : index
      %get3A_191 = tpu.vector_load %arg14[%get3A_189, %get3A_190] {strides = array<i32>} : memref<64x512xf32, #tpu.memory_space<vmem>>, vector<16xf32>,
      %get3A_192 = arith.index_cast %scan3A_70 : i32 to index
      %get3A_193 = arith.constant 192 : index
      %get3A_194 = tpu.vector_load %arg13[%get3A_192, %get3A_193] {strides = array<i32>} : memref<64x512xf32, #tpu.memory_space<vmem>>, vector<16xf32>,
      %mul3A_195 = arith.mulf %get3A_191, %get3A_194 : vector<16xf32>
      %swap3A_196 = arith.index_cast %scan3A_70 : i32 to index
      %swap3A_197 = arith.constant 192 : index
      %swap3A_198 = tpu.vector_load %arg14[%swap3A_196, %swap3A_197] {strides = array<i32>} : memref<64x512xf32, #tpu.memory_space<vmem>>, vector<16xf32>,
      tpu.vector_store %arg14[%swap3A_196, %swap3A_197], %mul3A_195 {strides = array<i32>} : memref<64x512xf32, #tpu.memory_space<vmem>>, vector<16xf32>,
      %get3A_199 = arith.index_cast %scan3A_70 : i32 to index
      %get3A_200 = arith.constant 208 : index
      %get3A_201 = tpu.vector_load %arg14[%get3A_199, %get3A_200] {strides = array<i32>} : memref<64x512xf32, #tpu.memory_space<vmem>>, vector<16xf32>,
      %get3A_202 = arith.index_cast %scan3A_70 : i32 to index
      %get3A_203 = arith.constant 208 : index
      %get3A_204 = tpu.vector_load %arg13[%get3A_202, %get3A_203] {strides = array<i32>} : memref<64x512xf32, #tpu.memory_space<vmem>>, vector<16xf32>,
      %mul3A_205 = arith.mulf %get3A_201, %get3A_204 : vector<16xf32>
      %swap3A_206 = arith.index_cast %scan3A_70 : i32 to index
      %swap3A_207 = arith.constant 208 : index
      %swap3A_208 = tpu.vector_load %arg14[%swap3A_206, %swap3A_207] {strides = array<i32>} : memref<64x512xf32, #tpu.memory_space<vmem>>, vector<16xf32>,
      tpu.vector_store %arg14[%swap3A_206, %swap3A_207], %mul3A_205 {strides = array<i32>} : memref<64x512xf32, #tpu.memory_space<vmem>>, vector<16xf32>,
      %get3A_209 = arith.index_cast %scan3A_70 : i32 to index
      %get3A_210 = arith.constant 224 : index
      %get3A_211 = tpu.vector_load %arg14[%get3A_209, %get3A_210] {strides = array<i32>} : memref<64x512xf32, #tpu.memory_space<vmem>>, vector<16xf32>,
      %get3A_212 = arith.index_cast %scan3A_70 : i32 to index
      %get3A_213 = arith.constant 224 : index
      %get3A_214 = tpu.vector_load %arg13[%get3A_212, %get3A_213] {strides = array<i32>} : memref<64x512xf32, #tpu.memory_space<vmem>>, vector<16xf32>,
      %mul3A_215 = arith.mulf %get3A_211, %get3A_214 : vector<16xf32>
      %swap3A_216 = arith.index_cast %scan3A_70 : i32 to index
      %swap3A_217 = arith.constant 224 : index
      %swap3A_218 = tpu.vector_load %arg14[%swap3A_216, %swap3A_217] {strides = array<i32>} : memref<64x512xf32, #tpu.memory_space<vmem>>, vector<16xf32>,
      tpu.vector_store %arg14[%swap3A_216, %swap3A_217], %mul3A_215 {strides = array<i32>} : memref<64x512xf32, #tpu.memory_space<vmem>>, vector<16xf32>,
      %get3A_219 = arith.index_cast %scan3A_70 : i32 to index
      %get3A_220 = arith.constant 240 : index
      %get3A_221 = tpu.vector_load %arg14[%get3A_219, %get3A_220] {strides = array<i32>} : memref<64x512xf32, #tpu.memory_space<vmem>>, vector<16xf32>,
      %get3A_222 = arith.index_cast %scan3A_70 : i32 to index
      %get3A_223 = arith.constant 240 : index
      %get3A_224 = tpu.vector_load %arg13[%get3A_222, %get3A_223] {strides = array<i32>} : memref<64x512xf32, #tpu.memory_space<vmem>>, vector<16xf32>,
      %mul3A_225 = arith.mulf %get3A_221, %get3A_224 : vector<16xf32>
      %swap3A_226 = arith.index_cast %scan3A_70 : i32 to index
      %swap3A_227 = arith.constant 240 : index
      %swap3A_228 = tpu.vector_load %arg14[%swap3A_226, %swap3A_227] {strides = array<i32>} : memref<64x512xf32, #tpu.memory_space<vmem>>, vector<16xf32>,
      tpu.vector_store %arg14[%swap3A_226, %swap3A_227], %mul3A_225 {strides = array<i32>} : memref<64x512xf32, #tpu.memory_space<vmem>>, vector<16xf32>,
      %get3A_229 = arith.index_cast %scan3A_70 : i32 to index
      %get3A_230 = arith.constant 256 : index
      %get3A_231 = tpu.vector_load %arg14[%get3A_229, %get3A_230] {strides = array<i32>} : memref<64x512xf32, #tpu.memory_space<vmem>>, vector<16xf32>,
      %get3A_232 = arith.index_cast %scan3A_70 : i32 to index
      %get3A_233 = arith.constant 256 : index
      %get3A_234 = tpu.vector_load %arg13[%get3A_232, %get3A_233] {strides = array<i32>} : memref<64x512xf32, #tpu.memory_space<vmem>>, vector<16xf32>,
      %mul3A_235 = arith.mulf %get3A_231, %get3A_234 : vector<16xf32>
      %swap3A_236 = arith.index_cast %scan3A_70 : i32 to index
      %swap3A_237 = arith.constant 256 : index
      %swap3A_238 = tpu.vector_load %arg14[%swap3A_236, %swap3A_237] {strides = array<i32>} : memref<64x512xf32, #tpu.memory_space<vmem>>, vector<16xf32>,
      tpu.vector_store %arg14[%swap3A_236, %swap3A_237], %mul3A_235 {strides = array<i32>} : memref<64x512xf32, #tpu.memory_space<vmem>>, vector<16xf32>,
      %get3A_239 = arith.index_cast %scan3A_70 : i32 to index
      %get3A_240 = arith.constant 272 : index
      %get3A_241 = tpu.vector_load %arg14[%get3A_239, %get3A_240] {strides = array<i32>} : memref<64x512xf32, #tpu.memory_space<vmem>>, vector<16xf32>,
      %get3A_242 = arith.index_cast %scan3A_70 : i32 to index
      %get3A_243 = arith.constant 272 : index
      %get3A_244 = tpu.vector_load %arg13[%get3A_242, %get3A_243] {strides = array<i32>} : memref<64x512xf32, #tpu.memory_space<vmem>>, vector<16xf32>,
      %mul3A_245 = arith.mulf %get3A_241, %get3A_244 : vector<16xf32>
      %swap3A_246 = arith.index_cast %scan3A_70 : i32 to index
      %swap3A_247 = arith.constant 272 : index
      %swap3A_248 = tpu.vector_load %arg14[%swap3A_246, %swap3A_247] {strides = array<i32>} : memref<64x512xf32, #tpu.memory_space<vmem>>, vector<16xf32>,
      tpu.vector_store %arg14[%swap3A_246, %swap3A_247], %mul3A_245 {strides = array<i32>} : memref<64x512xf32, #tpu.memory_space<vmem>>, vector<16xf32>,
      %get3A_249 = arith.index_cast %scan3A_70 : i32 to index
      %get3A_250 = arith.constant 288 : index
      %get3A_251 = tpu.vector_load %arg14[%get3A_249, %get3A_250] {strides = array<i32>} : memref<64x512xf32, #tpu.memory_space<vmem>>, vector<16xf32>,
      %get3A_252 = arith.index_cast %scan3A_70 : i32 to index
      %get3A_253 = arith.constant 288 : index
      %get3A_254 = tpu.vector_load %arg13[%get3A_252, %get3A_253] {strides = array<i32>} : memref<64x512xf32, #tpu.memory_space<vmem>>, vector<16xf32>,
      %mul3A_255 = arith.mulf %get3A_251, %get3A_254 : vector<16xf32>
      %swap3A_256 = arith.index_cast %scan3A_70 : i32 to index
      %swap3A_257 = arith.constant 288 : index
      %swap3A_258 = tpu.vector_load %arg14[%swap3A_256, %swap3A_257] {strides = array<i32>} : memref<64x512xf32, #tpu.memory_space<vmem>>, vector<16xf32>,
      tpu.vector_store %arg14[%swap3A_256, %swap3A_257], %mul3A_255 {strides = array<i32>} : memref<64x512xf32, #tpu.memory_space<vmem>>, vector<16xf32>,
      %get3A_259 = arith.index_cast %scan3A_70 : i32 to index
      %get3A_260 = arith.constant 304 : index
      %get3A_261 = tpu.vector_load %arg14[%get3A_259, %get3A_260] {strides = array<i32>} : memref<64x512xf32, #tpu.memory_space<vmem>>, vector<16xf32>,
      %get3A_262 = arith.index_cast %scan3A_70 : i32 to index
      %get3A_263 = arith.constant 304 : index
      %get3A_264 = tpu.vector_load %arg13[%get3A_262, %get3A_263] {strides = array<i32>} : memref<64x512xf32, #tpu.memory_space<vmem>>, vector<16xf32>,
      %mul3A_265 = arith.mulf %get3A_261, %get3A_264 : vector<16xf32>
      %swap3A_266 = arith.index_cast %scan3A_70 : i32 to index
      %swap3A_267 = arith.constant 304 : index
      %swap3A_268 = tpu.vector_load %arg14[%swap3A_266, %swap3A_267] {strides = array<i32>} : memref<64x512xf32, #tpu.memory_space<vmem>>, vector<16xf32>,
      tpu.vector_store %arg14[%swap3A_266, %swap3A_267], %mul3A_265 {strides = array<i32>} : memref<64x512xf32, #tpu.memory_space<vmem>>, vector<16xf32>,
      %get3A_269 = arith.index_cast %scan3A_70 : i32 to index
      %get3A_270 = arith.constant 320 : index
      %get3A_271 = tpu.vector_load %arg14[%get3A_269, %get3A_270] {strides = array<i32>} : memref<64x512xf32, #tpu.memory_space<vmem>>, vector<16xf32>,
      %get3A_272 = arith.index_cast %scan3A_70 : i32 to index
      %get3A_273 = arith.constant 320 : index
      %get3A_274 = tpu.vector_load %arg13[%get3A_272, %get3A_273] {strides = array<i32>} : memref<64x512xf32, #tpu.memory_space<vmem>>, vector<16xf32>,
      %mul3A_275 = arith.mulf %get3A_271, %get3A_274 : vector<16xf32>
      %swap3A_276 = arith.index_cast %scan3A_70 : i32 to index
      %swap3A_277 = arith.constant 320 : index
      %swap3A_278 = tpu.vector_load %arg14[%swap3A_276, %swap3A_277] {strides = array<i32>} : memref<64x512xf32, #tpu.memory_space<vmem>>, vector<16xf32>,
      tpu.vector_store %arg14[%swap3A_276, %swap3A_277], %mul3A_275 {strides = array<i32>} : memref<64x512xf32, #tpu.memory_space<vmem>>, vector<16xf32>,
      %get3A_279 = arith.index_cast %scan3A_70 : i32 to index
      %get3A_280 = arith.constant 336 : index
      %get3A_281 = tpu.vector_load %arg14[%get3A_279, %get3A_280] {strides = array<i32>} : memref<64x512xf32, #tpu.memory_space<vmem>>, vector<16xf32>,
      %get3A_282 = arith.index_cast %scan3A_70 : i32 to index
      %get3A_283 = arith.constant 336 : index
      %get3A_284 = tpu.vector_load %arg13[%get3A_282, %get3A_283] {strides = array<i32>} : memref<64x512xf32, #tpu.memory_space<vmem>>, vector<16xf32>,
      %mul3A_285 = arith.mulf %get3A_281, %get3A_284 : vector<16xf32>
      %swap3A_286 = arith.index_cast %scan3A_70 : i32 to index
      %swap3A_287 = arith.constant 336 : index
      %swap3A_288 = tpu.vector_load %arg14[%swap3A_286, %swap3A_287] {strides = array<i32>} : memref<64x512xf32, #tpu.memory_space<vmem>>, vector<16xf32>,
      tpu.vector_store %arg14[%swap3A_286, %swap3A_287], %mul3A_285 {strides = array<i32>} : memref<64x512xf32, #tpu.memory_space<vmem>>, vector<16xf32>,
      %get3A_289 = arith.index_cast %scan3A_70 : i32 to index
      %get3A_290 = arith.constant 352 : index
      %get3A_291 = tpu.vector_load %arg14[%get3A_289, %get3A_290] {strides = array<i32>} : memref<64x512xf32, #tpu.memory_space<vmem>>, vector<16xf32>,
      %get3A_292 = arith.index_cast %scan3A_70 : i32 to index
      %get3A_293 = arith.constant 352 : index
      %get3A_294 = tpu.vector_load %arg13[%get3A_292, %get3A_293] {strides = array<i32>} : memref<64x512xf32, #tpu.memory_space<vmem>>, vector<16xf32>,
      %mul3A_295 = arith.mulf %get3A_291, %get3A_294 : vector<16xf32>
      %swap3A_296 = arith.index_cast %scan3A_70 : i32 to index
      %swap3A_297 = arith.constant 352 : index
      %swap3A_298 = tpu.vector_load %arg14[%swap3A_296, %swap3A_297] {strides = array<i32>} : memref<64x512xf32, #tpu.memory_space<vmem>>, vector<16xf32>,
      tpu.vector_store %arg14[%swap3A_296, %swap3A_297], %mul3A_295 {strides = array<i32>} : memref<64x512xf32, #tpu.memory_space<vmem>>, vector<16xf32>,
      %get3A_299 = arith.index_cast %scan3A_70 : i32 to index
      %get3A_300 = arith.constant 368 : index
      %get3A_301 = tpu.vector_load %arg14[%get3A_299, %get3A_300] {strides = array<i32>} : memref<64x512xf32, #tpu.memory_space<vmem>>, vector<16xf32>,
      %get3A_302 = arith.index_cast %scan3A_70 : i32 to index
      %get3A_303 = arith.constant 368 : index
      %get3A_304 = tpu.vector_load %arg13[%get3A_302, %get3A_303] {strides = array<i32>} : memref<64x512xf32, #tpu.memory_space<vmem>>, vector<16xf32>,
      %mul3A_305 = arith.mulf %get3A_301, %get3A_304 : vector<16xf32>
      %swap3A_306 = arith.index_cast %scan3A_70 : i32 to index
      %swap3A_307 = arith.constant 368 : index
      %swap3A_308 = tpu.vector_load %arg14[%swap3A_306, %swap3A_307] {strides = array<i32>} : memref<64x512xf32, #tpu.memory_space<vmem>>, vector<16xf32>,
      tpu.vector_store %arg14[%swap3A_306, %swap3A_307], %mul3A_305 {strides = array<i32>} : memref<64x512xf32, #tpu.memory_space<vmem>>, vector<16xf32>,
      %get3A_309 = arith.index_cast %scan3A_70 : i32 to index
      %get3A_310 = arith.constant 384 : index
      %get3A_311 = tpu.vector_load %arg14[%get3A_309, %get3A_310] {strides = array<i32>} : memref<64x512xf32, #tpu.memory_space<vmem>>, vector<16xf32>,
      %get3A_312 = arith.index_cast %scan3A_70 : i32 to index
      %get3A_313 = arith.constant 384 : index
      %get3A_314 = tpu.vector_load %arg13[%get3A_312, %get3A_313] {strides = array<i32>} : memref<64x512xf32, #tpu.memory_space<vmem>>, vector<16xf32>,
      %mul3A_315 = arith.mulf %get3A_311, %get3A_314 : vector<16xf32>
      %swap3A_316 = arith.index_cast %scan3A_70 : i32 to index
      %swap3A_317 = arith.constant 384 : index
      %swap3A_318 = tpu.vector_load %arg14[%swap3A_316, %swap3A_317] {strides = array<i32>} : memref<64x512xf32, #tpu.memory_space<vmem>>, vector<16xf32>,
      tpu.vector_store %arg14[%swap3A_316, %swap3A_317], %mul3A_315 {strides = array<i32>} : memref<64x512xf32, #tpu.memory_space<vmem>>, vector<16xf32>,
      %get3A_319 = arith.index_cast %scan3A_70 : i32 to index
      %get3A_320 = arith.constant 400 : index
      %get3A_321 = tpu.vector_load %arg14[%get3A_319, %get3A_320] {strides = array<i32>} : memref<64x512xf32, #tpu.memory_space<vmem>>, vector<16xf32>,
      %get3A_322 = arith.index_cast %scan3A_70 : i32 to index
      %get3A_323 = arith.constant 400 : index
      %get3A_324 = tpu.vector_load %arg13[%get3A_322, %get3A_323] {strides = array<i32>} : memref<64x512xf32, #tpu.memory_space<vmem>>, vector<16xf32>,
      %mul3A_325 = arith.mulf %get3A_321, %get3A_324 : vector<16xf32>
      %swap3A_326 = arith.index_cast %scan3A_70 : i32 to index
      %swap3A_327 = arith.constant 400 : index
      %swap3A_328 = tpu.vector_load %arg14[%swap3A_326, %swap3A_327] {strides = array<i32>} : memref<64x512xf32, #tpu.memory_space<vmem>>, vector<16xf32>,
      tpu.vector_store %arg14[%swap3A_326, %swap3A_327], %mul3A_325 {strides = array<i32>} : memref<64x512xf32, #tpu.memory_space<vmem>>, vector<16xf32>,
      %get3A_329 = arith.index_cast %scan3A_70 : i32 to index
      %get3A_330 = arith.constant 416 : index
      %get3A_331 = tpu.vector_load %arg14[%get3A_329, %get3A_330] {strides = array<i32>} : memref<64x512xf32, #tpu.memory_space<vmem>>, vector<16xf32>,
      %get3A_332 = arith.index_cast %scan3A_70 : i32 to index
      %get3A_333 = arith.constant 416 : index
      %get3A_334 = tpu.vector_load %arg13[%get3A_332, %get3A_333] {strides = array<i32>} : memref<64x512xf32, #tpu.memory_space<vmem>>, vector<16xf32>,
      %mul3A_335 = arith.mulf %get3A_331, %get3A_334 : vector<16xf32>
      %swap3A_336 = arith.index_cast %scan3A_70 : i32 to index
      %swap3A_337 = arith.constant 416 : index
      %swap3A_338 = tpu.vector_load %arg14[%swap3A_336, %swap3A_337] {strides = array<i32>} : memref<64x512xf32, #tpu.memory_space<vmem>>, vector<16xf32>,
      tpu.vector_store %arg14[%swap3A_336, %swap3A_337], %mul3A_335 {strides = array<i32>} : memref<64x512xf32, #tpu.memory_space<vmem>>, vector<16xf32>,
      %get3A_339 = arith.index_cast %scan3A_70 : i32 to index
      %get3A_340 = arith.constant 432 : index
      %get3A_341 = tpu.vector_load %arg14[%get3A_339, %get3A_340] {strides = array<i32>} : memref<64x512xf32, #tpu.memory_space<vmem>>, vector<16xf32>,
      %get3A_342 = arith.index_cast %scan3A_70 : i32 to index
      %get3A_343 = arith.constant 432 : index
      %get3A_344 = tpu.vector_load %arg13[%get3A_342, %get3A_343] {strides = array<i32>} : memref<64x512xf32, #tpu.memory_space<vmem>>, vector<16xf32>,
      %mul3A_345 = arith.mulf %get3A_341, %get3A_344 : vector<16xf32>
      %swap3A_346 = arith.index_cast %scan3A_70 : i32 to index
      %swap3A_347 = arith.constant 432 : index
      %swap3A_348 = tpu.vector_load %arg14[%swap3A_346, %swap3A_347] {strides = array<i32>} : memref<64x512xf32, #tpu.memory_space<vmem>>, vector<16xf32>,
      tpu.vector_store %arg14[%swap3A_346, %swap3A_347], %mul3A_345 {strides = array<i32>} : memref<64x512xf32, #tpu.memory_space<vmem>>, vector<16xf32>,
      %get3A_349 = arith.index_cast %scan3A_70 : i32 to index
      %get3A_350 = arith.constant 448 : index
      %get3A_351 = tpu.vector_load %arg14[%get3A_349, %get3A_350] {strides = array<i32>} : memref<64x512xf32, #tpu.memory_space<vmem>>, vector<16xf32>,
      %get3A_352 = arith.index_cast %scan3A_70 : i32 to index
      %get3A_353 = arith.constant 448 : index
      %get3A_354 = tpu.vector_load %arg13[%get3A_352, %get3A_353] {strides = array<i32>} : memref<64x512xf32, #tpu.memory_space<vmem>>, vector<16xf32>,
      %mul3A_355 = arith.mulf %get3A_351, %get3A_354 : vector<16xf32>
      %swap3A_356 = arith.index_cast %scan3A_70 : i32 to index
      %swap3A_357 = arith.constant 448 : index
      %swap3A_358 = tpu.vector_load %arg14[%swap3A_356, %swap3A_357] {strides = array<i32>} : memref<64x512xf32, #tpu.memory_space<vmem>>, vector<16xf32>,
      tpu.vector_store %arg14[%swap3A_356, %swap3A_357], %mul3A_355 {strides = array<i32>} : memref<64x512xf32, #tpu.memory_space<vmem>>, vector<16xf32>,
      %get3A_359 = arith.index_cast %scan3A_70 : i32 to index
      %get3A_360 = arith.constant 464 : index
      %get3A_361 = tpu.vector_load %arg14[%get3A_359, %get3A_360] {strides = array<i32>} : memref<64x512xf32, #tpu.memory_space<vmem>>, vector<16xf32>,
      %get3A_362 = arith.index_cast %scan3A_70 : i32 to index
      %get3A_363 = arith.constant 464 : index
      %get3A_364 = tpu.vector_load %arg13[%get3A_362, %get3A_363] {strides = array<i32>} : memref<64x512xf32, #tpu.memory_space<vmem>>, vector<16xf32>,
      %mul3A_365 = arith.mulf %get3A_361, %get3A_364 : vector<16xf32>
      %swap3A_366 = arith.index_cast %scan3A_70 : i32 to index
      %swap3A_367 = arith.constant 464 : index
      %swap3A_368 = tpu.vector_load %arg14[%swap3A_366, %swap3A_367] {strides = array<i32>} : memref<64x512xf32, #tpu.memory_space<vmem>>, vector<16xf32>,
      tpu.vector_store %arg14[%swap3A_366, %swap3A_367], %mul3A_365 {strides = array<i32>} : memref<64x512xf32, #tpu.memory_space<vmem>>, vector<16xf32>,
      %get3A_369 = arith.index_cast %scan3A_70 : i32 to index
      %get3A_370 = arith.constant 480 : index
      %get3A_371 = tpu.vector_load %arg14[%get3A_369, %get3A_370] {strides = array<i32>} : memref<64x512xf32, #tpu.memory_space<vmem>>, vector<16xf32>,
      %get3A_372 = arith.index_cast %scan3A_70 : i32 to index
      %get3A_373 = arith.constant 480 : index
      %get3A_374 = tpu.vector_load %arg13[%get3A_372, %get3A_373] {strides = array<i32>} : memref<64x512xf32, #tpu.memory_space<vmem>>, vector<16xf32>,
      %mul3A_375 = arith.mulf %get3A_371, %get3A_374 : vector<16xf32>
      %swap3A_376 = arith.index_cast %scan3A_70 : i32 to index
      %swap3A_377 = arith.constant 480 : index
      %swap3A_378 = tpu.vector_load %arg14[%swap3A_376, %swap3A_377] {strides = array<i32>} : memref<64x512xf32, #tpu.memory_space<vmem>>, vector<16xf32>,
      tpu.vector_store %arg14[%swap3A_376, %swap3A_377], %mul3A_375 {strides = array<i32>} : memref<64x512xf32, #tpu.memory_space<vmem>>, vector<16xf32>,
      %get3A_379 = arith.index_cast %scan3A_70 : i32 to index
      %get3A_380 = arith.constant 496 : index
      %get3A_381 = tpu.vector_load %arg14[%get3A_379, %get3A_380] {strides = array<i32>} : memref<64x512xf32, #tpu.memory_space<vmem>>, vector<16xf32>,
      %get3A_382 = arith.index_cast %scan3A_70 : i32 to index
      %get3A_383 = arith.constant 496 : index
      %get3A_384 = tpu.vector_load %arg13[%get3A_382, %get3A_383] {strides = array<i32>} : memref<64x512xf32, #tpu.memory_space<vmem>>, vector<16xf32>,
      %mul3A_385 = arith.mulf %get3A_381, %get3A_384 : vector<16xf32>
      %swap3A_386 = arith.index_cast %scan3A_70 : i32 to index
      %swap3A_387 = arith.constant 496 : index
      %swap3A_388 = tpu.vector_load %arg14[%swap3A_386, %swap3A_387] {strides = array<i32>} : memref<64x512xf32, #tpu.memory_space<vmem>>, vector<16xf32>,
      tpu.vector_store %arg14[%swap3A_386, %swap3A_387], %mul3A_385 {strides = array<i32>} : memref<64x512xf32, #tpu.memory_space<vmem>>, vector<16xf32>,
    }
    %scan3A_65 = arith.constant 64 : i32
    %dma_wait3A_66 = arith.constant 0 : i32
    %dma_wait3A_67 = tpu.memref_slice %arg8[%mul3A_4, %dma_wait3A_66] : memref<2048x512xf32, #tpu.memory_space<hbm>> -> memref<64x512xf32, #tpu.memory_space<hbm>>
    %dma_wait3A_68 = arith.constant 0 : i32
    %dma_wait3A_69 = tpu.memref_slice %arg8[%mul3A_4, %dma_wait3A_68] : memref<2048x512xf32, #tpu.memory_space<hbm>> -> memref<64x512xf32, #tpu.memory_space<hbm>>
    tpu.wait_dma2 semaphore(%arg18 : memref<!tpu.dma_semaphore, #tpu.memory_space<semaphore_mem>>) src(%arg12 : memref<64x512xf32, #tpu.memory_space<vmem>>) dst(%dma_wait3A_69 : memref<64x512xf32, #tpu.memory_space<hbm>>)
    "tpu.region"() ({
      %run_scoped3A = tpu.sem_alloc : memref<!tpu.dma_semaphore, #tpu.memory_space<semaphore_mem>>
      %dma_start3A_70 = arith.constant 0 : i32
      %dma_start3A_71 = tpu.memref_slice %arg9[%mul3A_4, %dma_start3A_70] : memref<2048x512xf32, #tpu.memory_space<hbm>> -> memref<64x512xf32, #tpu.memory_space<hbm>>
      %dma_start3A_72 = arith.constant 0 : i32
      %dma_start3A_73 = tpu.memref_slice %arg9[%mul3A_4, %dma_start3A_72] : memref<2048x512xf32, #tpu.memory_space<hbm>> -> memref<64x512xf32, #tpu.memory_space<hbm>>
      tpu.enqueue_dma source(%arg14 : memref<64x512xf32, #tpu.memory_space<vmem>>) target(%dma_start3A_73 : memref<64x512xf32, #tpu.memory_space<hbm>>) target_semaphore(%run_scoped3A : memref<!tpu.dma_semaphore, #tpu.memory_space<semaphore_mem>>)
      %dma_wait3A_74 = arith.constant 0 : i32
      %dma_wait3A_75 = tpu.memref_slice %arg9[%mul3A_4, %dma_wait3A_74] : memref<2048x512xf32, #tpu.memory_space<hbm>> -> memref<64x512xf32, #tpu.memory_space<hbm>>
      %dma_wait3A_76 = arith.constant 0 : i32
      %dma_wait3A_77 = tpu.memref_slice %arg9[%mul3A_4, %dma_wait3A_76] : memref<2048x512xf32, #tpu.memory_space<hbm>> -> memref<64x512xf32, #tpu.memory_space<hbm>>
      tpu.wait_dma2 semaphore(%run_scoped3A : memref<!tpu.dma_semaphore, #tpu.memory_space<semaphore_mem>>) src(%arg14 : memref<64x512xf32, #tpu.memory_space<vmem>>) dst(%dma_wait3A_77 : memref<64x512xf32, #tpu.memory_space<hbm>>)
      tpu.yield
    }) : () -> ()
    return
  }
}

module attributes {stable_mosaic.version = 14 : i64} {
  func.func @_tc_dense_body(%arg0: i32, %arg1: memref<256x512xf32, #tpu.memory_space<vmem>>, %arg2: memref<256x512xf32, #tpu.memory_space<vmem>>, %arg3: memref<512x256xf32, #tpu.memory_space<vmem>>, %arg4: memref<1x256xf32, #tpu.memory_space<vmem>>, %arg5: memref<256x512xf32, #tpu.memory_space<vmem>>, %arg6: memref<1x512xf32, #tpu.memory_space<vmem>>, %arg7: memref<512x8xf32, #tpu.memory_space<vmem>>, %arg8: memref<512x8xf32, #tpu.memory_space<vmem>>, %arg9: memref<1x1xf32, #tpu.memory_space<vmem>>, %arg10: memref<256x8xf32, #tpu.memory_space<vmem>>) attributes {dimension_semantics = [#tpu.dimension_semantics<arbitrary>], iteration_bounds = array<i64: 8>, scalar_prefetch = 0 : i64, scratch_operands = 0 : i64, tpu.core_type = #tpu.core_type<tc>, window_params = [{transform_indices = @transform_0, window_bounds = array<i64: 256, 512>}, {transform_indices = @transform_1, window_bounds = array<i64: 256, 512>}, {pipeline_mode = #tpu.pipeline_mode<synchronous>, transform_indices = @transform_2, window_bounds = array<i64: 512, 256>}, {pipeline_mode = #tpu.pipeline_mode<synchronous>, transform_indices = @transform_3, window_bounds = array<i64: 1, 256>}, {pipeline_mode = #tpu.pipeline_mode<synchronous>, transform_indices = @transform_4, window_bounds = array<i64: 256, 512>}, {pipeline_mode = #tpu.pipeline_mode<synchronous>, transform_indices = @transform_5, window_bounds = array<i64: 1, 512>}, {pipeline_mode = #tpu.pipeline_mode<synchronous>, transform_indices = @transform_6, window_bounds = array<i64: 512, 8>}, {pipeline_mode = #tpu.pipeline_mode<synchronous>, transform_indices = @transform_7, window_bounds = array<i64: 512, 8>}, {pipeline_mode = #tpu.pipeline_mode<synchronous>, transform_indices = @transform_8, window_bounds = array<i64: 1, 1>}, {transform_indices = @transform_9, window_bounds = array<i64: 256, 8>}]} {
    %get3A = arith.constant 0 : index
    %get3A_0 = arith.constant 0 : index
    %get3A_1 = vector.load %arg2[%get3A, %get3A_0] : memref<256x512xf32, #tpu.memory_space<vmem>>, vector<256x512xf32>
    %get3A_2 = arith.constant 0 : index
    %get3A_3 = arith.constant 0 : index
    %get3A_4 = vector.load %arg3[%get3A_2, %get3A_3] : memref<512x256xf32, #tpu.memory_space<vmem>>, vector<512x256xf32>
    %dot_general3A = arith.constant dense<0.000000e+00> : vector<256x256xf32>
    %dot_general3A_5 = tpu.matmul %get3A_1, %get3A_4, %dot_general3A {dimension_numbers = #tpu.dot_dimension_numbers<[1], [0], [0], [1], [0, 0, 1, 1], [], []>, transpose_lhs_hint = false} : vector<256x512xf32>, vector<512x256xf32>, vector<256x256xf32> -> vector<256x256xf32>
    %get3A_6 = arith.constant 0 : index
    %get3A_7 = arith.constant 0 : index
    %get3A_8 = vector.load %arg4[%get3A_6, %get3A_7] : memref<1x256xf32, #tpu.memory_space<vmem>>, vector<1x256xf32>
    %add3A = vector.broadcast %get3A_8 : vector<1x256xf32> to vector<256x256xf32>
    %add3A_9 = arith.addf %dot_general3A_5, %add3A : vector<256x256xf32>
    %max3A = arith.constant 0.000000e+00 : f32
    %max3A_10 = vector.broadcast %max3A : f32 to vector<256x256xf32>
    %max3A_11 = arith.maximumf %add3A_9, %max3A_10 : vector<256x256xf32>
    %get3A_12 = arith.constant 0 : index
    %get3A_13 = arith.constant 0 : index
    %get3A_14 = vector.load %arg5[%get3A_12, %get3A_13] : memref<256x512xf32, #tpu.memory_space<vmem>>, vector<256x512xf32>
    %dot_general3A_15 = arith.constant dense<0.000000e+00> : vector<256x512xf32>
    %dot_general3A_16 = tpu.matmul %max3A_11, %get3A_14, %dot_general3A_15 {dimension_numbers = #tpu.dot_dimension_numbers<[1], [0], [0], [1], [0, 0, 1, 1], [], []>, transpose_lhs_hint = false} : vector<256x256xf32>, vector<256x512xf32>, vector<256x512xf32> -> vector<256x512xf32>
    %get3A_17 = arith.constant 0 : index
    %get3A_18 = arith.constant 0 : index
    %get3A_19 = vector.load %arg6[%get3A_17, %get3A_18] : memref<1x512xf32, #tpu.memory_space<vmem>>, vector<1x512xf32>
    %add3A_20 = vector.broadcast %get3A_19 : vector<1x512xf32> to vector<256x512xf32>
    %add3A_21 = arith.addf %dot_general3A_16, %add3A_20 : vector<256x512xf32>
    %max3A_22 = arith.constant 0.000000e+00 : f32
    %max3A_23 = vector.broadcast %max3A_22 : f32 to vector<256x512xf32>
    %max3A_24 = arith.maximumf %add3A_21, %max3A_23 : vector<256x512xf32>
    %get3A_25 = arith.constant 0 : index
    %get3A_26 = arith.constant 0 : index
    %get3A_27 = vector.load %arg1[%get3A_25, %get3A_26] : memref<256x512xf32, #tpu.memory_space<vmem>>, vector<256x512xf32>
    %get3A_28 = arith.constant 0 : index
    %get3A_29 = arith.constant 0 : index
    %get3A_30 = vector.load %arg7[%get3A_28, %get3A_29] : memref<512x8xf32, #tpu.memory_space<vmem>>, vector<512x8xf32>
    %dot_general3A_31 = arith.constant dense<0.000000e+00> : vector<256x8xf32>
    %dot_general3A_32 = tpu.matmul %get3A_27, %get3A_30, %dot_general3A_31 {dimension_numbers = #tpu.dot_dimension_numbers<[1], [0], [0], [1], [0, 0, 1, 1], [], []>, transpose_lhs_hint = false} : vector<256x512xf32>, vector<512x8xf32>, vector<256x8xf32> -> vector<256x8xf32>
    %get3A_33 = arith.constant 0 : index
    %get3A_34 = arith.constant 0 : index
    %get3A_35 = vector.load %arg8[%get3A_33, %get3A_34] : memref<512x8xf32, #tpu.memory_space<vmem>>, vector<512x8xf32>
    %dot_general3A_36 = arith.constant dense<0.000000e+00> : vector<256x8xf32>
    %dot_general3A_37 = tpu.matmul %max3A_24, %get3A_35, %dot_general3A_36 {dimension_numbers = #tpu.dot_dimension_numbers<[1], [0], [0], [1], [0, 0, 1, 1], [], []>, transpose_lhs_hint = false} : vector<256x512xf32>, vector<512x8xf32>, vector<256x8xf32> -> vector<256x8xf32>
    %add3A_38 = arith.addf %dot_general3A_32, %dot_general3A_37 : vector<256x8xf32>
    %get3A_39 = arith.constant 0 : index
    %get3A_40 = arith.constant 0 : index
    %get3A_41 = vector.load %arg9[%get3A_39, %get3A_40] : memref<1x1xf32, #tpu.memory_space<vmem>>, vector<1x1xf32>
    %get3A_42 = vector.extract %get3A_41[0, 0] : f32 from vector<1x1xf32>
    %add3A_43 = vector.broadcast %get3A_42 : f32 to vector<256x8xf32>
    %add3A_44 = arith.addf %add3A_38, %add3A_43 : vector<256x8xf32>
    %swap3A = arith.constant 0 : index
    %swap3A_45 = arith.constant 0 : index
    %swap3A_46 = vector.load %arg10[%swap3A, %swap3A_45] : memref<256x8xf32, #tpu.memory_space<vmem>>, vector<256x8xf32>
    tpu.vector_store %arg10[%swap3A, %swap3A_45], %add3A_44 {strides = array<i32>} : memref<256x8xf32, #tpu.memory_space<vmem>>, vector<256x8xf32>,
    return
  }
  func.func @transform_0(%arg0: i32) -> (i32, i32) {
    %c0_i32 = arith.constant 0 : i32
    %c0_i32_0 = arith.constant 0 : i32
    return %arg0, %c0_i32 : i32, i32
  }
  func.func @transform_1(%arg0: i32) -> (i32, i32) {
    %c0_i32 = arith.constant 0 : i32
    %c0_i32_0 = arith.constant 0 : i32
    return %arg0, %c0_i32 : i32, i32
  }
  func.func @transform_2(%arg0: i32) -> (i32, i32) {
    %c0_i32 = arith.constant 0 : i32
    %c0_i32_0 = arith.constant 0 : i32
    %c0_i32_1 = arith.constant 0 : i32
    return %c0_i32, %c0_i32_0 : i32, i32
  }
  func.func @transform_3(%arg0: i32) -> (i32, i32) {
    %c0_i32 = arith.constant 0 : i32
    %c0_i32_0 = arith.constant 0 : i32
    %c0_i32_1 = arith.constant 0 : i32
    return %c0_i32, %c0_i32_0 : i32, i32
  }
  func.func @transform_4(%arg0: i32) -> (i32, i32) {
    %c0_i32 = arith.constant 0 : i32
    %c0_i32_0 = arith.constant 0 : i32
    %c0_i32_1 = arith.constant 0 : i32
    return %c0_i32, %c0_i32_0 : i32, i32
  }
  func.func @transform_5(%arg0: i32) -> (i32, i32) {
    %c0_i32 = arith.constant 0 : i32
    %c0_i32_0 = arith.constant 0 : i32
    %c0_i32_1 = arith.constant 0 : i32
    return %c0_i32, %c0_i32_0 : i32, i32
  }
  func.func @transform_6(%arg0: i32) -> (i32, i32) {
    %c0_i32 = arith.constant 0 : i32
    %c0_i32_0 = arith.constant 0 : i32
    %c0_i32_1 = arith.constant 0 : i32
    return %c0_i32, %c0_i32_0 : i32, i32
  }
  func.func @transform_7(%arg0: i32) -> (i32, i32) {
    %c0_i32 = arith.constant 0 : i32
    %c0_i32_0 = arith.constant 0 : i32
    %c0_i32_1 = arith.constant 0 : i32
    return %c0_i32, %c0_i32_0 : i32, i32
  }
  func.func @transform_8(%arg0: i32) -> (i32, i32) {
    %c0_i32 = arith.constant 0 : i32
    %c0_i32_0 = arith.constant 0 : i32
    %c0_i32_1 = arith.constant 0 : i32
    return %c0_i32, %c0_i32_0 : i32, i32
  }
  func.func @transform_9(%arg0: i32) -> (i32, i32) {
    %c0_i32 = arith.constant 0 : i32
    %c0_i32_0 = arith.constant 0 : i32
    return %arg0, %c0_i32 : i32, i32
  }
}

</mosaic_0001>

<sc_bundles>
// kernel: kernel.4.cloned.1.call-start
scs
__scs_entry_jumppad:
0x0: {  	(pc) =	sbr.rel $0x88, $3  }
0x1: {  	(tag) =	ssettag $0x0;
	lr =	simm.s32 $0x1  }
0x2: {  	[smem:$0x3F95] =	sst lr;
	_ =	strace $0xD0000000  }
0x3: {  	_ = 	snop  }
0x4: {  	_ = 	snop  }
0x5: {  	_ = 	snop  }
0x6: {  	_ = 	snop  }
0x7: {  	_ = 	snop  }
__scs_overlays_trampoline_lowered:
0x8: {  	[smem:$0x3FA4] =	sst s0  }
0x9: {  	[smem:$0x3FA5] =	sst s1  }
0xa: {  	[smem:$0x3FA6] =	sst s2  }
0xb: {  	[smem:$0x3FA7] =	sst s3  }
0xc: {  	[smem:$0x3FA8] =	sst s4  }
0xd: {  	[smem:$0x3FA9] =	sst s5  }
0xe: {  	[smem:$0x3FAA] =	sst s6  }
0xf: {  	[smem:$0x3FAB] =	sst s7  }
0x10: {  	[smem:$0x3FAC] =	sst s8  }
0x11: {  	[smem:$0x3FAD] =	sst s9;
	s0 =	simm.s32 @!p0 $0x0  }
0x12: {  	s1 =	sld [smem:$0x3F93];
	s0 =	simm.s32 @p0 $0x1  }
0x13: {  	[smem:$0x3FAE] =	sst s0;
	s0 =	simm.s32 @!p1 $0x0  }
0x14: {  	s2 =	sld [smem:$0x3F92];
	s0 =	simm.s32 @p1 $0x1  }
0x15: {  	[smem:$0x3FAF] =	sst s0;
	s0 =	simm.s32 @!p2 $0x0  }
0x16: {  	s3 =	sld [smem:$0x3FDB];
	s0 =	simm.s32 @p2 $0x1  }
0x17: {  	s4 =	simm.s32 $0x1BF5;
	[smem:$0x3FB1] =	sst s0  }
0x18: {  	s0 =	sld [smem:$0x3F94];
	_ =	swait.ge [sflag:s4], $0x0  }
0x19: {  	s7 =	sld [smem:$0x3F95]  }
0x1a: {  	s8 =	sadd.s32 $0xFFFFE003, lr  }
0x1b: {  	s9 =	sadd.s32 $0xFFFFFEF7, lr;
	s5 =	simm.s32 $0xFFFFFFFF;
	p2 =	slt.u32 s8, $0xFFFFF086  }
0x1c: {  	p1 =	slt.u32 s9, $0xF7A;
	s5 =	simm.s32 @!p2 $0x0  }
0x1d: {  	s5 =	simm.s32 @p1 $0x1;
	p0 =	seq.s32 s7, s2  }
0x1e: {  	s7 =	smul.u32 @!p0 $0xF7A, s2;
	p2 =	seq.s32 @!p0 s5, $0x0  }
0x1f: {  	s9 =	smul.u32 $0xF7A, s1;
	s8 =	simm.s32 @!p0 $0x1BF5;
	p2 =	por !p2, p0  }
0x20: {  	[sflag:s8] =	ssyncset.s32 @!p0 $0xFFFFF086;
	s6 =	sadd.s32 @!p0 s3, s7;
	s7 =	simm.s32 @!p0 $0x108  }
0x21: {  	s3 =	sadd.s32 s3, s9;
	s6 =	sadd.s32 @!p0 $0x88, s6;
	s7 =	simm.s32 @p2 $0x1082  }
0x22: {  	[simem:s7], [sflag:s8] =	dma.local @!p0 [hbm:s6], $0xF7A  }
0x23: {  	s9 =	sor.u32 $0xD0000000, s2;
	s6 =	simm.s32 $0x108;
	_ =	swait.ge @!p0 [sflag:s8], $0x0  }
0x24: {  	s3 =	sadd.s32 $0x88, s3;
	s6 =	simm.s32 @!p1 $0x1082;
	[sflag:s4] =	ssyncset.s32 $0xFFFFF086  }
0x25: {  	[simem:s6], [sflag:s4] =	dma.local [hbm:s3], $0xF7A  }
0x26: {  	[smem:$0x3F95] =	sst s1;
	(tag) =	ssettag s2;
	_ =	strace s9  }
0x27: {  	s1 =	sld [smem:$0x3FA5]  }
0x28: {  	s2 =	sld [smem:$0x3FA6]  }
0x29: {  	s4 =	sld [smem:$0x3FA8]  }
0x2a: {  	p0 =	seq.s32 s5, $0x0;
	s5 =	sld [smem:$0x3FA9]  }
0x2b: {  	s6 =	sld [smem:$0x3FAA]  }
0x2c: {  	s7 =	sld [smem:$0x3FAB]  }
0x2d: {  	s3 =	simm.s32 $0x108;
	s8 =	sld [smem:$0x3FAC]  }
0x2e: {  	s3 =	simm.s32 @!p0 $0x1082;
	s9 =	sld [smem:$0x3FAD]  }
0x2f: {  	lr =	sadd.s32 s0, s3;
	s0 =	sld [smem:$0x3FA4]  }
0x30: {  	s3 =	sld [smem:$0x3FA7]  }
0x31: {  	[smem:$0x3FB0] =	sst s10  }
0x32: {  	s10 =	sld [smem:$0x3FAE];
	_ =	sdelay $0x3  }
0x33: {  	p0 =	seq.s32 s10, $0x1;
	s10 =	sld [smem:$0x3FB0];
	_ =	sdelay $0x3  }
0x34: {  	[smem:$0x3FB0] =	sst s10  }
0x35: {  	s10 =	sld [smem:$0x3FAF];
	_ =	sdelay $0x3  }
0x36: {  	p1 =	seq.s32 s10, $0x1;
	s10 =	sld [smem:$0x3FB0];
	_ =	sdelay $0x3  }
0x37: {  	[smem:$0x3FB0] =	sst s10  }
0x38: {  	s10 =	sld [smem:$0x3FB1]  }
0x39: {  	_ = 	snop;
	(pc) =	sbr.ind lr, $3  }
0x3a: {  	_ = 	snop  }
0x3b: {  	_ = 	snop  }
0x3c: {  	p2 =	seq.s32 s10, $0x1;
	s10 =	sld [smem:$0x3FB0]  }
0x3d: {  	_ =	shalt  }
0x3e: {  	_ =	shalt  }
0x3f: {  	_ =	shalt  }
0x40: {  	_ =	shalt  }
0x41: {  	_ =	shalt  }
0x42: {  	_ =	shalt  }
0x43: {  	_ =	shalt  }
0x44: {  	_ =	shalt  }
0x45: {  	_ =	shalt  }
0x46: {  	_ =	shalt  }
0x47: {  	_ =	shalt  }
0x48: {  	_ =	shalt  }
0x49: {  	_ =	shalt  }
0x4a: {  	_ =	shalt  }
0x4b: {  	_ =	shalt  }
0x4c: {  	_ =	shalt  }
0x4d: {  	_ =	shalt  }
0x4e: {  	_ =	shalt  }
0x4f: {  	_ =	shalt  }
0x50: {  	_ =	shalt  }
0x51: {  	_ =	shalt  }
0x52: {  	_ =	shalt  }
0x53: {  	_ =	shalt  }
0x54: {  	_ =	shalt  }
0x55: {  	_ =	shalt  }
0x56: {  	_ =	shalt  }
0x57: {  	_ =	shalt  }
0x58: {  	_ =	shalt  }
0x59: {  	_ =	shalt  }
0x5a: {  	_ =	shalt  }
0x5b: {  	_ =	shalt  }
0x5c: {  	_ =	shalt  }
0x5d: {  	_ =	shalt  }
0x5e: {  	_ =	shalt  }
0x5f: {  	_ =	shalt  }
0x60: {  	_ =	shalt  }
0x61: {  	_ =	shalt  }
0x62: {  	_ =	shalt  }
0x63: {  	_ =	shalt  }
0x64: {  	_ =	shalt  }
0x65: {  	_ =	shalt  }
0x66: {  	_ =	shalt  }
0x67: {  	_ =	shalt  }
0x68: {  	_ =	shalt  }
0x69: {  	_ =	shalt  }
0x6a: {  	_ =	shalt  }
0x6b: {  	_ =	shalt  }
0x6c: {  	_ =	shalt  }
0x6d: {  	_ =	shalt  }
0x6e: {  	_ =	shalt  }
0x6f: {  	_ =	shalt  }
0x70: {  	_ =	shalt  }
0x71: {  	_ =	shalt  }
0x72: {  	_ =	shalt  }
0x73: {  	_ =	shalt  }
0x74: {  	_ =	shalt  }
0x75: {  	_ =	shalt  }
0x76: {  	_ =	shalt  }
0x77: {  	_ =	shalt  }
0x78: {  	_ =	shalt  }
0x79: {  	_ =	shalt  }
0x7a: {  	_ =	shalt  }
0x7b: {  	_ =	shalt  }
0x7c: {  	_ =	shalt  }
0x7d: {  	_ =	shalt  }
0x7e: {  	_ =	shalt  }
0x7f: {  	_ =	shalt  }
0x80: {  	_ =	shalt  }
0x81: {  	_ =	shalt  }
0x82: {  	_ =	shalt  }
0x83: {  	_ =	shalt  }
0x84: {  	_ =	shalt  }
0x85: {  	_ =	shalt  }
0x86: {  	_ =	shalt  }
0x87: {  	_ =	shalt  }
.Lfunc_end0:
.L_simem_size_0:
called_computation_lowered:
.L_overlay_start_0:
0x88: {  	s2 =	sld [smem:$0x3FD9]  }
0x89: {  	s3 =	sld [smem:$0x3FFE];
	_ =	sdelay $0x1  }
0x8a: {  	s1 =	srdreg.scid  }
0x8b: {  	s0 =	sand.u32 $0x1, s1  }
0x8c: {  	s17 =	sshll.u32 s0, $0xA;
	s2 =	sadd.s32 s3, s2  }
0x8d: {  	s2 =	sadd.s32 s2, s17  }
0x8e: {  	[smem:$0x3FBC] =	sst s2  }
0x8f: {  	_ = 	snop  }
0x90: {  	s2 =	sld [smem:$0x3FC9]  }
0x91: {  	s18 =	sld [smem:$0x3FC8];
	(tm) =	ssettm $0x1  }
0x92: {  	s4 =	sld [smem:$0x3FFB];
	_ =	sdelay $0x3  }
0x93: {  	_ =	strace s4  }
0x94: {  	s4 =	sld [smem:$0x3FFC];
	_ =	sdelay $0x3  }
0x95: {  	_ =	strace s4  }
0x96: {  	s4 =	sld [smem:$0x3FFD];
	_ =	sdelay $0x3  }
0x97: {  	_ =	strace s4  }
0x98: {  	_ =	strace $0x8FFFFFFF  }
0x99: {  	s19 =	sld [smem:$0x3FDB];
	_ =	sdelay $0x1  }
0x9a: {  	s5 =	simm.s32 $_scs_section_size  }
0x9b: {  	s6 =	simm.s32 $_size__tile_overlayer_lowered;
	s7 =	simm.s32 $_tile_overlayer_lowered  }
0x9c: {  	s22 =	simm.s32 $0x1BFF;
	s21 =	sshll.u32 s7, $0x1;
	s4 =	sadd.s32 s5, s19  }
0x9d: {  	s8 =	simm.s32 $0x0;
	s20 =	sshll.u32 s6, $0x1;
	s6 =	sadd.s32 s21, s4  }
0x9e: {  	[timem:s8], [sflag:s22] =	dma.local [hbm:s6], s20  }
0x9f: {  	_ =	swait.ge [sflag:s22], s20  }
0xa0: {  	s5 =	ssub.s32 $0x0, s20;
	[sflag:s22] =	ssyncset.done $0x0  }
0xa1: {  	[sflag:s22] =	ssyncadd.s32 s5;
	_ =	sdelay $0x1  }
0xa2: {  	s23 =	simm.s32 $0x1B8B  }
0xa3: {  	_ =	swait.ge [sflag:s23], $0x1  }
0xa4: {  	[sflag:s23] =	ssyncset.done $0x0  }
0xa5: {  	s25 =	simm.s32 $0x1B8E;
	s24 =	sld [smem:$0x3FFE];
	[sflag:s23] =	ssyncadd.s32 $0xFFFFFFFF  }
0xa6: {  	s26 =	simm.s32 $execute0_lowered;
	[smem:$0x3FD2] =	sst s25  }
0xa7: {  	s6 =	sshll.u32 s26, $0x1;
	_ =	strace $0x80000046;
	[dreg:$0x1] =	wrdreg $0xFFFFFFFF  }
0xa8: {  	s28 =	simm.s32 $_size_execute0_lowered;
	s4 =	sadd.s32 s4, s6;
	[dreg:$0x0] =	wrdreg $0x0  }
0xa9: {  	s6 =	sshll.u32 s28, $0x1;
	[dreg:$0x2] =	wrdreg s4  }
0xaa: {  	[dreg:$0x3] =	wrdreg s6  }
0xab: {  	[dreg:$0x4] =	wrdreg $0xC0  }
0xac: {  	_ =	task [dreg:s8], $0x5FFFF  }
0xad: {  	[dreg:$0x1] =	wrdreg $0xFFFFFFFF  }
0xae: {  	[dreg:$0x0] =	wrdreg $0x60  }
0xaf: {  	[dreg:$0x2] =	wrdreg s24  }
0xb0: {  	[dreg:$0x3] =	wrdreg s2  }
0xb1: {  	[dreg:$0x4] =	wrdreg s18  }
0xb2: {  	[dreg:$0x5] =	wrdreg $0x9  }
0xb3: {  	_ =	task.clear_ibuf [dreg:s8], $0x6FFFF;
	_ =	strace $0x90000046  }
0xb4: {  	s29 =	simm.s32 $0x9;
	_ =	strace $0x80000048  }
0xb5: {  	_ =	swait.ge [sflag:s29], $0x1  }
0xb6: {  	[sflag:s29] =	ssyncadd.s32 $0xFFFFFFFF  }
0xb7: {  	_ =	strace $0x90000048  }
0xb8: {  	_ =	sfence  }
0xb9: {  	s30 =	sld [smem:$0x0];
	_ =	sdelay $0x2  }
0xba: {  	s31 =	sshll.u32 s1, $0xD;
	s1 =	sshrl.u32 s1, $0x2  }
0xbb: {  	s3 =	sand.u32 $0x4000, s31;
	s1 =	sadd.s32 s1, s30  }
0xbc: {  	s0 =	sor.u32 s3, s0;
	s1 =	sshll.u32 s1, $0x11  }
0xbd: {  	s0 =	sor.u32 s1, s0  }
0xbe: {  	s0 =	sadd.s32 $0x8F2B, s0  }
0xbf: {  	[sflag:s0] =	ssyncadd.remote.s32 $0x1  }
0xc0: {  	_ =	sfence.sel $0xFFFF  }
0xc1: {  	[dreg:$0x0] =	wrdreg $0xFFFFFFFF;
	(pc) =	sbr.abs _section_cstart, $3  }
0xc2: {  	[dreg:$0x1] =	wrdreg $0xFFFFFFFF  }
0xc3: {  	_ =	task.clear_ibuf [dreg:s8], $0x2FFFF;
	_ =	strace $0x9FFFFFFF  }
0xc4: {  	(tm) =	ssettm $0x7FFFFFFF  }
0xc5: {  	_ =	shalt  }
tec
execute0_lowered:
.L_overlay_start_1:
0x0: {  	(tag) =	ssettag $0x1  }
0x1: {  	s0 =	rddreg [dreg:$0x0]  }
0x2: {  	s2 =	rddreg [dreg:$0x1]  }
0x3: {  	s7 =	rddreg [dreg:$0x2]  }
0x4: {  	s1 =	simm.s32 $0x0;
	s5 =	srdreg.scid;
	s8 =	stileid.u32  }
0x5: {  	s12 =	simm.s32 $0x5;
	s14 =	simm.s32 $0x80;
	[smem:$0x7FF] =	sst s1  }
0x6: {  	s3 =	sadd.s32 $0x1C00, s0;
	s6 =	sand.u32 $0x1, s5;
	s8 =	sshll.u32 s8, $0x1  }
0x7: {  	s4 =	sadd.s32 $0xF44000, s0;
	s5 =	sadd.s32 $0x1E86400, s0;
	s8 =	sor.u32 s6, s8  }
0x8: {  	_ =	strace $0x80000047;
	s10 =	sshll.u32 s8, $0xC;
	s8 =	sshll.u32 s8, $0x6  }
0x9: {  	s9 =	ssub.s32 $0x2, s6;
	s6 =	sadd.s32 $0x2DC8800, s0;
	s2 =	sadd.s32 s2, s8  }
0xa: {  	s0 =	sadd.s32 s10, s0;
	s29 =	sadd.s32 s7, s8;
	[dreg:$0x4] =	wrdreg s2  }
0xb: {  	s11 =	sshrl.u32 s9, $0x1;
	[dreg:$0x5] =	wrdreg s29;
	s30 =	sadd.s32 $0x3D0AC00, s0  }
0xc: {  	s11 =	ssub.s32 s9, s11;
	s0 =	sadd.s32 $0x3D2AC00, s0;
	[dreg:$0x6] =	wrdreg s30  }
0xd: {  	s15 =	simm.s32 $0x400;
	s31 =	smax.u32 s11, $0x1;
	[dreg:$0x7] =	wrdreg s0  }
0xe: {  	s17 =	simm.s32 $0x2;
	s21 =	simm.s32 $0x0;
	[dreg:$0x8] =	wrdreg s31  }
.LBB2_1:
0xf: {  	s0 =	rddreg [dreg:$0x4]  }
0x10: {  	[tilespmem:s1], [sflag:$0x5] =	stream.linear.gather [hbm4b:s0+s1], $0x200, $0x38;
	[tilespmem:$0x18400] =	vst v63  }
0x11: {  	_ =	swait.ge [sflag:s12], $0x200  }
0x12: {  	[sflag:s12] =	ssyncset.done $0x0  }
0x13: {  	s2 =	simm.s32 $0x200;
	s28 =	rddreg [dreg:$0x5];
	[sflag:s12] =	ssyncadd.s32 $0xFFFFFE00  }
0x14: {  	[tilespmem:s2], [sflag:$0x5] =	stream.linear.gather [hbm4b:s28+s1], $0x200, $0x38;
	[tilespmem:$0x18400] =	vst v63  }
0x15: {  	_ =	swait.ge [sflag:s12], $0x200  }
0x16: {  	[sflag:s12] =	ssyncset.done $0x0  }
0x17: {  	[sflag:s12] =	ssyncadd.s32 $0xFFFFFE00  }
0x18: {  	v0 =	vld [tilespmem:s1+$0x0];
	_ =	sdelay $0x4  }
0x19: {  	v0 =	vshll.u32 v0, $0x4  }
0x1a: {  	(v2sf) =	vpush v0, $0x1  }
0x1b: {  	(v2sf) =	vpush v0, $0x0;
	_ =	sdelay $0x3  }
0x1c: {  	(v2sf) =	vpush v0, $0x3;
	_ =	sdelay $0x1  }
0x1d: {  	(v2sf) =	vpush v0, $0x2;
	_ =	sdelay $0x7  }
0x1e: {  	(v2sf) =	vpush v0, $0x4;
	s29 =	spop (v2sf)  }
0x1f: {  	s30 =	sand.u32 $0x7000, s1;
	s7 =	sand.u32 $0x300, s1;
	s13 =	spop (v2sf)  }
0x20: {  	s0 =	sor.u32 s7, s30;
	s31 =	sand.u32 $0x1FFFFFF0, s13  }
0x21: {  	s8 =	sor.u32 $0x400, s0;
	s7 =	sadd.s32 s3, s31  }
0x22: {  	(v2sf) =	vpush v0, $0x5;
	[tilespmem:s8], [sflag:$0x1] =	stream.strided.gather [hbm4b:s7+s14], $0x0, s15, s14, $0x38;
	[tilespmem:$0x18400] =	vst v63  }
0x23: {  	s2 =	sand.u32 $0x1FFFFFF0, s29;
	s20 =	spop (v2sf)  }
0x24: {  	[tilespmem:s8], [sflag:$0x1] =	stream.linear.gather [hbm4b:s7+s1], $0x40, $0x38;
	[tilespmem:$0x18400] =	vst v63  }
0x25: {  	s9 =	sor.u32 $0x440, s0;
	s2 =	sadd.s32 s3, s2;
	s10 =	spop (v2sf)  }
0x26: {  	(v2sf) =	vpush v0, $0x6;
	[tilespmem:s9], [sflag:$0x1] =	stream.strided.gather [hbm4b:s2+s14], $0x0, s15, s14, $0x38;
	[tilespmem:$0x18400] =	vst v63  }
0x27: {  	s13 =	sand.u32 $0x1FFFFFF0, s10  }
0x28: {  	(v2sf) =	vpush v0, $0x7;
	[tilespmem:s9], [sflag:$0x1] =	stream.linear.gather [hbm4b:s2+s1], $0x40, $0x38;
	[tilespmem:$0x18400] =	vst v63  }
0x29: {  	s11 =	sor.u32 $0x800, s0;
	s16 =	sadd.s32 s3, s13  }
0x2a: {  	[tilespmem:s11], [sflag:$0x1] =	stream.strided.gather [hbm4b:s16+s14], $0x0, s15, s14, $0x38;
	[tilespmem:$0x18400] =	vst v63  }
0x2b: {  	s18 =	sand.u32 $0x1FFFFFF0, s20  }
0x2c: {  	[tilespmem:s11], [sflag:$0x1] =	stream.linear.gather [hbm4b:s16+s1], $0x40, $0x38;
	[tilespmem:$0x18400] =	vst v63  }
0x2d: {  	s20 =	sor.u32 $0x840, s0;
	s19 =	spop (v2sf);
	s13 =	sadd.s32 s3, s18  }
0x2e: {  	(v2sf) =	vpush v0, $0x8;
	[tilespmem:s20], [sflag:$0x1] =	stream.strided.gather [hbm4b:s13+s14], $0x0, s15, s14, $0x38;
	[tilespmem:$0x18400] =	vst v63  }
0x2f: {  	s23 =	sand.u32 $0x3, s1;
	s2 =	sand.u32 $0x1FFFFFF0, s19  }
0x30: {  	[tilespmem:s20], [sflag:$0x1] =	stream.linear.gather [hbm4b:s13+s1], $0x40, $0x38;
	[tilespmem:$0x18400] =	vst v63  }
0x31: {  	s24 =	sor.u32 $0xC00, s0;
	s2 =	sadd.s32 s3, s2;
	s22 =	spop (v2sf)  }
0x32: {  	(v2sf) =	vpush v0, $0x9;
	[tilespmem:s24], [sflag:$0x1] =	stream.strided.gather [hbm4b:s2+s14], $0x0, s15, s14, $0x38;
	[tilespmem:$0x18400] =	vst v63  }
0x33: {  	s25 =	sor.u32 $0xC40, s0;
	s7 =	sshll.u32 s23, $0x8;
	s20 =	sand.u32 $0x1FFFFFF0, s22  }
0x34: {  	[tilespmem:s24], [sflag:$0x1] =	stream.linear.gather [hbm4b:s2+s1], $0x40, $0x38;
	[tilespmem:$0x18400] =	vst v63  }
0x35: {  	s22 =	spop (v2sf);
	s26 =	sadd.s32 s3, s20;
	s2 =	sadd.s32 $0x0, s7  }
0x36: {  	(v2sf) =	vpush v0, $0xA;
	[tilespmem:s25], [sflag:$0x1] =	stream.strided.gather [hbm4b:s26+s14], $0x0, s15, s14, $0x38;
	[tilespmem:$0x18400] =	vst v63  }
0x37: {  	s28 =	sand.u32 $0x1FFFFFF0, s22;
	s30 =	spop (v2sf);
	s29 =	sor.u32 $0xC00, s2  }
0x38: {  	(v2sf) =	vpush v0, $0xB;
	[tilespmem:s25], [sflag:$0x1] =	stream.linear.gather [hbm4b:s26+s1], $0x40, $0x38;
	[tilespmem:$0x18400] =	vst v63  }
0x39: {  	s20 =	sadd.s32 s3, s28;
	s31 =	sadd.s32 $0x400, s29  }
0x3a: {  	[tilespmem:s31], [sflag:$0x1] =	stream.strided.gather [hbm4b:s20+s14], $0x0, s15, s14, $0x38;
	[tilespmem:$0x18400] =	vst v63  }
0x3b: {  	s7 =	sand.u32 $0x1FFFFFF0, s30;
	s8 =	sor.u32 $0xC40, s2  }
0x3c: {  	[tilespmem:s31], [sflag:$0x1] =	stream.linear.gather [hbm4b:s20+s1], $0x40, $0x38;
	[tilespmem:$0x18400] =	vst v63  }
0x3d: {  	s9 =	spop (v2sf);
	s7 =	sadd.s32 s3, s7;
	s10 =	sadd.s32 $0x400, s8  }
0x3e: {  	(v2sf) =	vpush v0, $0xC;
	[tilespmem:s10], [sflag:$0x1] =	stream.strided.gather [hbm4b:s7+s14], $0x0, s15, s14, $0x38;
	[tilespmem:$0x18400] =	vst v63  }
0x3f: {  	s13 =	sand.u32 $0x1FFFFFF0, s9  }
0x40: {  	[tilespmem:s10], [sflag:$0x1] =	stream.linear.gather [hbm4b:s7+s1], $0x40, $0x38;
	[tilespmem:$0x18400] =	vst v63  }
0x41: {  	s16 =	sor.u32 $0x480, s0;
	s13 =	sadd.s32 s3, s13;
	s11 =	spop (v2sf)  }
0x42: {  	(v2sf) =	vpush v0, $0xD;
	[tilespmem:s16], [sflag:$0x1] =	stream.strided.gather [hbm4b:s13+s14], $0x0, s15, s14, $0x38;
	[tilespmem:$0x18400] =	vst v63  }
0x43: {  	s7 =	sand.u32 $0x1FFFFFF0, s11  }
0x44: {  	[tilespmem:s16], [sflag:$0x1] =	stream.linear.gather [hbm4b:s13+s1], $0x40, $0x38;
	[tilespmem:$0x18400] =	vst v63  }
0x45: {  	s19 =	sor.u32 $0x4C0, s0;
	s18 =	spop (v2sf);
	s7 =	sadd.s32 s3, s7  }
0x46: {  	(v2sf) =	vpush v0, $0xE;
	[tilespmem:s19], [sflag:$0x1] =	stream.strided.gather [hbm4b:s7+s14], $0x0, s15, s14, $0x38;
	[tilespmem:$0x18400] =	vst v63  }
0x47: {  	s20 =	spop (v2sf);
	s13 =	sand.u32 $0x1FFFFFF0, s18  }
0x48: {  	(v2sf) =	vpush v0, $0xF;
	[tilespmem:s19], [sflag:$0x1] =	stream.linear.gather [hbm4b:s7+s1], $0x40, $0x38;
	[tilespmem:$0x18400] =	vst v63  }
0x49: {  	s22 =	sor.u32 $0x880, s0;
	s2 =	sadd.s32 $0x80, s2;
	s13 =	sadd.s32 s3, s13  }
0x4a: {  	[tilespmem:s22], [sflag:$0x1] =	stream.strided.gather [hbm4b:s13+s14], $0x0, s15, s14, $0x38;
	[tilespmem:$0x18400] =	vst v63  }
0x4b: {  	s24 =	sor.u32 $0x8C0, s0;
	s29 =	sor.u32 $0xC00, s2;
	s7 =	sand.u32 $0x1FFFFFF0, s20  }
0x4c: {  	[tilespmem:s22], [sflag:$0x1] =	stream.linear.gather [hbm4b:s13+s1], $0x40, $0x38;
	[tilespmem:$0x18400] =	vst v63  }
0x4d: {  	s2 =	sor.u32 $0xC40, s2;
	s23 =	spop (v2sf);
	s7 =	sadd.s32 s3, s7  }
0x4e: {  	[tilespmem:s24], [sflag:$0x1] =	stream.strided.gather [hbm4b:s7+s14], $0x0, s15, s14, $0x38;
	[tilespmem:$0x18400] =	vst v63  }
0x4f: {  	s2 =	sadd.s32 $0x400, s2;
	s13 =	sand.u32 $0x1FFFFFF0, s23  }
0x50: {  	[tilespmem:s24], [sflag:$0x1] =	stream.linear.gather [hbm4b:s7+s1], $0x40, $0x38;
	[tilespmem:$0x18400] =	vst v63  }
0x51: {  	s26 =	sor.u32 $0xC80, s0;
	s25 =	spop (v2sf);
	s13 =	sadd.s32 s3, s13  }
0x52: {  	[tilespmem:s26], [sflag:$0x1] =	stream.strided.gather [hbm4b:s13+s14], $0x0, s15, s14, $0x38;
	[tilespmem:$0x18400] =	vst v63  }
0x53: {  	s0 =	sor.u32 $0xCC0, s0;
	s31 =	sadd.s32 $0x400, s29;
	s7 =	sand.u32 $0x1FFFFFF0, s25  }
0x54: {  	[tilespmem:s26], [sflag:$0x1] =	stream.linear.gather [hbm4b:s13+s1], $0x40, $0x38;
	[tilespmem:$0x18400] =	vst v63  }
0x55: {  	s23 =	simm.s32 $0x100;
	s28 =	spop (v2sf);
	s7 =	sadd.s32 s3, s7  }
0x56: {  	[tilespmem:s0], [sflag:$0x1] =	stream.strided.gather [hbm4b:s7+s14], $0x0, s15, s14, $0x38;
	[tilespmem:$0x18400] =	vst v63  }
0x57: {  	s22 =	simm.s32 $0x0;
	s30 =	spop (v2sf);
	s13 =	sand.u32 $0x1FFFFFF0, s28  }
0x58: {  	[tilespmem:s0], [sflag:$0x1] =	stream.linear.gather [hbm4b:s7+s1], $0x40, $0x38;
	[tilespmem:$0x18400] =	vst v63  }
0x59: {  	s24 =	simm.s32 $0x0;
	s13 =	sadd.s32 s3, s13;
	s0 =	sand.u32 $0x1FFFFFF0, s30  }
0x5a: {  	[tilespmem:s31], [sflag:$0x1] =	stream.strided.gather [hbm4b:s13+s14], $0x0, s15, s14, $0x38;
	[tilespmem:$0x18400] =	vst v63  }
0x5b: {  	s25 =	simm.s32 $0x0;
	s26 =	simm.s32 $0x0;
	s20 =	sadd.s32 s3, s0  }
0x5c: {  	[tilespmem:s31], [sflag:$0x1] =	stream.linear.gather [hbm4b:s13+s1], $0x40, $0x38;
	[tilespmem:$0x18400] =	vst v63  }
.LBB2_2:
0x5d: {  	s24 =	sadd.s32 $0x400, s24;
	s25 =	sadd.s32 $0x1, s25;
	s26 =	sadd.s32 $0x10, s26  }
0x5e: {  	[tilespmem:s2], [sflag:$0x1] =	stream.strided.gather [hbm4b:s20+s14], $0x0, s15, s14, $0x38;
	[tilespmem:$0x18400] =	vst v63  }
0x5f: {  	p0 =	sne.s32 s23, $0x1F00;
	s0 =	smov.u32 s23;
	s23 =	sadd.s32 $0x100, s23  }
0x60: {  	[tilespmem:s2], [sflag:$0x1] =	stream.linear.gather [hbm4b:s20+s22], $0x40, $0x38;
	[tilespmem:$0x18400] =	vst v63  }
0x61: {  	v0 =	vld [tilespmem:s26+$0x0];
	_ =	sdelay $0x4  }
0x62: {  	v0 =	vshll.u32 v0, $0x4  }
0x63: {  	(v2sf) =	vpush v0, $0x1  }
0x64: {  	(v2sf) =	vpush v0, $0x0  }
0x65: {  	(v2sf) =	vpush v0, $0x3  }
0x66: {  	(v2sf) =	vpush v0, $0x2;
	_ =	sdelay $0x1  }
0x67: {  	(v2sf) =	vpush v0, $0x4;
	_ =	sdelay $0x1  }
0x68: {  	(v2sf) =	vpush v0, $0x5;
	_ =	sdelay $0x1  }
0x69: {  	(v2sf) =	vpush v0, $0x6;
	_ =	sdelay $0x2  }
0x6a: {  	s22 =	simm.s32 $0x0  }
0x6b: {  	s0 =	sand.u32 $0x300, s0;
	s2 =	sand.u32 $0x7000, s24;
	(v2sf) =	vpush v0, $0x7  }
0x6c: {  	s0 =	sor.u32 s0, s2  }
0x6d: {  	s2 =	sor.u32 $0x440, s0;
	s7 =	spop (v2sf)  }
0x6e: {  	s13 =	sor.u32 $0x400, s0;
	s7 =	sand.u32 $0x1FFFFFF0, s7;
	s20 =	spop (v2sf)  }
0x6f: {  	s20 =	sand.u32 $0x1FFFFFF0, s20;
	s28 =	spop (v2sf);
	(v2sf) =	vpush v0, $0x8  }
0x70: {  	s20 =	sadd.s32 s3, s20;
	s28 =	sand.u32 $0x1FFFFFF0, s28;
	s29 =	spop (v2sf)  }
0x71: {  	[tilespmem:s13], [sflag:$0x1] =	stream.strided.gather [hbm4b:s20+s14], $0x0, s15, s14, $0x38;
	[tilespmem:$0x18400] =	vst v63  }
0x72: {  	s29 =	sand.u32 $0x1FFFFFF0, s29;
	s30 =	spop (v2sf)  }
0x73: {  	[tilespmem:s13], [sflag:$0x1] =	stream.linear.gather [hbm4b:s20+s22], $0x40, $0x38;
	(v2sf) =	vpush v0, $0x9;
	[tilespmem:$0x18400] =	vst v63  }
0x74: {  	s7 =	sadd.s32 s3, s7;
	s13 =	sand.u32 $0x1FFFFFF0, s30;
	s20 =	spop (v2sf)  }
0x75: {  	[tilespmem:s2], [sflag:$0x1] =	stream.strided.gather [hbm4b:s7+s14], $0x0, s15, s14, $0x38;
	[tilespmem:$0x18400] =	vst v63  }
0x76: {  	s20 =	sand.u32 $0x1FFFFFF0, s20;
	s30 =	spop (v2sf)  }
0x77: {  	[tilespmem:s2], [sflag:$0x1] =	stream.linear.gather [hbm4b:s7+s22], $0x40, $0x38;
	[tilespmem:$0x18400] =	vst v63  }
0x78: {  	s2 =	sor.u32 $0x800, s0;
	s7 =	sadd.s32 s3, s29;
	s29 =	sand.u32 $0x1FFFFFF0, s30  }
0x79: {  	[tilespmem:s2], [sflag:$0x1] =	stream.strided.gather [hbm4b:s7+s14], $0x0, s15, s14, $0x38;
	[tilespmem:$0x18400] =	vst v63  }
0x7a: {  	s30 =	spop (v2sf)  }
0x7b: {  	[tilespmem:s2], [sflag:$0x1] =	stream.linear.gather [hbm4b:s7+s22], $0x40, $0x38;
	(v2sf) =	vpush v0, $0xA;
	[tilespmem:$0x18400] =	vst v63  }
0x7c: {  	s2 =	sor.u32 $0x840, s0;
	s7 =	sadd.s32 s3, s28;
	s28 =	sand.u32 $0x1FFFFFF0, s30  }
0x7d: {  	[tilespmem:s2], [sflag:$0x1] =	stream.strided.gather [hbm4b:s7+s14], $0x0, s15, s14, $0x38;
	[tilespmem:$0x18400] =	vst v63  }
0x7e: {  	s30 =	sand.u32 $0x3, s25;
	s31 =	spop (v2sf)  }
0x7f: {  	[tilespmem:s2], [sflag:$0x1] =	stream.linear.gather [hbm4b:s7+s22], $0x40, $0x38;
	(v2sf) =	vpush v0, $0xB;
	[tilespmem:$0x18400] =	vst v63  }
0x80: {  	s2 =	sor.u32 $0xC00, s0;
	s7 =	sadd.s32 s3, s13;
	s31 =	sand.u32 $0x1FFFFFF0, s31  }
0x81: {  	[tilespmem:s2], [sflag:$0x1] =	stream.strided.gather [hbm4b:s7+s14], $0x0, s15, s14, $0x38;
	[tilespmem:$0x18400] =	vst v63  }
0x82: {  	s13 =	sshll.u32 s30, $0x8;
	s30 =	spop (v2sf)  }
0x83: {  	[tilespmem:s2], [sflag:$0x1] =	stream.linear.gather [hbm4b:s7+s22], $0x40, $0x38;
	(v2sf) =	vpush v0, $0xC;
	[tilespmem:$0x18400] =	vst v63  }
0x84: {  	s2 =	sadd.s32 s13, s24;
	s7 =	sor.u32 $0xC40, s0;
	s13 =	sadd.s32 s3, s20  }
0x85: {  	[tilespmem:s7], [sflag:$0x1] =	stream.strided.gather [hbm4b:s13+s14], $0x0, s15, s14, $0x38;
	[tilespmem:$0x18400] =	vst v63  }
0x86: {  	s20 =	sor.u32 $0xC00, s2;
	s8 =	sor.u32 $0xC40, s2;
	s2 =	sadd.s32 $0x80, s2  }
0x87: {  	[tilespmem:s7], [sflag:$0x1] =	stream.linear.gather [hbm4b:s13+s22], $0x40, $0x38;
	(v2sf) =	vpush v0, $0xD;
	[tilespmem:$0x18400] =	vst v63  }
0x88: {  	s7 =	sadd.s32 $0x400, s20;
	s20 =	sadd.s32 s3, s29;
	s13 =	sor.u32 $0xC00, s2  }
0x89: {  	[tilespmem:s7], [sflag:$0x1] =	stream.strided.gather [hbm4b:s20+s14], $0x0, s15, s14, $0x38;
	[tilespmem:$0x18400] =	vst v63  }
0x8a: {  	s29 =	sand.u32 $0x1FFFFFF0, s30;
	s2 =	sor.u32 $0xC40, s2;
	s30 =	spop (v2sf)  }
0x8b: {  	[tilespmem:s7], [sflag:$0x1] =	stream.linear.gather [hbm4b:s20+s22], $0x40, $0x38;
	(v2sf) =	vpush v0, $0xE;
	[tilespmem:$0x18400] =	vst v63  }
0x8c: {  	s2 =	sadd.s32 $0x400, s2;
	s7 =	sadd.s32 $0x400, s8;
	s8 =	sadd.s32 s3, s28  }
0x8d: {  	[tilespmem:s7], [sflag:$0x1] =	stream.strided.gather [hbm4b:s8+s14], $0x0, s15, s14, $0x38;
	[tilespmem:$0x18400] =	vst v63  }
0x8e: {  	s20 =	sand.u32 $0x1FFFFFF0, s30;
	s28 =	spop (v2sf)  }
0x8f: {  	[tilespmem:s7], [sflag:$0x1] =	stream.linear.gather [hbm4b:s8+s22], $0x40, $0x38;
	(v2sf) =	vpush v0, $0xF;
	[tilespmem:$0x18400] =	vst v63  }
0x90: {  	s7 =	sor.u32 $0x480, s0;
	s8 =	sadd.s32 s3, s31;
	s28 =	sand.u32 $0x1FFFFFF0, s28  }
0x91: {  	[tilespmem:s7], [sflag:$0x1] =	stream.strided.gather [hbm4b:s8+s14], $0x0, s15, s14, $0x38;
	[tilespmem:$0x18400] =	vst v63  }
0x92: {  	s30 =	spop (v2sf)  }
0x93: {  	[tilespmem:s7], [sflag:$0x1] =	stream.linear.gather [hbm4b:s8+s22], $0x40, $0x38;
	[tilespmem:$0x18400] =	vst v63  }
0x94: {  	s7 =	sor.u32 $0x4C0, s0;
	s8 =	sadd.s32 s3, s29;
	s29 =	sand.u32 $0x1FFFFFF0, s30  }
0x95: {  	[tilespmem:s7], [sflag:$0x1] =	stream.strided.gather [hbm4b:s8+s14], $0x0, s15, s14, $0x38;
	[tilespmem:$0x18400] =	vst v63  }
0x96: {  	s30 =	spop (v2sf)  }
0x97: {  	[tilespmem:s7], [sflag:$0x1] =	stream.linear.gather [hbm4b:s8+s22], $0x40, $0x38;
	[tilespmem:$0x18400] =	vst v63  }
0x98: {  	s7 =	sor.u32 $0x880, s0;
	s8 =	sadd.s32 s3, s20;
	s30 =	sand.u32 $0x1FFFFFF0, s30  }
0x99: {  	[tilespmem:s7], [sflag:$0x1] =	stream.strided.gather [hbm4b:s8+s14], $0x0, s15, s14, $0x38;
	[tilespmem:$0x18400] =	vst v63  }
0x9a: {  	s20 =	spop (v2sf)  }
0x9b: {  	[tilespmem:s7], [sflag:$0x1] =	stream.linear.gather [hbm4b:s8+s22], $0x40, $0x38;
	[tilespmem:$0x18400] =	vst v63  }
0x9c: {  	s7 =	sor.u32 $0x8C0, s0;
	s8 =	sadd.s32 s3, s28;
	s28 =	sand.u32 $0x1FFFFFF0, s20  }
0x9d: {  	[tilespmem:s7], [sflag:$0x1] =	stream.strided.gather [hbm4b:s8+s14], $0x0, s15, s14, $0x38;
	[tilespmem:$0x18400] =	vst v63  }
0x9e: {  	s20 =	spop (v2sf)  }
0x9f: {  	[tilespmem:s7], [sflag:$0x1] =	stream.linear.gather [hbm4b:s8+s22], $0x40, $0x38;
	[tilespmem:$0x18400] =	vst v63  }
0xa0: {  	s7 =	sor.u32 $0xC80, s0;
	s8 =	sadd.s32 s3, s29;
	s20 =	sand.u32 $0x1FFFFFF0, s20  }
0xa1: {  	[tilespmem:s7], [sflag:$0x1] =	stream.strided.gather [hbm4b:s8+s14], $0x0, s15, s14, $0x38;
	[tilespmem:$0x18400] =	vst v63  }
0xa2: {  	s20 =	sadd.s32 s3, s20  }
0xa3: {  	[tilespmem:s7], [sflag:$0x1] =	stream.linear.gather [hbm4b:s8+s22], $0x40, $0x38;
	[tilespmem:$0x18400] =	vst v63  }
0xa4: {  	s0 =	sor.u32 $0xCC0, s0;
	s7 =	sadd.s32 s3, s30  }
0xa5: {  	[tilespmem:s0], [sflag:$0x1] =	stream.strided.gather [hbm4b:s7+s14], $0x0, s15, s14, $0x38;
	[tilespmem:$0x18400] =	vst v63  }
0xa6: {  	_ = 	snop  }
0xa7: {  	[tilespmem:s0], [sflag:$0x1] =	stream.linear.gather [hbm4b:s7+s22], $0x40, $0x38;
	[tilespmem:$0x18400] =	vst v63  }
.Ltmp0:
0xa8: {  	_ = 	snop;
	(pc) =	sbr.rel @p0 .LBB2_2-.Ltmp0, $4  }
0xa9: {  	s0 =	sadd.s32 $0x400, s13;
	s7 =	sadd.s32 s3, s28  }
0xaa: {  	[tilespmem:s0], [sflag:$0x1] =	stream.strided.gather [hbm4b:s7+s14], $0x0, s15, s14, $0x38;
	[tilespmem:$0x18400] =	vst v63  }
0xab: {  	_ = 	snop  }
0xac: {  	[tilespmem:s0], [sflag:$0x1] =	stream.linear.gather [hbm4b:s7+s22], $0x40, $0x38;
	[tilespmem:$0x18400] =	vst v63  }
0xad: {  	[tilespmem:s2], [sflag:$0x1] =	stream.strided.gather [hbm4b:s20+s14], $0x0, s15, s14, $0x38;
	[tilespmem:$0x18400] =	vst v63  }
0xae: {  	s24 =	simm.s32 $0x200  }
0xaf: {  	[tilespmem:s2], [sflag:$0x1] =	stream.linear.gather [hbm4b:s20+s22], $0x40, $0x38;
	[tilespmem:$0x18400] =	vst v63  }
0xb0: {  	v0 =	vld [tilespmem:s24+$0x0];
	_ =	sdelay $0x4  }
0xb1: {  	v0 =	vshll.u32 v0, $0x4  }
0xb2: {  	(v2sf) =	vpush v0, $0x1  }
0xb3: {  	(v2sf) =	vpush v0, $0x0;
	_ =	sdelay $0x3  }
0xb4: {  	(v2sf) =	vpush v0, $0x3;
	_ =	sdelay $0x1  }
0xb5: {  	(v2sf) =	vpush v0, $0x2;
	_ =	sdelay $0x7  }
0xb6: {  	(v2sf) =	vpush v0, $0x4;
	s0 =	spop (v2sf)  }
0xb7: {  	s26 =	sand.u32 $0x7000, s22;
	s7 =	sand.u32 $0x300, s22;
	s8 =	spop (v2sf)  }
0xb8: {  	s23 =	sor.u32 s7, s26;
	s9 =	sand.u32 $0x1FFFFFF0, s8  }
0xb9: {  	s7 =	sor.u32 $0x8400, s23;
	s2 =	sadd.s32 s4, s9  }
0xba: {  	(v2sf) =	vpush v0, $0x5;
	[tilespmem:s7], [sflag:$0x2] =	stream.strided.gather [hbm4b:s2+s14], $0x0, s15, s14, $0x38;
	[tilespmem:$0x18400] =	vst v63  }
0xbb: {  	s0 =	sand.u32 $0x1FFFFFF0, s0;
	s10 =	spop (v2sf)  }
0xbc: {  	[tilespmem:s7], [sflag:$0x2] =	stream.linear.gather [hbm4b:s2+s22], $0x40, $0x38;
	[tilespmem:$0x18400] =	vst v63  }
0xbd: {  	s11 =	sor.u32 $0x8440, s23;
	s0 =	sadd.s32 s4, s0;
	s13 =	spop (v2sf)  }
0xbe: {  	(v2sf) =	vpush v0, $0x6;
	[tilespmem:s11], [sflag:$0x2] =	stream.strided.gather [hbm4b:s0+s14], $0x0, s15, s14, $0x38;
	[tilespmem:$0x18400] =	vst v63  }
0xbf: {  	s7 =	sand.u32 $0x1FFFFFF0, s13  }
0xc0: {  	[tilespmem:s11], [sflag:$0x2] =	stream.linear.gather [hbm4b:s0+s22], $0x40, $0x38;
	[tilespmem:$0x18400] =	vst v63  }
0xc1: {  	s16 =	sor.u32 $0x8800, s23;
	s18 =	sadd.s32 s4, s7  }
0xc2: {  	(v2sf) =	vpush v0, $0x7;
	[tilespmem:s16], [sflag:$0x2] =	stream.strided.gather [hbm4b:s18+s14], $0x0, s15, s14, $0x38;
	[tilespmem:$0x18400] =	vst v63  }
0xc3: {  	s19 =	sand.u32 $0x1FFFFFF0, s10  }
0xc4: {  	[tilespmem:s16], [sflag:$0x2] =	stream.linear.gather [hbm4b:s18+s22], $0x40, $0x38;
	[tilespmem:$0x18400] =	vst v63  }
0xc5: {  	s25 =	sor.u32 $0x8840, s23;
	s20 =	spop (v2sf);
	s7 =	sadd.s32 s4, s19  }
0xc6: {  	(v2sf) =	vpush v0, $0x8;
	[tilespmem:s25], [sflag:$0x2] =	stream.strided.gather [hbm4b:s7+s14], $0x0, s15, s14, $0x38;
	[tilespmem:$0x18400] =	vst v63  }
0xc7: {  	s9 =	sand.u32 $0x3, s22;
	s0 =	sand.u32 $0x1FFFFFF0, s20  }
0xc8: {  	[tilespmem:s25], [sflag:$0x2] =	stream.linear.gather [hbm4b:s7+s22], $0x40, $0x38;
	[tilespmem:$0x18400] =	vst v63  }
0xc9: {  	s10 =	sor.u32 $0x8C00, s23;
	s0 =	sadd.s32 s4, s0;
	s26 =	spop (v2sf)  }
0xca: {  	(v2sf) =	vpush v0, $0x9;
	[tilespmem:s10], [sflag:$0x2] =	stream.strided.gather [hbm4b:s0+s14], $0x0, s15, s14, $0x38;
	[tilespmem:$0x18400] =	vst v63  }
0xcb: {  	s2 =	sshll.u32 s9, $0x8;
	s11 =	sor.u32 $0x8C40, s23;
	s8 =	sand.u32 $0x1FFFFFF0, s26  }
0xcc: {  	[tilespmem:s10], [sflag:$0x2] =	stream.linear.gather [hbm4b:s0+s22], $0x40, $0x38;
	[tilespmem:$0x18400] =	vst v63  }
0xcd: {  	s13 =	spop (v2sf);
	s16 =	sadd.s32 s4, s8;
	s0 =	sadd.s32 $0x0, s2  }
0xce: {  	(v2sf) =	vpush v0, $0xA;
	[tilespmem:s11], [sflag:$0x2] =	stream.strided.gather [hbm4b:s16+s14], $0x0, s15, s14, $0x38;
	[tilespmem:$0x18400] =	vst v63  }
0xcf: {  	s18 =	sand.u32 $0x1FFFFFF0, s13;
	s25 =	sor.u32 $0xC00, s0  }
0xd0: {  	[tilespmem:s11], [sflag:$0x2] =	stream.linear.gather [hbm4b:s16+s22], $0x40, $0x38;
	[tilespmem:$0x18400] =	vst v63  }
0xd1: {  	s19 =	spop (v2sf);
	s8 =	sadd.s32 s4, s18;
	s20 =	sadd.s32 $0x8400, s25  }
0xd2: {  	(v2sf) =	vpush v0, $0xB;
	[tilespmem:s20], [sflag:$0x2] =	stream.strided.gather [hbm4b:s8+s14], $0x0, s15, s14, $0x38;
	[tilespmem:$0x18400] =	vst v63  }
0xd3: {  	s2 =	sand.u32 $0x1FFFFFF0, s19;
	s26 =	sor.u32 $0xC40, s0  }
0xd4: {  	[tilespmem:s20], [sflag:$0x2] =	stream.linear.gather [hbm4b:s8+s22], $0x40, $0x38;
	[tilespmem:$0x18400] =	vst v63  }
0xd5: {  	s9 =	spop (v2sf);
	s2 =	sadd.s32 s4, s2;
	s10 =	sadd.s32 $0x8400, s26  }
0xd6: {  	(v2sf) =	vpush v0, $0xC;
	[tilespmem:s10], [sflag:$0x2] =	stream.strided.gather [hbm4b:s2+s14], $0x0, s15, s14, $0x38;
	[tilespmem:$0x18400] =	vst v63  }
0xd7: {  	s7 =	sand.u32 $0x1FFFFFF0, s9  }
0xd8: {  	[tilespmem:s10], [sflag:$0x2] =	stream.linear.gather [hbm4b:s2+s22], $0x40, $0x38;
	[tilespmem:$0x18400] =	vst v63  }
0xd9: {  	s13 =	sor.u32 $0x8480, s23;
	s7 =	sadd.s32 s4, s7;
	s11 =	spop (v2sf)  }
0xda: {  	(v2sf) =	vpush v0, $0xD;
	[tilespmem:s13], [sflag:$0x2] =	stream.strided.gather [hbm4b:s7+s14], $0x0, s15, s14, $0x38;
	[tilespmem:$0x18400] =	vst v63  }
0xdb: {  	s2 =	sand.u32 $0x1FFFFFF0, s11  }
0xdc: {  	[tilespmem:s13], [sflag:$0x2] =	stream.linear.gather [hbm4b:s7+s22], $0x40, $0x38;
	[tilespmem:$0x18400] =	vst v63  }
0xdd: {  	s18 =	sor.u32 $0x84C0, s23;
	s16 =	spop (v2sf);
	s2 =	sadd.s32 s4, s2  }
0xde: {  	(v2sf) =	vpush v0, $0xE;
	[tilespmem:s18], [sflag:$0x2] =	stream.strided.gather [hbm4b:s2+s14], $0x0, s15, s14, $0x38;
	[tilespmem:$0x18400] =	vst v63  }
0xdf: {  	s7 =	sand.u32 $0x1FFFFFF0, s16  }
0xe0: {  	[tilespmem:s18], [sflag:$0x2] =	stream.linear.gather [hbm4b:s2+s22], $0x40, $0x38;
	[tilespmem:$0x18400] =	vst v63  }
0xe1: {  	s20 =	sor.u32 $0x8880, s23;
	s19 =	spop (v2sf);
	s7 =	sadd.s32 s4, s7  }
0xe2: {  	(v2sf) =	vpush v0, $0xF;
	[tilespmem:s20], [sflag:$0x2] =	stream.strided.gather [hbm4b:s7+s14], $0x0, s15, s14, $0x38;
	[tilespmem:$0x18400] =	vst v63  }
0xe3: {  	s2 =	sand.u32 $0x1FFFFFF0, s19  }
0xe4: {  	[tilespmem:s20], [sflag:$0x2] =	stream.linear.gather [hbm4b:s7+s22], $0x40, $0x38;
	[tilespmem:$0x18400] =	vst v63  }
0xe5: {  	s9 =	spop (v2sf);
	s10 =	sor.u32 $0x88C0, s23;
	s2 =	sadd.s32 s4, s2  }
0xe6: {  	[tilespmem:s10], [sflag:$0x2] =	stream.strided.gather [hbm4b:s2+s14], $0x0, s15, s14, $0x38;
	[tilespmem:$0x18400] =	vst v63  }
0xe7: {  	s7 =	sand.u32 $0x1FFFFFF0, s9  }
0xe8: {  	[tilespmem:s10], [sflag:$0x2] =	stream.linear.gather [hbm4b:s2+s22], $0x40, $0x38;
	[tilespmem:$0x18400] =	vst v63  }
0xe9: {  	s13 =	sor.u32 $0x8C80, s23;
	s11 =	spop (v2sf);
	s7 =	sadd.s32 s4, s7  }
0xea: {  	[tilespmem:s13], [sflag:$0x2] =	stream.strided.gather [hbm4b:s7+s14], $0x0, s15, s14, $0x38;
	[tilespmem:$0x18400] =	vst v63  }
0xeb: {  	s0 =	sadd.s32 $0x80, s0;
	s2 =	sand.u32 $0x1FFFFFF0, s11  }
0xec: {  	[tilespmem:s13], [sflag:$0x2] =	stream.linear.gather [hbm4b:s7+s22], $0x40, $0x38;
	[tilespmem:$0x18400] =	vst v63  }
0xed: {  	s18 =	sor.u32 $0x8CC0, s23;
	s16 =	spop (v2sf);
	s2 =	sadd.s32 s4, s2  }
0xee: {  	[tilespmem:s18], [sflag:$0x2] =	stream.strided.gather [hbm4b:s2+s14], $0x0, s15, s14, $0x38;
	[tilespmem:$0x18400] =	vst v63  }
0xef: {  	s30 =	simm.s32 $0x100;
	s28 =	sor.u32 $0xC00, s0;
	s7 =	sand.u32 $0x1FFFFFF0, s16  }
0xf0: {  	[tilespmem:s18], [sflag:$0x2] =	stream.linear.gather [hbm4b:s2+s22], $0x40, $0x38;
	[tilespmem:$0x18400] =	vst v63  }
0xf1: {  	s19 =	sadd.s32 $0x8400, s28;
	s20 =	spop (v2sf);
	s7 =	sadd.s32 s4, s7  }
0xf2: {  	[tilespmem:s19], [sflag:$0x2] =	stream.strided.gather [hbm4b:s7+s14], $0x0, s15, s14, $0x38;
	[tilespmem:$0x18400] =	vst v63  }
0xf3: {  	s31 =	simm.s32 $0x0;
	s29 =	sor.u32 $0xC40, s0;
	s0 =	sand.u32 $0x1FFFFFF0, s20  }
0xf4: {  	[tilespmem:s19], [sflag:$0x2] =	stream.linear.gather [hbm4b:s7+s22], $0x40, $0x38;
	[tilespmem:$0x18400] =	vst v63  }
0xf5: {  	s13 =	sadd.s32 $0x8400, s29;
	s7 =	sadd.s32 s4, s0;
	s0 =	simm.s32 $0x0  }
.LBB2_4:
0xf6: {  	s31 =	sadd.s32 $0x400, s31;
	s0 =	sadd.s32 $0x1, s0;
	s24 =	sadd.s32 $0x10, s24  }
0xf7: {  	[tilespmem:s13], [sflag:$0x2] =	stream.strided.gather [hbm4b:s7+s14], $0x0, s15, s14, $0x38;
	[tilespmem:$0x18400] =	vst v63  }
0xf8: {  	p0 =	sne.s32 s30, $0x1F00;
	s2 =	smov.u32 s30;
	s30 =	sadd.s32 $0x100, s30  }
0xf9: {  	[tilespmem:s13], [sflag:$0x2] =	stream.linear.gather [hbm4b:s7+s22], $0x40, $0x38;
	[tilespmem:$0x18400] =	vst v63  }
0xfa: {  	v0 =	vld [tilespmem:s24+$0x0];
	_ =	sdelay $0x4  }
0xfb: {  	v0 =	vshll.u32 v0, $0x4  }
0xfc: {  	(v2sf) =	vpush v0, $0x1  }
0xfd: {  	(v2sf) =	vpush v0, $0x0  }
0xfe: {  	(v2sf) =	vpush v0, $0x3  }
0xff: {  	(v2sf) =	vpush v0, $0x2;
	_ =	sdelay $0x1  }
0x100: {  	(v2sf) =	vpush v0, $0x4;
	_ =	sdelay $0x1  }
0x101: {  	(v2sf) =	vpush v0, $0x5;
	_ =	sdelay $0x1  }
0x102: {  	(v2sf) =	vpush v0, $0x6;
	_ =	sdelay $0x3  }
0x103: {  	s2 =	sand.u32 $0x300, s2;
	s7 =	sand.u32 $0x7000, s31;
	(v2sf) =	vpush v0, $0x7  }
0x104: {  	s2 =	sor.u32 s2, s7  }
0x105: {  	s7 =	sor.u32 $0x8440, s2;
	s8 =	spop (v2sf)  }
0x106: {  	s13 =	sor.u32 $0x8400, s2;
	s8 =	sand.u32 $0x1FFFFFF0, s8;
	s20 =	spop (v2sf)  }
0x107: {  	s20 =	sand.u32 $0x1FFFFFF0, s20;
	s9 =	spop (v2sf);
	(v2sf) =	vpush v0, $0x8  }
0x108: {  	s20 =	sadd.s32 s4, s20;
	s9 =	sand.u32 $0x1FFFFFF0, s9;
	s10 =	spop (v2sf)  }
0x109: {  	[tilespmem:s13], [sflag:$0x2] =	stream.strided.gather [hbm4b:s20+s14], $0x0, s15, s14, $0x38;
	[tilespmem:$0x18400] =	vst v63  }
0x10a: {  	s10 =	sand.u32 $0x1FFFFFF0, s10;
	s11 =	spop (v2sf)  }
0x10b: {  	[tilespmem:s13], [sflag:$0x2] =	stream.linear.gather [hbm4b:s20+s22], $0x40, $0x38;
	(v2sf) =	vpush v0, $0x9;
	[tilespmem:$0x18400] =	vst v63  }
0x10c: {  	s8 =	sadd.s32 s4, s8;
	s11 =	sand.u32 $0x1FFFFFF0, s11;
	s13 =	spop (v2sf)  }
0x10d: {  	[tilespmem:s7], [sflag:$0x2] =	stream.strided.gather [hbm4b:s8+s14], $0x0, s15, s14, $0x38;
	[tilespmem:$0x18400] =	vst v63  }
0x10e: {  	s13 =	sand.u32 $0x1FFFFFF0, s13;
	s20 =	spop (v2sf)  }
0x10f: {  	[tilespmem:s7], [sflag:$0x2] =	stream.linear.gather [hbm4b:s8+s22], $0x40, $0x38;
	[tilespmem:$0x18400] =	vst v63  }
0x110: {  	s7 =	sor.u32 $0x8800, s2;
	s8 =	sadd.s32 s4, s10;
	s10 =	sand.u32 $0x1FFFFFF0, s20  }
0x111: {  	[tilespmem:s7], [sflag:$0x2] =	stream.strided.gather [hbm4b:s8+s14], $0x0, s15, s14, $0x38;
	[tilespmem:$0x18400] =	vst v63  }
0x112: {  	s20 =	spop (v2sf)  }
0x113: {  	[tilespmem:s7], [sflag:$0x2] =	stream.linear.gather [hbm4b:s8+s22], $0x40, $0x38;
	(v2sf) =	vpush v0, $0xA;
	[tilespmem:$0x18400] =	vst v63  }
0x114: {  	s7 =	sor.u32 $0x8840, s2;
	s8 =	sadd.s32 s4, s9;
	s9 =	sand.u32 $0x1FFFFFF0, s20  }
0x115: {  	[tilespmem:s7], [sflag:$0x2] =	stream.strided.gather [hbm4b:s8+s14], $0x0, s15, s14, $0x38;
	[tilespmem:$0x18400] =	vst v63  }
0x116: {  	s20 =	sand.u32 $0x3, s0;
	s16 =	spop (v2sf)  }
0x117: {  	[tilespmem:s7], [sflag:$0x2] =	stream.linear.gather [hbm4b:s8+s22], $0x40, $0x38;
	(v2sf) =	vpush v0, $0xB;
	[tilespmem:$0x18400] =	vst v63  }
0x118: {  	s7 =	sor.u32 $0x8C00, s2;
	s8 =	sadd.s32 s4, s11;
	s11 =	sand.u32 $0x1FFFFFF0, s16  }
0x119: {  	[tilespmem:s7], [sflag:$0x2] =	stream.strided.gather [hbm4b:s8+s14], $0x0, s15, s14, $0x38;
	[tilespmem:$0x18400] =	vst v63  }
0x11a: {  	s16 =	sshll.u32 s20, $0x8;
	s18 =	spop (v2sf)  }
0x11b: {  	[tilespmem:s7], [sflag:$0x2] =	stream.linear.gather [hbm4b:s8+s22], $0x40, $0x38;
	(v2sf) =	vpush v0, $0xC;
	[tilespmem:$0x18400] =	vst v63  }
0x11c: {  	s13 =	sadd.s32 s4, s13;
	s7 =	sadd.s32 s16, s31;
	s8 =	sor.u32 $0x8C40, s2  }
0x11d: {  	[tilespmem:s8], [sflag:$0x2] =	stream.strided.gather [hbm4b:s13+s14], $0x0, s15, s14, $0x38;
	[tilespmem:$0x18400] =	vst v63  }
0x11e: {  	s16 =	sor.u32 $0xC00, s7;
	s19 =	sor.u32 $0xC40, s7;
	s7 =	sadd.s32 $0x80, s7  }
0x11f: {  	[tilespmem:s8], [sflag:$0x2] =	stream.linear.gather [hbm4b:s13+s22], $0x40, $0x38;
	(v2sf) =	vpush v0, $0xD;
	[tilespmem:$0x18400] =	vst v63  }
0x120: {  	s10 =	sadd.s32 s4, s10;
	s20 =	sor.u32 $0xC00, s7;
	s8 =	sadd.s32 $0x8400, s16  }
0x121: {  	[tilespmem:s8], [sflag:$0x2] =	stream.strided.gather [hbm4b:s10+s14], $0x0, s15, s14, $0x38;
	[tilespmem:$0x18400] =	vst v63  }
0x122: {  	s7 =	sor.u32 $0xC40, s7;
	s16 =	sand.u32 $0x1FFFFFF0, s18;
	s18 =	spop (v2sf)  }
0x123: {  	[tilespmem:s8], [sflag:$0x2] =	stream.linear.gather [hbm4b:s10+s22], $0x40, $0x38;
	(v2sf) =	vpush v0, $0xE;
	[tilespmem:$0x18400] =	vst v63  }
0x124: {  	s9 =	sadd.s32 s4, s9;
	s13 =	sadd.s32 $0x8400, s7;
	s8 =	sadd.s32 $0x8400, s19  }
0x125: {  	[tilespmem:s8], [sflag:$0x2] =	stream.strided.gather [hbm4b:s9+s14], $0x0, s15, s14, $0x38;
	[tilespmem:$0x18400] =	vst v63  }
0x126: {  	s7 =	sand.u32 $0x1FFFFFF0, s18;
	s10 =	spop (v2sf)  }
0x127: {  	[tilespmem:s8], [sflag:$0x2] =	stream.linear.gather [hbm4b:s9+s22], $0x40, $0x38;
	(v2sf) =	vpush v0, $0xF;
	[tilespmem:$0x18400] =	vst v63  }
0x128: {  	s8 =	sor.u32 $0x8480, s2;
	s9 =	sadd.s32 s4, s11;
	s10 =	sand.u32 $0x1FFFFFF0, s10  }
0x129: {  	[tilespmem:s8], [sflag:$0x2] =	stream.strided.gather [hbm4b:s9+s14], $0x0, s15, s14, $0x38;
	[tilespmem:$0x18400] =	vst v63  }
0x12a: {  	s11 =	spop (v2sf)  }
0x12b: {  	[tilespmem:s8], [sflag:$0x2] =	stream.linear.gather [hbm4b:s9+s22], $0x40, $0x38;
	[tilespmem:$0x18400] =	vst v63  }
0x12c: {  	s8 =	sor.u32 $0x84C0, s2;
	s9 =	sadd.s32 s4, s16;
	s11 =	sand.u32 $0x1FFFFFF0, s11  }
0x12d: {  	[tilespmem:s8], [sflag:$0x2] =	stream.strided.gather [hbm4b:s9+s14], $0x0, s15, s14, $0x38;
	[tilespmem:$0x18400] =	vst v63  }
0x12e: {  	s16 =	spop (v2sf)  }
0x12f: {  	[tilespmem:s8], [sflag:$0x2] =	stream.linear.gather [hbm4b:s9+s22], $0x40, $0x38;
	[tilespmem:$0x18400] =	vst v63  }
0x130: {  	s7 =	sadd.s32 s4, s7;
	s8 =	sor.u32 $0x8880, s2;
	s9 =	sand.u32 $0x1FFFFFF0, s16  }
0x131: {  	[tilespmem:s8], [sflag:$0x2] =	stream.strided.gather [hbm4b:s7+s14], $0x0, s15, s14, $0x38;
	[tilespmem:$0x18400] =	vst v63  }
0x132: {  	s16 =	spop (v2sf)  }
0x133: {  	[tilespmem:s8], [sflag:$0x2] =	stream.linear.gather [hbm4b:s7+s22], $0x40, $0x38;
	[tilespmem:$0x18400] =	vst v63  }
0x134: {  	s7 =	sor.u32 $0x88C0, s2;
	s8 =	sadd.s32 s4, s10;
	s10 =	sand.u32 $0x1FFFFFF0, s16  }
0x135: {  	[tilespmem:s7], [sflag:$0x2] =	stream.strided.gather [hbm4b:s8+s14], $0x0, s15, s14, $0x38;
	[tilespmem:$0x18400] =	vst v63  }
0x136: {  	s16 =	spop (v2sf)  }
0x137: {  	[tilespmem:s7], [sflag:$0x2] =	stream.linear.gather [hbm4b:s8+s22], $0x40, $0x38;
	[tilespmem:$0x18400] =	vst v63  }
0x138: {  	s11 =	sadd.s32 s4, s11;
	s8 =	sor.u32 $0x8C80, s2;
	s7 =	sand.u32 $0x1FFFFFF0, s16  }
0x139: {  	[tilespmem:s8], [sflag:$0x2] =	stream.strided.gather [hbm4b:s11+s14], $0x0, s15, s14, $0x38;
	[tilespmem:$0x18400] =	vst v63  }
0x13a: {  	s7 =	sadd.s32 s4, s7  }
0x13b: {  	[tilespmem:s8], [sflag:$0x2] =	stream.linear.gather [hbm4b:s11+s22], $0x40, $0x38;
	[tilespmem:$0x18400] =	vst v63  }
0x13c: {  	s2 =	sor.u32 $0x8CC0, s2;
	s8 =	sadd.s32 s4, s9  }
0x13d: {  	[tilespmem:s2], [sflag:$0x2] =	stream.strided.gather [hbm4b:s8+s14], $0x0, s15, s14, $0x38;
	[tilespmem:$0x18400] =	vst v63  }
0x13e: {  	_ = 	snop  }
0x13f: {  	[tilespmem:s2], [sflag:$0x2] =	stream.linear.gather [hbm4b:s8+s22], $0x40, $0x38;
	[tilespmem:$0x18400] =	vst v63  }
.Ltmp1:
0x140: {  	_ = 	snop;
	(pc) =	sbr.rel @p0 .LBB2_4-.Ltmp1, $4  }
0x141: {  	s2 =	sadd.s32 $0x8400, s20;
	s8 =	sadd.s32 s4, s10  }
0x142: {  	[tilespmem:s2], [sflag:$0x2] =	stream.strided.gather [hbm4b:s8+s14], $0x0, s15, s14, $0x38;
	[tilespmem:$0x18400] =	vst v63  }
0x143: {  	_ = 	snop  }
0x144: {  	[tilespmem:s2], [sflag:$0x2] =	stream.linear.gather [hbm4b:s8+s22], $0x40, $0x38;
	[tilespmem:$0x18400] =	vst v63  }
0x145: {  	[tilespmem:s13], [sflag:$0x2] =	stream.strided.gather [hbm4b:s7+s14], $0x0, s15, s14, $0x38;
	[tilespmem:$0x18400] =	vst v63  }
0x146: {  	_ = 	snop  }
0x147: {  	[tilespmem:s13], [sflag:$0x2] =	stream.linear.gather [hbm4b:s7+s22], $0x40, $0x38;
	[tilespmem:$0x18400] =	vst v63  }
0x148: {  	v0 =	vld [tilespmem:s22+$0x0];
	_ =	sdelay $0x4  }
0x149: {  	v0 =	vshll.u32 v0, $0x4  }
0x14a: {  	(v2sf) =	vpush v0, $0x1  }
0x14b: {  	(v2sf) =	vpush v0, $0x0;
	_ =	sdelay $0x3  }
0x14c: {  	(v2sf) =	vpush v0, $0x3;
	_ =	sdelay $0x1  }
0x14d: {  	(v2sf) =	vpush v0, $0x2;
	_ =	sdelay $0x7  }
0x14e: {  	(v2sf) =	vpush v0, $0x4;
	s0 =	spop (v2sf)  }
0x14f: {  	s2 =	spop (v2sf)  }
0x150: {  	s2 =	sand.u32 $0x1FFFFFF0, s2  }
0x151: {  	s24 =	sor.u32 $0x10400, s23;
	s2 =	sadd.s32 s5, s2  }
0x152: {  	(v2sf) =	vpush v0, $0x5;
	[tilespmem:s24], [sflag:$0x3] =	stream.strided.gather [hbm4b:s2+s14], $0x0, s15, s14, $0x38;
	[tilespmem:$0x18400] =	vst v63  }
0x153: {  	s0 =	sand.u32 $0x1FFFFFF0, s0;
	s8 =	spop (v2sf)  }
0x154: {  	[tilespmem:s24], [sflag:$0x3] =	stream.linear.gather [hbm4b:s2+s1], $0x40, $0x38;
	[tilespmem:$0x18400] =	vst v63  }
0x155: {  	s30 =	sor.u32 $0x10440, s23;
	s0 =	sadd.s32 s5, s0;
	s31 =	spop (v2sf)  }
0x156: {  	(v2sf) =	vpush v0, $0x6;
	[tilespmem:s30], [sflag:$0x3] =	stream.strided.gather [hbm4b:s0+s14], $0x0, s15, s14, $0x38;
	[tilespmem:$0x18400] =	vst v63  }
0x157: {  	s7 =	sand.u32 $0x1FFFFFF0, s31  }
0x158: {  	[tilespmem:s30], [sflag:$0x3] =	stream.linear.gather [hbm4b:s0+s1], $0x40, $0x38;
	[tilespmem:$0x18400] =	vst v63  }
0x159: {  	s9 =	sadd.s32 s5, s7;
	s2 =	sor.u32 $0x10800, s23  }
0x15a: {  	(v2sf) =	vpush v0, $0x7;
	[tilespmem:s2], [sflag:$0x3] =	stream.strided.gather [hbm4b:s9+s14], $0x0, s15, s14, $0x38;
	[tilespmem:$0x18400] =	vst v63  }
0x15b: {  	s10 =	sand.u32 $0x1FFFFFF0, s8  }
0x15c: {  	[tilespmem:s2], [sflag:$0x3] =	stream.linear.gather [hbm4b:s9+s1], $0x40, $0x38;
	[tilespmem:$0x18400] =	vst v63  }
0x15d: {  	s13 =	sor.u32 $0x10840, s23;
	s11 =	spop (v2sf);
	s7 =	sadd.s32 s5, s10  }
0x15e: {  	(v2sf) =	vpush v0, $0x8;
	[tilespmem:s13], [sflag:$0x3] =	stream.strided.gather [hbm4b:s7+s14], $0x0, s15, s14, $0x38;
	[tilespmem:$0x18400] =	vst v63  }
0x15f: {  	s0 =	sand.u32 $0x1FFFFFF0, s11  }
0x160: {  	[tilespmem:s13], [sflag:$0x3] =	stream.linear.gather [hbm4b:s7+s1], $0x40, $0x38;
	[tilespmem:$0x18400] =	vst v63  }
0x161: {  	s18 =	sor.u32 $0x10C00, s23;
	s0 =	sadd.s32 s5, s0;
	s16 =	spop (v2sf)  }
0x162: {  	(v2sf) =	vpush v0, $0x9;
	[tilespmem:s18], [sflag:$0x3] =	stream.strided.gather [hbm4b:s0+s14], $0x0, s15, s14, $0x38;
	[tilespmem:$0x18400] =	vst v63  }
0x163: {  	s2 =	sand.u32 $0x1FFFFFF0, s16  }
0x164: {  	[tilespmem:s18], [sflag:$0x3] =	stream.linear.gather [hbm4b:s0+s1], $0x40, $0x38;
	[tilespmem:$0x18400] =	vst v63  }
0x165: {  	s20 =	sor.u32 $0x10C40, s23;
	s19 =	spop (v2sf);
	s2 =	sadd.s32 s5, s2  }
0x166: {  	(v2sf) =	vpush v0, $0xA;
	[tilespmem:s20], [sflag:$0x3] =	stream.strided.gather [hbm4b:s2+s14], $0x0, s15, s14, $0x38;
	[tilespmem:$0x18400] =	vst v63  }
0x167: {  	s0 =	sand.u32 $0x1FFFFFF0, s19  }
0x168: {  	[tilespmem:s20], [sflag:$0x3] =	stream.linear.gather [hbm4b:s2+s1], $0x40, $0x38;
	[tilespmem:$0x18400] =	vst v63  }
0x169: {  	s25 =	sadd.s32 $0x10400, s25;
	s24 =	spop (v2sf);
	s0 =	sadd.s32 s5, s0  }
0x16a: {  	(v2sf) =	vpush v0, $0xB;
	[tilespmem:s25], [sflag:$0x3] =	stream.strided.gather [hbm4b:s0+s14], $0x0, s15, s14, $0x38;
	[tilespmem:$0x18400] =	vst v63  }
0x16b: {  	s2 =	sand.u32 $0x1FFFFFF0, s24  }
0x16c: {  	[tilespmem:s25], [sflag:$0x3] =	stream.linear.gather [hbm4b:s0+s1], $0x40, $0x38;
	[tilespmem:$0x18400] =	vst v63  }
0x16d: {  	s31 =	sadd.s32 $0x10400, s26;
	s30 =	spop (v2sf);
	s2 =	sadd.s32 s5, s2  }
0x16e: {  	(v2sf) =	vpush v0, $0xC;
	[tilespmem:s31], [sflag:$0x3] =	stream.strided.gather [hbm4b:s2+s14], $0x0, s15, s14, $0x38;
	[tilespmem:$0x18400] =	vst v63  }
0x16f: {  	s0 =	sand.u32 $0x1FFFFFF0, s30  }
0x170: {  	[tilespmem:s31], [sflag:$0x3] =	stream.linear.gather [hbm4b:s2+s1], $0x40, $0x38;
	[tilespmem:$0x18400] =	vst v63  }
0x171: {  	s9 =	sor.u32 $0x10480, s23;
	s8 =	spop (v2sf);
	s0 =	sadd.s32 s5, s0  }
0x172: {  	(v2sf) =	vpush v0, $0xD;
	[tilespmem:s9], [sflag:$0x3] =	stream.strided.gather [hbm4b:s0+s14], $0x0, s15, s14, $0x38;
	[tilespmem:$0x18400] =	vst v63  }
0x173: {  	s2 =	sand.u32 $0x1FFFFFF0, s8  }
0x174: {  	[tilespmem:s9], [sflag:$0x3] =	stream.linear.gather [hbm4b:s0+s1], $0x40, $0x38;
	[tilespmem:$0x18400] =	vst v63  }
0x175: {  	s11 =	sor.u32 $0x104C0, s23;
	s10 =	spop (v2sf);
	s2 =	sadd.s32 s5, s2  }
0x176: {  	(v2sf) =	vpush v0, $0xE;
	[tilespmem:s11], [sflag:$0x3] =	stream.strided.gather [hbm4b:s2+s14], $0x0, s15, s14, $0x38;
	[tilespmem:$0x18400] =	vst v63  }
0x177: {  	s0 =	sand.u32 $0x1FFFFFF0, s10  }
0x178: {  	[tilespmem:s11], [sflag:$0x3] =	stream.linear.gather [hbm4b:s2+s1], $0x40, $0x38;
	[tilespmem:$0x18400] =	vst v63  }
0x179: {  	s16 =	sor.u32 $0x10880, s23;
	s13 =	spop (v2sf);
	s0 =	sadd.s32 s5, s0  }
0x17a: {  	(v2sf) =	vpush v0, $0xF;
	[tilespmem:s16], [sflag:$0x3] =	stream.strided.gather [hbm4b:s0+s14], $0x0, s15, s14, $0x38;
	[tilespmem:$0x18400] =	vst v63  }
0x17b: {  	s2 =	sand.u32 $0x1FFFFFF0, s13  }
0x17c: {  	[tilespmem:s16], [sflag:$0x3] =	stream.linear.gather [hbm4b:s0+s1], $0x40, $0x38;
	[tilespmem:$0x18400] =	vst v63  }
0x17d: {  	s19 =	sor.u32 $0x108C0, s23;
	s18 =	spop (v2sf);
	s2 =	sadd.s32 s5, s2  }
0x17e: {  	[tilespmem:s19], [sflag:$0x3] =	stream.strided.gather [hbm4b:s2+s14], $0x0, s15, s14, $0x38;
	[tilespmem:$0x18400] =	vst v63  }
0x17f: {  	s0 =	sand.u32 $0x1FFFFFF0, s18  }
0x180: {  	[tilespmem:s19], [sflag:$0x3] =	stream.linear.gather [hbm4b:s2+s1], $0x40, $0x38;
	[tilespmem:$0x18400] =	vst v63  }
0x181: {  	s24 =	sor.u32 $0x10C80, s23;
	s20 =	spop (v2sf);
	s0 =	sadd.s32 s5, s0  }
0x182: {  	[tilespmem:s24], [sflag:$0x3] =	stream.strided.gather [hbm4b:s0+s14], $0x0, s15, s14, $0x38;
	[tilespmem:$0x18400] =	vst v63  }
0x183: {  	s2 =	sand.u32 $0x1FFFFFF0, s20  }
0x184: {  	[tilespmem:s24], [sflag:$0x3] =	stream.linear.gather [hbm4b:s0+s1], $0x40, $0x38;
	[tilespmem:$0x18400] =	vst v63  }
0x185: {  	s26 =	sor.u32 $0x10CC0, s23;
	s25 =	spop (v2sf);
	s2 =	sadd.s32 s5, s2  }
0x186: {  	[tilespmem:s26], [sflag:$0x3] =	stream.strided.gather [hbm4b:s2+s14], $0x0, s15, s14, $0x38;
	[tilespmem:$0x18400] =	vst v63  }
0x187: {  	s0 =	sand.u32 $0x1FFFFFF0, s25  }
0x188: {  	[tilespmem:s26], [sflag:$0x3] =	stream.linear.gather [hbm4b:s2+s1], $0x40, $0x38;
	[tilespmem:$0x18400] =	vst v63  }
0x189: {  	s28 =	sadd.s32 $0x10400, s28;
	s30 =	spop (v2sf);
	s0 =	sadd.s32 s5, s0  }
0x18a: {  	[tilespmem:s28], [sflag:$0x3] =	stream.strided.gather [hbm4b:s0+s14], $0x0, s15, s14, $0x38;
	[tilespmem:$0x18400] =	vst v63  }
0x18b: {  	s23 =	simm.s32 $0x100;
	s13 =	sadd.s32 $0x10400, s29;
	s31 =	sand.u32 $0x1FFFFFF0, s30  }
0x18c: {  	[tilespmem:s28], [sflag:$0x3] =	stream.linear.gather [hbm4b:s0+s1], $0x40, $0x38;
	[tilespmem:$0x18400] =	vst v63  }
0x18d: {  	s7 =	sadd.s32 s5, s31;
	s24 =	simm.s32 $0x0;
	s0 =	simm.s32 $0x0  }
.LBB2_6:
0x18e: {  	s22 =	sadd.s32 $0x400, s22;
	s24 =	sadd.s32 $0x1, s24;
	s0 =	sadd.s32 $0x10, s0  }
0x18f: {  	[tilespmem:s13], [sflag:$0x3] =	stream.strided.gather [hbm4b:s7+s14], $0x0, s15, s14, $0x38;
	[tilespmem:$0x18400] =	vst v63  }
0x190: {  	p0 =	sne.s32 s23, $0x1F00;
	s2 =	smov.u32 s23;
	s23 =	sadd.s32 $0x100, s23  }
0x191: {  	[tilespmem:s13], [sflag:$0x3] =	stream.linear.gather [hbm4b:s7+s1], $0x40, $0x38;
	[tilespmem:$0x18400] =	vst v63  }
0x192: {  	v0 =	vld [tilespmem:s0+$0x0];
	_ =	sdelay $0x4  }
0x193: {  	v0 =	vshll.u32 v0, $0x4  }
0x194: {  	(v2sf) =	vpush v0, $0x1  }
0x195: {  	(v2sf) =	vpush v0, $0x0  }
0x196: {  	(v2sf) =	vpush v0, $0x3  }
0x197: {  	(v2sf) =	vpush v0, $0x2;
	_ =	sdelay $0x1  }
0x198: {  	(v2sf) =	vpush v0, $0x4;
	_ =	sdelay $0x1  }
0x199: {  	(v2sf) =	vpush v0, $0x5;
	_ =	sdelay $0x1  }
0x19a: {  	(v2sf) =	vpush v0, $0x6;
	_ =	sdelay $0x3  }
0x19b: {  	s2 =	sand.u32 $0x300, s2;
	s7 =	sand.u32 $0x7000, s22;
	(v2sf) =	vpush v0, $0x7  }
0x19c: {  	s2 =	sor.u32 s2, s7  }
0x19d: {  	s7 =	sor.u32 $0x10440, s2;
	s8 =	spop (v2sf)  }
0x19e: {  	s9 =	sor.u32 $0x10400, s2;
	s8 =	sand.u32 $0x1FFFFFF0, s8;
	s10 =	spop (v2sf)  }
0x19f: {  	s10 =	sand.u32 $0x1FFFFFF0, s10;
	s11 =	spop (v2sf);
	(v2sf) =	vpush v0, $0x8  }
0x1a0: {  	s10 =	sadd.s32 s5, s10;
	s11 =	sand.u32 $0x1FFFFFF0, s11;
	s13 =	spop (v2sf)  }
0x1a1: {  	[tilespmem:s9], [sflag:$0x3] =	stream.strided.gather [hbm4b:s10+s14], $0x0, s15, s14, $0x38;
	[tilespmem:$0x18400] =	vst v63  }
0x1a2: {  	s13 =	sand.u32 $0x1FFFFFF0, s13;
	s16 =	spop (v2sf)  }
0x1a3: {  	[tilespmem:s9], [sflag:$0x3] =	stream.linear.gather [hbm4b:s10+s1], $0x40, $0x38;
	(v2sf) =	vpush v0, $0x9;
	[tilespmem:$0x18400] =	vst v63  }
0x1a4: {  	s8 =	sadd.s32 s5, s8;
	s9 =	sand.u32 $0x1FFFFFF0, s16;
	s10 =	spop (v2sf)  }
0x1a5: {  	[tilespmem:s7], [sflag:$0x3] =	stream.strided.gather [hbm4b:s8+s14], $0x0, s15, s14, $0x38;
	[tilespmem:$0x18400] =	vst v63  }
0x1a6: {  	s10 =	sand.u32 $0x1FFFFFF0, s10;
	s16 =	spop (v2sf)  }
0x1a7: {  	[tilespmem:s7], [sflag:$0x3] =	stream.linear.gather [hbm4b:s8+s1], $0x40, $0x38;
	[tilespmem:$0x18400] =	vst v63  }
0x1a8: {  	s7 =	sor.u32 $0x10800, s2;
	s8 =	sadd.s32 s5, s13;
	s13 =	sand.u32 $0x1FFFFFF0, s16  }
0x1a9: {  	[tilespmem:s7], [sflag:$0x3] =	stream.strided.gather [hbm4b:s8+s14], $0x0, s15, s14, $0x38;
	[tilespmem:$0x18400] =	vst v63  }
0x1aa: {  	s16 =	spop (v2sf)  }
0x1ab: {  	[tilespmem:s7], [sflag:$0x3] =	stream.linear.gather [hbm4b:s8+s1], $0x40, $0x38;
	(v2sf) =	vpush v0, $0xA;
	[tilespmem:$0x18400] =	vst v63  }
0x1ac: {  	s7 =	sor.u32 $0x10840, s2;
	s8 =	sadd.s32 s5, s11;
	s11 =	sand.u32 $0x1FFFFFF0, s16  }
0x1ad: {  	[tilespmem:s7], [sflag:$0x3] =	stream.strided.gather [hbm4b:s8+s14], $0x0, s15, s14, $0x38;
	[tilespmem:$0x18400] =	vst v63  }
0x1ae: {  	s16 =	sand.u32 $0x3, s24;
	s18 =	spop (v2sf)  }
0x1af: {  	[tilespmem:s7], [sflag:$0x3] =	stream.linear.gather [hbm4b:s8+s1], $0x40, $0x38;
	(v2sf) =	vpush v0, $0xB;
	[tilespmem:$0x18400] =	vst v63  }
0x1b0: {  	s7 =	sor.u32 $0x10C00, s2;
	s8 =	sadd.s32 s5, s9;
	s9 =	sand.u32 $0x1FFFFFF0, s18  }
0x1b1: {  	[tilespmem:s7], [sflag:$0x3] =	stream.strided.gather [hbm4b:s8+s14], $0x0, s15, s14, $0x38;
	[tilespmem:$0x18400] =	vst v63  }
0x1b2: {  	s16 =	sshll.u32 s16, $0x8;
	s18 =	spop (v2sf)  }
0x1b3: {  	[tilespmem:s7], [sflag:$0x3] =	stream.linear.gather [hbm4b:s8+s1], $0x40, $0x38;
	(v2sf) =	vpush v0, $0xC;
	[tilespmem:$0x18400] =	vst v63  }
0x1b4: {  	s10 =	sadd.s32 s5, s10;
	s7 =	sadd.s32 s16, s22;
	s8 =	sor.u32 $0x10C40, s2  }
0x1b5: {  	[tilespmem:s8], [sflag:$0x3] =	stream.strided.gather [hbm4b:s10+s14], $0x0, s15, s14, $0x38;
	[tilespmem:$0x18400] =	vst v63  }
0x1b6: {  	s16 =	sor.u32 $0xC00, s7;
	s19 =	sor.u32 $0xC40, s7;
	s7 =	sadd.s32 $0x80, s7  }
0x1b7: {  	[tilespmem:s8], [sflag:$0x3] =	stream.linear.gather [hbm4b:s10+s1], $0x40, $0x38;
	(v2sf) =	vpush v0, $0xD;
	[tilespmem:$0x18400] =	vst v63  }
0x1b8: {  	s20 =	sor.u32 $0xC00, s7;
	s8 =	sadd.s32 $0x10400, s16;
	s10 =	sadd.s32 s5, s13  }
0x1b9: {  	[tilespmem:s8], [sflag:$0x3] =	stream.strided.gather [hbm4b:s10+s14], $0x0, s15, s14, $0x38;
	[tilespmem:$0x18400] =	vst v63  }
0x1ba: {  	s7 =	sor.u32 $0xC40, s7;
	s16 =	sand.u32 $0x1FFFFFF0, s18;
	s18 =	spop (v2sf)  }
0x1bb: {  	[tilespmem:s8], [sflag:$0x3] =	stream.linear.gather [hbm4b:s10+s1], $0x40, $0x38;
	(v2sf) =	vpush v0, $0xE;
	[tilespmem:$0x18400] =	vst v63  }
0x1bc: {  	s13 =	sadd.s32 $0x10400, s7;
	s8 =	sadd.s32 $0x10400, s19;
	s10 =	sadd.s32 s5, s11  }
0x1bd: {  	[tilespmem:s8], [sflag:$0x3] =	stream.strided.gather [hbm4b:s10+s14], $0x0, s15, s14, $0x38;
	[tilespmem:$0x18400] =	vst v63  }
0x1be: {  	s7 =	sand.u32 $0x1FFFFFF0, s18;
	s11 =	spop (v2sf)  }
0x1bf: {  	[tilespmem:s8], [sflag:$0x3] =	stream.linear.gather [hbm4b:s10+s1], $0x40, $0x38;
	(v2sf) =	vpush v0, $0xF;
	[tilespmem:$0x18400] =	vst v63  }
0x1c0: {  	s9 =	sadd.s32 s5, s9;
	s8 =	sor.u32 $0x10480, s2;
	s10 =	sand.u32 $0x1FFFFFF0, s11  }
0x1c1: {  	[tilespmem:s8], [sflag:$0x3] =	stream.strided.gather [hbm4b:s9+s14], $0x0, s15, s14, $0x38;
	[tilespmem:$0x18400] =	vst v63  }
0x1c2: {  	s11 =	spop (v2sf)  }
0x1c3: {  	[tilespmem:s8], [sflag:$0x3] =	stream.linear.gather [hbm4b:s9+s1], $0x40, $0x38;
	[tilespmem:$0x18400] =	vst v63  }
0x1c4: {  	s8 =	sor.u32 $0x104C0, s2;
	s9 =	sadd.s32 s5, s16;
	s11 =	sand.u32 $0x1FFFFFF0, s11  }
0x1c5: {  	[tilespmem:s8], [sflag:$0x3] =	stream.strided.gather [hbm4b:s9+s14], $0x0, s15, s14, $0x38;
	[tilespmem:$0x18400] =	vst v63  }
0x1c6: {  	s16 =	spop (v2sf)  }
0x1c7: {  	[tilespmem:s8], [sflag:$0x3] =	stream.linear.gather [hbm4b:s9+s1], $0x40, $0x38;
	[tilespmem:$0x18400] =	vst v63  }
0x1c8: {  	s7 =	sadd.s32 s5, s7;
	s8 =	sor.u32 $0x10880, s2;
	s9 =	sand.u32 $0x1FFFFFF0, s16  }
0x1c9: {  	[tilespmem:s8], [sflag:$0x3] =	stream.strided.gather [hbm4b:s7+s14], $0x0, s15, s14, $0x38;
	[tilespmem:$0x18400] =	vst v63  }
0x1ca: {  	s16 =	spop (v2sf)  }
0x1cb: {  	[tilespmem:s8], [sflag:$0x3] =	stream.linear.gather [hbm4b:s7+s1], $0x40, $0x38;
	[tilespmem:$0x18400] =	vst v63  }
0x1cc: {  	s7 =	sor.u32 $0x108C0, s2;
	s8 =	sadd.s32 s5, s10;
	s10 =	sand.u32 $0x1FFFFFF0, s16  }
0x1cd: {  	[tilespmem:s7], [sflag:$0x3] =	stream.strided.gather [hbm4b:s8+s14], $0x0, s15, s14, $0x38;
	[tilespmem:$0x18400] =	vst v63  }
0x1ce: {  	s16 =	spop (v2sf)  }
0x1cf: {  	[tilespmem:s7], [sflag:$0x3] =	stream.linear.gather [hbm4b:s8+s1], $0x40, $0x38;
	[tilespmem:$0x18400] =	vst v63  }
0x1d0: {  	s11 =	sadd.s32 s5, s11;
	s8 =	sor.u32 $0x10C80, s2;
	s7 =	sand.u32 $0x1FFFFFF0, s16  }
0x1d1: {  	[tilespmem:s8], [sflag:$0x3] =	stream.strided.gather [hbm4b:s11+s14], $0x0, s15, s14, $0x38;
	[tilespmem:$0x18400] =	vst v63  }
0x1d2: {  	s7 =	sadd.s32 s5, s7  }
0x1d3: {  	[tilespmem:s8], [sflag:$0x3] =	stream.linear.gather [hbm4b:s11+s1], $0x40, $0x38;
	[tilespmem:$0x18400] =	vst v63  }
0x1d4: {  	s2 =	sor.u32 $0x10CC0, s2;
	s8 =	sadd.s32 s5, s9  }
0x1d5: {  	[tilespmem:s2], [sflag:$0x3] =	stream.strided.gather [hbm4b:s8+s14], $0x0, s15, s14, $0x38;
	[tilespmem:$0x18400] =	vst v63  }
0x1d6: {  	_ = 	snop  }
0x1d7: {  	[tilespmem:s2], [sflag:$0x3] =	stream.linear.gather [hbm4b:s8+s1], $0x40, $0x38;
	[tilespmem:$0x18400] =	vst v63  }
.Ltmp2:
0x1d8: {  	_ = 	snop;
	(pc) =	sbr.rel @p0 .LBB2_6-.Ltmp2, $4  }
0x1d9: {  	s2 =	sadd.s32 $0x10400, s20;
	s8 =	sadd.s32 s5, s10  }
0x1da: {  	[tilespmem:s2], [sflag:$0x3] =	stream.strided.gather [hbm4b:s8+s14], $0x0, s15, s14, $0x38;
	[tilespmem:$0x18400] =	vst v63  }
0x1db: {  	_ = 	snop  }
0x1dc: {  	[tilespmem:s2], [sflag:$0x3] =	stream.linear.gather [hbm4b:s8+s1], $0x40, $0x38;
	[tilespmem:$0x18400] =	vst v63  }
0x1dd: {  	[tilespmem:s13], [sflag:$0x3] =	stream.strided.gather [hbm4b:s7+s14], $0x0, s15, s14, $0x38;
	[tilespmem:$0x18400] =	vst v63  }
0x1de: {  	s0 =	simm.s32 $0x1  }
0x1df: {  	[tilespmem:s13], [sflag:$0x3] =	stream.linear.gather [hbm4b:s7+s1], $0x40, $0x38;
	[tilespmem:$0x18400] =	vst v63  }
0x1e0: {  	_ =	swait.ge [sflag:s0], $0x8000  }
0x1e1: {  	[sflag:s0] =	ssyncset.done $0x0  }
0x1e2: {  	[sflag:s0] =	ssyncadd.s32 $0xFFFF8000  }
0x1e3: {  	s22 =	simm.s32 $0x0;
	_ =	swait.ge [sflag:s17], $0x8000  }
0x1e4: {  	s23 =	sand.u32 $0x7000, s22;
	s31 =	sand.u32 $0x380, s22;
	[sflag:s17] =	ssyncset.done $0x0  }
0x1e5: {  	s24 =	sor.u32 s31, s23;
	[sflag:s17] =	ssyncadd.s32 $0xFFFF8000  }
0x1e6: {  	v7 =	vld [tilespmem:s24+$0x8400]  }
0x1e7: {  	v8 =	vld [tilespmem:s24+$0x8410]  }
0x1e8: {  	v9 =	vld [tilespmem:s24+$0x8420]  }
0x1e9: {  	v10 =	vld [tilespmem:s24+$0x8430]  }
0x1ea: {  	v11 =	vld [tilespmem:s24+$0x8440]  }
0x1eb: {  	v12 =	vld [tilespmem:s24+$0x8450]  }
0x1ec: {  	v13 =	vld [tilespmem:s24+$0x8460]  }
0x1ed: {  	v14 =	vld [tilespmem:s24+$0x8470]  }
0x1ee: {  	v15 =	vld [tilespmem:s24+$0x8800]  }
0x1ef: {  	v16 =	vld [tilespmem:s24+$0x8810]  }
0x1f0: {  	v17 =	vld [tilespmem:s24+$0x8820]  }
0x1f1: {  	v18 =	vld [tilespmem:s24+$0x8830]  }
0x1f2: {  	v19 =	vld [tilespmem:s24+$0x8840]  }
0x1f3: {  	v20 =	vld [tilespmem:s24+$0x8850]  }
0x1f4: {  	v21 =	vld [tilespmem:s24+$0x8860]  }
0x1f5: {  	v22 =	vld [tilespmem:s24+$0x8870]  }
0x1f6: {  	v23 =	vld [tilespmem:s24+$0x8C00]  }
0x1f7: {  	v24 =	vld [tilespmem:s24+$0x8C10]  }
0x1f8: {  	v25 =	vld [tilespmem:s24+$0x8C20]  }
0x1f9: {  	v26 =	vld [tilespmem:s24+$0x8C30]  }
0x1fa: {  	v27 =	vld [tilespmem:s24+$0x8C40]  }
0x1fb: {  	v28 =	vld [tilespmem:s24+$0x8C50]  }
0x1fc: {  	v29 =	vld [tilespmem:s24+$0x8C60]  }
0x1fd: {  	v30 =	vld [tilespmem:s24+$0x8C70]  }
0x1fe: {  	v31 =	vld [tilespmem:s24+$0x9000]  }
0x1ff: {  	v6 =	vld [tilespmem:s24+$0x9010]  }
0x200: {  	v5 =	vld [tilespmem:s24+$0x9020]  }
0x201: {  	v4 =	vld [tilespmem:s24+$0x9030]  }
0x202: {  	v3 =	vld [tilespmem:s24+$0x9040]  }
0x203: {  	v2 =	vld [tilespmem:s24+$0x9050]  }
0x204: {  	v1 =	vld [tilespmem:s24+$0x9060]  }
0x205: {  	v0 =	vld [tilespmem:s24+$0x9070]  }
0x206: {  	v32 =	vld [tilespmem:s24+$0x400]  }
0x207: {  	v33 =	vld [tilespmem:s24+$0x410]  }
0x208: {  	v34 =	vld [tilespmem:s24+$0x420]  }
0x209: {  	v35 =	vld [tilespmem:s24+$0x430]  }
0x20a: {  	v36 =	vld [tilespmem:s24+$0x440]  }
0x20b: {  	v62 =	vld [tilespmem:s24+$0x450];
	v7 =	vmul.f32 v7, v32  }
0x20c: {  	v63 =	vld [tilespmem:s24+$0x460];
	v8 =	vmul.f32 v8, v33  }
0x20d: {  	[tilespmem:s24+$0x400] =	vst v7;
	v7 =	vmul.f32 v9, v34;
	v9 =	vld [tilespmem:s24+$0x470]  }
0x20e: {  	[tilespmem:s24+$0x410] =	vst v8;
	v8 =	vmul.f32 v10, v35;
	v10 =	vld [tilespmem:s24+$0x800]  }
0x20f: {  	[tilespmem:s24+$0x420] =	vst v7;
	v7 =	vmul.f32 v11, v36;
	v11 =	vld [tilespmem:s24+$0x810]  }
0x210: {  	[tilespmem:s24+$0x430] =	vst v8;
	v8 =	vmul.f32 v12, v62;
	v12 =	vld [tilespmem:s24+$0x820]  }
0x211: {  	[tilespmem:s24+$0x440] =	vst v7;
	v7 =	vmul.f32 v13, v63;
	v13 =	vld [tilespmem:s24+$0x830]  }
0x212: {  	[tilespmem:s24+$0x450] =	vst v8;
	v8 =	vmul.f32 v14, v9;
	v9 =	vld [tilespmem:s24+$0x840]  }
0x213: {  	[tilespmem:s24+$0x460] =	vst v7;
	v7 =	vmul.f32 v15, v10;
	v10 =	vld [tilespmem:s24+$0x850]  }
0x214: {  	[tilespmem:s24+$0x470] =	vst v8;
	v8 =	vmul.f32 v16, v11;
	v11 =	vld [tilespmem:s24+$0x860]  }
0x215: {  	[tilespmem:s24+$0x800] =	vst v7;
	v7 =	vmul.f32 v17, v12;
	v12 =	vld [tilespmem:s24+$0x870]  }
0x216: {  	[tilespmem:s24+$0x810] =	vst v8;
	v8 =	vmul.f32 v18, v13;
	v13 =	vld [tilespmem:s24+$0xC00]  }
0x217: {  	[tilespmem:s24+$0x820] =	vst v7;
	v7 =	vmul.f32 v19, v9;
	v9 =	vld [tilespmem:s24+$0xC10]  }
0x218: {  	[tilespmem:s24+$0x830] =	vst v8;
	v8 =	vmul.f32 v20, v10;
	v10 =	vld [tilespmem:s24+$0xC20]  }
0x219: {  	[tilespmem:s24+$0x840] =	vst v7;
	v7 =	vmul.f32 v21, v11;
	v11 =	vld [tilespmem:s24+$0xC30]  }
0x21a: {  	[tilespmem:s24+$0x850] =	vst v8;
	v8 =	vmul.f32 v22, v12;
	v12 =	vld [tilespmem:s24+$0xC40]  }
0x21b: {  	[tilespmem:s24+$0x860] =	vst v7;
	v7 =	vmul.f32 v23, v13;
	v13 =	vld [tilespmem:s24+$0xC50]  }
0x21c: {  	v14 =	vld [tilespmem:s24+$0xC60];
	[tilespmem:s24+$0x870] =	vst v8;
	v8 =	vmul.f32 v24, v9  }
0x21d: {  	v15 =	vld [tilespmem:s24+$0xC70];
	[tilespmem:s24+$0xC00] =	vst v7;
	v7 =	vmul.f32 v25, v10  }
0x21e: {  	[tilespmem:s24+$0xC10] =	vst v8;
	v8 =	vmul.f32 v26, v11;
	v11 =	vld [tilespmem:s24+$0x1000]  }
0x21f: {  	v10 =	vld [tilespmem:s24+$0x1010];
	[tilespmem:s24+$0xC20] =	vst v7;
	v7 =	vmul.f32 v27, v12  }
0x220: {  	v9 =	vld [tilespmem:s24+$0x1020];
	[tilespmem:s24+$0xC30] =	vst v8;
	v8 =	vmul.f32 v28, v13  }
0x221: {  	v12 =	vmul.f32 v29, v14;
	[tilespmem:s24+$0xC40] =	vst v7;
	v7 =	vld [tilespmem:s24+$0x1030]  }
0x222: {  	v13 =	vmul.f32 v30, v15;
	[tilespmem:s24+$0xC50] =	vst v8;
	v8 =	vld [tilespmem:s24+$0x1040]  }
0x223: {  	s25 =	simm.s32 $0x200;
	s0 =	simm.s32 $0x80;
	[tilespmem:s24+$0xC60] =	vst v12;
	v12 =	vmul.f32 v31, v11;
	v11 =	vld [tilespmem:s24+$0x1050]  }
.LBB2_8:
0x224: {  	s2 =	sand.u32 $0x7000, s25;
	s7 =	sand.u32 $0x380, s0;
	p0 =	sne.s32 s25, $0x7E00;
	[tilespmem:s24+$0xC70] =	vst v13;
	v6 =	vmul.f32 v6, v10;
	v10 =	vld [tilespmem:s24+$0x1060]  }
0x225: {  	s2 =	sor.u32 s7, s2;
	[tilespmem:s24+$0x1000] =	vst v12;
	v5 =	vmul.f32 v5, v9;
	v9 =	vld [tilespmem:s24+$0x1070]  }
0x226: {  	v12 =	vld [tilespmem:s2+$0x8400];
	[tilespmem:s24+$0x1010] =	vst v6;
	v4 =	vmul.f32 v4, v7  }
0x227: {  	v7 =	vld [tilespmem:s2+$0x8410];
	[tilespmem:s24+$0x1020] =	vst v5;
	v3 =	vmul.f32 v3, v8  }
0x228: {  	v8 =	vld [tilespmem:s2+$0x8420];
	[tilespmem:s24+$0x1030] =	vst v4;
	v2 =	vmul.f32 v2, v11  }
0x229: {  	v11 =	vld [tilespmem:s2+$0x8430];
	[tilespmem:s24+$0x1040] =	vst v3;
	v1 =	vmul.f32 v1, v10  }
0x22a: {  	v10 =	vld [tilespmem:s2+$0x8440];
	[tilespmem:s24+$0x1050] =	vst v2;
	v0 =	vmul.f32 v0, v9  }
0x22b: {  	v9 =	vld [tilespmem:s2+$0x8450];
	[tilespmem:s24+$0x1060] =	vst v1  }
0x22c: {  	v13 =	vld [tilespmem:s2+$0x8460];
	[tilespmem:s24+$0x1070] =	vst v0;
	s24 =	smov.u32 s2  }
0x22d: {  	v14 =	vld [tilespmem:s24+$0x8470]  }
0x22e: {  	v15 =	vld [tilespmem:s24+$0x8800]  }
0x22f: {  	v16 =	vld [tilespmem:s24+$0x8810]  }
0x230: {  	v17 =	vld [tilespmem:s24+$0x8820]  }
0x231: {  	v18 =	vld [tilespmem:s24+$0x8830]  }
0x232: {  	v19 =	vld [tilespmem:s24+$0x8840]  }
0x233: {  	v20 =	vld [tilespmem:s24+$0x8850]  }
0x234: {  	v21 =	vld [tilespmem:s24+$0x8860]  }
0x235: {  	v22 =	vld [tilespmem:s24+$0x8870]  }
0x236: {  	v23 =	vld [tilespmem:s24+$0x8C00]  }
0x237: {  	v24 =	vld [tilespmem:s24+$0x8C10]  }
0x238: {  	v25 =	vld [tilespmem:s24+$0x8C20]  }
0x239: {  	v26 =	vld [tilespmem:s24+$0x8C30]  }
0x23a: {  	v27 =	vld [tilespmem:s24+$0x8C40]  }
0x23b: {  	v28 =	vld [tilespmem:s24+$0x8C50]  }
0x23c: {  	v29 =	vld [tilespmem:s24+$0x8C60]  }
0x23d: {  	v30 =	vld [tilespmem:s24+$0x8C70]  }
0x23e: {  	v31 =	vld [tilespmem:s24+$0x9000]  }
0x23f: {  	v6 =	vld [tilespmem:s24+$0x9010]  }
0x240: {  	v5 =	vld [tilespmem:s24+$0x9020]  }
0x241: {  	v4 =	vld [tilespmem:s24+$0x9030]  }
0x242: {  	v3 =	vld [tilespmem:s24+$0x9040]  }
0x243: {  	v2 =	vld [tilespmem:s24+$0x9050]  }
0x244: {  	v1 =	vld [tilespmem:s24+$0x9060]  }
0x245: {  	v0 =	vld [tilespmem:s24+$0x9070]  }
0x246: {  	v32 =	vld [tilespmem:s24+$0x400]  }
0x247: {  	v33 =	vld [tilespmem:s24+$0x410]  }
0x248: {  	v34 =	vld [tilespmem:s24+$0x420]  }
0x249: {  	v35 =	vld [tilespmem:s24+$0x430]  }
0x24a: {  	v36 =	vld [tilespmem:s24+$0x440]  }
0x24b: {  	v12 =	vmul.f32 v12, v32;
	v32 =	vld [tilespmem:s24+$0x450]  }
0x24c: {  	v7 =	vmul.f32 v7, v33;
	v33 =	vld [tilespmem:s24+$0x460]  }
0x24d: {  	[tilespmem:s24+$0x400] =	vst v12;
	v8 =	vmul.f32 v8, v34;
	v12 =	vld [tilespmem:s24+$0x470]  }
0x24e: {  	[tilespmem:s24+$0x410] =	vst v7;
	v7 =	vmul.f32 v11, v35;
	v11 =	vld [tilespmem:s24+$0x800]  }
0x24f: {  	[tilespmem:s24+$0x420] =	vst v8;
	v8 =	vmul.f32 v10, v36;
	v10 =	vld [tilespmem:s24+$0x810]  }
0x250: {  	[tilespmem:s24+$0x430] =	vst v7;
	v7 =	vmul.f32 v9, v32;
	v9 =	vld [tilespmem:s24+$0x820]  }
0x251: {  	[tilespmem:s24+$0x440] =	vst v8;
	v8 =	vmul.f32 v13, v33;
	v13 =	vld [tilespmem:s24+$0x830]  }
0x252: {  	[tilespmem:s24+$0x450] =	vst v7;
	v7 =	vmul.f32 v14, v12;
	v12 =	vld [tilespmem:s24+$0x840]  }
0x253: {  	[tilespmem:s24+$0x460] =	vst v8;
	v8 =	vmul.f32 v15, v11;
	v11 =	vld [tilespmem:s24+$0x850]  }
0x254: {  	[tilespmem:s24+$0x470] =	vst v7;
	v7 =	vmul.f32 v16, v10;
	v10 =	vld [tilespmem:s24+$0x860]  }
0x255: {  	[tilespmem:s24+$0x800] =	vst v8;
	v8 =	vmul.f32 v17, v9;
	v9 =	vld [tilespmem:s24+$0x870]  }
0x256: {  	[tilespmem:s24+$0x810] =	vst v7;
	v7 =	vmul.f32 v18, v13;
	v13 =	vld [tilespmem:s24+$0xC00]  }
0x257: {  	[tilespmem:s24+$0x820] =	vst v8;
	v8 =	vmul.f32 v19, v12;
	v12 =	vld [tilespmem:s24+$0xC10]  }
0x258: {  	[tilespmem:s24+$0x830] =	vst v7;
	v7 =	vmul.f32 v20, v11;
	v11 =	vld [tilespmem:s24+$0xC20]  }
0x259: {  	[tilespmem:s24+$0x840] =	vst v8;
	v8 =	vmul.f32 v21, v10;
	v10 =	vld [tilespmem:s24+$0xC30]  }
0x25a: {  	[tilespmem:s24+$0x850] =	vst v7;
	v7 =	vmul.f32 v22, v9;
	v9 =	vld [tilespmem:s24+$0xC40]  }
0x25b: {  	[tilespmem:s24+$0x860] =	vst v8;
	v8 =	vmul.f32 v23, v13;
	v13 =	vld [tilespmem:s24+$0xC50]  }
0x25c: {  	[tilespmem:s24+$0x870] =	vst v7;
	v7 =	vmul.f32 v24, v12;
	v12 =	vld [tilespmem:s24+$0xC60]  }
0x25d: {  	[tilespmem:s24+$0xC00] =	vst v8;
	v8 =	vmul.f32 v25, v11;
	v11 =	vld [tilespmem:s24+$0xC70]  }
0x25e: {  	[tilespmem:s24+$0xC10] =	vst v7;
	v7 =	vmul.f32 v26, v10;
	v14 =	vld [tilespmem:s24+$0x1000]  }
.Ltmp3:
0x25f: {  	[tilespmem:s24+$0xC20] =	vst v8;
	v8 =	vmul.f32 v27, v9;
	v10 =	vld [tilespmem:s24+$0x1010];
	(pc) =	sbr.rel @p0 .LBB2_8-.Ltmp3, $4  }
0x260: {  	[tilespmem:s24+$0xC30] =	vst v7;
	v13 =	vmul.f32 v28, v13;
	v9 =	vld [tilespmem:s24+$0x1020]  }
0x261: {  	[tilespmem:s24+$0xC40] =	vst v8;
	v12 =	vmul.f32 v29, v12;
	v7 =	vld [tilespmem:s24+$0x1030]  }
0x262: {  	[tilespmem:s24+$0xC50] =	vst v13;
	v13 =	vmul.f32 v30, v11;
	v8 =	vld [tilespmem:s24+$0x1040]  }
0x263: {  	s0 =	sadd.s32 $0x80, s0;
	s25 =	sadd.s32 $0x200, s25;
	[tilespmem:s24+$0xC60] =	vst v12;
	v12 =	vmul.f32 v31, v14;
	v11 =	vld [tilespmem:s24+$0x1050]  }
0x264: {  	[tilespmem:s24+$0xC70] =	vst v13;
	v6 =	vmul.f32 v6, v10;
	v62 =	vld [tilespmem:s24+$0x1060]  }
0x265: {  	v63 =	vld [tilespmem:s24+$0x1070];
	[tilespmem:s24+$0x1000] =	vst v12;
	v5 =	vmul.f32 v5, v9  }
0x266: {  	[tilespmem:s24+$0x1010] =	vst v6;
	v4 =	vmul.f32 v4, v7  }
0x267: {  	[tilespmem:s24+$0x1020] =	vst v5;
	v3 =	vmul.f32 v3, v8  }
0x268: {  	[tilespmem:s24+$0x1030] =	vst v4;
	v2 =	vmul.f32 v2, v11  }
0x269: {  	[tilespmem:s24+$0x1040] =	vst v3;
	v1 =	vmul.f32 v1, v62  }
0x26a: {  	v0 =	vmul.f32 v0, v63;
	[tilespmem:s24+$0x1050] =	vst v2  }
0x26b: {  	[tilespmem:s24+$0x1060] =	vst v1  }
0x26c: {  	[tilespmem:s24+$0x1070] =	vst v0;
	s24 =	simm.s32 $0x200  }
0x26d: {  	v0 =	vld [tilespmem:s24+$0x0];
	_ =	sdelay $0x4  }
0x26e: {  	v0 =	vshll.u32 v0, $0x4  }
0x26f: {  	(v2sf) =	vpush v0, $0x1  }
0x270: {  	(v2sf) =	vpush v0, $0x0;
	_ =	sdelay $0x3  }
0x271: {  	(v2sf) =	vpush v0, $0x3;
	_ =	sdelay $0x1  }
0x272: {  	(v2sf) =	vpush v0, $0x2;
	_ =	sdelay $0x7  }
0x273: {  	(v2sf) =	vpush v0, $0x4;
	s2 =	spop (v2sf)  }
0x274: {  	s0 =	sand.u32 $0x300, s22;
	s7 =	spop (v2sf)  }
0x275: {  	s0 =	sor.u32 s0, s23;
	s7 =	sand.u32 $0x1FFFFFF0, s7  }
0x276: {  	s8 =	sor.u32 $0x8400, s0;
	s7 =	sadd.s32 s6, s7  }
0x277: {  	(v2sf) =	vpush v0, $0x5;
	[tilespmem:s8], [sflag:$0x2] =	stream.strided.gather [hbm4b:s7+s14], $0x0, s15, s14, $0x38;
	[tilespmem:$0x18400] =	vst v63  }
0x278: {  	s2 =	sand.u32 $0x1FFFFFF0, s2;
	s9 =	spop (v2sf)  }
0x279: {  	[tilespmem:s8], [sflag:$0x2] =	stream.linear.gather [hbm4b:s7+s1], $0x40, $0x38;
	[tilespmem:$0x18400] =	vst v63  }
0x27a: {  	s26 =	sor.u32 $0x8440, s0;
	s2 =	sadd.s32 s6, s2;
	s28 =	spop (v2sf)  }
0x27b: {  	(v2sf) =	vpush v0, $0x6;
	[tilespmem:s26], [sflag:$0x2] =	stream.strided.gather [hbm4b:s2+s14], $0x0, s15, s14, $0x38;
	[tilespmem:$0x18400] =	vst v63  }
0x27c: {  	s8 =	sand.u32 $0x1FFFFFF0, s28  }
0x27d: {  	(v2sf) =	vpush v0, $0x7;
	[tilespmem:s26], [sflag:$0x2] =	stream.linear.gather [hbm4b:s2+s1], $0x40, $0x38;
	[tilespmem:$0x18400] =	vst v63  }
0x27e: {  	s29 =	sor.u32 $0x8800, s0;
	s30 =	sadd.s32 s6, s8  }
0x27f: {  	[tilespmem:s29], [sflag:$0x2] =	stream.strided.gather [hbm4b:s30+s14], $0x0, s15, s14, $0x38;
	[tilespmem:$0x18400] =	vst v63  }
0x280: {  	s31 =	sand.u32 $0x1FFFFFF0, s9  }
0x281: {  	[tilespmem:s29], [sflag:$0x2] =	stream.linear.gather [hbm4b:s30+s1], $0x40, $0x38;
	[tilespmem:$0x18400] =	vst v63  }
0x282: {  	s9 =	sor.u32 $0x8840, s0;
	s7 =	spop (v2sf);
	s8 =	sadd.s32 s6, s31  }
0x283: {  	(v2sf) =	vpush v0, $0x8;
	[tilespmem:s9], [sflag:$0x2] =	stream.strided.gather [hbm4b:s8+s14], $0x0, s15, s14, $0x38;
	[tilespmem:$0x18400] =	vst v63  }
0x284: {  	s11 =	sand.u32 $0x3, s22;
	s2 =	sand.u32 $0x1FFFFFF0, s7  }
0x285: {  	[tilespmem:s9], [sflag:$0x2] =	stream.linear.gather [hbm4b:s8+s1], $0x40, $0x38;
	[tilespmem:$0x18400] =	vst v63  }
0x286: {  	s13 =	sor.u32 $0x8C00, s0;
	s2 =	sadd.s32 s6, s2;
	s10 =	spop (v2sf)  }
0x287: {  	(v2sf) =	vpush v0, $0x9;
	[tilespmem:s13], [sflag:$0x2] =	stream.strided.gather [hbm4b:s2+s14], $0x0, s15, s14, $0x38;
	[tilespmem:$0x18400] =	vst v63  }
0x288: {  	s16 =	sor.u32 $0x8C40, s0;
	s7 =	sshll.u32 s11, $0x8;
	s9 =	sand.u32 $0x1FFFFFF0, s10  }
0x289: {  	[tilespmem:s13], [sflag:$0x2] =	stream.linear.gather [hbm4b:s2+s1], $0x40, $0x38;
	[tilespmem:$0x18400] =	vst v63  }
0x28a: {  	s10 =	spop (v2sf);
	s18 =	sadd.s32 s6, s9;
	s2 =	sadd.s32 $0x0, s7  }
0x28b: {  	(v2sf) =	vpush v0, $0xA;
	[tilespmem:s16], [sflag:$0x2] =	stream.strided.gather [hbm4b:s18+s14], $0x0, s15, s14, $0x38;
	[tilespmem:$0x18400] =	vst v63  }
0x28c: {  	s19 =	sand.u32 $0x1FFFFFF0, s10;
	s23 =	spop (v2sf);
	s20 =	sor.u32 $0xC00, s2  }
0x28d: {  	(v2sf) =	vpush v0, $0xB;
	[tilespmem:s16], [sflag:$0x2] =	stream.linear.gather [hbm4b:s18+s1], $0x40, $0x38;
	[tilespmem:$0x18400] =	vst v63  }
0x28e: {  	s9 =	sadd.s32 s6, s19;
	s25 =	sadd.s32 $0x8400, s20  }
0x28f: {  	[tilespmem:s25], [sflag:$0x2] =	stream.strided.gather [hbm4b:s9+s14], $0x0, s15, s14, $0x38;
	[tilespmem:$0x18400] =	vst v63  }
0x290: {  	s7 =	sand.u32 $0x1FFFFFF0, s23;
	s26 =	sor.u32 $0xC40, s2  }
0x291: {  	[tilespmem:s25], [sflag:$0x2] =	stream.linear.gather [hbm4b:s9+s1], $0x40, $0x38;
	[tilespmem:$0x18400] =	vst v63  }
0x292: {  	s28 =	spop (v2sf);
	s7 =	sadd.s32 s6, s7;
	s29 =	sadd.s32 $0x8400, s26  }
0x293: {  	(v2sf) =	vpush v0, $0xC;
	[tilespmem:s29], [sflag:$0x2] =	stream.strided.gather [hbm4b:s7+s14], $0x0, s15, s14, $0x38;
	[tilespmem:$0x18400] =	vst v63  }
0x294: {  	s8 =	sand.u32 $0x1FFFFFF0, s28  }
0x295: {  	[tilespmem:s29], [sflag:$0x2] =	stream.linear.gather [hbm4b:s7+s1], $0x40, $0x38;
	[tilespmem:$0x18400] =	vst v63  }
0x296: {  	s31 =	sor.u32 $0x8480, s0;
	s8 =	sadd.s32 s6, s8;
	s30 =	spop (v2sf)  }
0x297: {  	(v2sf) =	vpush v0, $0xD;
	[tilespmem:s31], [sflag:$0x2] =	stream.strided.gather [hbm4b:s8+s14], $0x0, s15, s14, $0x38;
	[tilespmem:$0x18400] =	vst v63  }
0x298: {  	s7 =	sand.u32 $0x1FFFFFF0, s30  }
0x299: {  	[tilespmem:s31], [sflag:$0x2] =	stream.linear.gather [hbm4b:s8+s1], $0x40, $0x38;
	[tilespmem:$0x18400] =	vst v63  }
0x29a: {  	s10 =	sor.u32 $0x84C0, s0;
	s9 =	spop (v2sf);
	s7 =	sadd.s32 s6, s7  }
0x29b: {  	(v2sf) =	vpush v0, $0xE;
	[tilespmem:s10], [sflag:$0x2] =	stream.strided.gather [hbm4b:s7+s14], $0x0, s15, s14, $0x38;
	[tilespmem:$0x18400] =	vst v63  }
0x29c: {  	s11 =	spop (v2sf);
	s8 =	sand.u32 $0x1FFFFFF0, s9  }
0x29d: {  	(v2sf) =	vpush v0, $0xF;
	[tilespmem:s10], [sflag:$0x2] =	stream.linear.gather [hbm4b:s7+s1], $0x40, $0x38;
	[tilespmem:$0x18400] =	vst v63  }
0x29e: {  	s13 =	sor.u32 $0x8880, s0;
	s8 =	sadd.s32 s6, s8  }
0x29f: {  	[tilespmem:s13], [sflag:$0x2] =	stream.strided.gather [hbm4b:s8+s14], $0x0, s15, s14, $0x38;
	[tilespmem:$0x18400] =	vst v63  }
0x2a0: {  	s7 =	sand.u32 $0x1FFFFFF0, s11  }
0x2a1: {  	[tilespmem:s13], [sflag:$0x2] =	stream.linear.gather [hbm4b:s8+s1], $0x40, $0x38;
	[tilespmem:$0x18400] =	vst v63  }
0x2a2: {  	s18 =	sor.u32 $0x88C0, s0;
	s16 =	spop (v2sf);
	s7 =	sadd.s32 s6, s7  }
0x2a3: {  	[tilespmem:s18], [sflag:$0x2] =	stream.strided.gather [hbm4b:s7+s14], $0x0, s15, s14, $0x38;
	[tilespmem:$0x18400] =	vst v63  }
0x2a4: {  	s2 =	sadd.s32 $0x80, s2;
	s8 =	sand.u32 $0x1FFFFFF0, s16  }
0x2a5: {  	[tilespmem:s18], [sflag:$0x2] =	stream.linear.gather [hbm4b:s7+s1], $0x40, $0x38;
	[tilespmem:$0x18400] =	vst v63  }
0x2a6: {  	s20 =	sor.u32 $0x8C80, s0;
	s19 =	spop (v2sf);
	s8 =	sadd.s32 s6, s8  }
0x2a7: {  	[tilespmem:s20], [sflag:$0x2] =	stream.strided.gather [hbm4b:s8+s14], $0x0, s15, s14, $0x38;
	[tilespmem:$0x18400] =	vst v63  }
0x2a8: {  	s0 =	sor.u32 $0x8CC0, s0;
	s25 =	sor.u32 $0xC00, s2;
	s7 =	sand.u32 $0x1FFFFFF0, s19  }
0x2a9: {  	[tilespmem:s20], [sflag:$0x2] =	stream.linear.gather [hbm4b:s8+s1], $0x40, $0x38;
	[tilespmem:$0x18400] =	vst v63  }
0x2aa: {  	s26 =	sadd.s32 $0x8400, s25;
	s23 =	spop (v2sf);
	s7 =	sadd.s32 s6, s7  }
0x2ab: {  	[tilespmem:s0], [sflag:$0x2] =	stream.strided.gather [hbm4b:s7+s14], $0x0, s15, s14, $0x38;
	[tilespmem:$0x18400] =	vst v63  }
0x2ac: {  	s30 =	sor.u32 $0xC40, s2;
	s29 =	spop (v2sf);
	s8 =	sand.u32 $0x1FFFFFF0, s23  }
0x2ad: {  	[tilespmem:s0], [sflag:$0x2] =	stream.linear.gather [hbm4b:s7+s1], $0x40, $0x38;
	[tilespmem:$0x18400] =	vst v63  }
0x2ae: {  	s13 =	sadd.s32 $0x8400, s30;
	s31 =	sand.u32 $0x1FFFFFF0, s29;
	s28 =	sadd.s32 s6, s8  }
0x2af: {  	[tilespmem:s26], [sflag:$0x2] =	stream.strided.gather [hbm4b:s28+s14], $0x0, s15, s14, $0x38;
	[tilespmem:$0x18400] =	vst v63  }
0x2b0: {  	s23 =	simm.s32 $0x100;
	s7 =	sadd.s32 s6, s31;
	s0 =	simm.s32 $0x0  }
0x2b1: {  	[tilespmem:s26], [sflag:$0x2] =	stream.linear.gather [hbm4b:s28+s1], $0x40, $0x38;
	[tilespmem:$0x18400] =	vst v63  }
.LBB2_10:
0x2b2: {  	s22 =	sadd.s32 $0x400, s22;
	s0 =	sadd.s32 $0x1, s0;
	s24 =	sadd.s32 $0x10, s24  }
0x2b3: {  	[tilespmem:s13], [sflag:$0x2] =	stream.strided.gather [hbm4b:s7+s14], $0x0, s15, s14, $0x38;
	[tilespmem:$0x18400] =	vst v63  }
0x2b4: {  	p0 =	sne.s32 s23, $0x1F00;
	s2 =	smov.u32 s23;
	s23 =	sadd.s32 $0x100, s23  }
0x2b5: {  	[tilespmem:s13], [sflag:$0x2] =	stream.linear.gather [hbm4b:s7+s1], $0x40, $0x38;
	[tilespmem:$0x18400] =	vst v63  }
0x2b6: {  	v0 =	vld [tilespmem:s24+$0x0];
	_ =	sdelay $0x4  }
0x2b7: {  	v0 =	vshll.u32 v0, $0x4  }
0x2b8: {  	(v2sf) =	vpush v0, $0x1  }
0x2b9: {  	(v2sf) =	vpush v0, $0x0  }
0x2ba: {  	(v2sf) =	vpush v0, $0x3  }
0x2bb: {  	(v2sf) =	vpush v0, $0x2;
	_ =	sdelay $0x1  }
0x2bc: {  	(v2sf) =	vpush v0, $0x4;
	_ =	sdelay $0x1  }
0x2bd: {  	(v2sf) =	vpush v0, $0x5;
	_ =	sdelay $0x1  }
0x2be: {  	(v2sf) =	vpush v0, $0x6;
	_ =	sdelay $0x3  }
0x2bf: {  	s2 =	sand.u32 $0x300, s2;
	s7 =	sand.u32 $0x7000, s22;
	(v2sf) =	vpush v0, $0x7  }
0x2c0: {  	s2 =	sor.u32 s2, s7  }
0x2c1: {  	s7 =	sor.u32 $0x8440, s2;
	s8 =	spop (v2sf)  }
0x2c2: {  	s9 =	sor.u32 $0x8400, s2;
	s8 =	sand.u32 $0x1FFFFFF0, s8;
	s10 =	spop (v2sf)  }
0x2c3: {  	s10 =	sand.u32 $0x1FFFFFF0, s10;
	s11 =	spop (v2sf);
	(v2sf) =	vpush v0, $0x8  }
0x2c4: {  	s10 =	sadd.s32 s6, s10;
	s11 =	sand.u32 $0x1FFFFFF0, s11;
	s13 =	spop (v2sf)  }
0x2c5: {  	[tilespmem:s9], [sflag:$0x2] =	stream.strided.gather [hbm4b:s10+s14], $0x0, s15, s14, $0x38;
	[tilespmem:$0x18400] =	vst v63  }
0x2c6: {  	s13 =	sand.u32 $0x1FFFFFF0, s13;
	s16 =	spop (v2sf)  }
0x2c7: {  	[tilespmem:s9], [sflag:$0x2] =	stream.linear.gather [hbm4b:s10+s1], $0x40, $0x38;
	(v2sf) =	vpush v0, $0x9;
	[tilespmem:$0x18400] =	vst v63  }
0x2c8: {  	s8 =	sadd.s32 s6, s8;
	s9 =	sand.u32 $0x1FFFFFF0, s16;
	s10 =	spop (v2sf)  }
0x2c9: {  	[tilespmem:s7], [sflag:$0x2] =	stream.strided.gather [hbm4b:s8+s14], $0x0, s15, s14, $0x38;
	[tilespmem:$0x18400] =	vst v63  }
0x2ca: {  	s10 =	sand.u32 $0x1FFFFFF0, s10;
	s16 =	spop (v2sf)  }
0x2cb: {  	[tilespmem:s7], [sflag:$0x2] =	stream.linear.gather [hbm4b:s8+s1], $0x40, $0x38;
	[tilespmem:$0x18400] =	vst v63  }
0x2cc: {  	s7 =	sor.u32 $0x8800, s2;
	s8 =	sadd.s32 s6, s13;
	s13 =	sand.u32 $0x1FFFFFF0, s16  }
0x2cd: {  	[tilespmem:s7], [sflag:$0x2] =	stream.strided.gather [hbm4b:s8+s14], $0x0, s15, s14, $0x38;
	[tilespmem:$0x18400] =	vst v63  }
0x2ce: {  	s16 =	spop (v2sf)  }
0x2cf: {  	[tilespmem:s7], [sflag:$0x2] =	stream.linear.gather [hbm4b:s8+s1], $0x40, $0x38;
	(v2sf) =	vpush v0, $0xA;
	[tilespmem:$0x18400] =	vst v63  }
0x2d0: {  	s7 =	sor.u32 $0x8840, s2;
	s8 =	sadd.s32 s6, s11;
	s11 =	sand.u32 $0x1FFFFFF0, s16  }
0x2d1: {  	[tilespmem:s7], [sflag:$0x2] =	stream.strided.gather [hbm4b:s8+s14], $0x0, s15, s14, $0x38;
	[tilespmem:$0x18400] =	vst v63  }
0x2d2: {  	s16 =	sand.u32 $0x3, s0;
	s18 =	spop (v2sf)  }
0x2d3: {  	[tilespmem:s7], [sflag:$0x2] =	stream.linear.gather [hbm4b:s8+s1], $0x40, $0x38;
	(v2sf) =	vpush v0, $0xB;
	[tilespmem:$0x18400] =	vst v63  }
0x2d4: {  	s7 =	sor.u32 $0x8C00, s2;
	s8 =	sadd.s32 s6, s9;
	s9 =	sand.u32 $0x1FFFFFF0, s18  }
0x2d5: {  	[tilespmem:s7], [sflag:$0x2] =	stream.strided.gather [hbm4b:s8+s14], $0x0, s15, s14, $0x38;
	[tilespmem:$0x18400] =	vst v63  }
0x2d6: {  	s16 =	sshll.u32 s16, $0x8;
	s18 =	spop (v2sf)  }
0x2d7: {  	[tilespmem:s7], [sflag:$0x2] =	stream.linear.gather [hbm4b:s8+s1], $0x40, $0x38;
	(v2sf) =	vpush v0, $0xC;
	[tilespmem:$0x18400] =	vst v63  }
0x2d8: {  	s10 =	sadd.s32 s6, s10;
	s7 =	sadd.s32 s16, s22;
	s8 =	sor.u32 $0x8C40, s2  }
0x2d9: {  	[tilespmem:s8], [sflag:$0x2] =	stream.strided.gather [hbm4b:s10+s14], $0x0, s15, s14, $0x38;
	[tilespmem:$0x18400] =	vst v63  }
0x2da: {  	s16 =	sor.u32 $0xC00, s7;
	s19 =	sor.u32 $0xC40, s7;
	s7 =	sadd.s32 $0x80, s7  }
0x2db: {  	[tilespmem:s8], [sflag:$0x2] =	stream.linear.gather [hbm4b:s10+s1], $0x40, $0x38;
	(v2sf) =	vpush v0, $0xD;
	[tilespmem:$0x18400] =	vst v63  }
0x2dc: {  	s20 =	sor.u32 $0xC00, s7;
	s8 =	sadd.s32 $0x8400, s16;
	s10 =	sadd.s32 s6, s13  }
0x2dd: {  	[tilespmem:s8], [sflag:$0x2] =	stream.strided.gather [hbm4b:s10+s14], $0x0, s15, s14, $0x38;
	[tilespmem:$0x18400] =	vst v63  }
0x2de: {  	s7 =	sor.u32 $0xC40, s7;
	s16 =	sand.u32 $0x1FFFFFF0, s18;
	s18 =	spop (v2sf)  }
0x2df: {  	[tilespmem:s8], [sflag:$0x2] =	stream.linear.gather [hbm4b:s10+s1], $0x40, $0x38;
	(v2sf) =	vpush v0, $0xE;
	[tilespmem:$0x18400] =	vst v63  }
0x2e0: {  	s13 =	sadd.s32 $0x8400, s7;
	s8 =	sadd.s32 $0x8400, s19;
	s10 =	sadd.s32 s6, s11  }
0x2e1: {  	[tilespmem:s8], [sflag:$0x2] =	stream.strided.gather [hbm4b:s10+s14], $0x0, s15, s14, $0x38;
	[tilespmem:$0x18400] =	vst v63  }
0x2e2: {  	s7 =	sand.u32 $0x1FFFFFF0, s18;
	s11 =	spop (v2sf)  }
0x2e3: {  	[tilespmem:s8], [sflag:$0x2] =	stream.linear.gather [hbm4b:s10+s1], $0x40, $0x38;
	(v2sf) =	vpush v0, $0xF;
	[tilespmem:$0x18400] =	vst v63  }
0x2e4: {  	s9 =	sadd.s32 s6, s9;
	s8 =	sor.u32 $0x8480, s2;
	s10 =	sand.u32 $0x1FFFFFF0, s11  }
0x2e5: {  	[tilespmem:s8], [sflag:$0x2] =	stream.strided.gather [hbm4b:s9+s14], $0x0, s15, s14, $0x38;
	[tilespmem:$0x18400] =	vst v63  }
0x2e6: {  	s11 =	spop (v2sf)  }
0x2e7: {  	[tilespmem:s8], [sflag:$0x2] =	stream.linear.gather [hbm4b:s9+s1], $0x40, $0x38;
	[tilespmem:$0x18400] =	vst v63  }
0x2e8: {  	s8 =	sor.u32 $0x84C0, s2;
	s9 =	sadd.s32 s6, s16;
	s11 =	sand.u32 $0x1FFFFFF0, s11  }
0x2e9: {  	[tilespmem:s8], [sflag:$0x2] =	stream.strided.gather [hbm4b:s9+s14], $0x0, s15, s14, $0x38;
	[tilespmem:$0x18400] =	vst v63  }
0x2ea: {  	s16 =	spop (v2sf)  }
0x2eb: {  	[tilespmem:s8], [sflag:$0x2] =	stream.linear.gather [hbm4b:s9+s1], $0x40, $0x38;
	[tilespmem:$0x18400] =	vst v63  }
0x2ec: {  	s7 =	sadd.s32 s6, s7;
	s8 =	sor.u32 $0x8880, s2;
	s9 =	sand.u32 $0x1FFFFFF0, s16  }
0x2ed: {  	[tilespmem:s8], [sflag:$0x2] =	stream.strided.gather [hbm4b:s7+s14], $0x0, s15, s14, $0x38;
	[tilespmem:$0x18400] =	vst v63  }
0x2ee: {  	s16 =	spop (v2sf)  }
0x2ef: {  	[tilespmem:s8], [sflag:$0x2] =	stream.linear.gather [hbm4b:s7+s1], $0x40, $0x38;
	[tilespmem:$0x18400] =	vst v63  }
0x2f0: {  	s7 =	sor.u32 $0x88C0, s2;
	s8 =	sadd.s32 s6, s10;
	s10 =	sand.u32 $0x1FFFFFF0, s16  }
0x2f1: {  	[tilespmem:s7], [sflag:$0x2] =	stream.strided.gather [hbm4b:s8+s14], $0x0, s15, s14, $0x38;
	[tilespmem:$0x18400] =	vst v63  }
0x2f2: {  	s16 =	spop (v2sf)  }
0x2f3: {  	[tilespmem:s7], [sflag:$0x2] =	stream.linear.gather [hbm4b:s8+s1], $0x40, $0x38;
	[tilespmem:$0x18400] =	vst v63  }
0x2f4: {  	s11 =	sadd.s32 s6, s11;
	s8 =	sor.u32 $0x8C80, s2;
	s7 =	sand.u32 $0x1FFFFFF0, s16  }
0x2f5: {  	[tilespmem:s8], [sflag:$0x2] =	stream.strided.gather [hbm4b:s11+s14], $0x0, s15, s14, $0x38;
	[tilespmem:$0x18400] =	vst v63  }
0x2f6: {  	s7 =	sadd.s32 s6, s7  }
0x2f7: {  	[tilespmem:s8], [sflag:$0x2] =	stream.linear.gather [hbm4b:s11+s1], $0x40, $0x38;
	[tilespmem:$0x18400] =	vst v63  }
0x2f8: {  	s2 =	sor.u32 $0x8CC0, s2;
	s8 =	sadd.s32 s6, s9  }
0x2f9: {  	[tilespmem:s2], [sflag:$0x2] =	stream.strided.gather [hbm4b:s8+s14], $0x0, s15, s14, $0x38;
	[tilespmem:$0x18400] =	vst v63  }
0x2fa: {  	_ = 	snop  }
0x2fb: {  	[tilespmem:s2], [sflag:$0x2] =	stream.linear.gather [hbm4b:s8+s1], $0x40, $0x38;
	[tilespmem:$0x18400] =	vst v63  }
.Ltmp4:
0x2fc: {  	_ = 	snop;
	(pc) =	sbr.rel @p0 .LBB2_10-.Ltmp4, $4  }
0x2fd: {  	s2 =	sadd.s32 $0x8400, s20;
	s8 =	sadd.s32 s6, s10  }
0x2fe: {  	[tilespmem:s2], [sflag:$0x2] =	stream.strided.gather [hbm4b:s8+s14], $0x0, s15, s14, $0x38;
	[tilespmem:$0x18400] =	vst v63  }
0x2ff: {  	_ = 	snop  }
0x300: {  	[tilespmem:s2], [sflag:$0x2] =	stream.linear.gather [hbm4b:s8+s1], $0x40, $0x38;
	[tilespmem:$0x18400] =	vst v63  }
0x301: {  	[tilespmem:s13], [sflag:$0x2] =	stream.strided.gather [hbm4b:s7+s14], $0x0, s15, s14, $0x38;
	[tilespmem:$0x18400] =	vst v63  }
0x302: {  	_ = 	snop  }
0x303: {  	[tilespmem:s13], [sflag:$0x2] =	stream.linear.gather [hbm4b:s7+s1], $0x40, $0x38;
	[tilespmem:$0x18400] =	vst v63  }
0x304: {  	s0 =	simm.s32 $0x0;
	s2 =	rddreg [dreg:$0x6];
	s30 =	simm.s32 $0x3  }
0x305: {  	[hbm4b:s2+s0] =	stream.linear.scatter [tilespmem:s15], [sflag:$0x4], $0x8000, $0x38;
	[tilespmem:$0x18400] =	vst v63  }
0x306: {  	_ =	swait.ge [sflag:s30], $0x8000  }
0x307: {  	[sflag:s30] =	ssyncset.done $0x0  }
0x308: {  	[sflag:s30] =	ssyncadd.s32 $0xFFFF8000  }
0x309: {  	_ =	swait.ge [sflag:s17], $0x8000  }
0x30a: {  	s31 =	sand.u32 $0x7000, s0;
	s0 =	sand.u32 $0x380, s0;
	[sflag:s17] =	ssyncset.done $0x0  }
0x30b: {  	s22 =	sor.u32 s0, s31;
	[sflag:s17] =	ssyncadd.s32 $0xFFFF8000  }
0x30c: {  	v7 =	vld [tilespmem:s22+$0x8400]  }
0x30d: {  	v8 =	vld [tilespmem:s22+$0x8410]  }
0x30e: {  	v9 =	vld [tilespmem:s22+$0x8420]  }
0x30f: {  	v10 =	vld [tilespmem:s22+$0x8430]  }
0x310: {  	v11 =	vld [tilespmem:s22+$0x8440]  }
0x311: {  	v12 =	vld [tilespmem:s22+$0x8450]  }
0x312: {  	v13 =	vld [tilespmem:s22+$0x8460]  }
0x313: {  	v14 =	vld [tilespmem:s22+$0x8470]  }
0x314: {  	v15 =	vld [tilespmem:s22+$0x8800]  }
0x315: {  	v16 =	vld [tilespmem:s22+$0x8810]  }
0x316: {  	v17 =	vld [tilespmem:s22+$0x8820]  }
0x317: {  	v18 =	vld [tilespmem:s22+$0x8830]  }
0x318: {  	v19 =	vld [tilespmem:s22+$0x8840]  }
0x319: {  	v20 =	vld [tilespmem:s22+$0x8850]  }
0x31a: {  	v21 =	vld [tilespmem:s22+$0x8860]  }
0x31b: {  	v22 =	vld [tilespmem:s22+$0x8870]  }
0x31c: {  	v23 =	vld [tilespmem:s22+$0x8C00]  }
0x31d: {  	v24 =	vld [tilespmem:s22+$0x8C10]  }
0x31e: {  	v25 =	vld [tilespmem:s22+$0x8C20]  }
0x31f: {  	v26 =	vld [tilespmem:s22+$0x8C30]  }
0x320: {  	v27 =	vld [tilespmem:s22+$0x8C40]  }
0x321: {  	v28 =	vld [tilespmem:s22+$0x8C50]  }
0x322: {  	v29 =	vld [tilespmem:s22+$0x8C60]  }
0x323: {  	v30 =	vld [tilespmem:s22+$0x8C70]  }
0x324: {  	v31 =	vld [tilespmem:s22+$0x9000]  }
0x325: {  	v6 =	vld [tilespmem:s22+$0x9010]  }
0x326: {  	v5 =	vld [tilespmem:s22+$0x9020]  }
0x327: {  	v4 =	vld [tilespmem:s22+$0x9030]  }
0x328: {  	v3 =	vld [tilespmem:s22+$0x9040]  }
0x329: {  	v2 =	vld [tilespmem:s22+$0x9050]  }
0x32a: {  	v1 =	vld [tilespmem:s22+$0x9060]  }
0x32b: {  	v0 =	vld [tilespmem:s22+$0x9070]  }
0x32c: {  	v32 =	vld [tilespmem:s22+$0x10400]  }
0x32d: {  	v33 =	vld [tilespmem:s22+$0x10410]  }
0x32e: {  	v34 =	vld [tilespmem:s22+$0x10420]  }
0x32f: {  	v35 =	vld [tilespmem:s22+$0x10430]  }
0x330: {  	v36 =	vld [tilespmem:s22+$0x10440]  }
0x331: {  	v62 =	vld [tilespmem:s22+$0x10450];
	v7 =	vmul.f32 v7, v32  }
0x332: {  	v63 =	vld [tilespmem:s22+$0x10460];
	v8 =	vmul.f32 v8, v33  }
0x333: {  	[tilespmem:s22+$0x10400] =	vst v7;
	v7 =	vmul.f32 v9, v34;
	v9 =	vld [tilespmem:s22+$0x10470]  }
0x334: {  	[tilespmem:s22+$0x10410] =	vst v8;
	v8 =	vmul.f32 v10, v35;
	v10 =	vld [tilespmem:s22+$0x10800]  }
0x335: {  	[tilespmem:s22+$0x10420] =	vst v7;
	v7 =	vmul.f32 v11, v36;
	v11 =	vld [tilespmem:s22+$0x10810]  }
0x336: {  	[tilespmem:s22+$0x10430] =	vst v8;
	v8 =	vmul.f32 v12, v62;
	v12 =	vld [tilespmem:s22+$0x10820]  }
0x337: {  	[tilespmem:s22+$0x10440] =	vst v7;
	v7 =	vmul.f32 v13, v63;
	v13 =	vld [tilespmem:s22+$0x10830]  }
0x338: {  	[tilespmem:s22+$0x10450] =	vst v8;
	v8 =	vmul.f32 v14, v9;
	v9 =	vld [tilespmem:s22+$0x10840]  }
0x339: {  	[tilespmem:s22+$0x10460] =	vst v7;
	v7 =	vmul.f32 v15, v10;
	v10 =	vld [tilespmem:s22+$0x10850]  }
0x33a: {  	[tilespmem:s22+$0x10470] =	vst v8;
	v8 =	vmul.f32 v16, v11;
	v11 =	vld [tilespmem:s22+$0x10860]  }
0x33b: {  	[tilespmem:s22+$0x10800] =	vst v7;
	v7 =	vmul.f32 v17, v12;
	v12 =	vld [tilespmem:s22+$0x10870]  }
0x33c: {  	[tilespmem:s22+$0x10810] =	vst v8;
	v8 =	vmul.f32 v18, v13;
	v13 =	vld [tilespmem:s22+$0x10C00]  }
0x33d: {  	[tilespmem:s22+$0x10820] =	vst v7;
	v7 =	vmul.f32 v19, v9;
	v9 =	vld [tilespmem:s22+$0x10C10]  }
0x33e: {  	[tilespmem:s22+$0x10830] =	vst v8;
	v8 =	vmul.f32 v20, v10;
	v10 =	vld [tilespmem:s22+$0x10C20]  }
0x33f: {  	[tilespmem:s22+$0x10840] =	vst v7;
	v7 =	vmul.f32 v21, v11;
	v11 =	vld [tilespmem:s22+$0x10C30]  }
0x340: {  	[tilespmem:s22+$0x10850] =	vst v8;
	v8 =	vmul.f32 v22, v12;
	v12 =	vld [tilespmem:s22+$0x10C40]  }
0x341: {  	[tilespmem:s22+$0x10860] =	vst v7;
	v7 =	vmul.f32 v23, v13;
	v13 =	vld [tilespmem:s22+$0x10C50]  }
0x342: {  	v14 =	vld [tilespmem:s22+$0x10C60];
	[tilespmem:s22+$0x10870] =	vst v8;
	v8 =	vmul.f32 v24, v9  }
0x343: {  	v15 =	vld [tilespmem:s22+$0x10C70];
	[tilespmem:s22+$0x10C00] =	vst v7;
	v7 =	vmul.f32 v25, v10  }
0x344: {  	[tilespmem:s22+$0x10C10] =	vst v8;
	v8 =	vmul.f32 v26, v11;
	v11 =	vld [tilespmem:s22+$0x11000]  }
0x345: {  	v10 =	vld [tilespmem:s22+$0x11010];
	[tilespmem:s22+$0x10C20] =	vst v7;
	v7 =	vmul.f32 v27, v12  }
0x346: {  	v9 =	vld [tilespmem:s22+$0x11020];
	[tilespmem:s22+$0x10C30] =	vst v8;
	v8 =	vmul.f32 v28, v13  }
0x347: {  	v12 =	vmul.f32 v29, v14;
	[tilespmem:s22+$0x10C40] =	vst v7;
	v7 =	vld [tilespmem:s22+$0x11030]  }
0x348: {  	v13 =	vmul.f32 v30, v15;
	[tilespmem:s22+$0x10C50] =	vst v8;
	v8 =	vld [tilespmem:s22+$0x11040]  }
0x349: {  	s23 =	simm.s32 $0x200;
	s0 =	simm.s32 $0x80;
	[tilespmem:s22+$0x10C60] =	vst v12;
	v12 =	vmul.f32 v31, v11;
	v11 =	vld [tilespmem:s22+$0x11050]  }
.LBB2_12:
0x34a: {  	s2 =	sand.u32 $0x7000, s23;
	s7 =	sand.u32 $0x380, s0;
	p0 =	sne.s32 s23, $0x7E00;
	[tilespmem:s22+$0x10C70] =	vst v13;
	v6 =	vmul.f32 v6, v10;
	v10 =	vld [tilespmem:s22+$0x11060]  }
0x34b: {  	s2 =	sor.u32 s7, s2;
	[tilespmem:s22+$0x11000] =	vst v12;
	v5 =	vmul.f32 v5, v9;
	v9 =	vld [tilespmem:s22+$0x11070]  }
0x34c: {  	v12 =	vld [tilespmem:s2+$0x8400];
	[tilespmem:s22+$0x11010] =	vst v6;
	v4 =	vmul.f32 v4, v7  }
0x34d: {  	v7 =	vld [tilespmem:s2+$0x8410];
	[tilespmem:s22+$0x11020] =	vst v5;
	v3 =	vmul.f32 v3, v8  }
0x34e: {  	v8 =	vld [tilespmem:s2+$0x8420];
	[tilespmem:s22+$0x11030] =	vst v4;
	v2 =	vmul.f32 v2, v11  }
0x34f: {  	v11 =	vld [tilespmem:s2+$0x8430];
	[tilespmem:s22+$0x11040] =	vst v3;
	v1 =	vmul.f32 v1, v10  }
0x350: {  	v10 =	vld [tilespmem:s2+$0x8440];
	[tilespmem:s22+$0x11050] =	vst v2;
	v0 =	vmul.f32 v0, v9  }
0x351: {  	v9 =	vld [tilespmem:s2+$0x8450];
	[tilespmem:s22+$0x11060] =	vst v1  }
0x352: {  	v13 =	vld [tilespmem:s2+$0x8460];
	[tilespmem:s22+$0x11070] =	vst v0;
	s22 =	smov.u32 s2  }
0x353: {  	v14 =	vld [tilespmem:s22+$0x8470]  }
0x354: {  	v15 =	vld [tilespmem:s22+$0x8800]  }
0x355: {  	v16 =	vld [tilespmem:s22+$0x8810]  }
0x356: {  	v17 =	vld [tilespmem:s22+$0x8820]  }
0x357: {  	v18 =	vld [tilespmem:s22+$0x8830]  }
0x358: {  	v19 =	vld [tilespmem:s22+$0x8840]  }
0x359: {  	v20 =	vld [tilespmem:s22+$0x8850]  }
0x35a: {  	v21 =	vld [tilespmem:s22+$0x8860]  }
0x35b: {  	v22 =	vld [tilespmem:s22+$0x8870]  }
0x35c: {  	v23 =	vld [tilespmem:s22+$0x8C00]  }
0x35d: {  	v24 =	vld [tilespmem:s22+$0x8C10]  }
0x35e: {  	v25 =	vld [tilespmem:s22+$0x8C20]  }
0x35f: {  	v26 =	vld [tilespmem:s22+$0x8C30]  }
0x360: {  	v27 =	vld [tilespmem:s22+$0x8C40]  }
0x361: {  	v28 =	vld [tilespmem:s22+$0x8C50]  }
0x362: {  	v29 =	vld [tilespmem:s22+$0x8C60]  }
0x363: {  	v30 =	vld [tilespmem:s22+$0x8C70]  }
0x364: {  	v31 =	vld [tilespmem:s22+$0x9000]  }
0x365: {  	v6 =	vld [tilespmem:s22+$0x9010]  }
0x366: {  	v5 =	vld [tilespmem:s22+$0x9020]  }
0x367: {  	v4 =	vld [tilespmem:s22+$0x9030]  }
0x368: {  	v3 =	vld [tilespmem:s22+$0x9040]  }
0x369: {  	v2 =	vld [tilespmem:s22+$0x9050]  }
0x36a: {  	v1 =	vld [tilespmem:s22+$0x9060]  }
0x36b: {  	v0 =	vld [tilespmem:s22+$0x9070]  }
0x36c: {  	v32 =	vld [tilespmem:s22+$0x10400]  }
0x36d: {  	v33 =	vld [tilespmem:s22+$0x10410]  }
0x36e: {  	v34 =	vld [tilespmem:s22+$0x10420]  }
0x36f: {  	v35 =	vld [tilespmem:s22+$0x10430]  }
0x370: {  	v36 =	vld [tilespmem:s22+$0x10440]  }
0x371: {  	v12 =	vmul.f32 v12, v32;
	v32 =	vld [tilespmem:s22+$0x10450]  }
0x372: {  	v7 =	vmul.f32 v7, v33;
	v33 =	vld [tilespmem:s22+$0x10460]  }
0x373: {  	[tilespmem:s22+$0x10400] =	vst v12;
	v8 =	vmul.f32 v8, v34;
	v12 =	vld [tilespmem:s22+$0x10470]  }
0x374: {  	[tilespmem:s22+$0x10410] =	vst v7;
	v7 =	vmul.f32 v11, v35;
	v11 =	vld [tilespmem:s22+$0x10800]  }
0x375: {  	[tilespmem:s22+$0x10420] =	vst v8;
	v8 =	vmul.f32 v10, v36;
	v10 =	vld [tilespmem:s22+$0x10810]  }
0x376: {  	[tilespmem:s22+$0x10430] =	vst v7;
	v7 =	vmul.f32 v9, v32;
	v9 =	vld [tilespmem:s22+$0x10820]  }
0x377: {  	[tilespmem:s22+$0x10440] =	vst v8;
	v8 =	vmul.f32 v13, v33;
	v13 =	vld [tilespmem:s22+$0x10830]  }
0x378: {  	[tilespmem:s22+$0x10450] =	vst v7;
	v7 =	vmul.f32 v14, v12;
	v12 =	vld [tilespmem:s22+$0x10840]  }
0x379: {  	[tilespmem:s22+$0x10460] =	vst v8;
	v8 =	vmul.f32 v15, v11;
	v11 =	vld [tilespmem:s22+$0x10850]  }
0x37a: {  	[tilespmem:s22+$0x10470] =	vst v7;
	v7 =	vmul.f32 v16, v10;
	v10 =	vld [tilespmem:s22+$0x10860]  }
0x37b: {  	[tilespmem:s22+$0x10800] =	vst v8;
	v8 =	vmul.f32 v17, v9;
	v9 =	vld [tilespmem:s22+$0x10870]  }
0x37c: {  	[tilespmem:s22+$0x10810] =	vst v7;
	v7 =	vmul.f32 v18, v13;
	v13 =	vld [tilespmem:s22+$0x10C00]  }
0x37d: {  	[tilespmem:s22+$0x10820] =	vst v8;
	v8 =	vmul.f32 v19, v12;
	v12 =	vld [tilespmem:s22+$0x10C10]  }
0x37e: {  	[tilespmem:s22+$0x10830] =	vst v7;
	v7 =	vmul.f32 v20, v11;
	v11 =	vld [tilespmem:s22+$0x10C20]  }
0x37f: {  	[tilespmem:s22+$0x10840] =	vst v8;
	v8 =	vmul.f32 v21, v10;
	v10 =	vld [tilespmem:s22+$0x10C30]  }
0x380: {  	[tilespmem:s22+$0x10850] =	vst v7;
	v7 =	vmul.f32 v22, v9;
	v9 =	vld [tilespmem:s22+$0x10C40]  }
0x381: {  	[tilespmem:s22+$0x10860] =	vst v8;
	v8 =	vmul.f32 v23, v13;
	v13 =	vld [tilespmem:s22+$0x10C50]  }
0x382: {  	[tilespmem:s22+$0x10870] =	vst v7;
	v7 =	vmul.f32 v24, v12;
	v12 =	vld [tilespmem:s22+$0x10C60]  }
0x383: {  	[tilespmem:s22+$0x10C00] =	vst v8;
	v8 =	vmul.f32 v25, v11;
	v11 =	vld [tilespmem:s22+$0x10C70]  }
0x384: {  	[tilespmem:s22+$0x10C10] =	vst v7;
	v7 =	vmul.f32 v26, v10;
	v14 =	vld [tilespmem:s22+$0x11000]  }
.Ltmp5:
0x385: {  	[tilespmem:s22+$0x10C20] =	vst v8;
	v8 =	vmul.f32 v27, v9;
	v10 =	vld [tilespmem:s22+$0x11010];
	(pc) =	sbr.rel @p0 .LBB2_12-.Ltmp5, $4  }
0x386: {  	[tilespmem:s22+$0x10C30] =	vst v7;
	v13 =	vmul.f32 v28, v13;
	v9 =	vld [tilespmem:s22+$0x11020]  }
0x387: {  	[tilespmem:s22+$0x10C40] =	vst v8;
	v12 =	vmul.f32 v29, v12;
	v7 =	vld [tilespmem:s22+$0x11030]  }
0x388: {  	[tilespmem:s22+$0x10C50] =	vst v13;
	v13 =	vmul.f32 v30, v11;
	v8 =	vld [tilespmem:s22+$0x11040]  }
0x389: {  	s0 =	sadd.s32 $0x80, s0;
	s23 =	sadd.s32 $0x200, s23;
	[tilespmem:s22+$0x10C60] =	vst v12;
	v12 =	vmul.f32 v31, v14;
	v11 =	vld [tilespmem:s22+$0x11050]  }
0x38a: {  	[tilespmem:s22+$0x10C70] =	vst v13;
	v6 =	vmul.f32 v6, v10;
	v62 =	vld [tilespmem:s22+$0x11060]  }
0x38b: {  	v63 =	vld [tilespmem:s22+$0x11070];
	[tilespmem:s22+$0x11000] =	vst v12;
	v5 =	vmul.f32 v5, v9  }
0x38c: {  	[tilespmem:s22+$0x11010] =	vst v6;
	v4 =	vmul.f32 v4, v7  }
0x38d: {  	[tilespmem:s22+$0x11020] =	vst v5;
	v3 =	vmul.f32 v3, v8  }
0x38e: {  	[tilespmem:s22+$0x11030] =	vst v4;
	v2 =	vmul.f32 v2, v11  }
0x38f: {  	[tilespmem:s22+$0x11040] =	vst v3;
	v1 =	vmul.f32 v1, v62  }
0x390: {  	v0 =	vmul.f32 v0, v63;
	[tilespmem:s22+$0x11050] =	vst v2  }
0x391: {  	[tilespmem:s22+$0x11060] =	vst v1  }
0x392: {  	s0 =	simm.s32 $0x4;
	[tilespmem:s22+$0x11070] =	vst v0  }
0x393: {  	_ =	swait.ge [sflag:s0], $0x8000  }
0x394: {  	[sflag:s0] =	ssyncset.done $0x0  }
0x395: {  	s2 =	simm.s32 $0x10400;
	s30 =	rddreg [dreg:$0x7];
	[sflag:s0] =	ssyncadd.s32 $0xFFFF8000  }
0x396: {  	[hbm4b:s30+s1] =	stream.linear.scatter [tilespmem:s2], [sflag:$0x5], $0x8000, $0x38;
	[tilespmem:$0x18400] =	vst v63  }
0x397: {  	_ =	swait.ge [sflag:s12], $0x8000  }
0x398: {  	s21 =	sadd.s32 $0x1, s21;
	s31 =	rddreg [dreg:$0x8]  }
0x399: {  	p0 =	sne.s32 s21, s31  }
.Ltmp6:
0x39a: {  	_ = 	snop;
	(pc) =	sbr.rel @p0 .LBB2_1-.Ltmp6, $3  }
0x39b: {  	_ =	sdelay $0x1  }
0x39c: {  	[sflag:s12] =	ssyncset.done $0x0  }
0x39d: {  	[sflag:s12] =	ssyncadd.s32 $0xFFFF8000  }
0x39e: {  	_ =	sfence.sel $0x180000  }
0x39f: {  	[bflag:$0x0] =	sbarrier.arrive $0xFFFF  }
0x3a0: {  	_ =	strace $0x90000047  }
0x3a1: {  	s0 =	stileid.u32;
	[bflag:$0x2] =	sbarrier.arrive $0xFFFF  }
0x3a2: {  	p0 =	sne.s32 s0, $0x0;
	s0 =	rddreg [dreg:$0x3]  }
0x3a3: {  	s0 =	sadd.s32 @!p0 $0x100000, s0  }
0x3a4: {  	[sflag:s0] =	ssyncadd.tile.s32 @!p0 $0x1;
	_ =	shalt  }
.Lfunc_end2:
_tile_overlayer_lowered:
.L_overlay_start_2:
0x3a5: {  	(tag) =	ssettag $0x2  }
0x3a6: {  	s0 =	rddreg [dreg:$0x0];
	s2 =	stileid.u32  }
0x3a7: {  	s1 =	rddreg [dreg:$0x1];
	p0 =	sne.s32 s2, $0x0  }
0x3a8: {  	s3 =	rddreg [dreg:$0x2];
	[bflag:$0x3] =	sbarrier.arrive $0xFFFF;
	s2 =	simm.s32 @!p0 $0x1C05  }
0x3a9: {  	[timem:s3], [sflag:s2] =	dma.local @!p0 [hbm:s0], s1  }
0x3aa: {  	s0 =	simm.s32 @!p0 $0x5  }
0x3ab: {  	_ =	swait.ge @!p0 [sflag:s0], s1  }
0x3ac: {  	s1 =	ssub.s32 @!p0 $0x0, s1;
	[sflag:s0] =	ssyncset.done @!p0 $0x0  }
0x3ad: {  	[sflag:s0] =	ssyncadd.s32 @!p0 s1  }
0x3ae: {  	[bflag:$0x3] =	sbarrier.arrive $0xFFFF  }
0x3af: {  	_ =	shalt  }

</sc_bundles>
